<compile_context>
chip_gen: v7x
topology: tpu7x:2x2x1
jax: 0.10.2.dev20260603
libtpu: 0.0.44.dev20260713+nightly
codegen_flags: <defaults>
</compile_context>

<pallas_src>
import functools

import jax
import jax.numpy as jnp
from jax import lax
from jax.experimental import pallas as pl
from jax.experimental.pallas import tpu as pltpu
from jax.experimental.pallas import tpu_sc as plsc

_N = 10000
_E = 320000
_D = 128
_G = 64
_NG = 256
_CH = 125
_NW = 32
_EPW = _E // _NW
_CPW = _EPW // _CH
_RPS = 640
_NPAD = 16 * _RPS
_ZR = 320
_DSEG = 640
_NDEG = 16 * _DSEG
_RB = 1000
_NB = _N // _RB



def _make_deg_kernel():
    mesh = plsc.VectorSubcoreMesh(core_axis_name="c", subcore_axis_name="s")

    @functools.partial(
        pl.kernel,
        mesh=mesh,
        out_type=[jax.ShapeDtypeStruct((_NDEG,), jnp.float32),
                  jax.ShapeDtypeStruct((_NDEG,), jnp.float32)],
        compiler_params=pltpu.CompilerParams(use_tc_tiling_on_sc=False),
        scratch_types=[
            pltpu.VMEM((_CPW, _CH), jnp.int32),
            pltpu.VMEM((128,), jnp.float32),
            pltpu.VMEM((_DSEG,), jnp.float32),
            pltpu.VMEM_SHARED((_NDEG,), jnp.float32),
        ],
    )
    def deg_kernel(ei_hbm, out0_hbm, out1_hbm, didx, ones, zbuf, acc):
        c = lax.axis_index("c")
        s = lax.axis_index("s")
        w = c * 16 + s

        def fill(i, _):
            zbuf[pl.ds(i * 16, 16)] = jnp.zeros((16,), jnp.float32)
            return 0

        lax.fori_loop(0, _DSEG // 16, fill, 0)

        def fill1(i, _):
            ones[pl.ds(i * 16, 16)] = jnp.ones((16,), jnp.float32)
            return 0

        lax.fori_loop(0, 8, fill1, 0)
        pltpu.sync_copy(zbuf, acc.at[pl.ds(s * _DSEG, _DSEG)])
        pltpu.sync_copy(ei_hbm.at[1, w], didx)
        plsc.subcore_barrier()

        def body(j, _):
            pltpu.sync_copy(ones.at[pl.ds(0, _CH)], acc.at[didx.at[j]],
                            add=True)
            return 0

        lax.fori_loop(0, _CPW, body, 0)
        plsc.subcore_barrier()

        @pl.when(c == 0)
        def _():
            pltpu.sync_copy(acc.at[pl.ds(s * _DSEG, _DSEG)],
                            out0_hbm.at[pl.ds(s * _DSEG, _DSEG)])

        @pl.when(c == 1)
        def _():
            pltpu.sync_copy(acc.at[pl.ds(s * _DSEG, _DSEG)],
                            out1_hbm.at[pl.ds(s * _DSEG, _DSEG)])

    return deg_kernel


def _make_conv_kernel():
    mesh = plsc.VectorSubcoreMesh(core_axis_name="c", subcore_axis_name="s")

    @functools.partial(
        pl.kernel,
        mesh=mesh,
        out_type=jax.ShapeDtypeStruct((2, _NPAD, _G), jnp.float32),
        compiler_params=pltpu.CompilerParams(use_tc_tiling_on_sc=False),
        scratch_types=[
            pltpu.VMEM((_CPW, _CH), jnp.int32),
            pltpu.VMEM((_CPW, _CH), jnp.int32),
            pltpu.VMEM((_CH, _G), jnp.float32),
            pltpu.VMEM((_CH, _G), jnp.float32),
            pltpu.VMEM((_CH, _G), jnp.float32),
            pltpu.VMEM((_CH, _G), jnp.float32),
            pltpu.VMEM((_ZR, _G), jnp.float32),
            pltpu.VMEM_SHARED((_NPAD, _G), jnp.float32),
            pltpu.SemaphoreType.DMA,
            pltpu.SemaphoreType.DMA,
            pltpu.SemaphoreType.DMA,
            pltpu.SemaphoreType.DMA,
        ],
    )
    def conv_kernel(t_hbm, ei_hbm, out_hbm,
                    sidx, didx, r_a, r_b, r_c, r_d, zbuf, acc,
                    sem_a, sem_b, sem_c, sem_d):
        c = lax.axis_index("c")
        s = lax.axis_index("s")
        w = c * 16 + s

        pltpu.sync_copy(ei_hbm.at[0, w], sidx)
        pltpu.sync_copy(ei_hbm.at[1, w], didx)

        def gstart(j, buf, sem):
            pltpu.async_copy(t_hbm.at[sidx.at[j]], buf, sem)

        def gwait(j, buf, sem):
            pltpu.make_async_copy(t_hbm.at[sidx.at[j]], buf, sem).wait()

        gstart(0, r_a, sem_a)
        gstart(1, r_b, sem_b)
        gstart(2, r_c, sem_c)
        gstart(3, r_d, sem_d)

        def fill(i, _):
            zbuf[i, pl.ds(0, 16)] = jnp.zeros((16,), jnp.float32)
            zbuf[i, pl.ds(16, 16)] = jnp.zeros((16,), jnp.float32)
            zbuf[i, pl.ds(32, 16)] = jnp.zeros((16,), jnp.float32)
            zbuf[i, pl.ds(48, 16)] = jnp.zeros((16,), jnp.float32)
            return 0

        lax.fori_loop(0, _ZR, fill, 0)
        pltpu.sync_copy(zbuf, acc.at[pl.ds(s * _RPS, _ZR)])
        pltpu.sync_copy(zbuf, acc.at[pl.ds(s * _RPS + _ZR, _ZR)])
        plsc.subcore_barrier()

        def body(i, _):
            j0 = 4 * i

            def step(off, buf, sem):
                j = j0 + off
                gwait(j, buf, sem)
                pltpu.sync_copy(buf, acc.at[didx.at[j]], add=True)

                @pl.when(j + 4 < _CPW)
                def _():
                    gstart(j + 4, buf, sem)

            step(0, r_a, sem_a)
            step(1, r_b, sem_b)
            step(2, r_c, sem_c)
            step(3, r_d, sem_d)
            return 0

        lax.fori_loop(0, _CPW // 4, body, 0)
        plsc.subcore_barrier()
        pltpu.sync_copy(acc.at[pl.ds(s * _RPS, _RPS)],
                        out_hbm.at[c, pl.ds(s * _RPS, _RPS)])

    return conv_kernel


_deg_call = _make_deg_kernel()
_conv_call = _make_conv_kernel()




def _dot16(a, b):
    return jnp.dot(a.astype(jnp.bfloat16), b.astype(jnp.bfloat16),
                   preferred_element_type=jnp.float32)

def _tc0_body(x_ref, w_ref, d0_ref, d1_ref, t_ref, dinv_ref):
    deg = d0_ref[...] + d1_ref[...] + 1.0
    dinv = lax.rsqrt(deg)
    t = _dot16(x_ref[...], w_ref[...])
    t_ref[...] = t * dinv
    dinv_ref[...] = dinv


_tc0_call = pl.pallas_call(
    _tc0_body,
    grid=(_NB,),
    in_specs=[
        pl.BlockSpec((_RB, _D), lambda i: (i, 0)),
        pl.BlockSpec((_D, _G), lambda i: (0, 0)),
        pl.BlockSpec((_RB, 1), lambda i: (i, 0)),
        pl.BlockSpec((_RB, 1), lambda i: (i, 0)),
    ],
    out_specs=[
        pl.BlockSpec((_RB, _G), lambda i: (i, 0)),
        pl.BlockSpec((_RB, 1), lambda i: (i, 0)),
    ],
    out_shape=[
        jax.ShapeDtypeStruct((_N, _G), jnp.float32),
        jax.ShapeDtypeStruct((_N, 1), jnp.float32),
    ],
)


def _make_tc_conv(relu):

    def body(s_ref, t_ref, dinv_ref, b_ref, g_ref, bb_ref, w_ref,
             t_next_ref, stats_ref, u_scr):
        i = pl.program_id(0)
        j = lax.rem(i, _NB)

        @pl.when(i < _NB)
        def _():
            u = (s_ref[0] + s_ref[1] + t_ref[...]) * dinv_ref[...] + b_ref[...]
            if relu:
                u = jnp.maximum(u, 0.0)
            u_scr[pl.ds(j * _RB, _RB), :] = u

            @pl.when(i == 0)
            def _():
                stats_ref[2, :] = jnp.sum(u, axis=0) * (1.0 / _RB)

            a = stats_ref[2, :]
            d = u - a
            ps = jnp.sum(d, axis=0)
            pss = jnp.sum(d * d, axis=0)

            @pl.when(i == 0)
            def _():
                stats_ref[0, :] = ps
                stats_ref[1, :] = pss

            @pl.when(i > 0)
            def _():
                stats_ref[0, :] += ps
                stats_ref[1, :] += pss

        @pl.when(i >= _NB)
        def _():
            a = stats_ref[2, :]
            dm = stats_ref[0, :] * (1.0 / _N)
            mu = a + dm
            var = stats_ref[1, :] * (1.0 / _N) - dm * dm
            sc = lax.rsqrt(var + 1e-5) * g_ref[...]
            u = u_scr[pl.ds(j * _RB, _RB), :]
            h = (u - mu) * sc + bb_ref[...]
            t_next_ref[...] = _dot16(h, w_ref[...]) * dinv_ref[...]

    return pl.pallas_call(
        body,
        grid=(2 * _NB,),
        in_specs=[
            pl.BlockSpec((2, _RB, _G),
                         lambda i: (0, jnp.where(i < _NB, i, 0), 0)),
            pl.BlockSpec((_RB, _G), lambda i: (jnp.where(i < _NB, i, 0), 0)),
            pl.BlockSpec((_RB, 1), lambda i: (lax.rem(i, _NB), 0)),
            pl.BlockSpec((_G,), lambda i: (0,)),
            pl.BlockSpec((_G,), lambda i: (0,)),
            pl.BlockSpec((_G,), lambda i: (0,)),
            pl.BlockSpec((_G, _G), lambda i: (0, 0)),
        ],
        out_specs=pl.BlockSpec((_RB, _G), lambda i: (lax.max(i - _NB, 0), 0)),
        out_shape=jax.ShapeDtypeStruct((_N, _G), jnp.float32),
        scratch_shapes=[pltpu.VMEM((3, _G), jnp.float32),
                        pltpu.VMEM((_N, _G), jnp.float32)],
    )


_tc_conv_relu = _make_tc_conv(True)
_tc_conv_plain = _make_tc_conv(False)


def _bn_val(x, g, b):
    mu = jnp.mean(x, axis=0)
    d = x - mu
    var = jnp.mean(d * d, axis=0)
    return d * lax.rsqrt(var + 1e-5) * g + b


def _tc_tail_body(s_ref, t_ref, dinv_ref, b_ref, g_ref, bb_ref, batch_ref,
                  wm_ref, bm_ref, g2_ref, b2_ref, wd_ref, bd_ref,
                  gd_ref, bdn_ref, wo_ref, bo_ref,
                  out_ref, stats_ref, pooled_ref, u_scr):
    i = pl.program_id(0)
    j = lax.rem(i, _NB)

    @pl.when(i < _NB)
    def _():
        u = (s_ref[0] + s_ref[1] + t_ref[...]) * dinv_ref[...] + b_ref[...]
        u_scr[pl.ds(j * _RB, _RB), :] = u

        @pl.when(i == 0)
        def _():
            stats_ref[2, :] = jnp.sum(u, axis=0) * (1.0 / _RB)

        a = stats_ref[2, :]
        d = u - a
        ps = jnp.sum(d, axis=0)
        pss = jnp.sum(d * d, axis=0)

        @pl.when(i == 0)
        def _():
            stats_ref[0, :] = ps
            stats_ref[1, :] = pss

        @pl.when(i > 0)
        def _():
            stats_ref[0, :] += ps
            stats_ref[1, :] += pss

    @pl.when((i >= _NB) & (i < 2 * _NB))
    def _():
        a = stats_ref[2, :]
        dm = stats_ref[0, :] * (1.0 / _N)
        mu = a + dm
        var = stats_ref[1, :] * (1.0 / _N) - dm * dm
        sc = lax.rsqrt(var + 1e-5) * g_ref[...]
        u = u_scr[pl.ds(j * _RB, _RB), :]
        h = (u - mu) * sc + bb_ref[...]
        mask = (batch_ref[...] == lax.broadcasted_iota(jnp.int32, (1, _NG), 1)
                ).astype(jnp.float32)
        pp = lax.dot_general(mask, h, (((0,), (0,)), ((), ())),
                             preferred_element_type=jnp.float32,
                             precision=lax.Precision.HIGHEST)

        @pl.when(i == _NB)
        def _():
            pooled_ref[...] = pp

        @pl.when(i > _NB)
        def _():
            pooled_ref[...] += pp

    @pl.when(i == 2 * _NB)
    def _():
        p = pooled_ref[...]
        hm = _dot16(p, wm_ref[...])
        hm = jnp.maximum(hm + bm_ref[...], 0.0)
        hm = _bn_val(hm, g2_ref[...], b2_ref[...])
        for k in range(3):
            hm = _dot16(hm, wd_ref[k])
            hm = jnp.maximum(hm + bd_ref[k], 0.0)
            hm = _bn_val(hm, gd_ref[k], bdn_ref[k])
        out_ref[...] = _dot16(hm, wo_ref[...]) + bo_ref[...]


_tc_tail_call = pl.pallas_call(
    _tc_tail_body,
    grid=(2 * _NB + 1,),
    in_specs=[
        pl.BlockSpec((2, _RB, _G),
                     lambda i: (0, jnp.where(i < _NB, i, 0), 0)),
        pl.BlockSpec((_RB, _G), lambda i: (jnp.where(i < _NB, i, 0), 0)),
        pl.BlockSpec((_RB, 1), lambda i: (lax.rem(i, _NB), 0)),
        pl.BlockSpec((_G,), lambda i: (0,)),
        pl.BlockSpec((_G,), lambda i: (0,)),
        pl.BlockSpec((_G,), lambda i: (0,)),
        pl.BlockSpec((_RB, 1),
                     lambda i: (jnp.where((i >= _NB) & (i < 2 * _NB),
                                          i - _NB, 0), 0)),
        pl.BlockSpec((_G, _G), lambda i: (0, 0)),
        pl.BlockSpec((_G,), lambda i: (0,)),
        pl.BlockSpec((_G,), lambda i: (0,)),
        pl.BlockSpec((_G,), lambda i: (0,)),
        pl.BlockSpec((3, _G, _G), lambda i: (0, 0, 0)),
        pl.BlockSpec((3, _G), lambda i: (0, 0)),
        pl.BlockSpec((3, _G), lambda i: (0, 0)),
        pl.BlockSpec((3, _G), lambda i: (0, 0)),
        pl.BlockSpec((_G, 1), lambda i: (0, 0)),
        pl.BlockSpec((1,), lambda i: (0,)),
    ],
    out_specs=pl.BlockSpec((_NG, 1), lambda i: (0, 0)),
    out_shape=jax.ShapeDtypeStruct((_NG, 1), jnp.float32),
    scratch_shapes=[pltpu.VMEM((3, _G), jnp.float32),
                    pltpu.VMEM((_NG, _G), jnp.float32),
                    pltpu.VMEM((_N, _G), jnp.float32)],
)



def kernel(x, edge_index, batch, W1, b1, bn1_g, bn1_b, Wh, bh, bnh_g, bnh_b,
           Wm, bm, bn2_g, bn2_b, Wd, bd, bnd_g, bnd_b, Wo, bo):
    ei4d = edge_index.reshape(2, _NW, _CPW, _CH)
    batch2d = batch.reshape(_N, 1)

    deg0, deg1 = _deg_call(ei4d)
    t, dinv = _tc0_call(x, W1, deg0.reshape(_NDEG, 1), deg1.reshape(_NDEG, 1))

    biases = [b1, bh[0], bh[1], bh[2]]
    gammas = [bn1_g, bnh_g[0], bnh_g[1], bnh_g[2]]
    betas = [bn1_b, bnh_b[0], bnh_b[1], bnh_b[2]]
    nextw = [Wh[0], Wh[1], Wh[2]]

    for k in range(3):
        s_part = _conv_call(t, ei4d)
        tc = _tc_conv_relu if k == 0 else _tc_conv_plain
        t = tc(s_part, t, dinv, biases[k], gammas[k], betas[k], nextw[k])

    s_part = _conv_call(t, ei4d)
    return _tc_tail_call(s_part, t, dinv, biases[3], gammas[3], betas[3],
                         batch2d, Wm, bm, bn2_g, bn2_b, Wd, bd,
                         bnd_g, bnd_b, Wo, bo)

# --- scband reference (transcript-rebuilt; emitter-appended) ---
"""Pipeline reference for scband-molecular-gcn-1563368095867 (READ-ONLY COPY).

The authoritative reference and input builder live on the scoring server;
editing this copy changes nothing except your own understanding.
"""

import jax, jax.numpy as jnp
import numpy as np

N = 10000
E = 320000
D = 128
G = 64
DD = 64
NG = 256
NCONV = 3
NDENSE = 3

def setup_inputs(seed: int = 0):
    key = jax.random.key(seed)
    ks = jax.random.split(key, 24)
    inp = {}
    inp["x"] = jax.random.normal(ks[0], (N, D), dtype=jnp.float32)
    inp["edge_index"] = jax.random.randint(ks[1], (2, E), 0, N, dtype=jnp.int32)
    inp["batch"] = jnp.sort(jax.random.randint(ks[2], (N,), 0, NG, dtype=jnp.int32))
    inp["W1"] = jax.random.normal(ks[3], (D, G), dtype=jnp.float32) * 0.05
    inp["b1"] = jnp.zeros((G,), dtype=jnp.float32)
    inp["bn1_g"] = jnp.ones((G,), dtype=jnp.float32)
    inp["bn1_b"] = jnp.zeros((G,), dtype=jnp.float32)
    inp["Wh"] = jax.random.normal(ks[4], (NCONV, G, G), dtype=jnp.float32) * 0.05
    inp["bh"] = jnp.zeros((NCONV, G), dtype=jnp.float32)
    inp["bnh_g"] = jnp.ones((NCONV, G), dtype=jnp.float32)
    inp["bnh_b"] = jnp.zeros((NCONV, G), dtype=jnp.float32)
    inp["Wm"] = jax.random.normal(ks[5], (G, DD), dtype=jnp.float32) * 0.05
    inp["bm"] = jnp.zeros((DD,), dtype=jnp.float32)
    inp["bn2_g"] = jnp.ones((DD,), dtype=jnp.float32)
    inp["bn2_b"] = jnp.zeros((DD,), dtype=jnp.float32)
    inp["Wd"] = jax.random.normal(ks[6], (NDENSE, DD, DD), dtype=jnp.float32) * 0.05
    inp["bd"] = jnp.zeros((NDENSE, DD), dtype=jnp.float32)
    inp["bnd_g"] = jnp.ones((NDENSE, DD), dtype=jnp.float32)
    inp["bnd_b"] = jnp.zeros((NDENSE, DD), dtype=jnp.float32)
    inp["Wo"] = jax.random.normal(ks[7], (DD, 1), dtype=jnp.float32) * 0.05
    inp["bo"] = jnp.zeros((1,), dtype=jnp.float32)
    return inp

def _gcn_conv(h, W, b, src, dst, n):
    # PyG GCNConv: linear transform, add self loops, sym-normalized scatter-add, bias
    h = h @ W
    loop = jnp.arange(n, dtype=src.dtype)
    src2 = jnp.concatenate([src, loop])
    dst2 = jnp.concatenate([dst, loop])
    deg = jnp.zeros((n,), dtype=h.dtype).at[dst2].add(1.0)
    dinv = jax.lax.rsqrt(deg)
    norm = dinv[src2] * dinv[dst2]
    msg = h[src2] * norm[:, None]
    out = jnp.zeros((n, h.shape[1]), dtype=h.dtype).at[dst2].add(msg)
    return out + b

def _bn(x, g, b, eps=1e-5):
    mu = jnp.mean(x, axis=0)
    var = jnp.var(x, axis=0)
    return (x - mu) * jax.lax.rsqrt(var + eps) * g + b

def reference(x, edge_index, batch, W1, b1, bn1_g, bn1_b, Wh, bh, bnh_g, bnh_b, Wm, bm, bn2_g, bn2_b, Wd, bd, bnd_g, bnd_b, Wo, bo):
    src = edge_index[0]
    dst = edge_index[1]
    n = x.shape[0]
    h = jax.nn.relu(_gcn_conv(x, W1, b1, src, dst, n))
    h = _bn(h, bn1_g, bn1_b)
    for i in range(NCONV):
        h = _gcn_conv(h, Wh[i], bh[i], src, dst, n)
        h = _bn(h, bnh_g[i], bnh_b[i])
    pooled = jax.ops.segment_sum(h, batch, num_segments=NG)
    h = jax.nn.relu(pooled @ Wm + bm)
    h = _bn(h, bn2_g, bn2_b)
    for i in range(NDENSE):
        h = jax.nn.relu(h @ Wd[i] + bd[i])
        h = _bn(h, bnd_g[i], bnd_b[i])
    return h @ Wo + bo

if __name__ == "__main__":
    import jax
    _d = setup_inputs()
    print(jax.jit(kernel)(*tuple(_d.values())))

</pallas_src>

<mosaic_0001>
#map = affine_map<(d0, d1) -> (0, 0, 0, 0)>
#map1 = affine_map<(d0, d1) -> (0)>
module attributes {stable_mosaic.version = 14 : i64} {
  func.func @deg_kernel(%arg0: i32, %arg1: i32, %arg2: memref<2x32x80x125xi32, #tpu.memory_space<hbm>>, %arg3: memref<10240xf32, #tpu.memory_space<hbm>>, %arg4: memref<10240xf32, #tpu.memory_space<hbm>>, %arg5: memref<80x125xi32, #tpu.memory_space<vmem>>, %arg6: memref<128xf32, #tpu.memory_space<vmem>>, %arg7: memref<640xf32, #tpu.memory_space<vmem>>, %arg8: memref<10240xf32, #tpu.memory_space<vmem_shared>>) attributes {dimension_semantics = [#tpu.dimension_semantics<core_parallel>, #tpu.dimension_semantics<subcore_parallel>], iteration_bounds = array<i64: 2, 16>, scalar_prefetch = 0 : i64, scratch_operands = 4 : i64, tpu.core_type = #tpu.core_type<sc_vector_subcore>, window_params = [{transform_indices = #map}, {transform_indices = #map1}, {transform_indices = #map1}]} {
    %mul3A = arith.constant 16 : i32
    %mul3A_0 = arith.muli %arg0, %mul3A : i32
    %add3A = arith.addi %mul3A_0, %arg1 : i32
    %scan3A = arith.constant 0 : i32
    %scan3A_1 = arith.constant 0 : i32
    %scan3A_2 = arith.constant 40 : i32
    %scan3A_3 = arith.addi %scan3A_1, %scan3A_2 : i32
    %scan3A_4 = arith.constant 1 : i32
    %scan3A_5 = scf.for %scan3A_31 = %scan3A_1 to %scan3A_3 step %scan3A_4 iter_args(%scan3A_32 = %scan3A) -> (i32)  : i32 {
      %broadcast_in_dim3A = arith.constant 0.000000e+00 : f32
      %broadcast_in_dim3A_33 = vector.broadcast %broadcast_in_dim3A : f32 to vector<16xf32>
      %mul3A_34 = arith.constant 16 : i32
      %mul3A_35 = arith.muli %scan3A_31, %mul3A_34 : i32
      %swap3A = arith.index_cast %mul3A_35 : i32 to index
      %swap3A_36 = tpu.vector_load %arg7[%swap3A] {strides = array<i32>} : memref<640xf32, #tpu.memory_space<vmem>>, vector<16xf32>,
      %swap3A_37 = vector.shape_cast %swap3A_36 : vector<16xf32> to vector<16xf32>
      %swap3A_38 = vector.shape_cast %broadcast_in_dim3A_33 : vector<16xf32> to vector<16xf32>
      tpu.vector_store %arg7[%swap3A], %swap3A_38 {strides = array<i32>} : memref<640xf32, #tpu.memory_space<vmem>>, vector<16xf32>,
      %scan3A_39 = arith.constant 0 : i32
      scf.yield %scan3A_39 : i32
    }
    %scan3A_6 = arith.constant 40 : i32
    %scan3A_7 = arith.constant 0 : i32
    %scan3A_8 = arith.constant 0 : i32
    %scan3A_9 = arith.constant 8 : i32
    %scan3A_10 = arith.addi %scan3A_8, %scan3A_9 : i32
    %scan3A_11 = arith.constant 1 : i32
    %scan3A_12 = scf.for %scan3A_31 = %scan3A_8 to %scan3A_10 step %scan3A_11 iter_args(%scan3A_32 = %scan3A_7) -> (i32)  : i32 {
      %broadcast_in_dim3A = arith.constant 1.000000e+00 : f32
      %broadcast_in_dim3A_33 = vector.broadcast %broadcast_in_dim3A : f32 to vector<16xf32>
      %mul3A_34 = arith.constant 16 : i32
      %mul3A_35 = arith.muli %scan3A_31, %mul3A_34 : i32
      %swap3A = arith.index_cast %mul3A_35 : i32 to index
      %swap3A_36 = tpu.vector_load %arg6[%swap3A] {strides = array<i32>} : memref<128xf32, #tpu.memory_space<vmem>>, vector<16xf32>,
      %swap3A_37 = vector.shape_cast %swap3A_36 : vector<16xf32> to vector<16xf32>
      %swap3A_38 = vector.shape_cast %broadcast_in_dim3A_33 : vector<16xf32> to vector<16xf32>
      tpu.vector_store %arg6[%swap3A], %swap3A_38 {strides = array<i32>} : memref<128xf32, #tpu.memory_space<vmem>>, vector<16xf32>,
      %scan3A_39 = arith.constant 0 : i32
      scf.yield %scan3A_39 : i32
    }
    %scan3A_13 = arith.constant 8 : i32
    %mul3A_14 = arith.constant 640 : i32
    %mul3A_15 = arith.muli %arg1, %mul3A_14 : i32
    "tpu.region"() ({
      %run_scoped3A_31 = tpu.sem_alloc : memref<!tpu.dma_semaphore, #tpu.memory_space<semaphore_mem>>
      %dma_start3A = tpu.memref_slice %arg8[%mul3A_15] : memref<10240xf32, #tpu.memory_space<vmem_shared>> -> memref<640xf32, #tpu.memory_space<vmem_shared>>
      %dma_start3A_32 = tpu.memref_slice %arg8[%mul3A_15] : memref<10240xf32, #tpu.memory_space<vmem_shared>> -> memref<640xf32, #tpu.memory_space<vmem_shared>>
      tpu.enqueue_dma source(%arg7 : memref<640xf32, #tpu.memory_space<vmem>>) target(%dma_start3A_32 : memref<640xf32, #tpu.memory_space<vmem_shared>>) target_semaphore(%run_scoped3A_31 : memref<!tpu.dma_semaphore, #tpu.memory_space<semaphore_mem>>)
      %dma_wait3A = tpu.memref_slice %arg8[%mul3A_15] : memref<10240xf32, #tpu.memory_space<vmem_shared>> -> memref<640xf32, #tpu.memory_space<vmem_shared>>
      %dma_wait3A_33 = tpu.memref_slice %arg8[%mul3A_15] : memref<10240xf32, #tpu.memory_space<vmem_shared>> -> memref<640xf32, #tpu.memory_space<vmem_shared>>
      tpu.wait_dma2 semaphore(%run_scoped3A_31 : memref<!tpu.dma_semaphore, #tpu.memory_space<semaphore_mem>>) src(%arg7 : memref<640xf32, #tpu.memory_space<vmem>>) dst(%dma_wait3A_33 : memref<640xf32, #tpu.memory_space<vmem_shared>>)
      tpu.yield
    }) : () -> ()
    %run_scoped3A = arith.constant 1 : i32
    "tpu.region"() ({
      %run_scoped3A_31 = tpu.sem_alloc : memref<!tpu.dma_semaphore, #tpu.memory_space<semaphore_mem>>
      %dma_start3A = arith.constant 0 : i32
      %dma_start3A_32 = arith.constant 0 : i32
      %dma_start3A_33 = tpu.memref_slice %arg2[%run_scoped3A, %add3A, %dma_start3A, %dma_start3A_32] : memref<2x32x80x125xi32, #tpu.memory_space<hbm>> -> memref<1x1x80x125xi32, #tpu.memory_space<hbm>>
      %dma_start3A_34 = tpu.memref_squeeze %dma_start3A_33 : memref<1x1x80x125xi32, #tpu.memory_space<hbm>> -> memref<80x125xi32, #tpu.memory_space<hbm>>
      %dma_start3A_35 = arith.constant 0 : i32
      %dma_start3A_36 = arith.constant 0 : i32
      %dma_start3A_37 = tpu.memref_slice %arg2[%run_scoped3A, %add3A, %dma_start3A_35, %dma_start3A_36] : memref<2x32x80x125xi32, #tpu.memory_space<hbm>> -> memref<1x1x80x125xi32, #tpu.memory_space<hbm>>
      %dma_start3A_38 = tpu.memref_squeeze %dma_start3A_37 : memref<1x1x80x125xi32, #tpu.memory_space<hbm>> -> memref<80x125xi32, #tpu.memory_space<hbm>>
      tpu.enqueue_dma source(%dma_start3A_38 : memref<80x125xi32, #tpu.memory_space<hbm>>) target(%arg5 : memref<80x125xi32, #tpu.memory_space<vmem>>) target_semaphore(%run_scoped3A_31 : memref<!tpu.dma_semaphore, #tpu.memory_space<semaphore_mem>>)
      %dma_wait3A = arith.constant 0 : i32
      %dma_wait3A_39 = arith.constant 0 : i32
      %dma_wait3A_40 = tpu.memref_slice %arg2[%run_scoped3A, %add3A, %dma_wait3A, %dma_wait3A_39] : memref<2x32x80x125xi32, #tpu.memory_space<hbm>> -> memref<1x1x80x125xi32, #tpu.memory_space<hbm>>
      %dma_wait3A_41 = tpu.memref_squeeze %dma_wait3A_40 : memref<1x1x80x125xi32, #tpu.memory_space<hbm>> -> memref<80x125xi32, #tpu.memory_space<hbm>>
      %dma_wait3A_42 = arith.constant 0 : i32
      %dma_wait3A_43 = arith.constant 0 : i32
      %dma_wait3A_44 = tpu.memref_slice %arg2[%run_scoped3A, %add3A, %dma_wait3A_42, %dma_wait3A_43] : memref<2x32x80x125xi32, #tpu.memory_space<hbm>> -> memref<1x1x80x125xi32, #tpu.memory_space<hbm>>
      %dma_wait3A_45 = tpu.memref_squeeze %dma_wait3A_44 : memref<1x1x80x125xi32, #tpu.memory_space<hbm>> -> memref<80x125xi32, #tpu.memory_space<hbm>>
      tpu.wait_dma2 semaphore(%run_scoped3A_31 : memref<!tpu.dma_semaphore, #tpu.memory_space<semaphore_mem>>) src(%dma_wait3A_45 : memref<80x125xi32, #tpu.memory_space<hbm>>) dst(%arg5 : memref<80x125xi32, #tpu.memory_space<vmem>>)
      tpu.yield
    }) : () -> ()
    %barrier3A = arith.constant 0 : index
    tpu.barrier barrier_id(%barrier3A)
    %scan3A_16 = arith.constant 0 : i32
    %scan3A_17 = arith.constant 0 : i32
    %scan3A_18 = arith.constant 80 : i32
    %scan3A_19 = arith.addi %scan3A_17, %scan3A_18 : i32
    %scan3A_20 = arith.constant 1 : i32
    %scan3A_21 = scf.for %scan3A_31 = %scan3A_17 to %scan3A_19 step %scan3A_20 iter_args(%scan3A_32 = %scan3A_16) -> (i32)  : i32 {
      "tpu.region"() ({
        %run_scoped3A_34 = tpu.sem_alloc : memref<!tpu.dma_semaphore, #tpu.memory_space<semaphore_mem>>
        %dma_start3A = arith.constant 0 : i32
        %dma_start3A_35 = tpu.memref_slice %arg6[%dma_start3A] : memref<128xf32, #tpu.memory_space<vmem>> -> memref<125xf32, #tpu.memory_space<vmem>>
        %dma_start3A_36 = arith.constant 0 : i32
        %dma_start3A_37 = tpu.memref_slice %arg5[%scan3A_31, %dma_start3A_36] : memref<80x125xi32, #tpu.memory_space<vmem>> -> memref<1x125xi32, #tpu.memory_space<vmem>>
        %dma_start3A_38 = tpu.memref_squeeze %dma_start3A_37 : memref<1x125xi32, #tpu.memory_space<vmem>> -> memref<125xi32, #tpu.memory_space<vmem>>
        %dma_start3A_39 = arith.constant 0 : i32
        %dma_start3A_40 = tpu.memref_slice %arg8[%dma_start3A_39] : memref<10240xf32, #tpu.memory_space<vmem_shared>> -> memref<10240xf32, #tpu.memory_space<vmem_shared>>
        tpu.enqueue_indirect_dma source(%dma_start3A_35 : memref<125xf32, #tpu.memory_space<vmem>>) target(%dma_start3A_40 : memref<10240xf32, #tpu.memory_space<vmem_shared>>) offsets(%dma_start3A_38 : memref<125xi32, #tpu.memory_space<vmem>>) semaphore(%run_scoped3A_34 : memref<!tpu.dma_semaphore, #tpu.memory_space<semaphore_mem>>) {add = true}
        %dma_wait3A = arith.constant 0 : i32
        %dma_wait3A_41 = tpu.memref_slice %arg6[%dma_wait3A] : memref<128xf32, #tpu.memory_space<vmem>> -> memref<125xf32, #tpu.memory_space<vmem>>
        %dma_wait3A_42 = arith.constant 0 : i32
        %dma_wait3A_43 = tpu.memref_slice %arg5[%scan3A_31, %dma_wait3A_42] : memref<80x125xi32, #tpu.memory_space<vmem>> -> memref<1x125xi32, #tpu.memory_space<vmem>>
        %dma_wait3A_44 = tpu.memref_squeeze %dma_wait3A_43 : memref<1x125xi32, #tpu.memory_space<vmem>> -> memref<125xi32, #tpu.memory_space<vmem>>
        %dma_wait3A_45 = arith.constant 0 : i32
        %dma_wait3A_46 = tpu.memref_slice %arg8[%dma_wait3A_45] : memref<10240xf32, #tpu.memory_space<vmem_shared>> -> memref<10240xf32, #tpu.memory_space<vmem_shared>>
        tpu.wait_indirect_dma semaphore(%run_scoped3A_34 : memref<!tpu.dma_semaphore, #tpu.memory_space<semaphore_mem>>) src(%dma_wait3A_41 : memref<125xf32, #tpu.memory_space<vmem>>) dst(%dma_wait3A_46 : memref<10240xf32, #tpu.memory_space<vmem_shared>>)
        tpu.yield
      }) : () -> ()
      %scan3A_33 = arith.constant 0 : i32
      scf.yield %scan3A_33 : i32
    }
    %scan3A_22 = arith.constant 80 : i32
    %barrier3A_23 = arith.constant 0 : index
    tpu.barrier barrier_id(%barrier3A_23)
    %eq3A = arith.constant 0 : i32
    %eq3A_24 = arith.cmpi eq, %arg0, %eq3A : i32
    %convert_element_type3A = arith.extui %eq3A_24 : i1 to i32
    %cond3A = arith.constant 0 : i32
    %cond3A_25 = arith.cmpi ne, %convert_element_type3A, %cond3A : i32
    scf.if %cond3A_25 {
      %mul3A_31 = arith.constant 640 : i32
      %mul3A_32 = arith.muli %arg1, %mul3A_31 : i32
      %mul3A_33 = arith.constant 640 : i32
      %mul3A_34 = arith.muli %arg1, %mul3A_33 : i32
      "tpu.region"() ({
        %run_scoped3A_35 = tpu.sem_alloc : memref<!tpu.dma_semaphore, #tpu.memory_space<semaphore_mem>>
        %dma_start3A = tpu.memref_slice %arg3[%mul3A_34] : memref<10240xf32, #tpu.memory_space<hbm>> -> memref<640xf32, #tpu.memory_space<hbm>>
        %dma_start3A_36 = tpu.memref_slice %arg8[%mul3A_32] : memref<10240xf32, #tpu.memory_space<vmem_shared>> -> memref<640xf32, #tpu.memory_space<vmem_shared>>
        tpu.enqueue_dma source(%dma_start3A_36 : memref<640xf32, #tpu.memory_space<vmem_shared>>) target(%dma_start3A : memref<640xf32, #tpu.memory_space<hbm>>) target_semaphore(%run_scoped3A_35 : memref<!tpu.dma_semaphore, #tpu.memory_space<semaphore_mem>>)
        %dma_wait3A = tpu.memref_slice %arg3[%mul3A_34] : memref<10240xf32, #tpu.memory_space<hbm>> -> memref<640xf32, #tpu.memory_space<hbm>>
        %dma_wait3A_37 = tpu.memref_slice %arg8[%mul3A_32] : memref<10240xf32, #tpu.memory_space<vmem_shared>> -> memref<640xf32, #tpu.memory_space<vmem_shared>>
        tpu.wait_dma2 semaphore(%run_scoped3A_35 : memref<!tpu.dma_semaphore, #tpu.memory_space<semaphore_mem>>) src(%dma_wait3A_37 : memref<640xf32, #tpu.memory_space<vmem_shared>>) dst(%dma_wait3A : memref<640xf32, #tpu.memory_space<hbm>>)
        tpu.yield
      }) : () -> ()
    } else {
    }
    %eq3A_26 = arith.constant 1 : i32
    %eq3A_27 = arith.cmpi eq, %arg0, %eq3A_26 : i32
    %convert_element_type3A_28 = arith.extui %eq3A_27 : i1 to i32
    %cond3A_29 = arith.constant 0 : i32
    %cond3A_30 = arith.cmpi ne, %convert_element_type3A_28, %cond3A_29 : i32
    scf.if %cond3A_30 {
      %mul3A_31 = arith.constant 640 : i32
      %mul3A_32 = arith.muli %arg1, %mul3A_31 : i32
      %mul3A_33 = arith.constant 640 : i32
      %mul3A_34 = arith.muli %arg1, %mul3A_33 : i32
      "tpu.region"() ({
        %run_scoped3A_35 = tpu.sem_alloc : memref<!tpu.dma_semaphore, #tpu.memory_space<semaphore_mem>>
        %dma_start3A = tpu.memref_slice %arg4[%mul3A_34] : memref<10240xf32, #tpu.memory_space<hbm>> -> memref<640xf32, #tpu.memory_space<hbm>>
        %dma_start3A_36 = tpu.memref_slice %arg8[%mul3A_32] : memref<10240xf32, #tpu.memory_space<vmem_shared>> -> memref<640xf32, #tpu.memory_space<vmem_shared>>
        tpu.enqueue_dma source(%dma_start3A_36 : memref<640xf32, #tpu.memory_space<vmem_shared>>) target(%dma_start3A : memref<640xf32, #tpu.memory_space<hbm>>) target_semaphore(%run_scoped3A_35 : memref<!tpu.dma_semaphore, #tpu.memory_space<semaphore_mem>>)
        %dma_wait3A = tpu.memref_slice %arg4[%mul3A_34] : memref<10240xf32, #tpu.memory_space<hbm>> -> memref<640xf32, #tpu.memory_space<hbm>>
        %dma_wait3A_37 = tpu.memref_slice %arg8[%mul3A_32] : memref<10240xf32, #tpu.memory_space<vmem_shared>> -> memref<640xf32, #tpu.memory_space<vmem_shared>>
        tpu.wait_dma2 semaphore(%run_scoped3A_35 : memref<!tpu.dma_semaphore, #tpu.memory_space<semaphore_mem>>) src(%dma_wait3A_37 : memref<640xf32, #tpu.memory_space<vmem_shared>>) dst(%dma_wait3A : memref<640xf32, #tpu.memory_space<hbm>>)
        tpu.yield
      }) : () -> ()
    } else {
    }
    return
  }
}

#map = affine_map<(d0, d1) -> (0, 0)>
#map1 = affine_map<(d0, d1) -> (0, 0, 0, 0)>
#map2 = affine_map<(d0, d1) -> (0, 0, 0)>
module attributes {stable_mosaic.version = 14 : i64} {
  func.func @conv_kernel(%arg0: i32, %arg1: i32, %arg2: memref<10000x64xf32, #tpu.memory_space<hbm>>, %arg3: memref<2x32x80x125xi32, #tpu.memory_space<hbm>>, %arg4: memref<2x10240x64xf32, #tpu.memory_space<hbm>>, %arg5: memref<80x125xi32, #tpu.memory_space<vmem>>, %arg6: memref<80x125xi32, #tpu.memory_space<vmem>>, %arg7: memref<125x64xf32, #tpu.memory_space<vmem>>, %arg8: memref<125x64xf32, #tpu.memory_space<vmem>>, %arg9: memref<125x64xf32, #tpu.memory_space<vmem>>, %arg10: memref<125x64xf32, #tpu.memory_space<vmem>>, %arg11: memref<320x64xf32, #tpu.memory_space<vmem>>, %arg12: memref<10240x64xf32, #tpu.memory_space<vmem_shared>>, %arg13: memref<!tpu.dma_semaphore, #tpu.memory_space<semaphore_mem>>, %arg14: memref<!tpu.dma_semaphore, #tpu.memory_space<semaphore_mem>>, %arg15: memref<!tpu.dma_semaphore, #tpu.memory_space<semaphore_mem>>, %arg16: memref<!tpu.dma_semaphore, #tpu.memory_space<semaphore_mem>>) attributes {dimension_semantics = [#tpu.dimension_semantics<core_parallel>, #tpu.dimension_semantics<subcore_parallel>], iteration_bounds = array<i64: 2, 16>, scalar_prefetch = 0 : i64, scratch_operands = 12 : i64, tpu.core_type = #tpu.core_type<sc_vector_subcore>, window_params = [{transform_indices = #map}, {transform_indices = #map1}, {transform_indices = #map2}]} {
    %mul3A = arith.constant 16 : i32
    %mul3A_0 = arith.muli %arg0, %mul3A : i32
    %add3A = arith.addi %mul3A_0, %arg1 : i32
    %run_scoped3A = arith.constant 0 : i32
    "tpu.region"() ({
      %run_scoped3A_53 = tpu.sem_alloc : memref<!tpu.dma_semaphore, #tpu.memory_space<semaphore_mem>>
      %dma_start3A_54 = arith.constant 0 : i32
      %dma_start3A_55 = arith.constant 0 : i32
      %dma_start3A_56 = tpu.memref_slice %arg3[%run_scoped3A, %add3A, %dma_start3A_54, %dma_start3A_55] : memref<2x32x80x125xi32, #tpu.memory_space<hbm>> -> memref<1x1x80x125xi32, #tpu.memory_space<hbm>>
      %dma_start3A_57 = tpu.memref_squeeze %dma_start3A_56 : memref<1x1x80x125xi32, #tpu.memory_space<hbm>> -> memref<80x125xi32, #tpu.memory_space<hbm>>
      %dma_start3A_58 = arith.constant 0 : i32
      %dma_start3A_59 = arith.constant 0 : i32
      %dma_start3A_60 = tpu.memref_slice %arg3[%run_scoped3A, %add3A, %dma_start3A_58, %dma_start3A_59] : memref<2x32x80x125xi32, #tpu.memory_space<hbm>> -> memref<1x1x80x125xi32, #tpu.memory_space<hbm>>
      %dma_start3A_61 = tpu.memref_squeeze %dma_start3A_60 : memref<1x1x80x125xi32, #tpu.memory_space<hbm>> -> memref<80x125xi32, #tpu.memory_space<hbm>>
      tpu.enqueue_dma source(%dma_start3A_61 : memref<80x125xi32, #tpu.memory_space<hbm>>) target(%arg5 : memref<80x125xi32, #tpu.memory_space<vmem>>) target_semaphore(%run_scoped3A_53 : memref<!tpu.dma_semaphore, #tpu.memory_space<semaphore_mem>>)
      %dma_wait3A = arith.constant 0 : i32
      %dma_wait3A_62 = arith.constant 0 : i32
      %dma_wait3A_63 = tpu.memref_slice %arg3[%run_scoped3A, %add3A, %dma_wait3A, %dma_wait3A_62] : memref<2x32x80x125xi32, #tpu.memory_space<hbm>> -> memref<1x1x80x125xi32, #tpu.memory_space<hbm>>
      %dma_wait3A_64 = tpu.memref_squeeze %dma_wait3A_63 : memref<1x1x80x125xi32, #tpu.memory_space<hbm>> -> memref<80x125xi32, #tpu.memory_space<hbm>>
      %dma_wait3A_65 = arith.constant 0 : i32
      %dma_wait3A_66 = arith.constant 0 : i32
      %dma_wait3A_67 = tpu.memref_slice %arg3[%run_scoped3A, %add3A, %dma_wait3A_65, %dma_wait3A_66] : memref<2x32x80x125xi32, #tpu.memory_space<hbm>> -> memref<1x1x80x125xi32, #tpu.memory_space<hbm>>
      %dma_wait3A_68 = tpu.memref_squeeze %dma_wait3A_67 : memref<1x1x80x125xi32, #tpu.memory_space<hbm>> -> memref<80x125xi32, #tpu.memory_space<hbm>>
      tpu.wait_dma2 semaphore(%run_scoped3A_53 : memref<!tpu.dma_semaphore, #tpu.memory_space<semaphore_mem>>) src(%dma_wait3A_68 : memref<80x125xi32, #tpu.memory_space<hbm>>) dst(%arg5 : memref<80x125xi32, #tpu.memory_space<vmem>>)
      tpu.yield
    }) : () -> ()
    %run_scoped3A_1 = arith.constant 1 : i32
    "tpu.region"() ({
      %run_scoped3A_53 = tpu.sem_alloc : memref<!tpu.dma_semaphore, #tpu.memory_space<semaphore_mem>>
      %dma_start3A_54 = arith.constant 0 : i32
      %dma_start3A_55 = arith.constant 0 : i32
      %dma_start3A_56 = tpu.memref_slice %arg3[%run_scoped3A_1, %add3A, %dma_start3A_54, %dma_start3A_55] : memref<2x32x80x125xi32, #tpu.memory_space<hbm>> -> memref<1x1x80x125xi32, #tpu.memory_space<hbm>>
      %dma_start3A_57 = tpu.memref_squeeze %dma_start3A_56 : memref<1x1x80x125xi32, #tpu.memory_space<hbm>> -> memref<80x125xi32, #tpu.memory_space<hbm>>
      %dma_start3A_58 = arith.constant 0 : i32
      %dma_start3A_59 = arith.constant 0 : i32
      %dma_start3A_60 = tpu.memref_slice %arg3[%run_scoped3A_1, %add3A, %dma_start3A_58, %dma_start3A_59] : memref<2x32x80x125xi32, #tpu.memory_space<hbm>> -> memref<1x1x80x125xi32, #tpu.memory_space<hbm>>
      %dma_start3A_61 = tpu.memref_squeeze %dma_start3A_60 : memref<1x1x80x125xi32, #tpu.memory_space<hbm>> -> memref<80x125xi32, #tpu.memory_space<hbm>>
      tpu.enqueue_dma source(%dma_start3A_61 : memref<80x125xi32, #tpu.memory_space<hbm>>) target(%arg6 : memref<80x125xi32, #tpu.memory_space<vmem>>) target_semaphore(%run_scoped3A_53 : memref<!tpu.dma_semaphore, #tpu.memory_space<semaphore_mem>>)
      %dma_wait3A = arith.constant 0 : i32
      %dma_wait3A_62 = arith.constant 0 : i32
      %dma_wait3A_63 = tpu.memref_slice %arg3[%run_scoped3A_1, %add3A, %dma_wait3A, %dma_wait3A_62] : memref<2x32x80x125xi32, #tpu.memory_space<hbm>> -> memref<1x1x80x125xi32, #tpu.memory_space<hbm>>
      %dma_wait3A_64 = tpu.memref_squeeze %dma_wait3A_63 : memref<1x1x80x125xi32, #tpu.memory_space<hbm>> -> memref<80x125xi32, #tpu.memory_space<hbm>>
      %dma_wait3A_65 = arith.constant 0 : i32
      %dma_wait3A_66 = arith.constant 0 : i32
      %dma_wait3A_67 = tpu.memref_slice %arg3[%run_scoped3A_1, %add3A, %dma_wait3A_65, %dma_wait3A_66] : memref<2x32x80x125xi32, #tpu.memory_space<hbm>> -> memref<1x1x80x125xi32, #tpu.memory_space<hbm>>
      %dma_wait3A_68 = tpu.memref_squeeze %dma_wait3A_67 : memref<1x1x80x125xi32, #tpu.memory_space<hbm>> -> memref<80x125xi32, #tpu.memory_space<hbm>>
      tpu.wait_dma2 semaphore(%run_scoped3A_53 : memref<!tpu.dma_semaphore, #tpu.memory_space<semaphore_mem>>) src(%dma_wait3A_68 : memref<80x125xi32, #tpu.memory_space<hbm>>) dst(%arg6 : memref<80x125xi32, #tpu.memory_space<vmem>>)
      tpu.yield
    }) : () -> ()
    %dma_start3A = arith.constant 0 : i32
    %dma_start3A_2 = arith.constant 0 : i32
    %dma_start3A_3 = tpu.memref_slice %arg5[%dma_start3A, %dma_start3A_2] : memref<80x125xi32, #tpu.memory_space<vmem>> -> memref<1x125xi32, #tpu.memory_space<vmem>>
    %dma_start3A_4 = tpu.memref_squeeze %dma_start3A_3 : memref<1x125xi32, #tpu.memory_space<vmem>> -> memref<125xi32, #tpu.memory_space<vmem>>
    %dma_start3A_5 = arith.constant 0 : i32
    %dma_start3A_6 = arith.constant 0 : i32
    %dma_start3A_7 = tpu.memref_slice %arg2[%dma_start3A_5, %dma_start3A_6] : memref<10000x64xf32, #tpu.memory_space<hbm>> -> memref<10000x64xf32, #tpu.memory_space<hbm>>
    tpu.enqueue_indirect_dma source(%dma_start3A_7 : memref<10000x64xf32, #tpu.memory_space<hbm>>) target(%arg7 : memref<125x64xf32, #tpu.memory_space<vmem>>) offsets(%dma_start3A_4 : memref<125xi32, #tpu.memory_space<vmem>>) semaphore(%arg13 : memref<!tpu.dma_semaphore, #tpu.memory_space<semaphore_mem>>)
    %dma_start3A_8 = arith.constant 1 : i32
    %dma_start3A_9 = arith.constant 0 : i32
    %dma_start3A_10 = tpu.memref_slice %arg5[%dma_start3A_8, %dma_start3A_9] : memref<80x125xi32, #tpu.memory_space<vmem>> -> memref<1x125xi32, #tpu.memory_space<vmem>>
    %dma_start3A_11 = tpu.memref_squeeze %dma_start3A_10 : memref<1x125xi32, #tpu.memory_space<vmem>> -> memref<125xi32, #tpu.memory_space<vmem>>
    %dma_start3A_12 = arith.constant 0 : i32
    %dma_start3A_13 = arith.constant 0 : i32
    %dma_start3A_14 = tpu.memref_slice %arg2[%dma_start3A_12, %dma_start3A_13] : memref<10000x64xf32, #tpu.memory_space<hbm>> -> memref<10000x64xf32, #tpu.memory_space<hbm>>
    tpu.enqueue_indirect_dma source(%dma_start3A_14 : memref<10000x64xf32, #tpu.memory_space<hbm>>) target(%arg8 : memref<125x64xf32, #tpu.memory_space<vmem>>) offsets(%dma_start3A_11 : memref<125xi32, #tpu.memory_space<vmem>>) semaphore(%arg14 : memref<!tpu.dma_semaphore, #tpu.memory_space<semaphore_mem>>)
    %dma_start3A_15 = arith.constant 2 : i32
    %dma_start3A_16 = arith.constant 0 : i32
    %dma_start3A_17 = tpu.memref_slice %arg5[%dma_start3A_15, %dma_start3A_16] : memref<80x125xi32, #tpu.memory_space<vmem>> -> memref<1x125xi32, #tpu.memory_space<vmem>>
    %dma_start3A_18 = tpu.memref_squeeze %dma_start3A_17 : memref<1x125xi32, #tpu.memory_space<vmem>> -> memref<125xi32, #tpu.memory_space<vmem>>
    %dma_start3A_19 = arith.constant 0 : i32
    %dma_start3A_20 = arith.constant 0 : i32
    %dma_start3A_21 = tpu.memref_slice %arg2[%dma_start3A_19, %dma_start3A_20] : memref<10000x64xf32, #tpu.memory_space<hbm>> -> memref<10000x64xf32, #tpu.memory_space<hbm>>
    tpu.enqueue_indirect_dma source(%dma_start3A_21 : memref<10000x64xf32, #tpu.memory_space<hbm>>) target(%arg9 : memref<125x64xf32, #tpu.memory_space<vmem>>) offsets(%dma_start3A_18 : memref<125xi32, #tpu.memory_space<vmem>>) semaphore(%arg15 : memref<!tpu.dma_semaphore, #tpu.memory_space<semaphore_mem>>)
    %dma_start3A_22 = arith.constant 3 : i32
    %dma_start3A_23 = arith.constant 0 : i32
    %dma_start3A_24 = tpu.memref_slice %arg5[%dma_start3A_22, %dma_start3A_23] : memref<80x125xi32, #tpu.memory_space<vmem>> -> memref<1x125xi32, #tpu.memory_space<vmem>>
    %dma_start3A_25 = tpu.memref_squeeze %dma_start3A_24 : memref<1x125xi32, #tpu.memory_space<vmem>> -> memref<125xi32, #tpu.memory_space<vmem>>
    %dma_start3A_26 = arith.constant 0 : i32
    %dma_start3A_27 = arith.constant 0 : i32
    %dma_start3A_28 = tpu.memref_slice %arg2[%dma_start3A_26, %dma_start3A_27] : memref<10000x64xf32, #tpu.memory_space<hbm>> -> memref<10000x64xf32, #tpu.memory_space<hbm>>
    tpu.enqueue_indirect_dma source(%dma_start3A_28 : memref<10000x64xf32, #tpu.memory_space<hbm>>) target(%arg10 : memref<125x64xf32, #tpu.memory_space<vmem>>) offsets(%dma_start3A_25 : memref<125xi32, #tpu.memory_space<vmem>>) semaphore(%arg16 : memref<!tpu.dma_semaphore, #tpu.memory_space<semaphore_mem>>)
    %scan3A = arith.constant 0 : i32
    %scan3A_29 = arith.constant 0 : i32
    %scan3A_30 = arith.constant 320 : i32
    %scan3A_31 = arith.addi %scan3A_29, %scan3A_30 : i32
    %scan3A_32 = arith.constant 1 : i32
    %scan3A_33 = scf.for %scan3A_53 = %scan3A_29 to %scan3A_31 step %scan3A_32 iter_args(%scan3A_54 = %scan3A) -> (i32)  : i32 {
      %broadcast_in_dim3A = arith.constant 0.000000e+00 : f32
      %broadcast_in_dim3A_55 = vector.broadcast %broadcast_in_dim3A : f32 to vector<16xf32>
      %swap3A = arith.index_cast %scan3A_53 : i32 to index
      %swap3A_56 = arith.constant 0 : index
      %swap3A_57 = tpu.vector_load %arg11[%swap3A, %swap3A_56] {strides = array<i32>} : memref<320x64xf32, #tpu.memory_space<vmem>>, vector<1x16xf32>,
      %swap3A_58 = vector.shape_cast %swap3A_57 : vector<1x16xf32> to vector<16xf32>
      %swap3A_59 = vector.shape_cast %broadcast_in_dim3A_55 : vector<16xf32> to vector<1x16xf32>
      tpu.vector_store %arg11[%swap3A, %swap3A_56], %swap3A_59 {strides = array<i32>} : memref<320x64xf32, #tpu.memory_space<vmem>>, vector<1x16xf32>,
      %broadcast_in_dim3A_60 = arith.constant 0.000000e+00 : f32
      %broadcast_in_dim3A_61 = vector.broadcast %broadcast_in_dim3A_60 : f32 to vector<16xf32>
      %swap3A_62 = arith.index_cast %scan3A_53 : i32 to index
      %swap3A_63 = arith.constant 16 : index
      %swap3A_64 = tpu.vector_load %arg11[%swap3A_62, %swap3A_63] {strides = array<i32>} : memref<320x64xf32, #tpu.memory_space<vmem>>, vector<1x16xf32>,
      %swap3A_65 = vector.shape_cast %swap3A_64 : vector<1x16xf32> to vector<16xf32>
      %swap3A_66 = vector.shape_cast %broadcast_in_dim3A_61 : vector<16xf32> to vector<1x16xf32>
      tpu.vector_store %arg11[%swap3A_62, %swap3A_63], %swap3A_66 {strides = array<i32>} : memref<320x64xf32, #tpu.memory_space<vmem>>, vector<1x16xf32>,
      %broadcast_in_dim3A_67 = arith.constant 0.000000e+00 : f32
      %broadcast_in_dim3A_68 = vector.broadcast %broadcast_in_dim3A_67 : f32 to vector<16xf32>
      %swap3A_69 = arith.index_cast %scan3A_53 : i32 to index
      %swap3A_70 = arith.constant 32 : index
      %swap3A_71 = tpu.vector_load %arg11[%swap3A_69, %swap3A_70] {strides = array<i32>} : memref<320x64xf32, #tpu.memory_space<vmem>>, vector<1x16xf32>,
      %swap3A_72 = vector.shape_cast %swap3A_71 : vector<1x16xf32> to vector<16xf32>
      %swap3A_73 = vector.shape_cast %broadcast_in_dim3A_68 : vector<16xf32> to vector<1x16xf32>
      tpu.vector_store %arg11[%swap3A_69, %swap3A_70], %swap3A_73 {strides = array<i32>} : memref<320x64xf32, #tpu.memory_space<vmem>>, vector<1x16xf32>,
      %broadcast_in_dim3A_74 = arith.constant 0.000000e+00 : f32
      %broadcast_in_dim3A_75 = vector.broadcast %broadcast_in_dim3A_74 : f32 to vector<16xf32>
      %swap3A_76 = arith.index_cast %scan3A_53 : i32 to index
      %swap3A_77 = arith.constant 48 : index
      %swap3A_78 = tpu.vector_load %arg11[%swap3A_76, %swap3A_77] {strides = array<i32>} : memref<320x64xf32, #tpu.memory_space<vmem>>, vector<1x16xf32>,
      %swap3A_79 = vector.shape_cast %swap3A_78 : vector<1x16xf32> to vector<16xf32>
      %swap3A_80 = vector.shape_cast %broadcast_in_dim3A_75 : vector<16xf32> to vector<1x16xf32>
      tpu.vector_store %arg11[%swap3A_76, %swap3A_77], %swap3A_80 {strides = array<i32>} : memref<320x64xf32, #tpu.memory_space<vmem>>, vector<1x16xf32>,
      %scan3A_81 = arith.constant 0 : i32
      scf.yield %scan3A_81 : i32
    }
    %scan3A_34 = arith.constant 320 : i32
    %mul3A_35 = arith.constant 640 : i32
    %mul3A_36 = arith.muli %arg1, %mul3A_35 : i32
    "tpu.region"() ({
      %run_scoped3A_53 = tpu.sem_alloc : memref<!tpu.dma_semaphore, #tpu.memory_space<semaphore_mem>>
      %dma_start3A_54 = arith.constant 0 : i32
      %dma_start3A_55 = tpu.memref_slice %arg12[%mul3A_36, %dma_start3A_54] : memref<10240x64xf32, #tpu.memory_space<vmem_shared>> -> memref<320x64xf32, #tpu.memory_space<vmem_shared>>
      %dma_start3A_56 = arith.constant 0 : i32
      %dma_start3A_57 = tpu.memref_slice %arg12[%mul3A_36, %dma_start3A_56] : memref<10240x64xf32, #tpu.memory_space<vmem_shared>> -> memref<320x64xf32, #tpu.memory_space<vmem_shared>>
      tpu.enqueue_dma source(%arg11 : memref<320x64xf32, #tpu.memory_space<vmem>>) target(%dma_start3A_57 : memref<320x64xf32, #tpu.memory_space<vmem_shared>>) target_semaphore(%run_scoped3A_53 : memref<!tpu.dma_semaphore, #tpu.memory_space<semaphore_mem>>)
      %dma_wait3A = arith.constant 0 : i32
      %dma_wait3A_58 = tpu.memref_slice %arg12[%mul3A_36, %dma_wait3A] : memref<10240x64xf32, #tpu.memory_space<vmem_shared>> -> memref<320x64xf32, #tpu.memory_space<vmem_shared>>
      %dma_wait3A_59 = arith.constant 0 : i32
      %dma_wait3A_60 = tpu.memref_slice %arg12[%mul3A_36, %dma_wait3A_59] : memref<10240x64xf32, #tpu.memory_space<vmem_shared>> -> memref<320x64xf32, #tpu.memory_space<vmem_shared>>
      tpu.wait_dma2 semaphore(%run_scoped3A_53 : memref<!tpu.dma_semaphore, #tpu.memory_space<semaphore_mem>>) src(%arg11 : memref<320x64xf32, #tpu.memory_space<vmem>>) dst(%dma_wait3A_60 : memref<320x64xf32, #tpu.memory_space<vmem_shared>>)
      tpu.yield
    }) : () -> ()
    %mul3A_37 = arith.constant 640 : i32
    %mul3A_38 = arith.muli %arg1, %mul3A_37 : i32
    %add3A_39 = arith.constant 320 : i32
    %add3A_40 = arith.addi %mul3A_38, %add3A_39 : i32
    "tpu.region"() ({
      %run_scoped3A_53 = tpu.sem_alloc : memref<!tpu.dma_semaphore, #tpu.memory_space<semaphore_mem>>
      %dma_start3A_54 = arith.constant 0 : i32
      %dma_start3A_55 = tpu.memref_slice %arg12[%add3A_40, %dma_start3A_54] : memref<10240x64xf32, #tpu.memory_space<vmem_shared>> -> memref<320x64xf32, #tpu.memory_space<vmem_shared>>
      %dma_start3A_56 = arith.constant 0 : i32
      %dma_start3A_57 = tpu.memref_slice %arg12[%add3A_40, %dma_start3A_56] : memref<10240x64xf32, #tpu.memory_space<vmem_shared>> -> memref<320x64xf32, #tpu.memory_space<vmem_shared>>
      tpu.enqueue_dma source(%arg11 : memref<320x64xf32, #tpu.memory_space<vmem>>) target(%dma_start3A_57 : memref<320x64xf32, #tpu.memory_space<vmem_shared>>) target_semaphore(%run_scoped3A_53 : memref<!tpu.dma_semaphore, #tpu.memory_space<semaphore_mem>>)
      %dma_wait3A = arith.constant 0 : i32
      %dma_wait3A_58 = tpu.memref_slice %arg12[%add3A_40, %dma_wait3A] : memref<10240x64xf32, #tpu.memory_space<vmem_shared>> -> memref<320x64xf32, #tpu.memory_space<vmem_shared>>
      %dma_wait3A_59 = arith.constant 0 : i32
      %dma_wait3A_60 = tpu.memref_slice %arg12[%add3A_40, %dma_wait3A_59] : memref<10240x64xf32, #tpu.memory_space<vmem_shared>> -> memref<320x64xf32, #tpu.memory_space<vmem_shared>>
      tpu.wait_dma2 semaphore(%run_scoped3A_53 : memref<!tpu.dma_semaphore, #tpu.memory_space<semaphore_mem>>) src(%arg11 : memref<320x64xf32, #tpu.memory_space<vmem>>) dst(%dma_wait3A_60 : memref<320x64xf32, #tpu.memory_space<vmem_shared>>)
      tpu.yield
    }) : () -> ()
    %barrier3A = arith.constant 0 : index
    tpu.barrier barrier_id(%barrier3A)
    %scan3A_41 = arith.constant 0 : i32
    %scan3A_42 = arith.constant 0 : i32
    %scan3A_43 = arith.constant 20 : i32
    %scan3A_44 = arith.addi %scan3A_42, %scan3A_43 : i32
    %scan3A_45 = arith.constant 1 : i32
    %scan3A_46 = scf.for %scan3A_53 = %scan3A_42 to %scan3A_44 step %scan3A_45 iter_args(%scan3A_54 = %scan3A_41) -> (i32)  : i32 {
      %mul3A_55 = arith.constant 4 : i32
      %mul3A_56 = arith.muli %mul3A_55, %scan3A_53 : i32
      %add3A_57 = arith.constant 0 : i32
      %add3A_58 = arith.addi %mul3A_56, %add3A_57 : i32
      %dma_wait3A = arith.constant 0 : i32
      %dma_wait3A_59 = tpu.memref_slice %arg5[%add3A_58, %dma_wait3A] : memref<80x125xi32, #tpu.memory_space<vmem>> -> memref<1x125xi32, #tpu.memory_space<vmem>>
      %dma_wait3A_60 = tpu.memref_squeeze %dma_wait3A_59 : memref<1x125xi32, #tpu.memory_space<vmem>> -> memref<125xi32, #tpu.memory_space<vmem>>
      %dma_wait3A_61 = arith.constant 0 : i32
      %dma_wait3A_62 = arith.constant 0 : i32
      %dma_wait3A_63 = tpu.memref_slice %arg2[%dma_wait3A_61, %dma_wait3A_62] : memref<10000x64xf32, #tpu.memory_space<hbm>> -> memref<10000x64xf32, #tpu.memory_space<hbm>>
      tpu.wait_indirect_dma semaphore(%arg13 : memref<!tpu.dma_semaphore, #tpu.memory_space<semaphore_mem>>) src(%dma_wait3A_63 : memref<10000x64xf32, #tpu.memory_space<hbm>>) dst(%arg7 : memref<125x64xf32, #tpu.memory_space<vmem>>)
      "tpu.region"() ({
        %run_scoped3A_114 = tpu.sem_alloc : memref<!tpu.dma_semaphore, #tpu.memory_space<semaphore_mem>>
        %dma_start3A_115 = arith.constant 0 : i32
        %dma_start3A_116 = tpu.memref_slice %arg6[%add3A_58, %dma_start3A_115] : memref<80x125xi32, #tpu.memory_space<vmem>> -> memref<1x125xi32, #tpu.memory_space<vmem>>
        %dma_start3A_117 = tpu.memref_squeeze %dma_start3A_116 : memref<1x125xi32, #tpu.memory_space<vmem>> -> memref<125xi32, #tpu.memory_space<vmem>>
        %dma_start3A_118 = arith.constant 0 : i32
        %dma_start3A_119 = arith.constant 0 : i32
        %dma_start3A_120 = tpu.memref_slice %arg12[%dma_start3A_118, %dma_start3A_119] : memref<10240x64xf32, #tpu.memory_space<vmem_shared>> -> memref<10240x64xf32, #tpu.memory_space<vmem_shared>>
        tpu.enqueue_indirect_dma source(%arg7 : memref<125x64xf32, #tpu.memory_space<vmem>>) target(%dma_start3A_120 : memref<10240x64xf32, #tpu.memory_space<vmem_shared>>) offsets(%dma_start3A_117 : memref<125xi32, #tpu.memory_space<vmem>>) semaphore(%run_scoped3A_114 : memref<!tpu.dma_semaphore, #tpu.memory_space<semaphore_mem>>) {add = true}
        %dma_wait3A_121 = arith.constant 0 : i32
        %dma_wait3A_122 = tpu.memref_slice %arg6[%add3A_58, %dma_wait3A_121] : memref<80x125xi32, #tpu.memory_space<vmem>> -> memref<1x125xi32, #tpu.memory_space<vmem>>
        %dma_wait3A_123 = tpu.memref_squeeze %dma_wait3A_122 : memref<1x125xi32, #tpu.memory_space<vmem>> -> memref<125xi32, #tpu.memory_space<vmem>>
        %dma_wait3A_124 = arith.constant 0 : i32
        %dma_wait3A_125 = arith.constant 0 : i32
        %dma_wait3A_126 = tpu.memref_slice %arg12[%dma_wait3A_124, %dma_wait3A_125] : memref<10240x64xf32, #tpu.memory_space<vmem_shared>> -> memref<10240x64xf32, #tpu.memory_space<vmem_shared>>
        tpu.wait_indirect_dma semaphore(%run_scoped3A_114 : memref<!tpu.dma_semaphore, #tpu.memory_space<semaphore_mem>>) src(%arg7 : memref<125x64xf32, #tpu.memory_space<vmem>>) dst(%dma_wait3A_126 : memref<10240x64xf32, #tpu.memory_space<vmem_shared>>)
        tpu.yield
      }) : () -> ()
      %add3A_64 = arith.constant 4 : i32
      %add3A_65 = arith.addi %add3A_58, %add3A_64 : i32
      %lt3A = arith.constant 80 : i32
      %lt3A_66 = arith.cmpi slt, %add3A_65, %lt3A : i32
      %convert_element_type3A = arith.extui %lt3A_66 : i1 to i32
      %cond3A = arith.constant 0 : i32
      %cond3A_67 = arith.cmpi ne, %convert_element_type3A, %cond3A : i32
      scf.if %cond3A_67 {
        %add3A_114 = arith.constant 4 : i32
        %add3A_115 = arith.addi %add3A_58, %add3A_114 : i32
        %dma_start3A_116 = arith.constant 0 : i32
        %dma_start3A_117 = tpu.memref_slice %arg5[%add3A_115, %dma_start3A_116] : memref<80x125xi32, #tpu.memory_space<vmem>> -> memref<1x125xi32, #tpu.memory_space<vmem>>
        %dma_start3A_118 = tpu.memref_squeeze %dma_start3A_117 : memref<1x125xi32, #tpu.memory_space<vmem>> -> memref<125xi32, #tpu.memory_space<vmem>>
        %dma_start3A_119 = arith.constant 0 : i32
        %dma_start3A_120 = arith.constant 0 : i32
        %dma_start3A_121 = tpu.memref_slice %arg2[%dma_start3A_119, %dma_start3A_120] : memref<10000x64xf32, #tpu.memory_space<hbm>> -> memref<10000x64xf32, #tpu.memory_space<hbm>>
        tpu.enqueue_indirect_dma source(%dma_start3A_121 : memref<10000x64xf32, #tpu.memory_space<hbm>>) target(%arg7 : memref<125x64xf32, #tpu.memory_space<vmem>>) offsets(%dma_start3A_118 : memref<125xi32, #tpu.memory_space<vmem>>) semaphore(%arg13 : memref<!tpu.dma_semaphore, #tpu.memory_space<semaphore_mem>>)
      } else {
      }
      %add3A_68 = arith.constant 1 : i32
      %add3A_69 = arith.addi %mul3A_56, %add3A_68 : i32
      %dma_wait3A_70 = arith.constant 0 : i32
      %dma_wait3A_71 = tpu.memref_slice %arg5[%add3A_69, %dma_wait3A_70] : memref<80x125xi32, #tpu.memory_space<vmem>> -> memref<1x125xi32, #tpu.memory_space<vmem>>
      %dma_wait3A_72 = tpu.memref_squeeze %dma_wait3A_71 : memref<1x125xi32, #tpu.memory_space<vmem>> -> memref<125xi32, #tpu.memory_space<vmem>>
      %dma_wait3A_73 = arith.constant 0 : i32
      %dma_wait3A_74 = arith.constant 0 : i32
      %dma_wait3A_75 = tpu.memref_slice %arg2[%dma_wait3A_73, %dma_wait3A_74] : memref<10000x64xf32, #tpu.memory_space<hbm>> -> memref<10000x64xf32, #tpu.memory_space<hbm>>
      tpu.wait_indirect_dma semaphore(%arg14 : memref<!tpu.dma_semaphore, #tpu.memory_space<semaphore_mem>>) src(%dma_wait3A_75 : memref<10000x64xf32, #tpu.memory_space<hbm>>) dst(%arg8 : memref<125x64xf32, #tpu.memory_space<vmem>>)
      "tpu.region"() ({
        %run_scoped3A_114 = tpu.sem_alloc : memref<!tpu.dma_semaphore, #tpu.memory_space<semaphore_mem>>
        %dma_start3A_115 = arith.constant 0 : i32
        %dma_start3A_116 = tpu.memref_slice %arg6[%add3A_69, %dma_start3A_115] : memref<80x125xi32, #tpu.memory_space<vmem>> -> memref<1x125xi32, #tpu.memory_space<vmem>>
        %dma_start3A_117 = tpu.memref_squeeze %dma_start3A_116 : memref<1x125xi32, #tpu.memory_space<vmem>> -> memref<125xi32, #tpu.memory_space<vmem>>
        %dma_start3A_118 = arith.constant 0 : i32
        %dma_start3A_119 = arith.constant 0 : i32
        %dma_start3A_120 = tpu.memref_slice %arg12[%dma_start3A_118, %dma_start3A_119] : memref<10240x64xf32, #tpu.memory_space<vmem_shared>> -> memref<10240x64xf32, #tpu.memory_space<vmem_shared>>
        tpu.enqueue_indirect_dma source(%arg8 : memref<125x64xf32, #tpu.memory_space<vmem>>) target(%dma_start3A_120 : memref<10240x64xf32, #tpu.memory_space<vmem_shared>>) offsets(%dma_start3A_117 : memref<125xi32, #tpu.memory_space<vmem>>) semaphore(%run_scoped3A_114 : memref<!tpu.dma_semaphore, #tpu.memory_space<semaphore_mem>>) {add = true}
        %dma_wait3A_121 = arith.constant 0 : i32
        %dma_wait3A_122 = tpu.memref_slice %arg6[%add3A_69, %dma_wait3A_121] : memref<80x125xi32, #tpu.memory_space<vmem>> -> memref<1x125xi32, #tpu.memory_space<vmem>>
        %dma_wait3A_123 = tpu.memref_squeeze %dma_wait3A_122 : memref<1x125xi32, #tpu.memory_space<vmem>> -> memref<125xi32, #tpu.memory_space<vmem>>
        %dma_wait3A_124 = arith.constant 0 : i32
        %dma_wait3A_125 = arith.constant 0 : i32
        %dma_wait3A_126 = tpu.memref_slice %arg12[%dma_wait3A_124, %dma_wait3A_125] : memref<10240x64xf32, #tpu.memory_space<vmem_shared>> -> memref<10240x64xf32, #tpu.memory_space<vmem_shared>>
        tpu.wait_indirect_dma semaphore(%run_scoped3A_114 : memref<!tpu.dma_semaphore, #tpu.memory_space<semaphore_mem>>) src(%arg8 : memref<125x64xf32, #tpu.memory_space<vmem>>) dst(%dma_wait3A_126 : memref<10240x64xf32, #tpu.memory_space<vmem_shared>>)
        tpu.yield
      }) : () -> ()
      %add3A_76 = arith.constant 4 : i32
      %add3A_77 = arith.addi %add3A_69, %add3A_76 : i32
      %lt3A_78 = arith.constant 80 : i32
      %lt3A_79 = arith.cmpi slt, %add3A_77, %lt3A_78 : i32
      %convert_element_type3A_80 = arith.extui %lt3A_79 : i1 to i32
      %cond3A_81 = arith.constant 0 : i32
      %cond3A_82 = arith.cmpi ne, %convert_element_type3A_80, %cond3A_81 : i32
      scf.if %cond3A_82 {
        %add3A_114 = arith.constant 4 : i32
        %add3A_115 = arith.addi %add3A_69, %add3A_114 : i32
        %dma_start3A_116 = arith.constant 0 : i32
        %dma_start3A_117 = tpu.memref_slice %arg5[%add3A_115, %dma_start3A_116] : memref<80x125xi32, #tpu.memory_space<vmem>> -> memref<1x125xi32, #tpu.memory_space<vmem>>
        %dma_start3A_118 = tpu.memref_squeeze %dma_start3A_117 : memref<1x125xi32, #tpu.memory_space<vmem>> -> memref<125xi32, #tpu.memory_space<vmem>>
        %dma_start3A_119 = arith.constant 0 : i32
        %dma_start3A_120 = arith.constant 0 : i32
        %dma_start3A_121 = tpu.memref_slice %arg2[%dma_start3A_119, %dma_start3A_120] : memref<10000x64xf32, #tpu.memory_space<hbm>> -> memref<10000x64xf32, #tpu.memory_space<hbm>>
        tpu.enqueue_indirect_dma source(%dma_start3A_121 : memref<10000x64xf32, #tpu.memory_space<hbm>>) target(%arg8 : memref<125x64xf32, #tpu.memory_space<vmem>>) offsets(%dma_start3A_118 : memref<125xi32, #tpu.memory_space<vmem>>) semaphore(%arg14 : memref<!tpu.dma_semaphore, #tpu.memory_space<semaphore_mem>>)
      } else {
      }
      %add3A_83 = arith.constant 2 : i32
      %add3A_84 = arith.addi %mul3A_56, %add3A_83 : i32
      %dma_wait3A_85 = arith.constant 0 : i32
      %dma_wait3A_86 = tpu.memref_slice %arg5[%add3A_84, %dma_wait3A_85] : memref<80x125xi32, #tpu.memory_space<vmem>> -> memref<1x125xi32, #tpu.memory_space<vmem>>
      %dma_wait3A_87 = tpu.memref_squeeze %dma_wait3A_86 : memref<1x125xi32, #tpu.memory_space<vmem>> -> memref<125xi32, #tpu.memory_space<vmem>>
      %dma_wait3A_88 = arith.constant 0 : i32
      %dma_wait3A_89 = arith.constant 0 : i32
      %dma_wait3A_90 = tpu.memref_slice %arg2[%dma_wait3A_88, %dma_wait3A_89] : memref<10000x64xf32, #tpu.memory_space<hbm>> -> memref<10000x64xf32, #tpu.memory_space<hbm>>
      tpu.wait_indirect_dma semaphore(%arg15 : memref<!tpu.dma_semaphore, #tpu.memory_space<semaphore_mem>>) src(%dma_wait3A_90 : memref<10000x64xf32, #tpu.memory_space<hbm>>) dst(%arg9 : memref<125x64xf32, #tpu.memory_space<vmem>>)
      "tpu.region"() ({
        %run_scoped3A_114 = tpu.sem_alloc : memref<!tpu.dma_semaphore, #tpu.memory_space<semaphore_mem>>
        %dma_start3A_115 = arith.constant 0 : i32
        %dma_start3A_116 = tpu.memref_slice %arg6[%add3A_84, %dma_start3A_115] : memref<80x125xi32, #tpu.memory_space<vmem>> -> memref<1x125xi32, #tpu.memory_space<vmem>>
        %dma_start3A_117 = tpu.memref_squeeze %dma_start3A_116 : memref<1x125xi32, #tpu.memory_space<vmem>> -> memref<125xi32, #tpu.memory_space<vmem>>
        %dma_start3A_118 = arith.constant 0 : i32
        %dma_start3A_119 = arith.constant 0 : i32
        %dma_start3A_120 = tpu.memref_slice %arg12[%dma_start3A_118, %dma_start3A_119] : memref<10240x64xf32, #tpu.memory_space<vmem_shared>> -> memref<10240x64xf32, #tpu.memory_space<vmem_shared>>
        tpu.enqueue_indirect_dma source(%arg9 : memref<125x64xf32, #tpu.memory_space<vmem>>) target(%dma_start3A_120 : memref<10240x64xf32, #tpu.memory_space<vmem_shared>>) offsets(%dma_start3A_117 : memref<125xi32, #tpu.memory_space<vmem>>) semaphore(%run_scoped3A_114 : memref<!tpu.dma_semaphore, #tpu.memory_space<semaphore_mem>>) {add = true}
        %dma_wait3A_121 = arith.constant 0 : i32
        %dma_wait3A_122 = tpu.memref_slice %arg6[%add3A_84, %dma_wait3A_121] : memref<80x125xi32, #tpu.memory_space<vmem>> -> memref<1x125xi32, #tpu.memory_space<vmem>>
        %dma_wait3A_123 = tpu.memref_squeeze %dma_wait3A_122 : memref<1x125xi32, #tpu.memory_space<vmem>> -> memref<125xi32, #tpu.memory_space<vmem>>
        %dma_wait3A_124 = arith.constant 0 : i32
        %dma_wait3A_125 = arith.constant 0 : i32
        %dma_wait3A_126 = tpu.memref_slice %arg12[%dma_wait3A_124, %dma_wait3A_125] : memref<10240x64xf32, #tpu.memory_space<vmem_shared>> -> memref<10240x64xf32, #tpu.memory_space<vmem_shared>>
        tpu.wait_indirect_dma semaphore(%run_scoped3A_114 : memref<!tpu.dma_semaphore, #tpu.memory_space<semaphore_mem>>) src(%arg9 : memref<125x64xf32, #tpu.memory_space<vmem>>) dst(%dma_wait3A_126 : memref<10240x64xf32, #tpu.memory_space<vmem_shared>>)
        tpu.yield
      }) : () -> ()
      %add3A_91 = arith.constant 4 : i32
      %add3A_92 = arith.addi %add3A_84, %add3A_91 : i32
      %lt3A_93 = arith.constant 80 : i32
      %lt3A_94 = arith.cmpi slt, %add3A_92, %lt3A_93 : i32
      %convert_element_type3A_95 = arith.extui %lt3A_94 : i1 to i32
      %cond3A_96 = arith.constant 0 : i32
      %cond3A_97 = arith.cmpi ne, %convert_element_type3A_95, %cond3A_96 : i32
      scf.if %cond3A_97 {
        %add3A_114 = arith.constant 4 : i32
        %add3A_115 = arith.addi %add3A_84, %add3A_114 : i32
        %dma_start3A_116 = arith.constant 0 : i32
        %dma_start3A_117 = tpu.memref_slice %arg5[%add3A_115, %dma_start3A_116] : memref<80x125xi32, #tpu.memory_space<vmem>> -> memref<1x125xi32, #tpu.memory_space<vmem>>
        %dma_start3A_118 = tpu.memref_squeeze %dma_start3A_117 : memref<1x125xi32, #tpu.memory_space<vmem>> -> memref<125xi32, #tpu.memory_space<vmem>>
        %dma_start3A_119 = arith.constant 0 : i32
        %dma_start3A_120 = arith.constant 0 : i32
        %dma_start3A_121 = tpu.memref_slice %arg2[%dma_start3A_119, %dma_start3A_120] : memref<10000x64xf32, #tpu.memory_space<hbm>> -> memref<10000x64xf32, #tpu.memory_space<hbm>>
        tpu.enqueue_indirect_dma source(%dma_start3A_121 : memref<10000x64xf32, #tpu.memory_space<hbm>>) target(%arg9 : memref<125x64xf32, #tpu.memory_space<vmem>>) offsets(%dma_start3A_118 : memref<125xi32, #tpu.memory_space<vmem>>) semaphore(%arg15 : memref<!tpu.dma_semaphore, #tpu.memory_space<semaphore_mem>>)
      } else {
      }
      %add3A_98 = arith.constant 3 : i32
      %add3A_99 = arith.addi %mul3A_56, %add3A_98 : i32
      %dma_wait3A_100 = arith.constant 0 : i32
      %dma_wait3A_101 = tpu.memref_slice %arg5[%add3A_99, %dma_wait3A_100] : memref<80x125xi32, #tpu.memory_space<vmem>> -> memref<1x125xi32, #tpu.memory_space<vmem>>
      %dma_wait3A_102 = tpu.memref_squeeze %dma_wait3A_101 : memref<1x125xi32, #tpu.memory_space<vmem>> -> memref<125xi32, #tpu.memory_space<vmem>>
      %dma_wait3A_103 = arith.constant 0 : i32
      %dma_wait3A_104 = arith.constant 0 : i32
      %dma_wait3A_105 = tpu.memref_slice %arg2[%dma_wait3A_103, %dma_wait3A_104] : memref<10000x64xf32, #tpu.memory_space<hbm>> -> memref<10000x64xf32, #tpu.memory_space<hbm>>
      tpu.wait_indirect_dma semaphore(%arg16 : memref<!tpu.dma_semaphore, #tpu.memory_space<semaphore_mem>>) src(%dma_wait3A_105 : memref<10000x64xf32, #tpu.memory_space<hbm>>) dst(%arg10 : memref<125x64xf32, #tpu.memory_space<vmem>>)
      "tpu.region"() ({
        %run_scoped3A_114 = tpu.sem_alloc : memref<!tpu.dma_semaphore, #tpu.memory_space<semaphore_mem>>
        %dma_start3A_115 = arith.constant 0 : i32
        %dma_start3A_116 = tpu.memref_slice %arg6[%add3A_99, %dma_start3A_115] : memref<80x125xi32, #tpu.memory_space<vmem>> -> memref<1x125xi32, #tpu.memory_space<vmem>>
        %dma_start3A_117 = tpu.memref_squeeze %dma_start3A_116 : memref<1x125xi32, #tpu.memory_space<vmem>> -> memref<125xi32, #tpu.memory_space<vmem>>
        %dma_start3A_118 = arith.constant 0 : i32
        %dma_start3A_119 = arith.constant 0 : i32
        %dma_start3A_120 = tpu.memref_slice %arg12[%dma_start3A_118, %dma_start3A_119] : memref<10240x64xf32, #tpu.memory_space<vmem_shared>> -> memref<10240x64xf32, #tpu.memory_space<vmem_shared>>
        tpu.enqueue_indirect_dma source(%arg10 : memref<125x64xf32, #tpu.memory_space<vmem>>) target(%dma_start3A_120 : memref<10240x64xf32, #tpu.memory_space<vmem_shared>>) offsets(%dma_start3A_117 : memref<125xi32, #tpu.memory_space<vmem>>) semaphore(%run_scoped3A_114 : memref<!tpu.dma_semaphore, #tpu.memory_space<semaphore_mem>>) {add = true}
        %dma_wait3A_121 = arith.constant 0 : i32
        %dma_wait3A_122 = tpu.memref_slice %arg6[%add3A_99, %dma_wait3A_121] : memref<80x125xi32, #tpu.memory_space<vmem>> -> memref<1x125xi32, #tpu.memory_space<vmem>>
        %dma_wait3A_123 = tpu.memref_squeeze %dma_wait3A_122 : memref<1x125xi32, #tpu.memory_space<vmem>> -> memref<125xi32, #tpu.memory_space<vmem>>
        %dma_wait3A_124 = arith.constant 0 : i32
        %dma_wait3A_125 = arith.constant 0 : i32
        %dma_wait3A_126 = tpu.memref_slice %arg12[%dma_wait3A_124, %dma_wait3A_125] : memref<10240x64xf32, #tpu.memory_space<vmem_shared>> -> memref<10240x64xf32, #tpu.memory_space<vmem_shared>>
        tpu.wait_indirect_dma semaphore(%run_scoped3A_114 : memref<!tpu.dma_semaphore, #tpu.memory_space<semaphore_mem>>) src(%arg10 : memref<125x64xf32, #tpu.memory_space<vmem>>) dst(%dma_wait3A_126 : memref<10240x64xf32, #tpu.memory_space<vmem_shared>>)
        tpu.yield
      }) : () -> ()
      %add3A_106 = arith.constant 4 : i32
      %add3A_107 = arith.addi %add3A_99, %add3A_106 : i32
      %lt3A_108 = arith.constant 80 : i32
      %lt3A_109 = arith.cmpi slt, %add3A_107, %lt3A_108 : i32
      %convert_element_type3A_110 = arith.extui %lt3A_109 : i1 to i32
      %cond3A_111 = arith.constant 0 : i32
      %cond3A_112 = arith.cmpi ne, %convert_element_type3A_110, %cond3A_111 : i32
      scf.if %cond3A_112 {
        %add3A_114 = arith.constant 4 : i32
        %add3A_115 = arith.addi %add3A_99, %add3A_114 : i32
        %dma_start3A_116 = arith.constant 0 : i32
        %dma_start3A_117 = tpu.memref_slice %arg5[%add3A_115, %dma_start3A_116] : memref<80x125xi32, #tpu.memory_space<vmem>> -> memref<1x125xi32, #tpu.memory_space<vmem>>
        %dma_start3A_118 = tpu.memref_squeeze %dma_start3A_117 : memref<1x125xi32, #tpu.memory_space<vmem>> -> memref<125xi32, #tpu.memory_space<vmem>>
        %dma_start3A_119 = arith.constant 0 : i32
        %dma_start3A_120 = arith.constant 0 : i32
        %dma_start3A_121 = tpu.memref_slice %arg2[%dma_start3A_119, %dma_start3A_120] : memref<10000x64xf32, #tpu.memory_space<hbm>> -> memref<10000x64xf32, #tpu.memory_space<hbm>>
        tpu.enqueue_indirect_dma source(%dma_start3A_121 : memref<10000x64xf32, #tpu.memory_space<hbm>>) target(%arg10 : memref<125x64xf32, #tpu.memory_space<vmem>>) offsets(%dma_start3A_118 : memref<125xi32, #tpu.memory_space<vmem>>) semaphore(%arg16 : memref<!tpu.dma_semaphore, #tpu.memory_space<semaphore_mem>>)
      } else {
      }
      %scan3A_113 = arith.constant 0 : i32
      scf.yield %scan3A_113 : i32
    }
    %scan3A_47 = arith.constant 20 : i32
    %barrier3A_48 = arith.constant 0 : index
    tpu.barrier barrier_id(%barrier3A_48)
    %mul3A_49 = arith.constant 640 : i32
    %mul3A_50 = arith.muli %arg1, %mul3A_49 : i32
    %mul3A_51 = arith.constant 640 : i32
    %mul3A_52 = arith.muli %arg1, %mul3A_51 : i32
    "tpu.region"() ({
      %run_scoped3A_53 = tpu.sem_alloc : memref<!tpu.dma_semaphore, #tpu.memory_space<semaphore_mem>>
      %dma_start3A_54 = arith.constant 0 : i32
      %dma_start3A_55 = tpu.memref_slice %arg4[%arg0, %mul3A_52, %dma_start3A_54] : memref<2x10240x64xf32, #tpu.memory_space<hbm>> -> memref<1x640x64xf32, #tpu.memory_space<hbm>>
      %dma_start3A_56 = tpu.memref_squeeze %dma_start3A_55 : memref<1x640x64xf32, #tpu.memory_space<hbm>> -> memref<640x64xf32, #tpu.memory_space<hbm>>
      %dma_start3A_57 = arith.constant 0 : i32
      %dma_start3A_58 = tpu.memref_slice %arg12[%mul3A_50, %dma_start3A_57] : memref<10240x64xf32, #tpu.memory_space<vmem_shared>> -> memref<640x64xf32, #tpu.memory_space<vmem_shared>>
      tpu.enqueue_dma source(%dma_start3A_58 : memref<640x64xf32, #tpu.memory_space<vmem_shared>>) target(%dma_start3A_56 : memref<640x64xf32, #tpu.memory_space<hbm>>) target_semaphore(%run_scoped3A_53 : memref<!tpu.dma_semaphore, #tpu.memory_space<semaphore_mem>>)
      %dma_wait3A = arith.constant 0 : i32
      %dma_wait3A_59 = tpu.memref_slice %arg4[%arg0, %mul3A_52, %dma_wait3A] : memref<2x10240x64xf32, #tpu.memory_space<hbm>> -> memref<1x640x64xf32, #tpu.memory_space<hbm>>
      %dma_wait3A_60 = tpu.memref_squeeze %dma_wait3A_59 : memref<1x640x64xf32, #tpu.memory_space<hbm>> -> memref<640x64xf32, #tpu.memory_space<hbm>>
      %dma_wait3A_61 = arith.constant 0 : i32
      %dma_wait3A_62 = tpu.memref_slice %arg12[%mul3A_50, %dma_wait3A_61] : memref<10240x64xf32, #tpu.memory_space<vmem_shared>> -> memref<640x64xf32, #tpu.memory_space<vmem_shared>>
      tpu.wait_dma2 semaphore(%run_scoped3A_53 : memref<!tpu.dma_semaphore, #tpu.memory_space<semaphore_mem>>) src(%dma_wait3A_62 : memref<640x64xf32, #tpu.memory_space<vmem_shared>>) dst(%dma_wait3A_60 : memref<640x64xf32, #tpu.memory_space<hbm>>)
      tpu.yield
    }) : () -> ()
    return
  }
}

#map = affine_map<(d0, d1) -> (0, 0)>
#map1 = affine_map<(d0, d1) -> (0, 0, 0, 0)>
#map2 = affine_map<(d0, d1) -> (0, 0, 0)>
module attributes {stable_mosaic.version = 14 : i64} {
  func.func @conv_kernel(%arg0: i32, %arg1: i32, %arg2: memref<10000x64xf32, #tpu.memory_space<hbm>>, %arg3: memref<2x32x80x125xi32, #tpu.memory_space<hbm>>, %arg4: memref<2x10240x64xf32, #tpu.memory_space<hbm>>, %arg5: memref<80x125xi32, #tpu.memory_space<vmem>>, %arg6: memref<80x125xi32, #tpu.memory_space<vmem>>, %arg7: memref<125x64xf32, #tpu.memory_space<vmem>>, %arg8: memref<125x64xf32, #tpu.memory_space<vmem>>, %arg9: memref<125x64xf32, #tpu.memory_space<vmem>>, %arg10: memref<125x64xf32, #tpu.memory_space<vmem>>, %arg11: memref<320x64xf32, #tpu.memory_space<vmem>>, %arg12: memref<10240x64xf32, #tpu.memory_space<vmem_shared>>, %arg13: memref<!tpu.dma_semaphore, #tpu.memory_space<semaphore_mem>>, %arg14: memref<!tpu.dma_semaphore, #tpu.memory_space<semaphore_mem>>, %arg15: memref<!tpu.dma_semaphore, #tpu.memory_space<semaphore_mem>>, %arg16: memref<!tpu.dma_semaphore, #tpu.memory_space<semaphore_mem>>) attributes {dimension_semantics = [#tpu.dimension_semantics<core_parallel>, #tpu.dimension_semantics<subcore_parallel>], iteration_bounds = array<i64: 2, 16>, scalar_prefetch = 0 : i64, scratch_operands = 12 : i64, tpu.core_type = #tpu.core_type<sc_vector_subcore>, window_params = [{transform_indices = #map}, {transform_indices = #map1}, {transform_indices = #map2}]} {
    %mul3A = arith.constant 16 : i32
    %mul3A_0 = arith.muli %arg0, %mul3A : i32
    %add3A = arith.addi %mul3A_0, %arg1 : i32
    %run_scoped3A = arith.constant 0 : i32
    "tpu.region"() ({
      %run_scoped3A_53 = tpu.sem_alloc : memref<!tpu.dma_semaphore, #tpu.memory_space<semaphore_mem>>
      %dma_start3A_54 = arith.constant 0 : i32
      %dma_start3A_55 = arith.constant 0 : i32
      %dma_start3A_56 = tpu.memref_slice %arg3[%run_scoped3A, %add3A, %dma_start3A_54, %dma_start3A_55] : memref<2x32x80x125xi32, #tpu.memory_space<hbm>> -> memref<1x1x80x125xi32, #tpu.memory_space<hbm>>
      %dma_start3A_57 = tpu.memref_squeeze %dma_start3A_56 : memref<1x1x80x125xi32, #tpu.memory_space<hbm>> -> memref<80x125xi32, #tpu.memory_space<hbm>>
      %dma_start3A_58 = arith.constant 0 : i32
      %dma_start3A_59 = arith.constant 0 : i32
      %dma_start3A_60 = tpu.memref_slice %arg3[%run_scoped3A, %add3A, %dma_start3A_58, %dma_start3A_59] : memref<2x32x80x125xi32, #tpu.memory_space<hbm>> -> memref<1x1x80x125xi32, #tpu.memory_space<hbm>>
      %dma_start3A_61 = tpu.memref_squeeze %dma_start3A_60 : memref<1x1x80x125xi32, #tpu.memory_space<hbm>> -> memref<80x125xi32, #tpu.memory_space<hbm>>
      tpu.enqueue_dma source(%dma_start3A_61 : memref<80x125xi32, #tpu.memory_space<hbm>>) target(%arg5 : memref<80x125xi32, #tpu.memory_space<vmem>>) target_semaphore(%run_scoped3A_53 : memref<!tpu.dma_semaphore, #tpu.memory_space<semaphore_mem>>)
      %dma_wait3A = arith.constant 0 : i32
      %dma_wait3A_62 = arith.constant 0 : i32
      %dma_wait3A_63 = tpu.memref_slice %arg3[%run_scoped3A, %add3A, %dma_wait3A, %dma_wait3A_62] : memref<2x32x80x125xi32, #tpu.memory_space<hbm>> -> memref<1x1x80x125xi32, #tpu.memory_space<hbm>>
      %dma_wait3A_64 = tpu.memref_squeeze %dma_wait3A_63 : memref<1x1x80x125xi32, #tpu.memory_space<hbm>> -> memref<80x125xi32, #tpu.memory_space<hbm>>
      %dma_wait3A_65 = arith.constant 0 : i32
      %dma_wait3A_66 = arith.constant 0 : i32
      %dma_wait3A_67 = tpu.memref_slice %arg3[%run_scoped3A, %add3A, %dma_wait3A_65, %dma_wait3A_66] : memref<2x32x80x125xi32, #tpu.memory_space<hbm>> -> memref<1x1x80x125xi32, #tpu.memory_space<hbm>>
      %dma_wait3A_68 = tpu.memref_squeeze %dma_wait3A_67 : memref<1x1x80x125xi32, #tpu.memory_space<hbm>> -> memref<80x125xi32, #tpu.memory_space<hbm>>
      tpu.wait_dma2 semaphore(%run_scoped3A_53 : memref<!tpu.dma_semaphore, #tpu.memory_space<semaphore_mem>>) src(%dma_wait3A_68 : memref<80x125xi32, #tpu.memory_space<hbm>>) dst(%arg5 : memref<80x125xi32, #tpu.memory_space<vmem>>)
      tpu.yield
    }) : () -> ()
    %run_scoped3A_1 = arith.constant 1 : i32
    "tpu.region"() ({
      %run_scoped3A_53 = tpu.sem_alloc : memref<!tpu.dma_semaphore, #tpu.memory_space<semaphore_mem>>
      %dma_start3A_54 = arith.constant 0 : i32
      %dma_start3A_55 = arith.constant 0 : i32
      %dma_start3A_56 = tpu.memref_slice %arg3[%run_scoped3A_1, %add3A, %dma_start3A_54, %dma_start3A_55] : memref<2x32x80x125xi32, #tpu.memory_space<hbm>> -> memref<1x1x80x125xi32, #tpu.memory_space<hbm>>
      %dma_start3A_57 = tpu.memref_squeeze %dma_start3A_56 : memref<1x1x80x125xi32, #tpu.memory_space<hbm>> -> memref<80x125xi32, #tpu.memory_space<hbm>>
      %dma_start3A_58 = arith.constant 0 : i32
      %dma_start3A_59 = arith.constant 0 : i32
      %dma_start3A_60 = tpu.memref_slice %arg3[%run_scoped3A_1, %add3A, %dma_start3A_58, %dma_start3A_59] : memref<2x32x80x125xi32, #tpu.memory_space<hbm>> -> memref<1x1x80x125xi32, #tpu.memory_space<hbm>>
      %dma_start3A_61 = tpu.memref_squeeze %dma_start3A_60 : memref<1x1x80x125xi32, #tpu.memory_space<hbm>> -> memref<80x125xi32, #tpu.memory_space<hbm>>
      tpu.enqueue_dma source(%dma_start3A_61 : memref<80x125xi32, #tpu.memory_space<hbm>>) target(%arg6 : memref<80x125xi32, #tpu.memory_space<vmem>>) target_semaphore(%run_scoped3A_53 : memref<!tpu.dma_semaphore, #tpu.memory_space<semaphore_mem>>)
      %dma_wait3A = arith.constant 0 : i32
      %dma_wait3A_62 = arith.constant 0 : i32
      %dma_wait3A_63 = tpu.memref_slice %arg3[%run_scoped3A_1, %add3A, %dma_wait3A, %dma_wait3A_62] : memref<2x32x80x125xi32, #tpu.memory_space<hbm>> -> memref<1x1x80x125xi32, #tpu.memory_space<hbm>>
      %dma_wait3A_64 = tpu.memref_squeeze %dma_wait3A_63 : memref<1x1x80x125xi32, #tpu.memory_space<hbm>> -> memref<80x125xi32, #tpu.memory_space<hbm>>
      %dma_wait3A_65 = arith.constant 0 : i32
      %dma_wait3A_66 = arith.constant 0 : i32
      %dma_wait3A_67 = tpu.memref_slice %arg3[%run_scoped3A_1, %add3A, %dma_wait3A_65, %dma_wait3A_66] : memref<2x32x80x125xi32, #tpu.memory_space<hbm>> -> memref<1x1x80x125xi32, #tpu.memory_space<hbm>>
      %dma_wait3A_68 = tpu.memref_squeeze %dma_wait3A_67 : memref<1x1x80x125xi32, #tpu.memory_space<hbm>> -> memref<80x125xi32, #tpu.memory_space<hbm>>
      tpu.wait_dma2 semaphore(%run_scoped3A_53 : memref<!tpu.dma_semaphore, #tpu.memory_space<semaphore_mem>>) src(%dma_wait3A_68 : memref<80x125xi32, #tpu.memory_space<hbm>>) dst(%arg6 : memref<80x125xi32, #tpu.memory_space<vmem>>)
      tpu.yield
    }) : () -> ()
    %dma_start3A = arith.constant 0 : i32
    %dma_start3A_2 = arith.constant 0 : i32
    %dma_start3A_3 = tpu.memref_slice %arg5[%dma_start3A, %dma_start3A_2] : memref<80x125xi32, #tpu.memory_space<vmem>> -> memref<1x125xi32, #tpu.memory_space<vmem>>
    %dma_start3A_4 = tpu.memref_squeeze %dma_start3A_3 : memref<1x125xi32, #tpu.memory_space<vmem>> -> memref<125xi32, #tpu.memory_space<vmem>>
    %dma_start3A_5 = arith.constant 0 : i32
    %dma_start3A_6 = arith.constant 0 : i32
    %dma_start3A_7 = tpu.memref_slice %arg2[%dma_start3A_5, %dma_start3A_6] : memref<10000x64xf32, #tpu.memory_space<hbm>> -> memref<10000x64xf32, #tpu.memory_space<hbm>>
    tpu.enqueue_indirect_dma source(%dma_start3A_7 : memref<10000x64xf32, #tpu.memory_space<hbm>>) target(%arg7 : memref<125x64xf32, #tpu.memory_space<vmem>>) offsets(%dma_start3A_4 : memref<125xi32, #tpu.memory_space<vmem>>) semaphore(%arg13 : memref<!tpu.dma_semaphore, #tpu.memory_space<semaphore_mem>>)
    %dma_start3A_8 = arith.constant 1 : i32
    %dma_start3A_9 = arith.constant 0 : i32
    %dma_start3A_10 = tpu.memref_slice %arg5[%dma_start3A_8, %dma_start3A_9] : memref<80x125xi32, #tpu.memory_space<vmem>> -> memref<1x125xi32, #tpu.memory_space<vmem>>
    %dma_start3A_11 = tpu.memref_squeeze %dma_start3A_10 : memref<1x125xi32, #tpu.memory_space<vmem>> -> memref<125xi32, #tpu.memory_space<vmem>>
    %dma_start3A_12 = arith.constant 0 : i32
    %dma_start3A_13 = arith.constant 0 : i32
    %dma_start3A_14 = tpu.memref_slice %arg2[%dma_start3A_12, %dma_start3A_13] : memref<10000x64xf32, #tpu.memory_space<hbm>> -> memref<10000x64xf32, #tpu.memory_space<hbm>>
    tpu.enqueue_indirect_dma source(%dma_start3A_14 : memref<10000x64xf32, #tpu.memory_space<hbm>>) target(%arg8 : memref<125x64xf32, #tpu.memory_space<vmem>>) offsets(%dma_start3A_11 : memref<125xi32, #tpu.memory_space<vmem>>) semaphore(%arg14 : memref<!tpu.dma_semaphore, #tpu.memory_space<semaphore_mem>>)
    %dma_start3A_15 = arith.constant 2 : i32
    %dma_start3A_16 = arith.constant 0 : i32
    %dma_start3A_17 = tpu.memref_slice %arg5[%dma_start3A_15, %dma_start3A_16] : memref<80x125xi32, #tpu.memory_space<vmem>> -> memref<1x125xi32, #tpu.memory_space<vmem>>
    %dma_start3A_18 = tpu.memref_squeeze %dma_start3A_17 : memref<1x125xi32, #tpu.memory_space<vmem>> -> memref<125xi32, #tpu.memory_space<vmem>>
    %dma_start3A_19 = arith.constant 0 : i32
    %dma_start3A_20 = arith.constant 0 : i32
    %dma_start3A_21 = tpu.memref_slice %arg2[%dma_start3A_19, %dma_start3A_20] : memref<10000x64xf32, #tpu.memory_space<hbm>> -> memref<10000x64xf32, #tpu.memory_space<hbm>>
    tpu.enqueue_indirect_dma source(%dma_start3A_21 : memref<10000x64xf32, #tpu.memory_space<hbm>>) target(%arg9 : memref<125x64xf32, #tpu.memory_space<vmem>>) offsets(%dma_start3A_18 : memref<125xi32, #tpu.memory_space<vmem>>) semaphore(%arg15 : memref<!tpu.dma_semaphore, #tpu.memory_space<semaphore_mem>>)
    %dma_start3A_22 = arith.constant 3 : i32
    %dma_start3A_23 = arith.constant 0 : i32
    %dma_start3A_24 = tpu.memref_slice %arg5[%dma_start3A_22, %dma_start3A_23] : memref<80x125xi32, #tpu.memory_space<vmem>> -> memref<1x125xi32, #tpu.memory_space<vmem>>
    %dma_start3A_25 = tpu.memref_squeeze %dma_start3A_24 : memref<1x125xi32, #tpu.memory_space<vmem>> -> memref<125xi32, #tpu.memory_space<vmem>>
    %dma_start3A_26 = arith.constant 0 : i32
    %dma_start3A_27 = arith.constant 0 : i32
    %dma_start3A_28 = tpu.memref_slice %arg2[%dma_start3A_26, %dma_start3A_27] : memref<10000x64xf32, #tpu.memory_space<hbm>> -> memref<10000x64xf32, #tpu.memory_space<hbm>>
    tpu.enqueue_indirect_dma source(%dma_start3A_28 : memref<10000x64xf32, #tpu.memory_space<hbm>>) target(%arg10 : memref<125x64xf32, #tpu.memory_space<vmem>>) offsets(%dma_start3A_25 : memref<125xi32, #tpu.memory_space<vmem>>) semaphore(%arg16 : memref<!tpu.dma_semaphore, #tpu.memory_space<semaphore_mem>>)
    %scan3A = arith.constant 0 : i32
    %scan3A_29 = arith.constant 0 : i32
    %scan3A_30 = arith.constant 320 : i32
    %scan3A_31 = arith.addi %scan3A_29, %scan3A_30 : i32
    %scan3A_32 = arith.constant 1 : i32
    %scan3A_33 = scf.for %scan3A_53 = %scan3A_29 to %scan3A_31 step %scan3A_32 iter_args(%scan3A_54 = %scan3A) -> (i32)  : i32 {
      %broadcast_in_dim3A = arith.constant 0.000000e+00 : f32
      %broadcast_in_dim3A_55 = vector.broadcast %broadcast_in_dim3A : f32 to vector<16xf32>
      %swap3A = arith.index_cast %scan3A_53 : i32 to index
      %swap3A_56 = arith.constant 0 : index
      %swap3A_57 = tpu.vector_load %arg11[%swap3A, %swap3A_56] {strides = array<i32>} : memref<320x64xf32, #tpu.memory_space<vmem>>, vector<1x16xf32>,
      %swap3A_58 = vector.shape_cast %swap3A_57 : vector<1x16xf32> to vector<16xf32>
      %swap3A_59 = vector.shape_cast %broadcast_in_dim3A_55 : vector<16xf32> to vector<1x16xf32>
      tpu.vector_store %arg11[%swap3A, %swap3A_56], %swap3A_59 {strides = array<i32>} : memref<320x64xf32, #tpu.memory_space<vmem>>, vector<1x16xf32>,
      %broadcast_in_dim3A_60 = arith.constant 0.000000e+00 : f32
      %broadcast_in_dim3A_61 = vector.broadcast %broadcast_in_dim3A_60 : f32 to vector<16xf32>
      %swap3A_62 = arith.index_cast %scan3A_53 : i32 to index
      %swap3A_63 = arith.constant 16 : index
      %swap3A_64 = tpu.vector_load %arg11[%swap3A_62, %swap3A_63] {strides = array<i32>} : memref<320x64xf32, #tpu.memory_space<vmem>>, vector<1x16xf32>,
      %swap3A_65 = vector.shape_cast %swap3A_64 : vector<1x16xf32> to vector<16xf32>
      %swap3A_66 = vector.shape_cast %broadcast_in_dim3A_61 : vector<16xf32> to vector<1x16xf32>
      tpu.vector_store %arg11[%swap3A_62, %swap3A_63], %swap3A_66 {strides = array<i32>} : memref<320x64xf32, #tpu.memory_space<vmem>>, vector<1x16xf32>,
      %broadcast_in_dim3A_67 = arith.constant 0.000000e+00 : f32
      %broadcast_in_dim3A_68 = vector.broadcast %broadcast_in_dim3A_67 : f32 to vector<16xf32>
      %swap3A_69 = arith.index_cast %scan3A_53 : i32 to index
      %swap3A_70 = arith.constant 32 : index
      %swap3A_71 = tpu.vector_load %arg11[%swap3A_69, %swap3A_70] {strides = array<i32>} : memref<320x64xf32, #tpu.memory_space<vmem>>, vector<1x16xf32>,
      %swap3A_72 = vector.shape_cast %swap3A_71 : vector<1x16xf32> to vector<16xf32>
      %swap3A_73 = vector.shape_cast %broadcast_in_dim3A_68 : vector<16xf32> to vector<1x16xf32>
      tpu.vector_store %arg11[%swap3A_69, %swap3A_70], %swap3A_73 {strides = array<i32>} : memref<320x64xf32, #tpu.memory_space<vmem>>, vector<1x16xf32>,
      %broadcast_in_dim3A_74 = arith.constant 0.000000e+00 : f32
      %broadcast_in_dim3A_75 = vector.broadcast %broadcast_in_dim3A_74 : f32 to vector<16xf32>
      %swap3A_76 = arith.index_cast %scan3A_53 : i32 to index
      %swap3A_77 = arith.constant 48 : index
      %swap3A_78 = tpu.vector_load %arg11[%swap3A_76, %swap3A_77] {strides = array<i32>} : memref<320x64xf32, #tpu.memory_space<vmem>>, vector<1x16xf32>,
      %swap3A_79 = vector.shape_cast %swap3A_78 : vector<1x16xf32> to vector<16xf32>
      %swap3A_80 = vector.shape_cast %broadcast_in_dim3A_75 : vector<16xf32> to vector<1x16xf32>
      tpu.vector_store %arg11[%swap3A_76, %swap3A_77], %swap3A_80 {strides = array<i32>} : memref<320x64xf32, #tpu.memory_space<vmem>>, vector<1x16xf32>,
      %scan3A_81 = arith.constant 0 : i32
      scf.yield %scan3A_81 : i32
    }
    %scan3A_34 = arith.constant 320 : i32
    %mul3A_35 = arith.constant 640 : i32
    %mul3A_36 = arith.muli %arg1, %mul3A_35 : i32
    "tpu.region"() ({
      %run_scoped3A_53 = tpu.sem_alloc : memref<!tpu.dma_semaphore, #tpu.memory_space<semaphore_mem>>
      %dma_start3A_54 = arith.constant 0 : i32
      %dma_start3A_55 = tpu.memref_slice %arg12[%mul3A_36, %dma_start3A_54] : memref<10240x64xf32, #tpu.memory_space<vmem_shared>> -> memref<320x64xf32, #tpu.memory_space<vmem_shared>>
      %dma_start3A_56 = arith.constant 0 : i32
      %dma_start3A_57 = tpu.memref_slice %arg12[%mul3A_36, %dma_start3A_56] : memref<10240x64xf32, #tpu.memory_space<vmem_shared>> -> memref<320x64xf32, #tpu.memory_space<vmem_shared>>
      tpu.enqueue_dma source(%arg11 : memref<320x64xf32, #tpu.memory_space<vmem>>) target(%dma_start3A_57 : memref<320x64xf32, #tpu.memory_space<vmem_shared>>) target_semaphore(%run_scoped3A_53 : memref<!tpu.dma_semaphore, #tpu.memory_space<semaphore_mem>>)
      %dma_wait3A = arith.constant 0 : i32
      %dma_wait3A_58 = tpu.memref_slice %arg12[%mul3A_36, %dma_wait3A] : memref<10240x64xf32, #tpu.memory_space<vmem_shared>> -> memref<320x64xf32, #tpu.memory_space<vmem_shared>>
      %dma_wait3A_59 = arith.constant 0 : i32
      %dma_wait3A_60 = tpu.memref_slice %arg12[%mul3A_36, %dma_wait3A_59] : memref<10240x64xf32, #tpu.memory_space<vmem_shared>> -> memref<320x64xf32, #tpu.memory_space<vmem_shared>>
      tpu.wait_dma2 semaphore(%run_scoped3A_53 : memref<!tpu.dma_semaphore, #tpu.memory_space<semaphore_mem>>) src(%arg11 : memref<320x64xf32, #tpu.memory_space<vmem>>) dst(%dma_wait3A_60 : memref<320x64xf32, #tpu.memory_space<vmem_shared>>)
      tpu.yield
    }) : () -> ()
    %mul3A_37 = arith.constant 640 : i32
    %mul3A_38 = arith.muli %arg1, %mul3A_37 : i32
    %add3A_39 = arith.constant 320 : i32
    %add3A_40 = arith.addi %mul3A_38, %add3A_39 : i32
    "tpu.region"() ({
      %run_scoped3A_53 = tpu.sem_alloc : memref<!tpu.dma_semaphore, #tpu.memory_space<semaphore_mem>>
      %dma_start3A_54 = arith.constant 0 : i32
      %dma_start3A_55 = tpu.memref_slice %arg12[%add3A_40, %dma_start3A_54] : memref<10240x64xf32, #tpu.memory_space<vmem_shared>> -> memref<320x64xf32, #tpu.memory_space<vmem_shared>>
      %dma_start3A_56 = arith.constant 0 : i32
      %dma_start3A_57 = tpu.memref_slice %arg12[%add3A_40, %dma_start3A_56] : memref<10240x64xf32, #tpu.memory_space<vmem_shared>> -> memref<320x64xf32, #tpu.memory_space<vmem_shared>>
      tpu.enqueue_dma source(%arg11 : memref<320x64xf32, #tpu.memory_space<vmem>>) target(%dma_start3A_57 : memref<320x64xf32, #tpu.memory_space<vmem_shared>>) target_semaphore(%run_scoped3A_53 : memref<!tpu.dma_semaphore, #tpu.memory_space<semaphore_mem>>)
      %dma_wait3A = arith.constant 0 : i32
      %dma_wait3A_58 = tpu.memref_slice %arg12[%add3A_40, %dma_wait3A] : memref<10240x64xf32, #tpu.memory_space<vmem_shared>> -> memref<320x64xf32, #tpu.memory_space<vmem_shared>>
      %dma_wait3A_59 = arith.constant 0 : i32
      %dma_wait3A_60 = tpu.memref_slice %arg12[%add3A_40, %dma_wait3A_59] : memref<10240x64xf32, #tpu.memory_space<vmem_shared>> -> memref<320x64xf32, #tpu.memory_space<vmem_shared>>
      tpu.wait_dma2 semaphore(%run_scoped3A_53 : memref<!tpu.dma_semaphore, #tpu.memory_space<semaphore_mem>>) src(%arg11 : memref<320x64xf32, #tpu.memory_space<vmem>>) dst(%dma_wait3A_60 : memref<320x64xf32, #tpu.memory_space<vmem_shared>>)
      tpu.yield
    }) : () -> ()
    %barrier3A = arith.constant 0 : index
    tpu.barrier barrier_id(%barrier3A)
    %scan3A_41 = arith.constant 0 : i32
    %scan3A_42 = arith.constant 0 : i32
    %scan3A_43 = arith.constant 20 : i32
    %scan3A_44 = arith.addi %scan3A_42, %scan3A_43 : i32
    %scan3A_45 = arith.constant 1 : i32
    %scan3A_46 = scf.for %scan3A_53 = %scan3A_42 to %scan3A_44 step %scan3A_45 iter_args(%scan3A_54 = %scan3A_41) -> (i32)  : i32 {
      %mul3A_55 = arith.constant 4 : i32
      %mul3A_56 = arith.muli %mul3A_55, %scan3A_53 : i32
      %add3A_57 = arith.constant 0 : i32
      %add3A_58 = arith.addi %mul3A_56, %add3A_57 : i32
      %dma_wait3A = arith.constant 0 : i32
      %dma_wait3A_59 = tpu.memref_slice %arg5[%add3A_58, %dma_wait3A] : memref<80x125xi32, #tpu.memory_space<vmem>> -> memref<1x125xi32, #tpu.memory_space<vmem>>
      %dma_wait3A_60 = tpu.memref_squeeze %dma_wait3A_59 : memref<1x125xi32, #tpu.memory_space<vmem>> -> memref<125xi32, #tpu.memory_space<vmem>>
      %dma_wait3A_61 = arith.constant 0 : i32
      %dma_wait3A_62 = arith.constant 0 : i32
      %dma_wait3A_63 = tpu.memref_slice %arg2[%dma_wait3A_61, %dma_wait3A_62] : memref<10000x64xf32, #tpu.memory_space<hbm>> -> memref<10000x64xf32, #tpu.memory_space<hbm>>
      tpu.wait_indirect_dma semaphore(%arg13 : memref<!tpu.dma_semaphore, #tpu.memory_space<semaphore_mem>>) src(%dma_wait3A_63 : memref<10000x64xf32, #tpu.memory_space<hbm>>) dst(%arg7 : memref<125x64xf32, #tpu.memory_space<vmem>>)
      "tpu.region"() ({
        %run_scoped3A_114 = tpu.sem_alloc : memref<!tpu.dma_semaphore, #tpu.memory_space<semaphore_mem>>
        %dma_start3A_115 = arith.constant 0 : i32
        %dma_start3A_116 = tpu.memref_slice %arg6[%add3A_58, %dma_start3A_115] : memref<80x125xi32, #tpu.memory_space<vmem>> -> memref<1x125xi32, #tpu.memory_space<vmem>>
        %dma_start3A_117 = tpu.memref_squeeze %dma_start3A_116 : memref<1x125xi32, #tpu.memory_space<vmem>> -> memref<125xi32, #tpu.memory_space<vmem>>
        %dma_start3A_118 = arith.constant 0 : i32
        %dma_start3A_119 = arith.constant 0 : i32
        %dma_start3A_120 = tpu.memref_slice %arg12[%dma_start3A_118, %dma_start3A_119] : memref<10240x64xf32, #tpu.memory_space<vmem_shared>> -> memref<10240x64xf32, #tpu.memory_space<vmem_shared>>
        tpu.enqueue_indirect_dma source(%arg7 : memref<125x64xf32, #tpu.memory_space<vmem>>) target(%dma_start3A_120 : memref<10240x64xf32, #tpu.memory_space<vmem_shared>>) offsets(%dma_start3A_117 : memref<125xi32, #tpu.memory_space<vmem>>) semaphore(%run_scoped3A_114 : memref<!tpu.dma_semaphore, #tpu.memory_space<semaphore_mem>>) {add = true}
        %dma_wait3A_121 = arith.constant 0 : i32
        %dma_wait3A_122 = tpu.memref_slice %arg6[%add3A_58, %dma_wait3A_121] : memref<80x125xi32, #tpu.memory_space<vmem>> -> memref<1x125xi32, #tpu.memory_space<vmem>>
        %dma_wait3A_123 = tpu.memref_squeeze %dma_wait3A_122 : memref<1x125xi32, #tpu.memory_space<vmem>> -> memref<125xi32, #tpu.memory_space<vmem>>
        %dma_wait3A_124 = arith.constant 0 : i32
        %dma_wait3A_125 = arith.constant 0 : i32
        %dma_wait3A_126 = tpu.memref_slice %arg12[%dma_wait3A_124, %dma_wait3A_125] : memref<10240x64xf32, #tpu.memory_space<vmem_shared>> -> memref<10240x64xf32, #tpu.memory_space<vmem_shared>>
        tpu.wait_indirect_dma semaphore(%run_scoped3A_114 : memref<!tpu.dma_semaphore, #tpu.memory_space<semaphore_mem>>) src(%arg7 : memref<125x64xf32, #tpu.memory_space<vmem>>) dst(%dma_wait3A_126 : memref<10240x64xf32, #tpu.memory_space<vmem_shared>>)
        tpu.yield
      }) : () -> ()
      %add3A_64 = arith.constant 4 : i32
      %add3A_65 = arith.addi %add3A_58, %add3A_64 : i32
      %lt3A = arith.constant 80 : i32
      %lt3A_66 = arith.cmpi slt, %add3A_65, %lt3A : i32
      %convert_element_type3A = arith.extui %lt3A_66 : i1 to i32
      %cond3A = arith.constant 0 : i32
      %cond3A_67 = arith.cmpi ne, %convert_element_type3A, %cond3A : i32
      scf.if %cond3A_67 {
        %add3A_114 = arith.constant 4 : i32
        %add3A_115 = arith.addi %add3A_58, %add3A_114 : i32
        %dma_start3A_116 = arith.constant 0 : i32
        %dma_start3A_117 = tpu.memref_slice %arg5[%add3A_115, %dma_start3A_116] : memref<80x125xi32, #tpu.memory_space<vmem>> -> memref<1x125xi32, #tpu.memory_space<vmem>>
        %dma_start3A_118 = tpu.memref_squeeze %dma_start3A_117 : memref<1x125xi32, #tpu.memory_space<vmem>> -> memref<125xi32, #tpu.memory_space<vmem>>
        %dma_start3A_119 = arith.constant 0 : i32
        %dma_start3A_120 = arith.constant 0 : i32
        %dma_start3A_121 = tpu.memref_slice %arg2[%dma_start3A_119, %dma_start3A_120] : memref<10000x64xf32, #tpu.memory_space<hbm>> -> memref<10000x64xf32, #tpu.memory_space<hbm>>
        tpu.enqueue_indirect_dma source(%dma_start3A_121 : memref<10000x64xf32, #tpu.memory_space<hbm>>) target(%arg7 : memref<125x64xf32, #tpu.memory_space<vmem>>) offsets(%dma_start3A_118 : memref<125xi32, #tpu.memory_space<vmem>>) semaphore(%arg13 : memref<!tpu.dma_semaphore, #tpu.memory_space<semaphore_mem>>)
      } else {
      }
      %add3A_68 = arith.constant 1 : i32
      %add3A_69 = arith.addi %mul3A_56, %add3A_68 : i32
      %dma_wait3A_70 = arith.constant 0 : i32
      %dma_wait3A_71 = tpu.memref_slice %arg5[%add3A_69, %dma_wait3A_70] : memref<80x125xi32, #tpu.memory_space<vmem>> -> memref<1x125xi32, #tpu.memory_space<vmem>>
      %dma_wait3A_72 = tpu.memref_squeeze %dma_wait3A_71 : memref<1x125xi32, #tpu.memory_space<vmem>> -> memref<125xi32, #tpu.memory_space<vmem>>
      %dma_wait3A_73 = arith.constant 0 : i32
      %dma_wait3A_74 = arith.constant 0 : i32
      %dma_wait3A_75 = tpu.memref_slice %arg2[%dma_wait3A_73, %dma_wait3A_74] : memref<10000x64xf32, #tpu.memory_space<hbm>> -> memref<10000x64xf32, #tpu.memory_space<hbm>>
      tpu.wait_indirect_dma semaphore(%arg14 : memref<!tpu.dma_semaphore, #tpu.memory_space<semaphore_mem>>) src(%dma_wait3A_75 : memref<10000x64xf32, #tpu.memory_space<hbm>>) dst(%arg8 : memref<125x64xf32, #tpu.memory_space<vmem>>)
      "tpu.region"() ({
        %run_scoped3A_114 = tpu.sem_alloc : memref<!tpu.dma_semaphore, #tpu.memory_space<semaphore_mem>>
        %dma_start3A_115 = arith.constant 0 : i32
        %dma_start3A_116 = tpu.memref_slice %arg6[%add3A_69, %dma_start3A_115] : memref<80x125xi32, #tpu.memory_space<vmem>> -> memref<1x125xi32, #tpu.memory_space<vmem>>
        %dma_start3A_117 = tpu.memref_squeeze %dma_start3A_116 : memref<1x125xi32, #tpu.memory_space<vmem>> -> memref<125xi32, #tpu.memory_space<vmem>>
        %dma_start3A_118 = arith.constant 0 : i32
        %dma_start3A_119 = arith.constant 0 : i32
        %dma_start3A_120 = tpu.memref_slice %arg12[%dma_start3A_118, %dma_start3A_119] : memref<10240x64xf32, #tpu.memory_space<vmem_shared>> -> memref<10240x64xf32, #tpu.memory_space<vmem_shared>>
        tpu.enqueue_indirect_dma source(%arg8 : memref<125x64xf32, #tpu.memory_space<vmem>>) target(%dma_start3A_120 : memref<10240x64xf32, #tpu.memory_space<vmem_shared>>) offsets(%dma_start3A_117 : memref<125xi32, #tpu.memory_space<vmem>>) semaphore(%run_scoped3A_114 : memref<!tpu.dma_semaphore, #tpu.memory_space<semaphore_mem>>) {add = true}
        %dma_wait3A_121 = arith.constant 0 : i32
        %dma_wait3A_122 = tpu.memref_slice %arg6[%add3A_69, %dma_wait3A_121] : memref<80x125xi32, #tpu.memory_space<vmem>> -> memref<1x125xi32, #tpu.memory_space<vmem>>
        %dma_wait3A_123 = tpu.memref_squeeze %dma_wait3A_122 : memref<1x125xi32, #tpu.memory_space<vmem>> -> memref<125xi32, #tpu.memory_space<vmem>>
        %dma_wait3A_124 = arith.constant 0 : i32
        %dma_wait3A_125 = arith.constant 0 : i32
        %dma_wait3A_126 = tpu.memref_slice %arg12[%dma_wait3A_124, %dma_wait3A_125] : memref<10240x64xf32, #tpu.memory_space<vmem_shared>> -> memref<10240x64xf32, #tpu.memory_space<vmem_shared>>
        tpu.wait_indirect_dma semaphore(%run_scoped3A_114 : memref<!tpu.dma_semaphore, #tpu.memory_space<semaphore_mem>>) src(%arg8 : memref<125x64xf32, #tpu.memory_space<vmem>>) dst(%dma_wait3A_126 : memref<10240x64xf32, #tpu.memory_space<vmem_shared>>)
        tpu.yield
      }) : () -> ()
      %add3A_76 = arith.constant 4 : i32
      %add3A_77 = arith.addi %add3A_69, %add3A_76 : i32
      %lt3A_78 = arith.constant 80 : i32
      %lt3A_79 = arith.cmpi slt, %add3A_77, %lt3A_78 : i32
      %convert_element_type3A_80 = arith.extui %lt3A_79 : i1 to i32
      %cond3A_81 = arith.constant 0 : i32
      %cond3A_82 = arith.cmpi ne, %convert_element_type3A_80, %cond3A_81 : i32
      scf.if %cond3A_82 {
        %add3A_114 = arith.constant 4 : i32
        %add3A_115 = arith.addi %add3A_69, %add3A_114 : i32
        %dma_start3A_116 = arith.constant 0 : i32
        %dma_start3A_117 = tpu.memref_slice %arg5[%add3A_115, %dma_start3A_116] : memref<80x125xi32, #tpu.memory_space<vmem>> -> memref<1x125xi32, #tpu.memory_space<vmem>>
        %dma_start3A_118 = tpu.memref_squeeze %dma_start3A_117 : memref<1x125xi32, #tpu.memory_space<vmem>> -> memref<125xi32, #tpu.memory_space<vmem>>
        %dma_start3A_119 = arith.constant 0 : i32
        %dma_start3A_120 = arith.constant 0 : i32
        %dma_start3A_121 = tpu.memref_slice %arg2[%dma_start3A_119, %dma_start3A_120] : memref<10000x64xf32, #tpu.memory_space<hbm>> -> memref<10000x64xf32, #tpu.memory_space<hbm>>
        tpu.enqueue_indirect_dma source(%dma_start3A_121 : memref<10000x64xf32, #tpu.memory_space<hbm>>) target(%arg8 : memref<125x64xf32, #tpu.memory_space<vmem>>) offsets(%dma_start3A_118 : memref<125xi32, #tpu.memory_space<vmem>>) semaphore(%arg14 : memref<!tpu.dma_semaphore, #tpu.memory_space<semaphore_mem>>)
      } else {
      }
      %add3A_83 = arith.constant 2 : i32
      %add3A_84 = arith.addi %mul3A_56, %add3A_83 : i32
      %dma_wait3A_85 = arith.constant 0 : i32
      %dma_wait3A_86 = tpu.memref_slice %arg5[%add3A_84, %dma_wait3A_85] : memref<80x125xi32, #tpu.memory_space<vmem>> -> memref<1x125xi32, #tpu.memory_space<vmem>>
      %dma_wait3A_87 = tpu.memref_squeeze %dma_wait3A_86 : memref<1x125xi32, #tpu.memory_space<vmem>> -> memref<125xi32, #tpu.memory_space<vmem>>
      %dma_wait3A_88 = arith.constant 0 : i32
      %dma_wait3A_89 = arith.constant 0 : i32
      %dma_wait3A_90 = tpu.memref_slice %arg2[%dma_wait3A_88, %dma_wait3A_89] : memref<10000x64xf32, #tpu.memory_space<hbm>> -> memref<10000x64xf32, #tpu.memory_space<hbm>>
      tpu.wait_indirect_dma semaphore(%arg15 : memref<!tpu.dma_semaphore, #tpu.memory_space<semaphore_mem>>) src(%dma_wait3A_90 : memref<10000x64xf32, #tpu.memory_space<hbm>>) dst(%arg9 : memref<125x64xf32, #tpu.memory_space<vmem>>)
      "tpu.region"() ({
        %run_scoped3A_114 = tpu.sem_alloc : memref<!tpu.dma_semaphore, #tpu.memory_space<semaphore_mem>>
        %dma_start3A_115 = arith.constant 0 : i32
        %dma_start3A_116 = tpu.memref_slice %arg6[%add3A_84, %dma_start3A_115] : memref<80x125xi32, #tpu.memory_space<vmem>> -> memref<1x125xi32, #tpu.memory_space<vmem>>
        %dma_start3A_117 = tpu.memref_squeeze %dma_start3A_116 : memref<1x125xi32, #tpu.memory_space<vmem>> -> memref<125xi32, #tpu.memory_space<vmem>>
        %dma_start3A_118 = arith.constant 0 : i32
        %dma_start3A_119 = arith.constant 0 : i32
        %dma_start3A_120 = tpu.memref_slice %arg12[%dma_start3A_118, %dma_start3A_119] : memref<10240x64xf32, #tpu.memory_space<vmem_shared>> -> memref<10240x64xf32, #tpu.memory_space<vmem_shared>>
        tpu.enqueue_indirect_dma source(%arg9 : memref<125x64xf32, #tpu.memory_space<vmem>>) target(%dma_start3A_120 : memref<10240x64xf32, #tpu.memory_space<vmem_shared>>) offsets(%dma_start3A_117 : memref<125xi32, #tpu.memory_space<vmem>>) semaphore(%run_scoped3A_114 : memref<!tpu.dma_semaphore, #tpu.memory_space<semaphore_mem>>) {add = true}
        %dma_wait3A_121 = arith.constant 0 : i32
        %dma_wait3A_122 = tpu.memref_slice %arg6[%add3A_84, %dma_wait3A_121] : memref<80x125xi32, #tpu.memory_space<vmem>> -> memref<1x125xi32, #tpu.memory_space<vmem>>
        %dma_wait3A_123 = tpu.memref_squeeze %dma_wait3A_122 : memref<1x125xi32, #tpu.memory_space<vmem>> -> memref<125xi32, #tpu.memory_space<vmem>>
        %dma_wait3A_124 = arith.constant 0 : i32
        %dma_wait3A_125 = arith.constant 0 : i32
        %dma_wait3A_126 = tpu.memref_slice %arg12[%dma_wait3A_124, %dma_wait3A_125] : memref<10240x64xf32, #tpu.memory_space<vmem_shared>> -> memref<10240x64xf32, #tpu.memory_space<vmem_shared>>
        tpu.wait_indirect_dma semaphore(%run_scoped3A_114 : memref<!tpu.dma_semaphore, #tpu.memory_space<semaphore_mem>>) src(%arg9 : memref<125x64xf32, #tpu.memory_space<vmem>>) dst(%dma_wait3A_126 : memref<10240x64xf32, #tpu.memory_space<vmem_shared>>)
        tpu.yield
      }) : () -> ()
      %add3A_91 = arith.constant 4 : i32
      %add3A_92 = arith.addi %add3A_84, %add3A_91 : i32
      %lt3A_93 = arith.constant 80 : i32
      %lt3A_94 = arith.cmpi slt, %add3A_92, %lt3A_93 : i32
      %convert_element_type3A_95 = arith.extui %lt3A_94 : i1 to i32
      %cond3A_96 = arith.constant 0 : i32
      %cond3A_97 = arith.cmpi ne, %convert_element_type3A_95, %cond3A_96 : i32
      scf.if %cond3A_97 {
        %add3A_114 = arith.constant 4 : i32
        %add3A_115 = arith.addi %add3A_84, %add3A_114 : i32
        %dma_start3A_116 = arith.constant 0 : i32
        %dma_start3A_117 = tpu.memref_slice %arg5[%add3A_115, %dma_start3A_116] : memref<80x125xi32, #tpu.memory_space<vmem>> -> memref<1x125xi32, #tpu.memory_space<vmem>>
        %dma_start3A_118 = tpu.memref_squeeze %dma_start3A_117 : memref<1x125xi32, #tpu.memory_space<vmem>> -> memref<125xi32, #tpu.memory_space<vmem>>
        %dma_start3A_119 = arith.constant 0 : i32
        %dma_start3A_120 = arith.constant 0 : i32
        %dma_start3A_121 = tpu.memref_slice %arg2[%dma_start3A_119, %dma_start3A_120] : memref<10000x64xf32, #tpu.memory_space<hbm>> -> memref<10000x64xf32, #tpu.memory_space<hbm>>
        tpu.enqueue_indirect_dma source(%dma_start3A_121 : memref<10000x64xf32, #tpu.memory_space<hbm>>) target(%arg9 : memref<125x64xf32, #tpu.memory_space<vmem>>) offsets(%dma_start3A_118 : memref<125xi32, #tpu.memory_space<vmem>>) semaphore(%arg15 : memref<!tpu.dma_semaphore, #tpu.memory_space<semaphore_mem>>)
      } else {
      }
      %add3A_98 = arith.constant 3 : i32
      %add3A_99 = arith.addi %mul3A_56, %add3A_98 : i32
      %dma_wait3A_100 = arith.constant 0 : i32
      %dma_wait3A_101 = tpu.memref_slice %arg5[%add3A_99, %dma_wait3A_100] : memref<80x125xi32, #tpu.memory_space<vmem>> -> memref<1x125xi32, #tpu.memory_space<vmem>>
      %dma_wait3A_102 = tpu.memref_squeeze %dma_wait3A_101 : memref<1x125xi32, #tpu.memory_space<vmem>> -> memref<125xi32, #tpu.memory_space<vmem>>
      %dma_wait3A_103 = arith.constant 0 : i32
      %dma_wait3A_104 = arith.constant 0 : i32
      %dma_wait3A_105 = tpu.memref_slice %arg2[%dma_wait3A_103, %dma_wait3A_104] : memref<10000x64xf32, #tpu.memory_space<hbm>> -> memref<10000x64xf32, #tpu.memory_space<hbm>>
      tpu.wait_indirect_dma semaphore(%arg16 : memref<!tpu.dma_semaphore, #tpu.memory_space<semaphore_mem>>) src(%dma_wait3A_105 : memref<10000x64xf32, #tpu.memory_space<hbm>>) dst(%arg10 : memref<125x64xf32, #tpu.memory_space<vmem>>)
      "tpu.region"() ({
        %run_scoped3A_114 = tpu.sem_alloc : memref<!tpu.dma_semaphore, #tpu.memory_space<semaphore_mem>>
        %dma_start3A_115 = arith.constant 0 : i32
        %dma_start3A_116 = tpu.memref_slice %arg6[%add3A_99, %dma_start3A_115] : memref<80x125xi32, #tpu.memory_space<vmem>> -> memref<1x125xi32, #tpu.memory_space<vmem>>
        %dma_start3A_117 = tpu.memref_squeeze %dma_start3A_116 : memref<1x125xi32, #tpu.memory_space<vmem>> -> memref<125xi32, #tpu.memory_space<vmem>>
        %dma_start3A_118 = arith.constant 0 : i32
        %dma_start3A_119 = arith.constant 0 : i32
        %dma_start3A_120 = tpu.memref_slice %arg12[%dma_start3A_118, %dma_start3A_119] : memref<10240x64xf32, #tpu.memory_space<vmem_shared>> -> memref<10240x64xf32, #tpu.memory_space<vmem_shared>>
        tpu.enqueue_indirect_dma source(%arg10 : memref<125x64xf32, #tpu.memory_space<vmem>>) target(%dma_start3A_120 : memref<10240x64xf32, #tpu.memory_space<vmem_shared>>) offsets(%dma_start3A_117 : memref<125xi32, #tpu.memory_space<vmem>>) semaphore(%run_scoped3A_114 : memref<!tpu.dma_semaphore, #tpu.memory_space<semaphore_mem>>) {add = true}
        %dma_wait3A_121 = arith.constant 0 : i32
        %dma_wait3A_122 = tpu.memref_slice %arg6[%add3A_99, %dma_wait3A_121] : memref<80x125xi32, #tpu.memory_space<vmem>> -> memref<1x125xi32, #tpu.memory_space<vmem>>
        %dma_wait3A_123 = tpu.memref_squeeze %dma_wait3A_122 : memref<1x125xi32, #tpu.memory_space<vmem>> -> memref<125xi32, #tpu.memory_space<vmem>>
        %dma_wait3A_124 = arith.constant 0 : i32
        %dma_wait3A_125 = arith.constant 0 : i32
        %dma_wait3A_126 = tpu.memref_slice %arg12[%dma_wait3A_124, %dma_wait3A_125] : memref<10240x64xf32, #tpu.memory_space<vmem_shared>> -> memref<10240x64xf32, #tpu.memory_space<vmem_shared>>
        tpu.wait_indirect_dma semaphore(%run_scoped3A_114 : memref<!tpu.dma_semaphore, #tpu.memory_space<semaphore_mem>>) src(%arg10 : memref<125x64xf32, #tpu.memory_space<vmem>>) dst(%dma_wait3A_126 : memref<10240x64xf32, #tpu.memory_space<vmem_shared>>)
        tpu.yield
      }) : () -> ()
      %add3A_106 = arith.constant 4 : i32
      %add3A_107 = arith.addi %add3A_99, %add3A_106 : i32
      %lt3A_108 = arith.constant 80 : i32
      %lt3A_109 = arith.cmpi slt, %add3A_107, %lt3A_108 : i32
      %convert_element_type3A_110 = arith.extui %lt3A_109 : i1 to i32
      %cond3A_111 = arith.constant 0 : i32
      %cond3A_112 = arith.cmpi ne, %convert_element_type3A_110, %cond3A_111 : i32
      scf.if %cond3A_112 {
        %add3A_114 = arith.constant 4 : i32
        %add3A_115 = arith.addi %add3A_99, %add3A_114 : i32
        %dma_start3A_116 = arith.constant 0 : i32
        %dma_start3A_117 = tpu.memref_slice %arg5[%add3A_115, %dma_start3A_116] : memref<80x125xi32, #tpu.memory_space<vmem>> -> memref<1x125xi32, #tpu.memory_space<vmem>>
        %dma_start3A_118 = tpu.memref_squeeze %dma_start3A_117 : memref<1x125xi32, #tpu.memory_space<vmem>> -> memref<125xi32, #tpu.memory_space<vmem>>
        %dma_start3A_119 = arith.constant 0 : i32
        %dma_start3A_120 = arith.constant 0 : i32
        %dma_start3A_121 = tpu.memref_slice %arg2[%dma_start3A_119, %dma_start3A_120] : memref<10000x64xf32, #tpu.memory_space<hbm>> -> memref<10000x64xf32, #tpu.memory_space<hbm>>
        tpu.enqueue_indirect_dma source(%dma_start3A_121 : memref<10000x64xf32, #tpu.memory_space<hbm>>) target(%arg10 : memref<125x64xf32, #tpu.memory_space<vmem>>) offsets(%dma_start3A_118 : memref<125xi32, #tpu.memory_space<vmem>>) semaphore(%arg16 : memref<!tpu.dma_semaphore, #tpu.memory_space<semaphore_mem>>)
      } else {
      }
      %scan3A_113 = arith.constant 0 : i32
      scf.yield %scan3A_113 : i32
    }
    %scan3A_47 = arith.constant 20 : i32
    %barrier3A_48 = arith.constant 0 : index
    tpu.barrier barrier_id(%barrier3A_48)
    %mul3A_49 = arith.constant 640 : i32
    %mul3A_50 = arith.muli %arg1, %mul3A_49 : i32
    %mul3A_51 = arith.constant 640 : i32
    %mul3A_52 = arith.muli %arg1, %mul3A_51 : i32
    "tpu.region"() ({
      %run_scoped3A_53 = tpu.sem_alloc : memref<!tpu.dma_semaphore, #tpu.memory_space<semaphore_mem>>
      %dma_start3A_54 = arith.constant 0 : i32
      %dma_start3A_55 = tpu.memref_slice %arg4[%arg0, %mul3A_52, %dma_start3A_54] : memref<2x10240x64xf32, #tpu.memory_space<hbm>> -> memref<1x640x64xf32, #tpu.memory_space<hbm>>
      %dma_start3A_56 = tpu.memref_squeeze %dma_start3A_55 : memref<1x640x64xf32, #tpu.memory_space<hbm>> -> memref<640x64xf32, #tpu.memory_space<hbm>>
      %dma_start3A_57 = arith.constant 0 : i32
      %dma_start3A_58 = tpu.memref_slice %arg12[%mul3A_50, %dma_start3A_57] : memref<10240x64xf32, #tpu.memory_space<vmem_shared>> -> memref<640x64xf32, #tpu.memory_space<vmem_shared>>
      tpu.enqueue_dma source(%dma_start3A_58 : memref<640x64xf32, #tpu.memory_space<vmem_shared>>) target(%dma_start3A_56 : memref<640x64xf32, #tpu.memory_space<hbm>>) target_semaphore(%run_scoped3A_53 : memref<!tpu.dma_semaphore, #tpu.memory_space<semaphore_mem>>)
      %dma_wait3A = arith.constant 0 : i32
      %dma_wait3A_59 = tpu.memref_slice %arg4[%arg0, %mul3A_52, %dma_wait3A] : memref<2x10240x64xf32, #tpu.memory_space<hbm>> -> memref<1x640x64xf32, #tpu.memory_space<hbm>>
      %dma_wait3A_60 = tpu.memref_squeeze %dma_wait3A_59 : memref<1x640x64xf32, #tpu.memory_space<hbm>> -> memref<640x64xf32, #tpu.memory_space<hbm>>
      %dma_wait3A_61 = arith.constant 0 : i32
      %dma_wait3A_62 = tpu.memref_slice %arg12[%mul3A_50, %dma_wait3A_61] : memref<10240x64xf32, #tpu.memory_space<vmem_shared>> -> memref<640x64xf32, #tpu.memory_space<vmem_shared>>
      tpu.wait_dma2 semaphore(%run_scoped3A_53 : memref<!tpu.dma_semaphore, #tpu.memory_space<semaphore_mem>>) src(%dma_wait3A_62 : memref<640x64xf32, #tpu.memory_space<vmem_shared>>) dst(%dma_wait3A_60 : memref<640x64xf32, #tpu.memory_space<hbm>>)
      tpu.yield
    }) : () -> ()
    return
  }
}

#map = affine_map<(d0, d1) -> (0, 0)>
#map1 = affine_map<(d0, d1) -> (0, 0, 0, 0)>
#map2 = affine_map<(d0, d1) -> (0, 0, 0)>
module attributes {stable_mosaic.version = 14 : i64} {
  func.func @conv_kernel(%arg0: i32, %arg1: i32, %arg2: memref<10000x64xf32, #tpu.memory_space<hbm>>, %arg3: memref<2x32x80x125xi32, #tpu.memory_space<hbm>>, %arg4: memref<2x10240x64xf32, #tpu.memory_space<hbm>>, %arg5: memref<80x125xi32, #tpu.memory_space<vmem>>, %arg6: memref<80x125xi32, #tpu.memory_space<vmem>>, %arg7: memref<125x64xf32, #tpu.memory_space<vmem>>, %arg8: memref<125x64xf32, #tpu.memory_space<vmem>>, %arg9: memref<125x64xf32, #tpu.memory_space<vmem>>, %arg10: memref<125x64xf32, #tpu.memory_space<vmem>>, %arg11: memref<320x64xf32, #tpu.memory_space<vmem>>, %arg12: memref<10240x64xf32, #tpu.memory_space<vmem_shared>>, %arg13: memref<!tpu.dma_semaphore, #tpu.memory_space<semaphore_mem>>, %arg14: memref<!tpu.dma_semaphore, #tpu.memory_space<semaphore_mem>>, %arg15: memref<!tpu.dma_semaphore, #tpu.memory_space<semaphore_mem>>, %arg16: memref<!tpu.dma_semaphore, #tpu.memory_space<semaphore_mem>>) attributes {dimension_semantics = [#tpu.dimension_semantics<core_parallel>, #tpu.dimension_semantics<subcore_parallel>], iteration_bounds = array<i64: 2, 16>, scalar_prefetch = 0 : i64, scratch_operands = 12 : i64, tpu.core_type = #tpu.core_type<sc_vector_subcore>, window_params = [{transform_indices = #map}, {transform_indices = #map1}, {transform_indices = #map2}]} {
    %mul3A = arith.constant 16 : i32
    %mul3A_0 = arith.muli %arg0, %mul3A : i32
    %add3A = arith.addi %mul3A_0, %arg1 : i32
    %run_scoped3A = arith.constant 0 : i32
    "tpu.region"() ({
      %run_scoped3A_53 = tpu.sem_alloc : memref<!tpu.dma_semaphore, #tpu.memory_space<semaphore_mem>>
      %dma_start3A_54 = arith.constant 0 : i32
      %dma_start3A_55 = arith.constant 0 : i32
      %dma_start3A_56 = tpu.memref_slice %arg3[%run_scoped3A, %add3A, %dma_start3A_54, %dma_start3A_55] : memref<2x32x80x125xi32, #tpu.memory_space<hbm>> -> memref<1x1x80x125xi32, #tpu.memory_space<hbm>>
      %dma_start3A_57 = tpu.memref_squeeze %dma_start3A_56 : memref<1x1x80x125xi32, #tpu.memory_space<hbm>> -> memref<80x125xi32, #tpu.memory_space<hbm>>
      %dma_start3A_58 = arith.constant 0 : i32
      %dma_start3A_59 = arith.constant 0 : i32
      %dma_start3A_60 = tpu.memref_slice %arg3[%run_scoped3A, %add3A, %dma_start3A_58, %dma_start3A_59] : memref<2x32x80x125xi32, #tpu.memory_space<hbm>> -> memref<1x1x80x125xi32, #tpu.memory_space<hbm>>
      %dma_start3A_61 = tpu.memref_squeeze %dma_start3A_60 : memref<1x1x80x125xi32, #tpu.memory_space<hbm>> -> memref<80x125xi32, #tpu.memory_space<hbm>>
      tpu.enqueue_dma source(%dma_start3A_61 : memref<80x125xi32, #tpu.memory_space<hbm>>) target(%arg5 : memref<80x125xi32, #tpu.memory_space<vmem>>) target_semaphore(%run_scoped3A_53 : memref<!tpu.dma_semaphore, #tpu.memory_space<semaphore_mem>>)
      %dma_wait3A = arith.constant 0 : i32
      %dma_wait3A_62 = arith.constant 0 : i32
      %dma_wait3A_63 = tpu.memref_slice %arg3[%run_scoped3A, %add3A, %dma_wait3A, %dma_wait3A_62] : memref<2x32x80x125xi32, #tpu.memory_space<hbm>> -> memref<1x1x80x125xi32, #tpu.memory_space<hbm>>
      %dma_wait3A_64 = tpu.memref_squeeze %dma_wait3A_63 : memref<1x1x80x125xi32, #tpu.memory_space<hbm>> -> memref<80x125xi32, #tpu.memory_space<hbm>>
      %dma_wait3A_65 = arith.constant 0 : i32
      %dma_wait3A_66 = arith.constant 0 : i32
      %dma_wait3A_67 = tpu.memref_slice %arg3[%run_scoped3A, %add3A, %dma_wait3A_65, %dma_wait3A_66] : memref<2x32x80x125xi32, #tpu.memory_space<hbm>> -> memref<1x1x80x125xi32, #tpu.memory_space<hbm>>
      %dma_wait3A_68 = tpu.memref_squeeze %dma_wait3A_67 : memref<1x1x80x125xi32, #tpu.memory_space<hbm>> -> memref<80x125xi32, #tpu.memory_space<hbm>>
      tpu.wait_dma2 semaphore(%run_scoped3A_53 : memref<!tpu.dma_semaphore, #tpu.memory_space<semaphore_mem>>) src(%dma_wait3A_68 : memref<80x125xi32, #tpu.memory_space<hbm>>) dst(%arg5 : memref<80x125xi32, #tpu.memory_space<vmem>>)
      tpu.yield
    }) : () -> ()
    %run_scoped3A_1 = arith.constant 1 : i32
    "tpu.region"() ({
      %run_scoped3A_53 = tpu.sem_alloc : memref<!tpu.dma_semaphore, #tpu.memory_space<semaphore_mem>>
      %dma_start3A_54 = arith.constant 0 : i32
      %dma_start3A_55 = arith.constant 0 : i32
      %dma_start3A_56 = tpu.memref_slice %arg3[%run_scoped3A_1, %add3A, %dma_start3A_54, %dma_start3A_55] : memref<2x32x80x125xi32, #tpu.memory_space<hbm>> -> memref<1x1x80x125xi32, #tpu.memory_space<hbm>>
      %dma_start3A_57 = tpu.memref_squeeze %dma_start3A_56 : memref<1x1x80x125xi32, #tpu.memory_space<hbm>> -> memref<80x125xi32, #tpu.memory_space<hbm>>
      %dma_start3A_58 = arith.constant 0 : i32
      %dma_start3A_59 = arith.constant 0 : i32
      %dma_start3A_60 = tpu.memref_slice %arg3[%run_scoped3A_1, %add3A, %dma_start3A_58, %dma_start3A_59] : memref<2x32x80x125xi32, #tpu.memory_space<hbm>> -> memref<1x1x80x125xi32, #tpu.memory_space<hbm>>
      %dma_start3A_61 = tpu.memref_squeeze %dma_start3A_60 : memref<1x1x80x125xi32, #tpu.memory_space<hbm>> -> memref<80x125xi32, #tpu.memory_space<hbm>>
      tpu.enqueue_dma source(%dma_start3A_61 : memref<80x125xi32, #tpu.memory_space<hbm>>) target(%arg6 : memref<80x125xi32, #tpu.memory_space<vmem>>) target_semaphore(%run_scoped3A_53 : memref<!tpu.dma_semaphore, #tpu.memory_space<semaphore_mem>>)
      %dma_wait3A = arith.constant 0 : i32
      %dma_wait3A_62 = arith.constant 0 : i32
      %dma_wait3A_63 = tpu.memref_slice %arg3[%run_scoped3A_1, %add3A, %dma_wait3A, %dma_wait3A_62] : memref<2x32x80x125xi32, #tpu.memory_space<hbm>> -> memref<1x1x80x125xi32, #tpu.memory_space<hbm>>
      %dma_wait3A_64 = tpu.memref_squeeze %dma_wait3A_63 : memref<1x1x80x125xi32, #tpu.memory_space<hbm>> -> memref<80x125xi32, #tpu.memory_space<hbm>>
      %dma_wait3A_65 = arith.constant 0 : i32
      %dma_wait3A_66 = arith.constant 0 : i32
      %dma_wait3A_67 = tpu.memref_slice %arg3[%run_scoped3A_1, %add3A, %dma_wait3A_65, %dma_wait3A_66] : memref<2x32x80x125xi32, #tpu.memory_space<hbm>> -> memref<1x1x80x125xi32, #tpu.memory_space<hbm>>
      %dma_wait3A_68 = tpu.memref_squeeze %dma_wait3A_67 : memref<1x1x80x125xi32, #tpu.memory_space<hbm>> -> memref<80x125xi32, #tpu.memory_space<hbm>>
      tpu.wait_dma2 semaphore(%run_scoped3A_53 : memref<!tpu.dma_semaphore, #tpu.memory_space<semaphore_mem>>) src(%dma_wait3A_68 : memref<80x125xi32, #tpu.memory_space<hbm>>) dst(%arg6 : memref<80x125xi32, #tpu.memory_space<vmem>>)
      tpu.yield
    }) : () -> ()
    %dma_start3A = arith.constant 0 : i32
    %dma_start3A_2 = arith.constant 0 : i32
    %dma_start3A_3 = tpu.memref_slice %arg5[%dma_start3A, %dma_start3A_2] : memref<80x125xi32, #tpu.memory_space<vmem>> -> memref<1x125xi32, #tpu.memory_space<vmem>>
    %dma_start3A_4 = tpu.memref_squeeze %dma_start3A_3 : memref<1x125xi32, #tpu.memory_space<vmem>> -> memref<125xi32, #tpu.memory_space<vmem>>
    %dma_start3A_5 = arith.constant 0 : i32
    %dma_start3A_6 = arith.constant 0 : i32
    %dma_start3A_7 = tpu.memref_slice %arg2[%dma_start3A_5, %dma_start3A_6] : memref<10000x64xf32, #tpu.memory_space<hbm>> -> memref<10000x64xf32, #tpu.memory_space<hbm>>
    tpu.enqueue_indirect_dma source(%dma_start3A_7 : memref<10000x64xf32, #tpu.memory_space<hbm>>) target(%arg7 : memref<125x64xf32, #tpu.memory_space<vmem>>) offsets(%dma_start3A_4 : memref<125xi32, #tpu.memory_space<vmem>>) semaphore(%arg13 : memref<!tpu.dma_semaphore, #tpu.memory_space<semaphore_mem>>)
    %dma_start3A_8 = arith.constant 1 : i32
    %dma_start3A_9 = arith.constant 0 : i32
    %dma_start3A_10 = tpu.memref_slice %arg5[%dma_start3A_8, %dma_start3A_9] : memref<80x125xi32, #tpu.memory_space<vmem>> -> memref<1x125xi32, #tpu.memory_space<vmem>>
    %dma_start3A_11 = tpu.memref_squeeze %dma_start3A_10 : memref<1x125xi32, #tpu.memory_space<vmem>> -> memref<125xi32, #tpu.memory_space<vmem>>
    %dma_start3A_12 = arith.constant 0 : i32
    %dma_start3A_13 = arith.constant 0 : i32
    %dma_start3A_14 = tpu.memref_slice %arg2[%dma_start3A_12, %dma_start3A_13] : memref<10000x64xf32, #tpu.memory_space<hbm>> -> memref<10000x64xf32, #tpu.memory_space<hbm>>
    tpu.enqueue_indirect_dma source(%dma_start3A_14 : memref<10000x64xf32, #tpu.memory_space<hbm>>) target(%arg8 : memref<125x64xf32, #tpu.memory_space<vmem>>) offsets(%dma_start3A_11 : memref<125xi32, #tpu.memory_space<vmem>>) semaphore(%arg14 : memref<!tpu.dma_semaphore, #tpu.memory_space<semaphore_mem>>)
    %dma_start3A_15 = arith.constant 2 : i32
    %dma_start3A_16 = arith.constant 0 : i32
    %dma_start3A_17 = tpu.memref_slice %arg5[%dma_start3A_15, %dma_start3A_16] : memref<80x125xi32, #tpu.memory_space<vmem>> -> memref<1x125xi32, #tpu.memory_space<vmem>>
    %dma_start3A_18 = tpu.memref_squeeze %dma_start3A_17 : memref<1x125xi32, #tpu.memory_space<vmem>> -> memref<125xi32, #tpu.memory_space<vmem>>
    %dma_start3A_19 = arith.constant 0 : i32
    %dma_start3A_20 = arith.constant 0 : i32
    %dma_start3A_21 = tpu.memref_slice %arg2[%dma_start3A_19, %dma_start3A_20] : memref<10000x64xf32, #tpu.memory_space<hbm>> -> memref<10000x64xf32, #tpu.memory_space<hbm>>
    tpu.enqueue_indirect_dma source(%dma_start3A_21 : memref<10000x64xf32, #tpu.memory_space<hbm>>) target(%arg9 : memref<125x64xf32, #tpu.memory_space<vmem>>) offsets(%dma_start3A_18 : memref<125xi32, #tpu.memory_space<vmem>>) semaphore(%arg15 : memref<!tpu.dma_semaphore, #tpu.memory_space<semaphore_mem>>)
    %dma_start3A_22 = arith.constant 3 : i32
    %dma_start3A_23 = arith.constant 0 : i32
    %dma_start3A_24 = tpu.memref_slice %arg5[%dma_start3A_22, %dma_start3A_23] : memref<80x125xi32, #tpu.memory_space<vmem>> -> memref<1x125xi32, #tpu.memory_space<vmem>>
    %dma_start3A_25 = tpu.memref_squeeze %dma_start3A_24 : memref<1x125xi32, #tpu.memory_space<vmem>> -> memref<125xi32, #tpu.memory_space<vmem>>
    %dma_start3A_26 = arith.constant 0 : i32
    %dma_start3A_27 = arith.constant 0 : i32
    %dma_start3A_28 = tpu.memref_slice %arg2[%dma_start3A_26, %dma_start3A_27] : memref<10000x64xf32, #tpu.memory_space<hbm>> -> memref<10000x64xf32, #tpu.memory_space<hbm>>
    tpu.enqueue_indirect_dma source(%dma_start3A_28 : memref<10000x64xf32, #tpu.memory_space<hbm>>) target(%arg10 : memref<125x64xf32, #tpu.memory_space<vmem>>) offsets(%dma_start3A_25 : memref<125xi32, #tpu.memory_space<vmem>>) semaphore(%arg16 : memref<!tpu.dma_semaphore, #tpu.memory_space<semaphore_mem>>)
    %scan3A = arith.constant 0 : i32
    %scan3A_29 = arith.constant 0 : i32
    %scan3A_30 = arith.constant 320 : i32
    %scan3A_31 = arith.addi %scan3A_29, %scan3A_30 : i32
    %scan3A_32 = arith.constant 1 : i32
    %scan3A_33 = scf.for %scan3A_53 = %scan3A_29 to %scan3A_31 step %scan3A_32 iter_args(%scan3A_54 = %scan3A) -> (i32)  : i32 {
      %broadcast_in_dim3A = arith.constant 0.000000e+00 : f32
      %broadcast_in_dim3A_55 = vector.broadcast %broadcast_in_dim3A : f32 to vector<16xf32>
      %swap3A = arith.index_cast %scan3A_53 : i32 to index
      %swap3A_56 = arith.constant 0 : index
      %swap3A_57 = tpu.vector_load %arg11[%swap3A, %swap3A_56] {strides = array<i32>} : memref<320x64xf32, #tpu.memory_space<vmem>>, vector<1x16xf32>,
      %swap3A_58 = vector.shape_cast %swap3A_57 : vector<1x16xf32> to vector<16xf32>
      %swap3A_59 = vector.shape_cast %broadcast_in_dim3A_55 : vector<16xf32> to vector<1x16xf32>
      tpu.vector_store %arg11[%swap3A, %swap3A_56], %swap3A_59 {strides = array<i32>} : memref<320x64xf32, #tpu.memory_space<vmem>>, vector<1x16xf32>,
      %broadcast_in_dim3A_60 = arith.constant 0.000000e+00 : f32
      %broadcast_in_dim3A_61 = vector.broadcast %broadcast_in_dim3A_60 : f32 to vector<16xf32>
      %swap3A_62 = arith.index_cast %scan3A_53 : i32 to index
      %swap3A_63 = arith.constant 16 : index
      %swap3A_64 = tpu.vector_load %arg11[%swap3A_62, %swap3A_63] {strides = array<i32>} : memref<320x64xf32, #tpu.memory_space<vmem>>, vector<1x16xf32>,
      %swap3A_65 = vector.shape_cast %swap3A_64 : vector<1x16xf32> to vector<16xf32>
      %swap3A_66 = vector.shape_cast %broadcast_in_dim3A_61 : vector<16xf32> to vector<1x16xf32>
      tpu.vector_store %arg11[%swap3A_62, %swap3A_63], %swap3A_66 {strides = array<i32>} : memref<320x64xf32, #tpu.memory_space<vmem>>, vector<1x16xf32>,
      %broadcast_in_dim3A_67 = arith.constant 0.000000e+00 : f32
      %broadcast_in_dim3A_68 = vector.broadcast %broadcast_in_dim3A_67 : f32 to vector<16xf32>
      %swap3A_69 = arith.index_cast %scan3A_53 : i32 to index
      %swap3A_70 = arith.constant 32 : index
      %swap3A_71 = tpu.vector_load %arg11[%swap3A_69, %swap3A_70] {strides = array<i32>} : memref<320x64xf32, #tpu.memory_space<vmem>>, vector<1x16xf32>,
      %swap3A_72 = vector.shape_cast %swap3A_71 : vector<1x16xf32> to vector<16xf32>
      %swap3A_73 = vector.shape_cast %broadcast_in_dim3A_68 : vector<16xf32> to vector<1x16xf32>
      tpu.vector_store %arg11[%swap3A_69, %swap3A_70], %swap3A_73 {strides = array<i32>} : memref<320x64xf32, #tpu.memory_space<vmem>>, vector<1x16xf32>,
      %broadcast_in_dim3A_74 = arith.constant 0.000000e+00 : f32
      %broadcast_in_dim3A_75 = vector.broadcast %broadcast_in_dim3A_74 : f32 to vector<16xf32>
      %swap3A_76 = arith.index_cast %scan3A_53 : i32 to index
      %swap3A_77 = arith.constant 48 : index
      %swap3A_78 = tpu.vector_load %arg11[%swap3A_76, %swap3A_77] {strides = array<i32>} : memref<320x64xf32, #tpu.memory_space<vmem>>, vector<1x16xf32>,
      %swap3A_79 = vector.shape_cast %swap3A_78 : vector<1x16xf32> to vector<16xf32>
      %swap3A_80 = vector.shape_cast %broadcast_in_dim3A_75 : vector<16xf32> to vector<1x16xf32>
      tpu.vector_store %arg11[%swap3A_76, %swap3A_77], %swap3A_80 {strides = array<i32>} : memref<320x64xf32, #tpu.memory_space<vmem>>, vector<1x16xf32>,
      %scan3A_81 = arith.constant 0 : i32
      scf.yield %scan3A_81 : i32
    }
    %scan3A_34 = arith.constant 320 : i32
    %mul3A_35 = arith.constant 640 : i32
    %mul3A_36 = arith.muli %arg1, %mul3A_35 : i32
    "tpu.region"() ({
      %run_scoped3A_53 = tpu.sem_alloc : memref<!tpu.dma_semaphore, #tpu.memory_space<semaphore_mem>>
      %dma_start3A_54 = arith.constant 0 : i32
      %dma_start3A_55 = tpu.memref_slice %arg12[%mul3A_36, %dma_start3A_54] : memref<10240x64xf32, #tpu.memory_space<vmem_shared>> -> memref<320x64xf32, #tpu.memory_space<vmem_shared>>
      %dma_start3A_56 = arith.constant 0 : i32
      %dma_start3A_57 = tpu.memref_slice %arg12[%mul3A_36, %dma_start3A_56] : memref<10240x64xf32, #tpu.memory_space<vmem_shared>> -> memref<320x64xf32, #tpu.memory_space<vmem_shared>>
      tpu.enqueue_dma source(%arg11 : memref<320x64xf32, #tpu.memory_space<vmem>>) target(%dma_start3A_57 : memref<320x64xf32, #tpu.memory_space<vmem_shared>>) target_semaphore(%run_scoped3A_53 : memref<!tpu.dma_semaphore, #tpu.memory_space<semaphore_mem>>)
      %dma_wait3A = arith.constant 0 : i32
      %dma_wait3A_58 = tpu.memref_slice %arg12[%mul3A_36, %dma_wait3A] : memref<10240x64xf32, #tpu.memory_space<vmem_shared>> -> memref<320x64xf32, #tpu.memory_space<vmem_shared>>
      %dma_wait3A_59 = arith.constant 0 : i32
      %dma_wait3A_60 = tpu.memref_slice %arg12[%mul3A_36, %dma_wait3A_59] : memref<10240x64xf32, #tpu.memory_space<vmem_shared>> -> memref<320x64xf32, #tpu.memory_space<vmem_shared>>
      tpu.wait_dma2 semaphore(%run_scoped3A_53 : memref<!tpu.dma_semaphore, #tpu.memory_space<semaphore_mem>>) src(%arg11 : memref<320x64xf32, #tpu.memory_space<vmem>>) dst(%dma_wait3A_60 : memref<320x64xf32, #tpu.memory_space<vmem_shared>>)
      tpu.yield
    }) : () -> ()
    %mul3A_37 = arith.constant 640 : i32
    %mul3A_38 = arith.muli %arg1, %mul3A_37 : i32
    %add3A_39 = arith.constant 320 : i32
    %add3A_40 = arith.addi %mul3A_38, %add3A_39 : i32
    "tpu.region"() ({
      %run_scoped3A_53 = tpu.sem_alloc : memref<!tpu.dma_semaphore, #tpu.memory_space<semaphore_mem>>
      %dma_start3A_54 = arith.constant 0 : i32
      %dma_start3A_55 = tpu.memref_slice %arg12[%add3A_40, %dma_start3A_54] : memref<10240x64xf32, #tpu.memory_space<vmem_shared>> -> memref<320x64xf32, #tpu.memory_space<vmem_shared>>
      %dma_start3A_56 = arith.constant 0 : i32
      %dma_start3A_57 = tpu.memref_slice %arg12[%add3A_40, %dma_start3A_56] : memref<10240x64xf32, #tpu.memory_space<vmem_shared>> -> memref<320x64xf32, #tpu.memory_space<vmem_shared>>
      tpu.enqueue_dma source(%arg11 : memref<320x64xf32, #tpu.memory_space<vmem>>) target(%dma_start3A_57 : memref<320x64xf32, #tpu.memory_space<vmem_shared>>) target_semaphore(%run_scoped3A_53 : memref<!tpu.dma_semaphore, #tpu.memory_space<semaphore_mem>>)
      %dma_wait3A = arith.constant 0 : i32
      %dma_wait3A_58 = tpu.memref_slice %arg12[%add3A_40, %dma_wait3A] : memref<10240x64xf32, #tpu.memory_space<vmem_shared>> -> memref<320x64xf32, #tpu.memory_space<vmem_shared>>
      %dma_wait3A_59 = arith.constant 0 : i32
      %dma_wait3A_60 = tpu.memref_slice %arg12[%add3A_40, %dma_wait3A_59] : memref<10240x64xf32, #tpu.memory_space<vmem_shared>> -> memref<320x64xf32, #tpu.memory_space<vmem_shared>>
      tpu.wait_dma2 semaphore(%run_scoped3A_53 : memref<!tpu.dma_semaphore, #tpu.memory_space<semaphore_mem>>) src(%arg11 : memref<320x64xf32, #tpu.memory_space<vmem>>) dst(%dma_wait3A_60 : memref<320x64xf32, #tpu.memory_space<vmem_shared>>)
      tpu.yield
    }) : () -> ()
    %barrier3A = arith.constant 0 : index
    tpu.barrier barrier_id(%barrier3A)
    %scan3A_41 = arith.constant 0 : i32
    %scan3A_42 = arith.constant 0 : i32
    %scan3A_43 = arith.constant 20 : i32
    %scan3A_44 = arith.addi %scan3A_42, %scan3A_43 : i32
    %scan3A_45 = arith.constant 1 : i32
    %scan3A_46 = scf.for %scan3A_53 = %scan3A_42 to %scan3A_44 step %scan3A_45 iter_args(%scan3A_54 = %scan3A_41) -> (i32)  : i32 {
      %mul3A_55 = arith.constant 4 : i32
      %mul3A_56 = arith.muli %mul3A_55, %scan3A_53 : i32
      %add3A_57 = arith.constant 0 : i32
      %add3A_58 = arith.addi %mul3A_56, %add3A_57 : i32
      %dma_wait3A = arith.constant 0 : i32
      %dma_wait3A_59 = tpu.memref_slice %arg5[%add3A_58, %dma_wait3A] : memref<80x125xi32, #tpu.memory_space<vmem>> -> memref<1x125xi32, #tpu.memory_space<vmem>>
      %dma_wait3A_60 = tpu.memref_squeeze %dma_wait3A_59 : memref<1x125xi32, #tpu.memory_space<vmem>> -> memref<125xi32, #tpu.memory_space<vmem>>
      %dma_wait3A_61 = arith.constant 0 : i32
      %dma_wait3A_62 = arith.constant 0 : i32
      %dma_wait3A_63 = tpu.memref_slice %arg2[%dma_wait3A_61, %dma_wait3A_62] : memref<10000x64xf32, #tpu.memory_space<hbm>> -> memref<10000x64xf32, #tpu.memory_space<hbm>>
      tpu.wait_indirect_dma semaphore(%arg13 : memref<!tpu.dma_semaphore, #tpu.memory_space<semaphore_mem>>) src(%dma_wait3A_63 : memref<10000x64xf32, #tpu.memory_space<hbm>>) dst(%arg7 : memref<125x64xf32, #tpu.memory_space<vmem>>)
      "tpu.region"() ({
        %run_scoped3A_114 = tpu.sem_alloc : memref<!tpu.dma_semaphore, #tpu.memory_space<semaphore_mem>>
        %dma_start3A_115 = arith.constant 0 : i32
        %dma_start3A_116 = tpu.memref_slice %arg6[%add3A_58, %dma_start3A_115] : memref<80x125xi32, #tpu.memory_space<vmem>> -> memref<1x125xi32, #tpu.memory_space<vmem>>
        %dma_start3A_117 = tpu.memref_squeeze %dma_start3A_116 : memref<1x125xi32, #tpu.memory_space<vmem>> -> memref<125xi32, #tpu.memory_space<vmem>>
        %dma_start3A_118 = arith.constant 0 : i32
        %dma_start3A_119 = arith.constant 0 : i32
        %dma_start3A_120 = tpu.memref_slice %arg12[%dma_start3A_118, %dma_start3A_119] : memref<10240x64xf32, #tpu.memory_space<vmem_shared>> -> memref<10240x64xf32, #tpu.memory_space<vmem_shared>>
        tpu.enqueue_indirect_dma source(%arg7 : memref<125x64xf32, #tpu.memory_space<vmem>>) target(%dma_start3A_120 : memref<10240x64xf32, #tpu.memory_space<vmem_shared>>) offsets(%dma_start3A_117 : memref<125xi32, #tpu.memory_space<vmem>>) semaphore(%run_scoped3A_114 : memref<!tpu.dma_semaphore, #tpu.memory_space<semaphore_mem>>) {add = true}
        %dma_wait3A_121 = arith.constant 0 : i32
        %dma_wait3A_122 = tpu.memref_slice %arg6[%add3A_58, %dma_wait3A_121] : memref<80x125xi32, #tpu.memory_space<vmem>> -> memref<1x125xi32, #tpu.memory_space<vmem>>
        %dma_wait3A_123 = tpu.memref_squeeze %dma_wait3A_122 : memref<1x125xi32, #tpu.memory_space<vmem>> -> memref<125xi32, #tpu.memory_space<vmem>>
        %dma_wait3A_124 = arith.constant 0 : i32
        %dma_wait3A_125 = arith.constant 0 : i32
        %dma_wait3A_126 = tpu.memref_slice %arg12[%dma_wait3A_124, %dma_wait3A_125] : memref<10240x64xf32, #tpu.memory_space<vmem_shared>> -> memref<10240x64xf32, #tpu.memory_space<vmem_shared>>
        tpu.wait_indirect_dma semaphore(%run_scoped3A_114 : memref<!tpu.dma_semaphore, #tpu.memory_space<semaphore_mem>>) src(%arg7 : memref<125x64xf32, #tpu.memory_space<vmem>>) dst(%dma_wait3A_126 : memref<10240x64xf32, #tpu.memory_space<vmem_shared>>)
        tpu.yield
      }) : () -> ()
      %add3A_64 = arith.constant 4 : i32
      %add3A_65 = arith.addi %add3A_58, %add3A_64 : i32
      %lt3A = arith.constant 80 : i32
      %lt3A_66 = arith.cmpi slt, %add3A_65, %lt3A : i32
      %convert_element_type3A = arith.extui %lt3A_66 : i1 to i32
      %cond3A = arith.constant 0 : i32
      %cond3A_67 = arith.cmpi ne, %convert_element_type3A, %cond3A : i32
      scf.if %cond3A_67 {
        %add3A_114 = arith.constant 4 : i32
        %add3A_115 = arith.addi %add3A_58, %add3A_114 : i32
        %dma_start3A_116 = arith.constant 0 : i32
        %dma_start3A_117 = tpu.memref_slice %arg5[%add3A_115, %dma_start3A_116] : memref<80x125xi32, #tpu.memory_space<vmem>> -> memref<1x125xi32, #tpu.memory_space<vmem>>
        %dma_start3A_118 = tpu.memref_squeeze %dma_start3A_117 : memref<1x125xi32, #tpu.memory_space<vmem>> -> memref<125xi32, #tpu.memory_space<vmem>>
        %dma_start3A_119 = arith.constant 0 : i32
        %dma_start3A_120 = arith.constant 0 : i32
        %dma_start3A_121 = tpu.memref_slice %arg2[%dma_start3A_119, %dma_start3A_120] : memref<10000x64xf32, #tpu.memory_space<hbm>> -> memref<10000x64xf32, #tpu.memory_space<hbm>>
        tpu.enqueue_indirect_dma source(%dma_start3A_121 : memref<10000x64xf32, #tpu.memory_space<hbm>>) target(%arg7 : memref<125x64xf32, #tpu.memory_space<vmem>>) offsets(%dma_start3A_118 : memref<125xi32, #tpu.memory_space<vmem>>) semaphore(%arg13 : memref<!tpu.dma_semaphore, #tpu.memory_space<semaphore_mem>>)
      } else {
      }
      %add3A_68 = arith.constant 1 : i32
      %add3A_69 = arith.addi %mul3A_56, %add3A_68 : i32
      %dma_wait3A_70 = arith.constant 0 : i32
      %dma_wait3A_71 = tpu.memref_slice %arg5[%add3A_69, %dma_wait3A_70] : memref<80x125xi32, #tpu.memory_space<vmem>> -> memref<1x125xi32, #tpu.memory_space<vmem>>
      %dma_wait3A_72 = tpu.memref_squeeze %dma_wait3A_71 : memref<1x125xi32, #tpu.memory_space<vmem>> -> memref<125xi32, #tpu.memory_space<vmem>>
      %dma_wait3A_73 = arith.constant 0 : i32
      %dma_wait3A_74 = arith.constant 0 : i32
      %dma_wait3A_75 = tpu.memref_slice %arg2[%dma_wait3A_73, %dma_wait3A_74] : memref<10000x64xf32, #tpu.memory_space<hbm>> -> memref<10000x64xf32, #tpu.memory_space<hbm>>
      tpu.wait_indirect_dma semaphore(%arg14 : memref<!tpu.dma_semaphore, #tpu.memory_space<semaphore_mem>>) src(%dma_wait3A_75 : memref<10000x64xf32, #tpu.memory_space<hbm>>) dst(%arg8 : memref<125x64xf32, #tpu.memory_space<vmem>>)
      "tpu.region"() ({
        %run_scoped3A_114 = tpu.sem_alloc : memref<!tpu.dma_semaphore, #tpu.memory_space<semaphore_mem>>
        %dma_start3A_115 = arith.constant 0 : i32
        %dma_start3A_116 = tpu.memref_slice %arg6[%add3A_69, %dma_start3A_115] : memref<80x125xi32, #tpu.memory_space<vmem>> -> memref<1x125xi32, #tpu.memory_space<vmem>>
        %dma_start3A_117 = tpu.memref_squeeze %dma_start3A_116 : memref<1x125xi32, #tpu.memory_space<vmem>> -> memref<125xi32, #tpu.memory_space<vmem>>
        %dma_start3A_118 = arith.constant 0 : i32
        %dma_start3A_119 = arith.constant 0 : i32
        %dma_start3A_120 = tpu.memref_slice %arg12[%dma_start3A_118, %dma_start3A_119] : memref<10240x64xf32, #tpu.memory_space<vmem_shared>> -> memref<10240x64xf32, #tpu.memory_space<vmem_shared>>
        tpu.enqueue_indirect_dma source(%arg8 : memref<125x64xf32, #tpu.memory_space<vmem>>) target(%dma_start3A_120 : memref<10240x64xf32, #tpu.memory_space<vmem_shared>>) offsets(%dma_start3A_117 : memref<125xi32, #tpu.memory_space<vmem>>) semaphore(%run_scoped3A_114 : memref<!tpu.dma_semaphore, #tpu.memory_space<semaphore_mem>>) {add = true}
        %dma_wait3A_121 = arith.constant 0 : i32
        %dma_wait3A_122 = tpu.memref_slice %arg6[%add3A_69, %dma_wait3A_121] : memref<80x125xi32, #tpu.memory_space<vmem>> -> memref<1x125xi32, #tpu.memory_space<vmem>>
        %dma_wait3A_123 = tpu.memref_squeeze %dma_wait3A_122 : memref<1x125xi32, #tpu.memory_space<vmem>> -> memref<125xi32, #tpu.memory_space<vmem>>
        %dma_wait3A_124 = arith.constant 0 : i32
        %dma_wait3A_125 = arith.constant 0 : i32
        %dma_wait3A_126 = tpu.memref_slice %arg12[%dma_wait3A_124, %dma_wait3A_125] : memref<10240x64xf32, #tpu.memory_space<vmem_shared>> -> memref<10240x64xf32, #tpu.memory_space<vmem_shared>>
        tpu.wait_indirect_dma semaphore(%run_scoped3A_114 : memref<!tpu.dma_semaphore, #tpu.memory_space<semaphore_mem>>) src(%arg8 : memref<125x64xf32, #tpu.memory_space<vmem>>) dst(%dma_wait3A_126 : memref<10240x64xf32, #tpu.memory_space<vmem_shared>>)
        tpu.yield
      }) : () -> ()
      %add3A_76 = arith.constant 4 : i32
      %add3A_77 = arith.addi %add3A_69, %add3A_76 : i32
      %lt3A_78 = arith.constant 80 : i32
      %lt3A_79 = arith.cmpi slt, %add3A_77, %lt3A_78 : i32
      %convert_element_type3A_80 = arith.extui %lt3A_79 : i1 to i32
      %cond3A_81 = arith.constant 0 : i32
      %cond3A_82 = arith.cmpi ne, %convert_element_type3A_80, %cond3A_81 : i32
      scf.if %cond3A_82 {
        %add3A_114 = arith.constant 4 : i32
        %add3A_115 = arith.addi %add3A_69, %add3A_114 : i32
        %dma_start3A_116 = arith.constant 0 : i32
        %dma_start3A_117 = tpu.memref_slice %arg5[%add3A_115, %dma_start3A_116] : memref<80x125xi32, #tpu.memory_space<vmem>> -> memref<1x125xi32, #tpu.memory_space<vmem>>
        %dma_start3A_118 = tpu.memref_squeeze %dma_start3A_117 : memref<1x125xi32, #tpu.memory_space<vmem>> -> memref<125xi32, #tpu.memory_space<vmem>>
        %dma_start3A_119 = arith.constant 0 : i32
        %dma_start3A_120 = arith.constant 0 : i32
        %dma_start3A_121 = tpu.memref_slice %arg2[%dma_start3A_119, %dma_start3A_120] : memref<10000x64xf32, #tpu.memory_space<hbm>> -> memref<10000x64xf32, #tpu.memory_space<hbm>>
        tpu.enqueue_indirect_dma source(%dma_start3A_121 : memref<10000x64xf32, #tpu.memory_space<hbm>>) target(%arg8 : memref<125x64xf32, #tpu.memory_space<vmem>>) offsets(%dma_start3A_118 : memref<125xi32, #tpu.memory_space<vmem>>) semaphore(%arg14 : memref<!tpu.dma_semaphore, #tpu.memory_space<semaphore_mem>>)
      } else {
      }
      %add3A_83 = arith.constant 2 : i32
      %add3A_84 = arith.addi %mul3A_56, %add3A_83 : i32
      %dma_wait3A_85 = arith.constant 0 : i32
      %dma_wait3A_86 = tpu.memref_slice %arg5[%add3A_84, %dma_wait3A_85] : memref<80x125xi32, #tpu.memory_space<vmem>> -> memref<1x125xi32, #tpu.memory_space<vmem>>
      %dma_wait3A_87 = tpu.memref_squeeze %dma_wait3A_86 : memref<1x125xi32, #tpu.memory_space<vmem>> -> memref<125xi32, #tpu.memory_space<vmem>>
      %dma_wait3A_88 = arith.constant 0 : i32
      %dma_wait3A_89 = arith.constant 0 : i32
      %dma_wait3A_90 = tpu.memref_slice %arg2[%dma_wait3A_88, %dma_wait3A_89] : memref<10000x64xf32, #tpu.memory_space<hbm>> -> memref<10000x64xf32, #tpu.memory_space<hbm>>
      tpu.wait_indirect_dma semaphore(%arg15 : memref<!tpu.dma_semaphore, #tpu.memory_space<semaphore_mem>>) src(%dma_wait3A_90 : memref<10000x64xf32, #tpu.memory_space<hbm>>) dst(%arg9 : memref<125x64xf32, #tpu.memory_space<vmem>>)
      "tpu.region"() ({
        %run_scoped3A_114 = tpu.sem_alloc : memref<!tpu.dma_semaphore, #tpu.memory_space<semaphore_mem>>
        %dma_start3A_115 = arith.constant 0 : i32
        %dma_start3A_116 = tpu.memref_slice %arg6[%add3A_84, %dma_start3A_115] : memref<80x125xi32, #tpu.memory_space<vmem>> -> memref<1x125xi32, #tpu.memory_space<vmem>>
        %dma_start3A_117 = tpu.memref_squeeze %dma_start3A_116 : memref<1x125xi32, #tpu.memory_space<vmem>> -> memref<125xi32, #tpu.memory_space<vmem>>
        %dma_start3A_118 = arith.constant 0 : i32
        %dma_start3A_119 = arith.constant 0 : i32
        %dma_start3A_120 = tpu.memref_slice %arg12[%dma_start3A_118, %dma_start3A_119] : memref<10240x64xf32, #tpu.memory_space<vmem_shared>> -> memref<10240x64xf32, #tpu.memory_space<vmem_shared>>
        tpu.enqueue_indirect_dma source(%arg9 : memref<125x64xf32, #tpu.memory_space<vmem>>) target(%dma_start3A_120 : memref<10240x64xf32, #tpu.memory_space<vmem_shared>>) offsets(%dma_start3A_117 : memref<125xi32, #tpu.memory_space<vmem>>) semaphore(%run_scoped3A_114 : memref<!tpu.dma_semaphore, #tpu.memory_space<semaphore_mem>>) {add = true}
        %dma_wait3A_121 = arith.constant 0 : i32
        %dma_wait3A_122 = tpu.memref_slice %arg6[%add3A_84, %dma_wait3A_121] : memref<80x125xi32, #tpu.memory_space<vmem>> -> memref<1x125xi32, #tpu.memory_space<vmem>>
        %dma_wait3A_123 = tpu.memref_squeeze %dma_wait3A_122 : memref<1x125xi32, #tpu.memory_space<vmem>> -> memref<125xi32, #tpu.memory_space<vmem>>
        %dma_wait3A_124 = arith.constant 0 : i32
        %dma_wait3A_125 = arith.constant 0 : i32
        %dma_wait3A_126 = tpu.memref_slice %arg12[%dma_wait3A_124, %dma_wait3A_125] : memref<10240x64xf32, #tpu.memory_space<vmem_shared>> -> memref<10240x64xf32, #tpu.memory_space<vmem_shared>>
        tpu.wait_indirect_dma semaphore(%run_scoped3A_114 : memref<!tpu.dma_semaphore, #tpu.memory_space<semaphore_mem>>) src(%arg9 : memref<125x64xf32, #tpu.memory_space<vmem>>) dst(%dma_wait3A_126 : memref<10240x64xf32, #tpu.memory_space<vmem_shared>>)
        tpu.yield
      }) : () -> ()
      %add3A_91 = arith.constant 4 : i32
      %add3A_92 = arith.addi %add3A_84, %add3A_91 : i32
      %lt3A_93 = arith.constant 80 : i32
      %lt3A_94 = arith.cmpi slt, %add3A_92, %lt3A_93 : i32
      %convert_element_type3A_95 = arith.extui %lt3A_94 : i1 to i32
      %cond3A_96 = arith.constant 0 : i32
      %cond3A_97 = arith.cmpi ne, %convert_element_type3A_95, %cond3A_96 : i32
      scf.if %cond3A_97 {
        %add3A_114 = arith.constant 4 : i32
        %add3A_115 = arith.addi %add3A_84, %add3A_114 : i32
        %dma_start3A_116 = arith.constant 0 : i32
        %dma_start3A_117 = tpu.memref_slice %arg5[%add3A_115, %dma_start3A_116] : memref<80x125xi32, #tpu.memory_space<vmem>> -> memref<1x125xi32, #tpu.memory_space<vmem>>
        %dma_start3A_118 = tpu.memref_squeeze %dma_start3A_117 : memref<1x125xi32, #tpu.memory_space<vmem>> -> memref<125xi32, #tpu.memory_space<vmem>>
        %dma_start3A_119 = arith.constant 0 : i32
        %dma_start3A_120 = arith.constant 0 : i32
        %dma_start3A_121 = tpu.memref_slice %arg2[%dma_start3A_119, %dma_start3A_120] : memref<10000x64xf32, #tpu.memory_space<hbm>> -> memref<10000x64xf32, #tpu.memory_space<hbm>>
        tpu.enqueue_indirect_dma source(%dma_start3A_121 : memref<10000x64xf32, #tpu.memory_space<hbm>>) target(%arg9 : memref<125x64xf32, #tpu.memory_space<vmem>>) offsets(%dma_start3A_118 : memref<125xi32, #tpu.memory_space<vmem>>) semaphore(%arg15 : memref<!tpu.dma_semaphore, #tpu.memory_space<semaphore_mem>>)
      } else {
      }
      %add3A_98 = arith.constant 3 : i32
      %add3A_99 = arith.addi %mul3A_56, %add3A_98 : i32
      %dma_wait3A_100 = arith.constant 0 : i32
      %dma_wait3A_101 = tpu.memref_slice %arg5[%add3A_99, %dma_wait3A_100] : memref<80x125xi32, #tpu.memory_space<vmem>> -> memref<1x125xi32, #tpu.memory_space<vmem>>
      %dma_wait3A_102 = tpu.memref_squeeze %dma_wait3A_101 : memref<1x125xi32, #tpu.memory_space<vmem>> -> memref<125xi32, #tpu.memory_space<vmem>>
      %dma_wait3A_103 = arith.constant 0 : i32
      %dma_wait3A_104 = arith.constant 0 : i32
      %dma_wait3A_105 = tpu.memref_slice %arg2[%dma_wait3A_103, %dma_wait3A_104] : memref<10000x64xf32, #tpu.memory_space<hbm>> -> memref<10000x64xf32, #tpu.memory_space<hbm>>
      tpu.wait_indirect_dma semaphore(%arg16 : memref<!tpu.dma_semaphore, #tpu.memory_space<semaphore_mem>>) src(%dma_wait3A_105 : memref<10000x64xf32, #tpu.memory_space<hbm>>) dst(%arg10 : memref<125x64xf32, #tpu.memory_space<vmem>>)
      "tpu.region"() ({
        %run_scoped3A_114 = tpu.sem_alloc : memref<!tpu.dma_semaphore, #tpu.memory_space<semaphore_mem>>
        %dma_start3A_115 = arith.constant 0 : i32
        %dma_start3A_116 = tpu.memref_slice %arg6[%add3A_99, %dma_start3A_115] : memref<80x125xi32, #tpu.memory_space<vmem>> -> memref<1x125xi32, #tpu.memory_space<vmem>>
        %dma_start3A_117 = tpu.memref_squeeze %dma_start3A_116 : memref<1x125xi32, #tpu.memory_space<vmem>> -> memref<125xi32, #tpu.memory_space<vmem>>
        %dma_start3A_118 = arith.constant 0 : i32
        %dma_start3A_119 = arith.constant 0 : i32
        %dma_start3A_120 = tpu.memref_slice %arg12[%dma_start3A_118, %dma_start3A_119] : memref<10240x64xf32, #tpu.memory_space<vmem_shared>> -> memref<10240x64xf32, #tpu.memory_space<vmem_shared>>
        tpu.enqueue_indirect_dma source(%arg10 : memref<125x64xf32, #tpu.memory_space<vmem>>) target(%dma_start3A_120 : memref<10240x64xf32, #tpu.memory_space<vmem_shared>>) offsets(%dma_start3A_117 : memref<125xi32, #tpu.memory_space<vmem>>) semaphore(%run_scoped3A_114 : memref<!tpu.dma_semaphore, #tpu.memory_space<semaphore_mem>>) {add = true}
        %dma_wait3A_121 = arith.constant 0 : i32
        %dma_wait3A_122 = tpu.memref_slice %arg6[%add3A_99, %dma_wait3A_121] : memref<80x125xi32, #tpu.memory_space<vmem>> -> memref<1x125xi32, #tpu.memory_space<vmem>>
        %dma_wait3A_123 = tpu.memref_squeeze %dma_wait3A_122 : memref<1x125xi32, #tpu.memory_space<vmem>> -> memref<125xi32, #tpu.memory_space<vmem>>
        %dma_wait3A_124 = arith.constant 0 : i32
        %dma_wait3A_125 = arith.constant 0 : i32
        %dma_wait3A_126 = tpu.memref_slice %arg12[%dma_wait3A_124, %dma_wait3A_125] : memref<10240x64xf32, #tpu.memory_space<vmem_shared>> -> memref<10240x64xf32, #tpu.memory_space<vmem_shared>>
        tpu.wait_indirect_dma semaphore(%run_scoped3A_114 : memref<!tpu.dma_semaphore, #tpu.memory_space<semaphore_mem>>) src(%arg10 : memref<125x64xf32, #tpu.memory_space<vmem>>) dst(%dma_wait3A_126 : memref<10240x64xf32, #tpu.memory_space<vmem_shared>>)
        tpu.yield
      }) : () -> ()
      %add3A_106 = arith.constant 4 : i32
      %add3A_107 = arith.addi %add3A_99, %add3A_106 : i32
      %lt3A_108 = arith.constant 80 : i32
      %lt3A_109 = arith.cmpi slt, %add3A_107, %lt3A_108 : i32
      %convert_element_type3A_110 = arith.extui %lt3A_109 : i1 to i32
      %cond3A_111 = arith.constant 0 : i32
      %cond3A_112 = arith.cmpi ne, %convert_element_type3A_110, %cond3A_111 : i32
      scf.if %cond3A_112 {
        %add3A_114 = arith.constant 4 : i32
        %add3A_115 = arith.addi %add3A_99, %add3A_114 : i32
        %dma_start3A_116 = arith.constant 0 : i32
        %dma_start3A_117 = tpu.memref_slice %arg5[%add3A_115, %dma_start3A_116] : memref<80x125xi32, #tpu.memory_space<vmem>> -> memref<1x125xi32, #tpu.memory_space<vmem>>
        %dma_start3A_118 = tpu.memref_squeeze %dma_start3A_117 : memref<1x125xi32, #tpu.memory_space<vmem>> -> memref<125xi32, #tpu.memory_space<vmem>>
        %dma_start3A_119 = arith.constant 0 : i32
        %dma_start3A_120 = arith.constant 0 : i32
        %dma_start3A_121 = tpu.memref_slice %arg2[%dma_start3A_119, %dma_start3A_120] : memref<10000x64xf32, #tpu.memory_space<hbm>> -> memref<10000x64xf32, #tpu.memory_space<hbm>>
        tpu.enqueue_indirect_dma source(%dma_start3A_121 : memref<10000x64xf32, #tpu.memory_space<hbm>>) target(%arg10 : memref<125x64xf32, #tpu.memory_space<vmem>>) offsets(%dma_start3A_118 : memref<125xi32, #tpu.memory_space<vmem>>) semaphore(%arg16 : memref<!tpu.dma_semaphore, #tpu.memory_space<semaphore_mem>>)
      } else {
      }
      %scan3A_113 = arith.constant 0 : i32
      scf.yield %scan3A_113 : i32
    }
    %scan3A_47 = arith.constant 20 : i32
    %barrier3A_48 = arith.constant 0 : index
    tpu.barrier barrier_id(%barrier3A_48)
    %mul3A_49 = arith.constant 640 : i32
    %mul3A_50 = arith.muli %arg1, %mul3A_49 : i32
    %mul3A_51 = arith.constant 640 : i32
    %mul3A_52 = arith.muli %arg1, %mul3A_51 : i32
    "tpu.region"() ({
      %run_scoped3A_53 = tpu.sem_alloc : memref<!tpu.dma_semaphore, #tpu.memory_space<semaphore_mem>>
      %dma_start3A_54 = arith.constant 0 : i32
      %dma_start3A_55 = tpu.memref_slice %arg4[%arg0, %mul3A_52, %dma_start3A_54] : memref<2x10240x64xf32, #tpu.memory_space<hbm>> -> memref<1x640x64xf32, #tpu.memory_space<hbm>>
      %dma_start3A_56 = tpu.memref_squeeze %dma_start3A_55 : memref<1x640x64xf32, #tpu.memory_space<hbm>> -> memref<640x64xf32, #tpu.memory_space<hbm>>
      %dma_start3A_57 = arith.constant 0 : i32
      %dma_start3A_58 = tpu.memref_slice %arg12[%mul3A_50, %dma_start3A_57] : memref<10240x64xf32, #tpu.memory_space<vmem_shared>> -> memref<640x64xf32, #tpu.memory_space<vmem_shared>>
      tpu.enqueue_dma source(%dma_start3A_58 : memref<640x64xf32, #tpu.memory_space<vmem_shared>>) target(%dma_start3A_56 : memref<640x64xf32, #tpu.memory_space<hbm>>) target_semaphore(%run_scoped3A_53 : memref<!tpu.dma_semaphore, #tpu.memory_space<semaphore_mem>>)
      %dma_wait3A = arith.constant 0 : i32
      %dma_wait3A_59 = tpu.memref_slice %arg4[%arg0, %mul3A_52, %dma_wait3A] : memref<2x10240x64xf32, #tpu.memory_space<hbm>> -> memref<1x640x64xf32, #tpu.memory_space<hbm>>
      %dma_wait3A_60 = tpu.memref_squeeze %dma_wait3A_59 : memref<1x640x64xf32, #tpu.memory_space<hbm>> -> memref<640x64xf32, #tpu.memory_space<hbm>>
      %dma_wait3A_61 = arith.constant 0 : i32
      %dma_wait3A_62 = tpu.memref_slice %arg12[%mul3A_50, %dma_wait3A_61] : memref<10240x64xf32, #tpu.memory_space<vmem_shared>> -> memref<640x64xf32, #tpu.memory_space<vmem_shared>>
      tpu.wait_dma2 semaphore(%run_scoped3A_53 : memref<!tpu.dma_semaphore, #tpu.memory_space<semaphore_mem>>) src(%dma_wait3A_62 : memref<640x64xf32, #tpu.memory_space<vmem_shared>>) dst(%dma_wait3A_60 : memref<640x64xf32, #tpu.memory_space<hbm>>)
      tpu.yield
    }) : () -> ()
    return
  }
}

#map = affine_map<(d0, d1) -> (0, 0)>
#map1 = affine_map<(d0, d1) -> (0, 0, 0, 0)>
#map2 = affine_map<(d0, d1) -> (0, 0, 0)>
module attributes {stable_mosaic.version = 14 : i64} {
  func.func @conv_kernel(%arg0: i32, %arg1: i32, %arg2: memref<10000x64xf32, #tpu.memory_space<hbm>>, %arg3: memref<2x32x80x125xi32, #tpu.memory_space<hbm>>, %arg4: memref<2x10240x64xf32, #tpu.memory_space<hbm>>, %arg5: memref<80x125xi32, #tpu.memory_space<vmem>>, %arg6: memref<80x125xi32, #tpu.memory_space<vmem>>, %arg7: memref<125x64xf32, #tpu.memory_space<vmem>>, %arg8: memref<125x64xf32, #tpu.memory_space<vmem>>, %arg9: memref<125x64xf32, #tpu.memory_space<vmem>>, %arg10: memref<125x64xf32, #tpu.memory_space<vmem>>, %arg11: memref<320x64xf32, #tpu.memory_space<vmem>>, %arg12: memref<10240x64xf32, #tpu.memory_space<vmem_shared>>, %arg13: memref<!tpu.dma_semaphore, #tpu.memory_space<semaphore_mem>>, %arg14: memref<!tpu.dma_semaphore, #tpu.memory_space<semaphore_mem>>, %arg15: memref<!tpu.dma_semaphore, #tpu.memory_space<semaphore_mem>>, %arg16: memref<!tpu.dma_semaphore, #tpu.memory_space<semaphore_mem>>) attributes {dimension_semantics = [#tpu.dimension_semantics<core_parallel>, #tpu.dimension_semantics<subcore_parallel>], iteration_bounds = array<i64: 2, 16>, scalar_prefetch = 0 : i64, scratch_operands = 12 : i64, tpu.core_type = #tpu.core_type<sc_vector_subcore>, window_params = [{transform_indices = #map}, {transform_indices = #map1}, {transform_indices = #map2}]} {
    %mul3A = arith.constant 16 : i32
    %mul3A_0 = arith.muli %arg0, %mul3A : i32
    %add3A = arith.addi %mul3A_0, %arg1 : i32
    %run_scoped3A = arith.constant 0 : i32
    "tpu.region"() ({
      %run_scoped3A_53 = tpu.sem_alloc : memref<!tpu.dma_semaphore, #tpu.memory_space<semaphore_mem>>
      %dma_start3A_54 = arith.constant 0 : i32
      %dma_start3A_55 = arith.constant 0 : i32
      %dma_start3A_56 = tpu.memref_slice %arg3[%run_scoped3A, %add3A, %dma_start3A_54, %dma_start3A_55] : memref<2x32x80x125xi32, #tpu.memory_space<hbm>> -> memref<1x1x80x125xi32, #tpu.memory_space<hbm>>
      %dma_start3A_57 = tpu.memref_squeeze %dma_start3A_56 : memref<1x1x80x125xi32, #tpu.memory_space<hbm>> -> memref<80x125xi32, #tpu.memory_space<hbm>>
      %dma_start3A_58 = arith.constant 0 : i32
      %dma_start3A_59 = arith.constant 0 : i32
      %dma_start3A_60 = tpu.memref_slice %arg3[%run_scoped3A, %add3A, %dma_start3A_58, %dma_start3A_59] : memref<2x32x80x125xi32, #tpu.memory_space<hbm>> -> memref<1x1x80x125xi32, #tpu.memory_space<hbm>>
      %dma_start3A_61 = tpu.memref_squeeze %dma_start3A_60 : memref<1x1x80x125xi32, #tpu.memory_space<hbm>> -> memref<80x125xi32, #tpu.memory_space<hbm>>
      tpu.enqueue_dma source(%dma_start3A_61 : memref<80x125xi32, #tpu.memory_space<hbm>>) target(%arg5 : memref<80x125xi32, #tpu.memory_space<vmem>>) target_semaphore(%run_scoped3A_53 : memref<!tpu.dma_semaphore, #tpu.memory_space<semaphore_mem>>)
      %dma_wait3A = arith.constant 0 : i32
      %dma_wait3A_62 = arith.constant 0 : i32
      %dma_wait3A_63 = tpu.memref_slice %arg3[%run_scoped3A, %add3A, %dma_wait3A, %dma_wait3A_62] : memref<2x32x80x125xi32, #tpu.memory_space<hbm>> -> memref<1x1x80x125xi32, #tpu.memory_space<hbm>>
      %dma_wait3A_64 = tpu.memref_squeeze %dma_wait3A_63 : memref<1x1x80x125xi32, #tpu.memory_space<hbm>> -> memref<80x125xi32, #tpu.memory_space<hbm>>
      %dma_wait3A_65 = arith.constant 0 : i32
      %dma_wait3A_66 = arith.constant 0 : i32
      %dma_wait3A_67 = tpu.memref_slice %arg3[%run_scoped3A, %add3A, %dma_wait3A_65, %dma_wait3A_66] : memref<2x32x80x125xi32, #tpu.memory_space<hbm>> -> memref<1x1x80x125xi32, #tpu.memory_space<hbm>>
      %dma_wait3A_68 = tpu.memref_squeeze %dma_wait3A_67 : memref<1x1x80x125xi32, #tpu.memory_space<hbm>> -> memref<80x125xi32, #tpu.memory_space<hbm>>
      tpu.wait_dma2 semaphore(%run_scoped3A_53 : memref<!tpu.dma_semaphore, #tpu.memory_space<semaphore_mem>>) src(%dma_wait3A_68 : memref<80x125xi32, #tpu.memory_space<hbm>>) dst(%arg5 : memref<80x125xi32, #tpu.memory_space<vmem>>)
      tpu.yield
    }) : () -> ()
    %run_scoped3A_1 = arith.constant 1 : i32
    "tpu.region"() ({
      %run_scoped3A_53 = tpu.sem_alloc : memref<!tpu.dma_semaphore, #tpu.memory_space<semaphore_mem>>
      %dma_start3A_54 = arith.constant 0 : i32
      %dma_start3A_55 = arith.constant 0 : i32
      %dma_start3A_56 = tpu.memref_slice %arg3[%run_scoped3A_1, %add3A, %dma_start3A_54, %dma_start3A_55] : memref<2x32x80x125xi32, #tpu.memory_space<hbm>> -> memref<1x1x80x125xi32, #tpu.memory_space<hbm>>
      %dma_start3A_57 = tpu.memref_squeeze %dma_start3A_56 : memref<1x1x80x125xi32, #tpu.memory_space<hbm>> -> memref<80x125xi32, #tpu.memory_space<hbm>>
      %dma_start3A_58 = arith.constant 0 : i32
      %dma_start3A_59 = arith.constant 0 : i32
      %dma_start3A_60 = tpu.memref_slice %arg3[%run_scoped3A_1, %add3A, %dma_start3A_58, %dma_start3A_59] : memref<2x32x80x125xi32, #tpu.memory_space<hbm>> -> memref<1x1x80x125xi32, #tpu.memory_space<hbm>>
      %dma_start3A_61 = tpu.memref_squeeze %dma_start3A_60 : memref<1x1x80x125xi32, #tpu.memory_space<hbm>> -> memref<80x125xi32, #tpu.memory_space<hbm>>
      tpu.enqueue_dma source(%dma_start3A_61 : memref<80x125xi32, #tpu.memory_space<hbm>>) target(%arg6 : memref<80x125xi32, #tpu.memory_space<vmem>>) target_semaphore(%run_scoped3A_53 : memref<!tpu.dma_semaphore, #tpu.memory_space<semaphore_mem>>)
      %dma_wait3A = arith.constant 0 : i32
      %dma_wait3A_62 = arith.constant 0 : i32
      %dma_wait3A_63 = tpu.memref_slice %arg3[%run_scoped3A_1, %add3A, %dma_wait3A, %dma_wait3A_62] : memref<2x32x80x125xi32, #tpu.memory_space<hbm>> -> memref<1x1x80x125xi32, #tpu.memory_space<hbm>>
      %dma_wait3A_64 = tpu.memref_squeeze %dma_wait3A_63 : memref<1x1x80x125xi32, #tpu.memory_space<hbm>> -> memref<80x125xi32, #tpu.memory_space<hbm>>
      %dma_wait3A_65 = arith.constant 0 : i32
      %dma_wait3A_66 = arith.constant 0 : i32
      %dma_wait3A_67 = tpu.memref_slice %arg3[%run_scoped3A_1, %add3A, %dma_wait3A_65, %dma_wait3A_66] : memref<2x32x80x125xi32, #tpu.memory_space<hbm>> -> memref<1x1x80x125xi32, #tpu.memory_space<hbm>>
      %dma_wait3A_68 = tpu.memref_squeeze %dma_wait3A_67 : memref<1x1x80x125xi32, #tpu.memory_space<hbm>> -> memref<80x125xi32, #tpu.memory_space<hbm>>
      tpu.wait_dma2 semaphore(%run_scoped3A_53 : memref<!tpu.dma_semaphore, #tpu.memory_space<semaphore_mem>>) src(%dma_wait3A_68 : memref<80x125xi32, #tpu.memory_space<hbm>>) dst(%arg6 : memref<80x125xi32, #tpu.memory_space<vmem>>)
      tpu.yield
    }) : () -> ()
    %dma_start3A = arith.constant 0 : i32
    %dma_start3A_2 = arith.constant 0 : i32
    %dma_start3A_3 = tpu.memref_slice %arg5[%dma_start3A, %dma_start3A_2] : memref<80x125xi32, #tpu.memory_space<vmem>> -> memref<1x125xi32, #tpu.memory_space<vmem>>
    %dma_start3A_4 = tpu.memref_squeeze %dma_start3A_3 : memref<1x125xi32, #tpu.memory_space<vmem>> -> memref<125xi32, #tpu.memory_space<vmem>>
    %dma_start3A_5 = arith.constant 0 : i32
    %dma_start3A_6 = arith.constant 0 : i32
    %dma_start3A_7 = tpu.memref_slice %arg2[%dma_start3A_5, %dma_start3A_6] : memref<10000x64xf32, #tpu.memory_space<hbm>> -> memref<10000x64xf32, #tpu.memory_space<hbm>>
    tpu.enqueue_indirect_dma source(%dma_start3A_7 : memref<10000x64xf32, #tpu.memory_space<hbm>>) target(%arg7 : memref<125x64xf32, #tpu.memory_space<vmem>>) offsets(%dma_start3A_4 : memref<125xi32, #tpu.memory_space<vmem>>) semaphore(%arg13 : memref<!tpu.dma_semaphore, #tpu.memory_space<semaphore_mem>>)
    %dma_start3A_8 = arith.constant 1 : i32
    %dma_start3A_9 = arith.constant 0 : i32
    %dma_start3A_10 = tpu.memref_slice %arg5[%dma_start3A_8, %dma_start3A_9] : memref<80x125xi32, #tpu.memory_space<vmem>> -> memref<1x125xi32, #tpu.memory_space<vmem>>
    %dma_start3A_11 = tpu.memref_squeeze %dma_start3A_10 : memref<1x125xi32, #tpu.memory_space<vmem>> -> memref<125xi32, #tpu.memory_space<vmem>>
    %dma_start3A_12 = arith.constant 0 : i32
    %dma_start3A_13 = arith.constant 0 : i32
    %dma_start3A_14 = tpu.memref_slice %arg2[%dma_start3A_12, %dma_start3A_13] : memref<10000x64xf32, #tpu.memory_space<hbm>> -> memref<10000x64xf32, #tpu.memory_space<hbm>>
    tpu.enqueue_indirect_dma source(%dma_start3A_14 : memref<10000x64xf32, #tpu.memory_space<hbm>>) target(%arg8 : memref<125x64xf32, #tpu.memory_space<vmem>>) offsets(%dma_start3A_11 : memref<125xi32, #tpu.memory_space<vmem>>) semaphore(%arg14 : memref<!tpu.dma_semaphore, #tpu.memory_space<semaphore_mem>>)
    %dma_start3A_15 = arith.constant 2 : i32
    %dma_start3A_16 = arith.constant 0 : i32
    %dma_start3A_17 = tpu.memref_slice %arg5[%dma_start3A_15, %dma_start3A_16] : memref<80x125xi32, #tpu.memory_space<vmem>> -> memref<1x125xi32, #tpu.memory_space<vmem>>
    %dma_start3A_18 = tpu.memref_squeeze %dma_start3A_17 : memref<1x125xi32, #tpu.memory_space<vmem>> -> memref<125xi32, #tpu.memory_space<vmem>>
    %dma_start3A_19 = arith.constant 0 : i32
    %dma_start3A_20 = arith.constant 0 : i32
    %dma_start3A_21 = tpu.memref_slice %arg2[%dma_start3A_19, %dma_start3A_20] : memref<10000x64xf32, #tpu.memory_space<hbm>> -> memref<10000x64xf32, #tpu.memory_space<hbm>>
    tpu.enqueue_indirect_dma source(%dma_start3A_21 : memref<10000x64xf32, #tpu.memory_space<hbm>>) target(%arg9 : memref<125x64xf32, #tpu.memory_space<vmem>>) offsets(%dma_start3A_18 : memref<125xi32, #tpu.memory_space<vmem>>) semaphore(%arg15 : memref<!tpu.dma_semaphore, #tpu.memory_space<semaphore_mem>>)
    %dma_start3A_22 = arith.constant 3 : i32
    %dma_start3A_23 = arith.constant 0 : i32
    %dma_start3A_24 = tpu.memref_slice %arg5[%dma_start3A_22, %dma_start3A_23] : memref<80x125xi32, #tpu.memory_space<vmem>> -> memref<1x125xi32, #tpu.memory_space<vmem>>
    %dma_start3A_25 = tpu.memref_squeeze %dma_start3A_24 : memref<1x125xi32, #tpu.memory_space<vmem>> -> memref<125xi32, #tpu.memory_space<vmem>>
    %dma_start3A_26 = arith.constant 0 : i32
    %dma_start3A_27 = arith.constant 0 : i32
    %dma_start3A_28 = tpu.memref_slice %arg2[%dma_start3A_26, %dma_start3A_27] : memref<10000x64xf32, #tpu.memory_space<hbm>> -> memref<10000x64xf32, #tpu.memory_space<hbm>>
    tpu.enqueue_indirect_dma source(%dma_start3A_28 : memref<10000x64xf32, #tpu.memory_space<hbm>>) target(%arg10 : memref<125x64xf32, #tpu.memory_space<vmem>>) offsets(%dma_start3A_25 : memref<125xi32, #tpu.memory_space<vmem>>) semaphore(%arg16 : memref<!tpu.dma_semaphore, #tpu.memory_space<semaphore_mem>>)
    %scan3A = arith.constant 0 : i32
    %scan3A_29 = arith.constant 0 : i32
    %scan3A_30 = arith.constant 320 : i32
    %scan3A_31 = arith.addi %scan3A_29, %scan3A_30 : i32
    %scan3A_32 = arith.constant 1 : i32
    %scan3A_33 = scf.for %scan3A_53 = %scan3A_29 to %scan3A_31 step %scan3A_32 iter_args(%scan3A_54 = %scan3A) -> (i32)  : i32 {
      %broadcast_in_dim3A = arith.constant 0.000000e+00 : f32
      %broadcast_in_dim3A_55 = vector.broadcast %broadcast_in_dim3A : f32 to vector<16xf32>
      %swap3A = arith.index_cast %scan3A_53 : i32 to index
      %swap3A_56 = arith.constant 0 : index
      %swap3A_57 = tpu.vector_load %arg11[%swap3A, %swap3A_56] {strides = array<i32>} : memref<320x64xf32, #tpu.memory_space<vmem>>, vector<1x16xf32>,
      %swap3A_58 = vector.shape_cast %swap3A_57 : vector<1x16xf32> to vector<16xf32>
      %swap3A_59 = vector.shape_cast %broadcast_in_dim3A_55 : vector<16xf32> to vector<1x16xf32>
      tpu.vector_store %arg11[%swap3A, %swap3A_56], %swap3A_59 {strides = array<i32>} : memref<320x64xf32, #tpu.memory_space<vmem>>, vector<1x16xf32>,
      %broadcast_in_dim3A_60 = arith.constant 0.000000e+00 : f32
      %broadcast_in_dim3A_61 = vector.broadcast %broadcast_in_dim3A_60 : f32 to vector<16xf32>
      %swap3A_62 = arith.index_cast %scan3A_53 : i32 to index
      %swap3A_63 = arith.constant 16 : index
      %swap3A_64 = tpu.vector_load %arg11[%swap3A_62, %swap3A_63] {strides = array<i32>} : memref<320x64xf32, #tpu.memory_space<vmem>>, vector<1x16xf32>,
      %swap3A_65 = vector.shape_cast %swap3A_64 : vector<1x16xf32> to vector<16xf32>
      %swap3A_66 = vector.shape_cast %broadcast_in_dim3A_61 : vector<16xf32> to vector<1x16xf32>
      tpu.vector_store %arg11[%swap3A_62, %swap3A_63], %swap3A_66 {strides = array<i32>} : memref<320x64xf32, #tpu.memory_space<vmem>>, vector<1x16xf32>,
      %broadcast_in_dim3A_67 = arith.constant 0.000000e+00 : f32
      %broadcast_in_dim3A_68 = vector.broadcast %broadcast_in_dim3A_67 : f32 to vector<16xf32>
      %swap3A_69 = arith.index_cast %scan3A_53 : i32 to index
      %swap3A_70 = arith.constant 32 : index
      %swap3A_71 = tpu.vector_load %arg11[%swap3A_69, %swap3A_70] {strides = array<i32>} : memref<320x64xf32, #tpu.memory_space<vmem>>, vector<1x16xf32>,
      %swap3A_72 = vector.shape_cast %swap3A_71 : vector<1x16xf32> to vector<16xf32>
      %swap3A_73 = vector.shape_cast %broadcast_in_dim3A_68 : vector<16xf32> to vector<1x16xf32>
      tpu.vector_store %arg11[%swap3A_69, %swap3A_70], %swap3A_73 {strides = array<i32>} : memref<320x64xf32, #tpu.memory_space<vmem>>, vector<1x16xf32>,
      %broadcast_in_dim3A_74 = arith.constant 0.000000e+00 : f32
      %broadcast_in_dim3A_75 = vector.broadcast %broadcast_in_dim3A_74 : f32 to vector<16xf32>
      %swap3A_76 = arith.index_cast %scan3A_53 : i32 to index
      %swap3A_77 = arith.constant 48 : index
      %swap3A_78 = tpu.vector_load %arg11[%swap3A_76, %swap3A_77] {strides = array<i32>} : memref<320x64xf32, #tpu.memory_space<vmem>>, vector<1x16xf32>,
      %swap3A_79 = vector.shape_cast %swap3A_78 : vector<1x16xf32> to vector<16xf32>
      %swap3A_80 = vector.shape_cast %broadcast_in_dim3A_75 : vector<16xf32> to vector<1x16xf32>
      tpu.vector_store %arg11[%swap3A_76, %swap3A_77], %swap3A_80 {strides = array<i32>} : memref<320x64xf32, #tpu.memory_space<vmem>>, vector<1x16xf32>,
      %scan3A_81 = arith.constant 0 : i32
      scf.yield %scan3A_81 : i32
    }
    %scan3A_34 = arith.constant 320 : i32
    %mul3A_35 = arith.constant 640 : i32
    %mul3A_36 = arith.muli %arg1, %mul3A_35 : i32
    "tpu.region"() ({
      %run_scoped3A_53 = tpu.sem_alloc : memref<!tpu.dma_semaphore, #tpu.memory_space<semaphore_mem>>
      %dma_start3A_54 = arith.constant 0 : i32
      %dma_start3A_55 = tpu.memref_slice %arg12[%mul3A_36, %dma_start3A_54] : memref<10240x64xf32, #tpu.memory_space<vmem_shared>> -> memref<320x64xf32, #tpu.memory_space<vmem_shared>>
      %dma_start3A_56 = arith.constant 0 : i32
      %dma_start3A_57 = tpu.memref_slice %arg12[%mul3A_36, %dma_start3A_56] : memref<10240x64xf32, #tpu.memory_space<vmem_shared>> -> memref<320x64xf32, #tpu.memory_space<vmem_shared>>
      tpu.enqueue_dma source(%arg11 : memref<320x64xf32, #tpu.memory_space<vmem>>) target(%dma_start3A_57 : memref<320x64xf32, #tpu.memory_space<vmem_shared>>) target_semaphore(%run_scoped3A_53 : memref<!tpu.dma_semaphore, #tpu.memory_space<semaphore_mem>>)
      %dma_wait3A = arith.constant 0 : i32
      %dma_wait3A_58 = tpu.memref_slice %arg12[%mul3A_36, %dma_wait3A] : memref<10240x64xf32, #tpu.memory_space<vmem_shared>> -> memref<320x64xf32, #tpu.memory_space<vmem_shared>>
      %dma_wait3A_59 = arith.constant 0 : i32
      %dma_wait3A_60 = tpu.memref_slice %arg12[%mul3A_36, %dma_wait3A_59] : memref<10240x64xf32, #tpu.memory_space<vmem_shared>> -> memref<320x64xf32, #tpu.memory_space<vmem_shared>>
      tpu.wait_dma2 semaphore(%run_scoped3A_53 : memref<!tpu.dma_semaphore, #tpu.memory_space<semaphore_mem>>) src(%arg11 : memref<320x64xf32, #tpu.memory_space<vmem>>) dst(%dma_wait3A_60 : memref<320x64xf32, #tpu.memory_space<vmem_shared>>)
      tpu.yield
    }) : () -> ()
    %mul3A_37 = arith.constant 640 : i32
    %mul3A_38 = arith.muli %arg1, %mul3A_37 : i32
    %add3A_39 = arith.constant 320 : i32
    %add3A_40 = arith.addi %mul3A_38, %add3A_39 : i32
    "tpu.region"() ({
      %run_scoped3A_53 = tpu.sem_alloc : memref<!tpu.dma_semaphore, #tpu.memory_space<semaphore_mem>>
      %dma_start3A_54 = arith.constant 0 : i32
      %dma_start3A_55 = tpu.memref_slice %arg12[%add3A_40, %dma_start3A_54] : memref<10240x64xf32, #tpu.memory_space<vmem_shared>> -> memref<320x64xf32, #tpu.memory_space<vmem_shared>>
      %dma_start3A_56 = arith.constant 0 : i32
      %dma_start3A_57 = tpu.memref_slice %arg12[%add3A_40, %dma_start3A_56] : memref<10240x64xf32, #tpu.memory_space<vmem_shared>> -> memref<320x64xf32, #tpu.memory_space<vmem_shared>>
      tpu.enqueue_dma source(%arg11 : memref<320x64xf32, #tpu.memory_space<vmem>>) target(%dma_start3A_57 : memref<320x64xf32, #tpu.memory_space<vmem_shared>>) target_semaphore(%run_scoped3A_53 : memref<!tpu.dma_semaphore, #tpu.memory_space<semaphore_mem>>)
      %dma_wait3A = arith.constant 0 : i32
      %dma_wait3A_58 = tpu.memref_slice %arg12[%add3A_40, %dma_wait3A] : memref<10240x64xf32, #tpu.memory_space<vmem_shared>> -> memref<320x64xf32, #tpu.memory_space<vmem_shared>>
      %dma_wait3A_59 = arith.constant 0 : i32
      %dma_wait3A_60 = tpu.memref_slice %arg12[%add3A_40, %dma_wait3A_59] : memref<10240x64xf32, #tpu.memory_space<vmem_shared>> -> memref<320x64xf32, #tpu.memory_space<vmem_shared>>
      tpu.wait_dma2 semaphore(%run_scoped3A_53 : memref<!tpu.dma_semaphore, #tpu.memory_space<semaphore_mem>>) src(%arg11 : memref<320x64xf32, #tpu.memory_space<vmem>>) dst(%dma_wait3A_60 : memref<320x64xf32, #tpu.memory_space<vmem_shared>>)
      tpu.yield
    }) : () -> ()
    %barrier3A = arith.constant 0 : index
    tpu.barrier barrier_id(%barrier3A)
    %scan3A_41 = arith.constant 0 : i32
    %scan3A_42 = arith.constant 0 : i32
    %scan3A_43 = arith.constant 20 : i32
    %scan3A_44 = arith.addi %scan3A_42, %scan3A_43 : i32
    %scan3A_45 = arith.constant 1 : i32
    %scan3A_46 = scf.for %scan3A_53 = %scan3A_42 to %scan3A_44 step %scan3A_45 iter_args(%scan3A_54 = %scan3A_41) -> (i32)  : i32 {
      %mul3A_55 = arith.constant 4 : i32
      %mul3A_56 = arith.muli %mul3A_55, %scan3A_53 : i32
      %add3A_57 = arith.constant 0 : i32
      %add3A_58 = arith.addi %mul3A_56, %add3A_57 : i32
      %dma_wait3A = arith.constant 0 : i32
      %dma_wait3A_59 = tpu.memref_slice %arg5[%add3A_58, %dma_wait3A] : memref<80x125xi32, #tpu.memory_space<vmem>> -> memref<1x125xi32, #tpu.memory_space<vmem>>
      %dma_wait3A_60 = tpu.memref_squeeze %dma_wait3A_59 : memref<1x125xi32, #tpu.memory_space<vmem>> -> memref<125xi32, #tpu.memory_space<vmem>>
      %dma_wait3A_61 = arith.constant 0 : i32
      %dma_wait3A_62 = arith.constant 0 : i32
      %dma_wait3A_63 = tpu.memref_slice %arg2[%dma_wait3A_61, %dma_wait3A_62] : memref<10000x64xf32, #tpu.memory_space<hbm>> -> memref<10000x64xf32, #tpu.memory_space<hbm>>
      tpu.wait_indirect_dma semaphore(%arg13 : memref<!tpu.dma_semaphore, #tpu.memory_space<semaphore_mem>>) src(%dma_wait3A_63 : memref<10000x64xf32, #tpu.memory_space<hbm>>) dst(%arg7 : memref<125x64xf32, #tpu.memory_space<vmem>>)
      "tpu.region"() ({
        %run_scoped3A_114 = tpu.sem_alloc : memref<!tpu.dma_semaphore, #tpu.memory_space<semaphore_mem>>
        %dma_start3A_115 = arith.constant 0 : i32
        %dma_start3A_116 = tpu.memref_slice %arg6[%add3A_58, %dma_start3A_115] : memref<80x125xi32, #tpu.memory_space<vmem>> -> memref<1x125xi32, #tpu.memory_space<vmem>>
        %dma_start3A_117 = tpu.memref_squeeze %dma_start3A_116 : memref<1x125xi32, #tpu.memory_space<vmem>> -> memref<125xi32, #tpu.memory_space<vmem>>
        %dma_start3A_118 = arith.constant 0 : i32
        %dma_start3A_119 = arith.constant 0 : i32
        %dma_start3A_120 = tpu.memref_slice %arg12[%dma_start3A_118, %dma_start3A_119] : memref<10240x64xf32, #tpu.memory_space<vmem_shared>> -> memref<10240x64xf32, #tpu.memory_space<vmem_shared>>
        tpu.enqueue_indirect_dma source(%arg7 : memref<125x64xf32, #tpu.memory_space<vmem>>) target(%dma_start3A_120 : memref<10240x64xf32, #tpu.memory_space<vmem_shared>>) offsets(%dma_start3A_117 : memref<125xi32, #tpu.memory_space<vmem>>) semaphore(%run_scoped3A_114 : memref<!tpu.dma_semaphore, #tpu.memory_space<semaphore_mem>>) {add = true}
        %dma_wait3A_121 = arith.constant 0 : i32
        %dma_wait3A_122 = tpu.memref_slice %arg6[%add3A_58, %dma_wait3A_121] : memref<80x125xi32, #tpu.memory_space<vmem>> -> memref<1x125xi32, #tpu.memory_space<vmem>>
        %dma_wait3A_123 = tpu.memref_squeeze %dma_wait3A_122 : memref<1x125xi32, #tpu.memory_space<vmem>> -> memref<125xi32, #tpu.memory_space<vmem>>
        %dma_wait3A_124 = arith.constant 0 : i32
        %dma_wait3A_125 = arith.constant 0 : i32
        %dma_wait3A_126 = tpu.memref_slice %arg12[%dma_wait3A_124, %dma_wait3A_125] : memref<10240x64xf32, #tpu.memory_space<vmem_shared>> -> memref<10240x64xf32, #tpu.memory_space<vmem_shared>>
        tpu.wait_indirect_dma semaphore(%run_scoped3A_114 : memref<!tpu.dma_semaphore, #tpu.memory_space<semaphore_mem>>) src(%arg7 : memref<125x64xf32, #tpu.memory_space<vmem>>) dst(%dma_wait3A_126 : memref<10240x64xf32, #tpu.memory_space<vmem_shared>>)
        tpu.yield
      }) : () -> ()
      %add3A_64 = arith.constant 4 : i32
      %add3A_65 = arith.addi %add3A_58, %add3A_64 : i32
      %lt3A = arith.constant 80 : i32
      %lt3A_66 = arith.cmpi slt, %add3A_65, %lt3A : i32
      %convert_element_type3A = arith.extui %lt3A_66 : i1 to i32
      %cond3A = arith.constant 0 : i32
      %cond3A_67 = arith.cmpi ne, %convert_element_type3A, %cond3A : i32
      scf.if %cond3A_67 {
        %add3A_114 = arith.constant 4 : i32
        %add3A_115 = arith.addi %add3A_58, %add3A_114 : i32
        %dma_start3A_116 = arith.constant 0 : i32
        %dma_start3A_117 = tpu.memref_slice %arg5[%add3A_115, %dma_start3A_116] : memref<80x125xi32, #tpu.memory_space<vmem>> -> memref<1x125xi32, #tpu.memory_space<vmem>>
        %dma_start3A_118 = tpu.memref_squeeze %dma_start3A_117 : memref<1x125xi32, #tpu.memory_space<vmem>> -> memref<125xi32, #tpu.memory_space<vmem>>
        %dma_start3A_119 = arith.constant 0 : i32
        %dma_start3A_120 = arith.constant 0 : i32
        %dma_start3A_121 = tpu.memref_slice %arg2[%dma_start3A_119, %dma_start3A_120] : memref<10000x64xf32, #tpu.memory_space<hbm>> -> memref<10000x64xf32, #tpu.memory_space<hbm>>
        tpu.enqueue_indirect_dma source(%dma_start3A_121 : memref<10000x64xf32, #tpu.memory_space<hbm>>) target(%arg7 : memref<125x64xf32, #tpu.memory_space<vmem>>) offsets(%dma_start3A_118 : memref<125xi32, #tpu.memory_space<vmem>>) semaphore(%arg13 : memref<!tpu.dma_semaphore, #tpu.memory_space<semaphore_mem>>)
      } else {
      }
      %add3A_68 = arith.constant 1 : i32
      %add3A_69 = arith.addi %mul3A_56, %add3A_68 : i32
      %dma_wait3A_70 = arith.constant 0 : i32
      %dma_wait3A_71 = tpu.memref_slice %arg5[%add3A_69, %dma_wait3A_70] : memref<80x125xi32, #tpu.memory_space<vmem>> -> memref<1x125xi32, #tpu.memory_space<vmem>>
      %dma_wait3A_72 = tpu.memref_squeeze %dma_wait3A_71 : memref<1x125xi32, #tpu.memory_space<vmem>> -> memref<125xi32, #tpu.memory_space<vmem>>
      %dma_wait3A_73 = arith.constant 0 : i32
      %dma_wait3A_74 = arith.constant 0 : i32
      %dma_wait3A_75 = tpu.memref_slice %arg2[%dma_wait3A_73, %dma_wait3A_74] : memref<10000x64xf32, #tpu.memory_space<hbm>> -> memref<10000x64xf32, #tpu.memory_space<hbm>>
      tpu.wait_indirect_dma semaphore(%arg14 : memref<!tpu.dma_semaphore, #tpu.memory_space<semaphore_mem>>) src(%dma_wait3A_75 : memref<10000x64xf32, #tpu.memory_space<hbm>>) dst(%arg8 : memref<125x64xf32, #tpu.memory_space<vmem>>)
      "tpu.region"() ({
        %run_scoped3A_114 = tpu.sem_alloc : memref<!tpu.dma_semaphore, #tpu.memory_space<semaphore_mem>>
        %dma_start3A_115 = arith.constant 0 : i32
        %dma_start3A_116 = tpu.memref_slice %arg6[%add3A_69, %dma_start3A_115] : memref<80x125xi32, #tpu.memory_space<vmem>> -> memref<1x125xi32, #tpu.memory_space<vmem>>
        %dma_start3A_117 = tpu.memref_squeeze %dma_start3A_116 : memref<1x125xi32, #tpu.memory_space<vmem>> -> memref<125xi32, #tpu.memory_space<vmem>>
        %dma_start3A_118 = arith.constant 0 : i32
        %dma_start3A_119 = arith.constant 0 : i32
        %dma_start3A_120 = tpu.memref_slice %arg12[%dma_start3A_118, %dma_start3A_119] : memref<10240x64xf32, #tpu.memory_space<vmem_shared>> -> memref<10240x64xf32, #tpu.memory_space<vmem_shared>>
        tpu.enqueue_indirect_dma source(%arg8 : memref<125x64xf32, #tpu.memory_space<vmem>>) target(%dma_start3A_120 : memref<10240x64xf32, #tpu.memory_space<vmem_shared>>) offsets(%dma_start3A_117 : memref<125xi32, #tpu.memory_space<vmem>>) semaphore(%run_scoped3A_114 : memref<!tpu.dma_semaphore, #tpu.memory_space<semaphore_mem>>) {add = true}
        %dma_wait3A_121 = arith.constant 0 : i32
        %dma_wait3A_122 = tpu.memref_slice %arg6[%add3A_69, %dma_wait3A_121] : memref<80x125xi32, #tpu.memory_space<vmem>> -> memref<1x125xi32, #tpu.memory_space<vmem>>
        %dma_wait3A_123 = tpu.memref_squeeze %dma_wait3A_122 : memref<1x125xi32, #tpu.memory_space<vmem>> -> memref<125xi32, #tpu.memory_space<vmem>>
        %dma_wait3A_124 = arith.constant 0 : i32
        %dma_wait3A_125 = arith.constant 0 : i32
        %dma_wait3A_126 = tpu.memref_slice %arg12[%dma_wait3A_124, %dma_wait3A_125] : memref<10240x64xf32, #tpu.memory_space<vmem_shared>> -> memref<10240x64xf32, #tpu.memory_space<vmem_shared>>
        tpu.wait_indirect_dma semaphore(%run_scoped3A_114 : memref<!tpu.dma_semaphore, #tpu.memory_space<semaphore_mem>>) src(%arg8 : memref<125x64xf32, #tpu.memory_space<vmem>>) dst(%dma_wait3A_126 : memref<10240x64xf32, #tpu.memory_space<vmem_shared>>)
        tpu.yield
      }) : () -> ()
      %add3A_76 = arith.constant 4 : i32
      %add3A_77 = arith.addi %add3A_69, %add3A_76 : i32
      %lt3A_78 = arith.constant 80 : i32
      %lt3A_79 = arith.cmpi slt, %add3A_77, %lt3A_78 : i32
      %convert_element_type3A_80 = arith.extui %lt3A_79 : i1 to i32
      %cond3A_81 = arith.constant 0 : i32
      %cond3A_82 = arith.cmpi ne, %convert_element_type3A_80, %cond3A_81 : i32
      scf.if %cond3A_82 {
        %add3A_114 = arith.constant 4 : i32
        %add3A_115 = arith.addi %add3A_69, %add3A_114 : i32
        %dma_start3A_116 = arith.constant 0 : i32
        %dma_start3A_117 = tpu.memref_slice %arg5[%add3A_115, %dma_start3A_116] : memref<80x125xi32, #tpu.memory_space<vmem>> -> memref<1x125xi32, #tpu.memory_space<vmem>>
        %dma_start3A_118 = tpu.memref_squeeze %dma_start3A_117 : memref<1x125xi32, #tpu.memory_space<vmem>> -> memref<125xi32, #tpu.memory_space<vmem>>
        %dma_start3A_119 = arith.constant 0 : i32
        %dma_start3A_120 = arith.constant 0 : i32
        %dma_start3A_121 = tpu.memref_slice %arg2[%dma_start3A_119, %dma_start3A_120] : memref<10000x64xf32, #tpu.memory_space<hbm>> -> memref<10000x64xf32, #tpu.memory_space<hbm>>
        tpu.enqueue_indirect_dma source(%dma_start3A_121 : memref<10000x64xf32, #tpu.memory_space<hbm>>) target(%arg8 : memref<125x64xf32, #tpu.memory_space<vmem>>) offsets(%dma_start3A_118 : memref<125xi32, #tpu.memory_space<vmem>>) semaphore(%arg14 : memref<!tpu.dma_semaphore, #tpu.memory_space<semaphore_mem>>)
      } else {
      }
      %add3A_83 = arith.constant 2 : i32
      %add3A_84 = arith.addi %mul3A_56, %add3A_83 : i32
      %dma_wait3A_85 = arith.constant 0 : i32
      %dma_wait3A_86 = tpu.memref_slice %arg5[%add3A_84, %dma_wait3A_85] : memref<80x125xi32, #tpu.memory_space<vmem>> -> memref<1x125xi32, #tpu.memory_space<vmem>>
      %dma_wait3A_87 = tpu.memref_squeeze %dma_wait3A_86 : memref<1x125xi32, #tpu.memory_space<vmem>> -> memref<125xi32, #tpu.memory_space<vmem>>
      %dma_wait3A_88 = arith.constant 0 : i32
      %dma_wait3A_89 = arith.constant 0 : i32
      %dma_wait3A_90 = tpu.memref_slice %arg2[%dma_wait3A_88, %dma_wait3A_89] : memref<10000x64xf32, #tpu.memory_space<hbm>> -> memref<10000x64xf32, #tpu.memory_space<hbm>>
      tpu.wait_indirect_dma semaphore(%arg15 : memref<!tpu.dma_semaphore, #tpu.memory_space<semaphore_mem>>) src(%dma_wait3A_90 : memref<10000x64xf32, #tpu.memory_space<hbm>>) dst(%arg9 : memref<125x64xf32, #tpu.memory_space<vmem>>)
      "tpu.region"() ({
        %run_scoped3A_114 = tpu.sem_alloc : memref<!tpu.dma_semaphore, #tpu.memory_space<semaphore_mem>>
        %dma_start3A_115 = arith.constant 0 : i32
        %dma_start3A_116 = tpu.memref_slice %arg6[%add3A_84, %dma_start3A_115] : memref<80x125xi32, #tpu.memory_space<vmem>> -> memref<1x125xi32, #tpu.memory_space<vmem>>
        %dma_start3A_117 = tpu.memref_squeeze %dma_start3A_116 : memref<1x125xi32, #tpu.memory_space<vmem>> -> memref<125xi32, #tpu.memory_space<vmem>>
        %dma_start3A_118 = arith.constant 0 : i32
        %dma_start3A_119 = arith.constant 0 : i32
        %dma_start3A_120 = tpu.memref_slice %arg12[%dma_start3A_118, %dma_start3A_119] : memref<10240x64xf32, #tpu.memory_space<vmem_shared>> -> memref<10240x64xf32, #tpu.memory_space<vmem_shared>>
        tpu.enqueue_indirect_dma source(%arg9 : memref<125x64xf32, #tpu.memory_space<vmem>>) target(%dma_start3A_120 : memref<10240x64xf32, #tpu.memory_space<vmem_shared>>) offsets(%dma_start3A_117 : memref<125xi32, #tpu.memory_space<vmem>>) semaphore(%run_scoped3A_114 : memref<!tpu.dma_semaphore, #tpu.memory_space<semaphore_mem>>) {add = true}
        %dma_wait3A_121 = arith.constant 0 : i32
        %dma_wait3A_122 = tpu.memref_slice %arg6[%add3A_84, %dma_wait3A_121] : memref<80x125xi32, #tpu.memory_space<vmem>> -> memref<1x125xi32, #tpu.memory_space<vmem>>
        %dma_wait3A_123 = tpu.memref_squeeze %dma_wait3A_122 : memref<1x125xi32, #tpu.memory_space<vmem>> -> memref<125xi32, #tpu.memory_space<vmem>>
        %dma_wait3A_124 = arith.constant 0 : i32
        %dma_wait3A_125 = arith.constant 0 : i32
        %dma_wait3A_126 = tpu.memref_slice %arg12[%dma_wait3A_124, %dma_wait3A_125] : memref<10240x64xf32, #tpu.memory_space<vmem_shared>> -> memref<10240x64xf32, #tpu.memory_space<vmem_shared>>
        tpu.wait_indirect_dma semaphore(%run_scoped3A_114 : memref<!tpu.dma_semaphore, #tpu.memory_space<semaphore_mem>>) src(%arg9 : memref<125x64xf32, #tpu.memory_space<vmem>>) dst(%dma_wait3A_126 : memref<10240x64xf32, #tpu.memory_space<vmem_shared>>)
        tpu.yield
      }) : () -> ()
      %add3A_91 = arith.constant 4 : i32
      %add3A_92 = arith.addi %add3A_84, %add3A_91 : i32
      %lt3A_93 = arith.constant 80 : i32
      %lt3A_94 = arith.cmpi slt, %add3A_92, %lt3A_93 : i32
      %convert_element_type3A_95 = arith.extui %lt3A_94 : i1 to i32
      %cond3A_96 = arith.constant 0 : i32
      %cond3A_97 = arith.cmpi ne, %convert_element_type3A_95, %cond3A_96 : i32
      scf.if %cond3A_97 {
        %add3A_114 = arith.constant 4 : i32
        %add3A_115 = arith.addi %add3A_84, %add3A_114 : i32
        %dma_start3A_116 = arith.constant 0 : i32
        %dma_start3A_117 = tpu.memref_slice %arg5[%add3A_115, %dma_start3A_116] : memref<80x125xi32, #tpu.memory_space<vmem>> -> memref<1x125xi32, #tpu.memory_space<vmem>>
        %dma_start3A_118 = tpu.memref_squeeze %dma_start3A_117 : memref<1x125xi32, #tpu.memory_space<vmem>> -> memref<125xi32, #tpu.memory_space<vmem>>
        %dma_start3A_119 = arith.constant 0 : i32
        %dma_start3A_120 = arith.constant 0 : i32
        %dma_start3A_121 = tpu.memref_slice %arg2[%dma_start3A_119, %dma_start3A_120] : memref<10000x64xf32, #tpu.memory_space<hbm>> -> memref<10000x64xf32, #tpu.memory_space<hbm>>
        tpu.enqueue_indirect_dma source(%dma_start3A_121 : memref<10000x64xf32, #tpu.memory_space<hbm>>) target(%arg9 : memref<125x64xf32, #tpu.memory_space<vmem>>) offsets(%dma_start3A_118 : memref<125xi32, #tpu.memory_space<vmem>>) semaphore(%arg15 : memref<!tpu.dma_semaphore, #tpu.memory_space<semaphore_mem>>)
      } else {
      }
      %add3A_98 = arith.constant 3 : i32
      %add3A_99 = arith.addi %mul3A_56, %add3A_98 : i32
      %dma_wait3A_100 = arith.constant 0 : i32
      %dma_wait3A_101 = tpu.memref_slice %arg5[%add3A_99, %dma_wait3A_100] : memref<80x125xi32, #tpu.memory_space<vmem>> -> memref<1x125xi32, #tpu.memory_space<vmem>>
      %dma_wait3A_102 = tpu.memref_squeeze %dma_wait3A_101 : memref<1x125xi32, #tpu.memory_space<vmem>> -> memref<125xi32, #tpu.memory_space<vmem>>
      %dma_wait3A_103 = arith.constant 0 : i32
      %dma_wait3A_104 = arith.constant 0 : i32
      %dma_wait3A_105 = tpu.memref_slice %arg2[%dma_wait3A_103, %dma_wait3A_104] : memref<10000x64xf32, #tpu.memory_space<hbm>> -> memref<10000x64xf32, #tpu.memory_space<hbm>>
      tpu.wait_indirect_dma semaphore(%arg16 : memref<!tpu.dma_semaphore, #tpu.memory_space<semaphore_mem>>) src(%dma_wait3A_105 : memref<10000x64xf32, #tpu.memory_space<hbm>>) dst(%arg10 : memref<125x64xf32, #tpu.memory_space<vmem>>)
      "tpu.region"() ({
        %run_scoped3A_114 = tpu.sem_alloc : memref<!tpu.dma_semaphore, #tpu.memory_space<semaphore_mem>>
        %dma_start3A_115 = arith.constant 0 : i32
        %dma_start3A_116 = tpu.memref_slice %arg6[%add3A_99, %dma_start3A_115] : memref<80x125xi32, #tpu.memory_space<vmem>> -> memref<1x125xi32, #tpu.memory_space<vmem>>
        %dma_start3A_117 = tpu.memref_squeeze %dma_start3A_116 : memref<1x125xi32, #tpu.memory_space<vmem>> -> memref<125xi32, #tpu.memory_space<vmem>>
        %dma_start3A_118 = arith.constant 0 : i32
        %dma_start3A_119 = arith.constant 0 : i32
        %dma_start3A_120 = tpu.memref_slice %arg12[%dma_start3A_118, %dma_start3A_119] : memref<10240x64xf32, #tpu.memory_space<vmem_shared>> -> memref<10240x64xf32, #tpu.memory_space<vmem_shared>>
        tpu.enqueue_indirect_dma source(%arg10 : memref<125x64xf32, #tpu.memory_space<vmem>>) target(%dma_start3A_120 : memref<10240x64xf32, #tpu.memory_space<vmem_shared>>) offsets(%dma_start3A_117 : memref<125xi32, #tpu.memory_space<vmem>>) semaphore(%run_scoped3A_114 : memref<!tpu.dma_semaphore, #tpu.memory_space<semaphore_mem>>) {add = true}
        %dma_wait3A_121 = arith.constant 0 : i32
        %dma_wait3A_122 = tpu.memref_slice %arg6[%add3A_99, %dma_wait3A_121] : memref<80x125xi32, #tpu.memory_space<vmem>> -> memref<1x125xi32, #tpu.memory_space<vmem>>
        %dma_wait3A_123 = tpu.memref_squeeze %dma_wait3A_122 : memref<1x125xi32, #tpu.memory_space<vmem>> -> memref<125xi32, #tpu.memory_space<vmem>>
        %dma_wait3A_124 = arith.constant 0 : i32
        %dma_wait3A_125 = arith.constant 0 : i32
        %dma_wait3A_126 = tpu.memref_slice %arg12[%dma_wait3A_124, %dma_wait3A_125] : memref<10240x64xf32, #tpu.memory_space<vmem_shared>> -> memref<10240x64xf32, #tpu.memory_space<vmem_shared>>
        tpu.wait_indirect_dma semaphore(%run_scoped3A_114 : memref<!tpu.dma_semaphore, #tpu.memory_space<semaphore_mem>>) src(%arg10 : memref<125x64xf32, #tpu.memory_space<vmem>>) dst(%dma_wait3A_126 : memref<10240x64xf32, #tpu.memory_space<vmem_shared>>)
        tpu.yield
      }) : () -> ()
      %add3A_106 = arith.constant 4 : i32
      %add3A_107 = arith.addi %add3A_99, %add3A_106 : i32
      %lt3A_108 = arith.constant 80 : i32
      %lt3A_109 = arith.cmpi slt, %add3A_107, %lt3A_108 : i32
      %convert_element_type3A_110 = arith.extui %lt3A_109 : i1 to i32
      %cond3A_111 = arith.constant 0 : i32
      %cond3A_112 = arith.cmpi ne, %convert_element_type3A_110, %cond3A_111 : i32
      scf.if %cond3A_112 {
        %add3A_114 = arith.constant 4 : i32
        %add3A_115 = arith.addi %add3A_99, %add3A_114 : i32
        %dma_start3A_116 = arith.constant 0 : i32
        %dma_start3A_117 = tpu.memref_slice %arg5[%add3A_115, %dma_start3A_116] : memref<80x125xi32, #tpu.memory_space<vmem>> -> memref<1x125xi32, #tpu.memory_space<vmem>>
        %dma_start3A_118 = tpu.memref_squeeze %dma_start3A_117 : memref<1x125xi32, #tpu.memory_space<vmem>> -> memref<125xi32, #tpu.memory_space<vmem>>
        %dma_start3A_119 = arith.constant 0 : i32
        %dma_start3A_120 = arith.constant 0 : i32
        %dma_start3A_121 = tpu.memref_slice %arg2[%dma_start3A_119, %dma_start3A_120] : memref<10000x64xf32, #tpu.memory_space<hbm>> -> memref<10000x64xf32, #tpu.memory_space<hbm>>
        tpu.enqueue_indirect_dma source(%dma_start3A_121 : memref<10000x64xf32, #tpu.memory_space<hbm>>) target(%arg10 : memref<125x64xf32, #tpu.memory_space<vmem>>) offsets(%dma_start3A_118 : memref<125xi32, #tpu.memory_space<vmem>>) semaphore(%arg16 : memref<!tpu.dma_semaphore, #tpu.memory_space<semaphore_mem>>)
      } else {
      }
      %scan3A_113 = arith.constant 0 : i32
      scf.yield %scan3A_113 : i32
    }
    %scan3A_47 = arith.constant 20 : i32
    %barrier3A_48 = arith.constant 0 : index
    tpu.barrier barrier_id(%barrier3A_48)
    %mul3A_49 = arith.constant 640 : i32
    %mul3A_50 = arith.muli %arg1, %mul3A_49 : i32
    %mul3A_51 = arith.constant 640 : i32
    %mul3A_52 = arith.muli %arg1, %mul3A_51 : i32
    "tpu.region"() ({
      %run_scoped3A_53 = tpu.sem_alloc : memref<!tpu.dma_semaphore, #tpu.memory_space<semaphore_mem>>
      %dma_start3A_54 = arith.constant 0 : i32
      %dma_start3A_55 = tpu.memref_slice %arg4[%arg0, %mul3A_52, %dma_start3A_54] : memref<2x10240x64xf32, #tpu.memory_space<hbm>> -> memref<1x640x64xf32, #tpu.memory_space<hbm>>
      %dma_start3A_56 = tpu.memref_squeeze %dma_start3A_55 : memref<1x640x64xf32, #tpu.memory_space<hbm>> -> memref<640x64xf32, #tpu.memory_space<hbm>>
      %dma_start3A_57 = arith.constant 0 : i32
      %dma_start3A_58 = tpu.memref_slice %arg12[%mul3A_50, %dma_start3A_57] : memref<10240x64xf32, #tpu.memory_space<vmem_shared>> -> memref<640x64xf32, #tpu.memory_space<vmem_shared>>
      tpu.enqueue_dma source(%dma_start3A_58 : memref<640x64xf32, #tpu.memory_space<vmem_shared>>) target(%dma_start3A_56 : memref<640x64xf32, #tpu.memory_space<hbm>>) target_semaphore(%run_scoped3A_53 : memref<!tpu.dma_semaphore, #tpu.memory_space<semaphore_mem>>)
      %dma_wait3A = arith.constant 0 : i32
      %dma_wait3A_59 = tpu.memref_slice %arg4[%arg0, %mul3A_52, %dma_wait3A] : memref<2x10240x64xf32, #tpu.memory_space<hbm>> -> memref<1x640x64xf32, #tpu.memory_space<hbm>>
      %dma_wait3A_60 = tpu.memref_squeeze %dma_wait3A_59 : memref<1x640x64xf32, #tpu.memory_space<hbm>> -> memref<640x64xf32, #tpu.memory_space<hbm>>
      %dma_wait3A_61 = arith.constant 0 : i32
      %dma_wait3A_62 = tpu.memref_slice %arg12[%mul3A_50, %dma_wait3A_61] : memref<10240x64xf32, #tpu.memory_space<vmem_shared>> -> memref<640x64xf32, #tpu.memory_space<vmem_shared>>
      tpu.wait_dma2 semaphore(%run_scoped3A_53 : memref<!tpu.dma_semaphore, #tpu.memory_space<semaphore_mem>>) src(%dma_wait3A_62 : memref<640x64xf32, #tpu.memory_space<vmem_shared>>) dst(%dma_wait3A_60 : memref<640x64xf32, #tpu.memory_space<hbm>>)
      tpu.yield
    }) : () -> ()
    return
  }
}

module attributes {stable_mosaic.version = 14 : i64} {
  func.func @_tc0_body(%arg0: i32, %arg1: memref<1000x128xf32, #tpu.memory_space<vmem>>, %arg2: memref<128x64xf32, #tpu.memory_space<vmem>>, %arg3: memref<1000x1xf32, #tpu.memory_space<vmem>>, %arg4: memref<1000x1xf32, #tpu.memory_space<vmem>>, %arg5: memref<1000x64xf32, #tpu.memory_space<vmem>>, %arg6: memref<1000x1xf32, #tpu.memory_space<vmem>>) attributes {dimension_semantics = [#tpu.dimension_semantics<arbitrary>], iteration_bounds = array<i64: 10>, scalar_prefetch = 0 : i64, scratch_operands = 0 : i64, tpu.core_type = #tpu.core_type<tc>, window_params = [{transform_indices = @transform_0, window_bounds = array<i64: 1000, 128>}, {pipeline_mode = #tpu.pipeline_mode<synchronous>, transform_indices = @transform_1, window_bounds = array<i64: 128, 64>}, {transform_indices = @transform_2, window_bounds = array<i64: 1000, 1>}, {transform_indices = @transform_3, window_bounds = array<i64: 1000, 1>}, {transform_indices = @transform_4, window_bounds = array<i64: 1000, 64>}, {transform_indices = @transform_5, window_bounds = array<i64: 1000, 1>}]} {
    %get3A = arith.constant 0 : index
    %get3A_0 = arith.constant 0 : index
    %get3A_1 = vector.load %arg3[%get3A, %get3A_0] : memref<1000x1xf32, #tpu.memory_space<vmem>>, vector<1000x1xf32>
    %get3A_2 = arith.constant 0 : index
    %get3A_3 = arith.constant 0 : index
    %get3A_4 = vector.load %arg4[%get3A_2, %get3A_3] : memref<1000x1xf32, #tpu.memory_space<vmem>>, vector<1000x1xf32>
    %add3A = arith.addf %get3A_1, %get3A_4 : vector<1000x1xf32>
    %add3A_5 = arith.constant 1.000000e+00 : f32
    %add3A_6 = vector.broadcast %add3A_5 : f32 to vector<1000x1xf32>
    %add3A_7 = arith.addf %add3A, %add3A_6 : vector<1000x1xf32>
    %rsqrt3A = math.rsqrt %add3A_7 : vector<1000x1xf32>
    %get3A_8 = arith.constant 0 : index
    %get3A_9 = arith.constant 0 : index
    %get3A_10 = vector.load %arg1[%get3A_8, %get3A_9] : memref<1000x128xf32, #tpu.memory_space<vmem>>, vector<1000x128xf32>
    %get3A_11 = arith.constant 0 : index
    %get3A_12 = arith.constant 0 : index
    %get3A_13 = vector.load %arg2[%get3A_11, %get3A_12] : memref<128x64xf32, #tpu.memory_space<vmem>>, vector<128x64xf32>
    %convert_element_type3A = arith.truncf %get3A_10 : vector<1000x128xf32> to vector<1000x128xbf16>
    %convert_element_type3A_14 = arith.truncf %get3A_13 : vector<128x64xf32> to vector<128x64xbf16>
    %dot_general3A = arith.constant dense<0.000000e+00> : vector<1000x64xf32>
    %dot_general3A_15 = tpu.matmul %convert_element_type3A, %convert_element_type3A_14, %dot_general3A {dimension_numbers = #tpu.dot_dimension_numbers<[1], [0], [0], [1], [0, 0, 1, 1], [], []>, transpose_lhs_hint = false} : vector<1000x128xbf16>, vector<128x64xbf16>, vector<1000x64xf32> -> vector<1000x64xf32>
    %mul3A = vector.broadcast %rsqrt3A : vector<1000x1xf32> to vector<1000x64xf32>
    %mul3A_16 = arith.mulf %dot_general3A_15, %mul3A : vector<1000x64xf32>
    %swap3A = arith.constant 0 : index
    %swap3A_17 = arith.constant 0 : index
    %swap3A_18 = vector.load %arg5[%swap3A, %swap3A_17] : memref<1000x64xf32, #tpu.memory_space<vmem>>, vector<1000x64xf32>
    tpu.vector_store %arg5[%swap3A, %swap3A_17], %mul3A_16 {strides = array<i32>} : memref<1000x64xf32, #tpu.memory_space<vmem>>, vector<1000x64xf32>,
    %swap3A_19 = arith.constant 0 : index
    %swap3A_20 = arith.constant 0 : index
    %swap3A_21 = vector.load %arg6[%swap3A_19, %swap3A_20] : memref<1000x1xf32, #tpu.memory_space<vmem>>, vector<1000x1xf32>
    tpu.vector_store %arg6[%swap3A_19, %swap3A_20], %rsqrt3A {strides = array<i32>} : memref<1000x1xf32, #tpu.memory_space<vmem>>, vector<1000x1xf32>,
    return
  }
  func.func @transform_0(%arg0: i32) -> (i32, i32) {
    %c0_i32 = arith.constant 0 : i32
    %c0_i32_0 = arith.constant 0 : i32
    return %arg0, %c0_i32 : i32, i32
  }
  func.func @transform_1(%arg0: i32) -> (i32, i32) {
    %c0_i32 = arith.constant 0 : i32
    %c0_i32_0 = arith.constant 0 : i32
    %c0_i32_1 = arith.constant 0 : i32
    return %c0_i32, %c0_i32_0 : i32, i32
  }
  func.func @transform_2(%arg0: i32) -> (i32, i32) {
    %c0_i32 = arith.constant 0 : i32
    %c0_i32_0 = arith.constant 0 : i32
    return %arg0, %c0_i32 : i32, i32
  }
  func.func @transform_3(%arg0: i32) -> (i32, i32) {
    %c0_i32 = arith.constant 0 : i32
    %c0_i32_0 = arith.constant 0 : i32
    return %arg0, %c0_i32 : i32, i32
  }
  func.func @transform_4(%arg0: i32) -> (i32, i32) {
    %c0_i32 = arith.constant 0 : i32
    %c0_i32_0 = arith.constant 0 : i32
    return %arg0, %c0_i32 : i32, i32
  }
  func.func @transform_5(%arg0: i32) -> (i32, i32) {
    %c0_i32 = arith.constant 0 : i32
    %c0_i32_0 = arith.constant 0 : i32
    return %arg0, %c0_i32 : i32, i32
  }
}

module attributes {stable_mosaic.version = 14 : i64} {
  func.func @body(%arg0: i32, %arg1: memref<2x1000x64xf32, #tpu.memory_space<vmem>>, %arg2: memref<1000x64xf32, #tpu.memory_space<vmem>>, %arg3: memref<1000x1xf32, #tpu.memory_space<vmem>>, %arg4: memref<64xf32, #tpu.memory_space<vmem>>, %arg5: memref<64xf32, #tpu.memory_space<vmem>>, %arg6: memref<64xf32, #tpu.memory_space<vmem>>, %arg7: memref<64x64xf32, #tpu.memory_space<vmem>>, %arg8: memref<1000x64xf32, #tpu.memory_space<vmem>>, %arg9: memref<3x64xf32, #tpu.memory_space<vmem>>, %arg10: memref<10000x64xf32, #tpu.memory_space<vmem>>) attributes {dimension_semantics = [#tpu.dimension_semantics<arbitrary>], iteration_bounds = array<i64: 20>, scalar_prefetch = 0 : i64, scratch_operands = 2 : i64, tpu.core_type = #tpu.core_type<tc>, window_params = [{transform_indices = @transform_0, window_bounds = array<i64: 2, 1000, 64>}, {transform_indices = @transform_1, window_bounds = array<i64: 1000, 64>}, {transform_indices = @transform_2, window_bounds = array<i64: 1000, 1>}, {pipeline_mode = #tpu.pipeline_mode<synchronous>, transform_indices = @transform_3, window_bounds = array<i64: 64>}, {pipeline_mode = #tpu.pipeline_mode<synchronous>, transform_indices = @transform_4, window_bounds = array<i64: 64>}, {pipeline_mode = #tpu.pipeline_mode<synchronous>, transform_indices = @transform_5, window_bounds = array<i64: 64>}, {pipeline_mode = #tpu.pipeline_mode<synchronous>, transform_indices = @transform_6, window_bounds = array<i64: 64, 64>}, {transform_indices = @transform_7, window_bounds = array<i64: 1000, 64>}]} {
    %rem3A = arith.constant 10 : i32
    %rem3A_0 = arith.remsi %arg0, %rem3A : i32
    %lt3A = arith.constant 10 : i32
    %lt3A_1 = arith.cmpi slt, %arg0, %lt3A : i32
    %convert_element_type3A = arith.extui %lt3A_1 : i1 to i32
    %cond3A = arith.constant 0 : i32
    %cond3A_2 = arith.cmpi ne, %convert_element_type3A, %cond3A : i32
    scf.if %cond3A_2 {
      %get3A = arith.constant 0 : index
      %get3A_7 = arith.constant 0 : index
      %get3A_8 = arith.constant 0 : index
      %get3A_9 = vector.load %arg1[%get3A, %get3A_7, %get3A_8] : memref<2x1000x64xf32, #tpu.memory_space<vmem>>, vector<1x1000x64xf32>
      %get3A_10 = vector.shape_cast %get3A_9 : vector<1x1000x64xf32> to vector<1000x64xf32>
      %get3A_11 = arith.constant 1 : index
      %get3A_12 = arith.constant 0 : index
      %get3A_13 = arith.constant 0 : index
      %get3A_14 = vector.load %arg1[%get3A_11, %get3A_12, %get3A_13] : memref<2x1000x64xf32, #tpu.memory_space<vmem>>, vector<1x1000x64xf32>
      %get3A_15 = vector.shape_cast %get3A_14 : vector<1x1000x64xf32> to vector<1000x64xf32>
      %add3A = arith.addf %get3A_10, %get3A_15 : vector<1000x64xf32>
      %get3A_16 = arith.constant 0 : index
      %get3A_17 = arith.constant 0 : index
      %get3A_18 = vector.load %arg2[%get3A_16, %get3A_17] : memref<1000x64xf32, #tpu.memory_space<vmem>>, vector<1000x64xf32>
      %add3A_19 = arith.addf %add3A, %get3A_18 : vector<1000x64xf32>
      %get3A_20 = arith.constant 0 : index
      %get3A_21 = arith.constant 0 : index
      %get3A_22 = vector.load %arg3[%get3A_20, %get3A_21] : memref<1000x1xf32, #tpu.memory_space<vmem>>, vector<1000x1xf32>
      %mul3A = vector.broadcast %get3A_22 : vector<1000x1xf32> to vector<1000x64xf32>
      %mul3A_23 = arith.mulf %add3A_19, %mul3A : vector<1000x64xf32>
      %get3A_24 = arith.constant 0 : index
      %get3A_25 = vector.load %arg4[%get3A_24] : memref<64xf32, #tpu.memory_space<vmem>>, vector<64xf32>
      %broadcast_in_dim3A = vector.shape_cast %get3A_25 : vector<64xf32> to vector<1x64xf32>
      %add3A_26 = vector.broadcast %broadcast_in_dim3A : vector<1x64xf32> to vector<1000x64xf32>
      %add3A_27 = arith.addf %mul3A_23, %add3A_26 : vector<1000x64xf32>
      %max3A = arith.constant 0.000000e+00 : f32
      %max3A_28 = vector.broadcast %max3A : f32 to vector<1000x64xf32>
      %max3A_29 = arith.maximumf %add3A_27, %max3A_28 : vector<1000x64xf32>
      %mul3A_30 = arith.constant 1000 : i32
      %mul3A_31 = arith.muli %rem3A_0, %mul3A_30 : i32
      %swap3A = arith.index_cast %mul3A_31 : i32 to index
      %swap3A_32 = arith.constant 0 : index
      %swap3A_33 = vector.load %arg10[%swap3A, %swap3A_32] : memref<10000x64xf32, #tpu.memory_space<vmem>>, vector<1000x64xf32>
      tpu.vector_store %arg10[%swap3A, %swap3A_32], %max3A_29 {strides = array<i32>} : memref<10000x64xf32, #tpu.memory_space<vmem>>, vector<1000x64xf32>,
      %eq3A = arith.constant 0 : i32
      %eq3A_34 = arith.cmpi eq, %arg0, %eq3A : i32
      %convert_element_type3A_35 = arith.extui %eq3A_34 : i1 to i32
      %cond3A_36 = arith.constant 0 : i32
      %cond3A_37 = arith.cmpi ne, %convert_element_type3A_35, %cond3A_36 : i32
      scf.if %cond3A_37 {
        %reduce_sum3A_57 = arith.constant dense<0.000000e+00> : vector<64xf32>
        %reduce_sum3A_58 = vector.multi_reduction <add>, %max3A_29, %reduce_sum3A_57 [0] : vector<1000x64xf32> to vector<64xf32>
        %mul3A_59 = arith.constant 1.000000e-03 : f32
        %mul3A_60 = vector.broadcast %mul3A_59 : f32 to vector<64xf32>
        %mul3A_61 = arith.mulf %reduce_sum3A_58, %mul3A_60 : vector<64xf32>
        %swap3A_62 = arith.constant 2 : index
        %swap3A_63 = arith.constant 0 : index
        %swap3A_64 = vector.load %arg9[%swap3A_62, %swap3A_63] : memref<3x64xf32, #tpu.memory_space<vmem>>, vector<1x64xf32>
        %swap3A_65 = vector.shape_cast %swap3A_64 : vector<1x64xf32> to vector<64xf32>
        %swap3A_66 = vector.shape_cast %mul3A_61 : vector<64xf32> to vector<1x64xf32>
        tpu.vector_store %arg9[%swap3A_62, %swap3A_63], %swap3A_66 {strides = array<i32>} : memref<3x64xf32, #tpu.memory_space<vmem>>, vector<1x64xf32>,
      } else {
      }
      %get3A_38 = arith.constant 2 : index
      %get3A_39 = arith.constant 0 : index
      %get3A_40 = vector.load %arg9[%get3A_38, %get3A_39] : memref<3x64xf32, #tpu.memory_space<vmem>>, vector<1x64xf32>
      %get3A_41 = vector.shape_cast %get3A_40 : vector<1x64xf32> to vector<64xf32>
      %broadcast_in_dim3A_42 = vector.shape_cast %get3A_41 : vector<64xf32> to vector<1x64xf32>
      %sub3A = vector.broadcast %broadcast_in_dim3A_42 : vector<1x64xf32> to vector<1000x64xf32>
      %sub3A_43 = arith.subf %max3A_29, %sub3A : vector<1000x64xf32>
      %reduce_sum3A = arith.constant dense<0.000000e+00> : vector<64xf32>
      %reduce_sum3A_44 = vector.multi_reduction <add>, %sub3A_43, %reduce_sum3A [0] : vector<1000x64xf32> to vector<64xf32>
      %mul3A_45 = arith.mulf %sub3A_43, %sub3A_43 : vector<1000x64xf32>
      %reduce_sum3A_46 = arith.constant dense<0.000000e+00> : vector<64xf32>
      %reduce_sum3A_47 = vector.multi_reduction <add>, %mul3A_45, %reduce_sum3A_46 [0] : vector<1000x64xf32> to vector<64xf32>
      %eq3A_48 = arith.constant 0 : i32
      %eq3A_49 = arith.cmpi eq, %arg0, %eq3A_48 : i32
      %convert_element_type3A_50 = arith.extui %eq3A_49 : i1 to i32
      %cond3A_51 = arith.constant 0 : i32
      %cond3A_52 = arith.cmpi ne, %convert_element_type3A_50, %cond3A_51 : i32
      scf.if %cond3A_52 {
        %swap3A_57 = arith.constant 0 : index
        %swap3A_58 = arith.constant 0 : index
        %swap3A_59 = vector.load %arg9[%swap3A_57, %swap3A_58] : memref<3x64xf32, #tpu.memory_space<vmem>>, vector<1x64xf32>
        %swap3A_60 = vector.shape_cast %swap3A_59 : vector<1x64xf32> to vector<64xf32>
        %swap3A_61 = vector.shape_cast %reduce_sum3A_44 : vector<64xf32> to vector<1x64xf32>
        tpu.vector_store %arg9[%swap3A_57, %swap3A_58], %swap3A_61 {strides = array<i32>} : memref<3x64xf32, #tpu.memory_space<vmem>>, vector<1x64xf32>,
        %swap3A_62 = arith.constant 1 : index
        %swap3A_63 = arith.constant 0 : index
        %swap3A_64 = vector.load %arg9[%swap3A_62, %swap3A_63] : memref<3x64xf32, #tpu.memory_space<vmem>>, vector<1x64xf32>
        %swap3A_65 = vector.shape_cast %swap3A_64 : vector<1x64xf32> to vector<64xf32>
        %swap3A_66 = vector.shape_cast %reduce_sum3A_47 : vector<64xf32> to vector<1x64xf32>
        tpu.vector_store %arg9[%swap3A_62, %swap3A_63], %swap3A_66 {strides = array<i32>} : memref<3x64xf32, #tpu.memory_space<vmem>>, vector<1x64xf32>,
      } else {
      }
      %gt3A = arith.constant 0 : i32
      %gt3A_53 = arith.cmpi sgt, %arg0, %gt3A : i32
      %convert_element_type3A_54 = arith.extui %gt3A_53 : i1 to i32
      %cond3A_55 = arith.constant 0 : i32
      %cond3A_56 = arith.cmpi ne, %convert_element_type3A_54, %cond3A_55 : i32
      scf.if %cond3A_56 {
        %get3A_57 = arith.constant 0 : index
        %get3A_58 = arith.constant 0 : index
        %get3A_59 = vector.load %arg9[%get3A_57, %get3A_58] : memref<3x64xf32, #tpu.memory_space<vmem>>, vector<1x64xf32>
        %get3A_60 = vector.shape_cast %get3A_59 : vector<1x64xf32> to vector<64xf32>
        %add3A_61 = arith.addf %get3A_60, %reduce_sum3A_44 : vector<64xf32>
        %swap3A_62 = arith.constant 0 : index
        %swap3A_63 = arith.constant 0 : index
        %swap3A_64 = vector.load %arg9[%swap3A_62, %swap3A_63] : memref<3x64xf32, #tpu.memory_space<vmem>>, vector<1x64xf32>
        %swap3A_65 = vector.shape_cast %swap3A_64 : vector<1x64xf32> to vector<64xf32>
        %swap3A_66 = vector.shape_cast %add3A_61 : vector<64xf32> to vector<1x64xf32>
        tpu.vector_store %arg9[%swap3A_62, %swap3A_63], %swap3A_66 {strides = array<i32>} : memref<3x64xf32, #tpu.memory_space<vmem>>, vector<1x64xf32>,
        %get3A_67 = arith.constant 1 : index
        %get3A_68 = arith.constant 0 : index
        %get3A_69 = vector.load %arg9[%get3A_67, %get3A_68] : memref<3x64xf32, #tpu.memory_space<vmem>>, vector<1x64xf32>
        %get3A_70 = vector.shape_cast %get3A_69 : vector<1x64xf32> to vector<64xf32>
        %add3A_71 = arith.addf %get3A_70, %reduce_sum3A_47 : vector<64xf32>
        %swap3A_72 = arith.constant 1 : index
        %swap3A_73 = arith.constant 0 : index
        %swap3A_74 = vector.load %arg9[%swap3A_72, %swap3A_73] : memref<3x64xf32, #tpu.memory_space<vmem>>, vector<1x64xf32>
        %swap3A_75 = vector.shape_cast %swap3A_74 : vector<1x64xf32> to vector<64xf32>
        %swap3A_76 = vector.shape_cast %add3A_71 : vector<64xf32> to vector<1x64xf32>
        tpu.vector_store %arg9[%swap3A_72, %swap3A_73], %swap3A_76 {strides = array<i32>} : memref<3x64xf32, #tpu.memory_space<vmem>>, vector<1x64xf32>,
      } else {
      }
    } else {
    }
    %ge3A = arith.constant 10 : i32
    %ge3A_3 = arith.cmpi sge, %arg0, %ge3A : i32
    %convert_element_type3A_4 = arith.extui %ge3A_3 : i1 to i32
    %cond3A_5 = arith.constant 0 : i32
    %cond3A_6 = arith.cmpi ne, %convert_element_type3A_4, %cond3A_5 : i32
    scf.if %cond3A_6 {
      %get3A = arith.constant 2 : index
      %get3A_7 = arith.constant 0 : index
      %get3A_8 = vector.load %arg9[%get3A, %get3A_7] : memref<3x64xf32, #tpu.memory_space<vmem>>, vector<1x64xf32>
      %get3A_9 = vector.shape_cast %get3A_8 : vector<1x64xf32> to vector<64xf32>
      %get3A_10 = arith.constant 0 : index
      %get3A_11 = arith.constant 0 : index
      %get3A_12 = vector.load %arg9[%get3A_10, %get3A_11] : memref<3x64xf32, #tpu.memory_space<vmem>>, vector<1x64xf32>
      %get3A_13 = vector.shape_cast %get3A_12 : vector<1x64xf32> to vector<64xf32>
      %mul3A = arith.constant 9.99999974E-5 : f32
      %mul3A_14 = vector.broadcast %mul3A : f32 to vector<64xf32>
      %mul3A_15 = arith.mulf %get3A_13, %mul3A_14 : vector<64xf32>
      %add3A = arith.addf %get3A_9, %mul3A_15 : vector<64xf32>
      %get3A_16 = arith.constant 1 : index
      %get3A_17 = arith.constant 0 : index
      %get3A_18 = vector.load %arg9[%get3A_16, %get3A_17] : memref<3x64xf32, #tpu.memory_space<vmem>>, vector<1x64xf32>
      %get3A_19 = vector.shape_cast %get3A_18 : vector<1x64xf32> to vector<64xf32>
      %mul3A_20 = arith.constant 9.99999974E-5 : f32
      %mul3A_21 = vector.broadcast %mul3A_20 : f32 to vector<64xf32>
      %mul3A_22 = arith.mulf %get3A_19, %mul3A_21 : vector<64xf32>
      %mul3A_23 = arith.mulf %mul3A_15, %mul3A_15 : vector<64xf32>
      %sub3A = arith.subf %mul3A_22, %mul3A_23 : vector<64xf32>
      %add3A_24 = arith.constant 9.99999974E-6 : f32
      %add3A_25 = vector.broadcast %add3A_24 : f32 to vector<64xf32>
      %add3A_26 = arith.addf %sub3A, %add3A_25 : vector<64xf32>
      %rsqrt3A = math.rsqrt %add3A_26 : vector<64xf32>
      %get3A_27 = arith.constant 0 : index
      %get3A_28 = vector.load %arg5[%get3A_27] : memref<64xf32, #tpu.memory_space<vmem>>, vector<64xf32>
      %mul3A_29 = arith.mulf %rsqrt3A, %get3A_28 : vector<64xf32>
      %mul3A_30 = arith.constant 1000 : i32
      %mul3A_31 = arith.muli %rem3A_0, %mul3A_30 : i32
      %get3A_32 = arith.index_cast %mul3A_31 : i32 to index
      %get3A_33 = arith.constant 0 : index
      %get3A_34 = vector.load %arg10[%get3A_32, %get3A_33] : memref<10000x64xf32, #tpu.memory_space<vmem>>, vector<1000x64xf32>
      %broadcast_in_dim3A = vector.shape_cast %add3A : vector<64xf32> to vector<1x64xf32>
      %sub3A_35 = vector.broadcast %broadcast_in_dim3A : vector<1x64xf32> to vector<1000x64xf32>
      %sub3A_36 = arith.subf %get3A_34, %sub3A_35 : vector<1000x64xf32>
      %broadcast_in_dim3A_37 = vector.shape_cast %mul3A_29 : vector<64xf32> to vector<1x64xf32>
      %mul3A_38 = vector.broadcast %broadcast_in_dim3A_37 : vector<1x64xf32> to vector<1000x64xf32>
      %mul3A_39 = arith.mulf %sub3A_36, %mul3A_38 : vector<1000x64xf32>
      %get3A_40 = arith.constant 0 : index
      %get3A_41 = vector.load %arg6[%get3A_40] : memref<64xf32, #tpu.memory_space<vmem>>, vector<64xf32>
      %broadcast_in_dim3A_42 = vector.shape_cast %get3A_41 : vector<64xf32> to vector<1x64xf32>
      %add3A_43 = vector.broadcast %broadcast_in_dim3A_42 : vector<1x64xf32> to vector<1000x64xf32>
      %add3A_44 = arith.addf %mul3A_39, %add3A_43 : vector<1000x64xf32>
      %get3A_45 = arith.constant 0 : index
      %get3A_46 = arith.constant 0 : index
      %get3A_47 = vector.load %arg7[%get3A_45, %get3A_46] : memref<64x64xf32, #tpu.memory_space<vmem>>, vector<64x64xf32>
      %convert_element_type3A_48 = arith.truncf %add3A_44 : vector<1000x64xf32> to vector<1000x64xbf16>
      %convert_element_type3A_49 = arith.truncf %get3A_47 : vector<64x64xf32> to vector<64x64xbf16>
      %dot_general3A = arith.constant dense<0.000000e+00> : vector<1000x64xf32>
      %dot_general3A_50 = tpu.matmul %convert_element_type3A_48, %convert_element_type3A_49, %dot_general3A {dimension_numbers = #tpu.dot_dimension_numbers<[1], [0], [0], [1], [0, 0, 1, 1], [], []>, transpose_lhs_hint = false} : vector<1000x64xbf16>, vector<64x64xbf16>, vector<1000x64xf32> -> vector<1000x64xf32>
      %get3A_51 = arith.constant 0 : index
      %get3A_52 = arith.constant 0 : index
      %get3A_53 = vector.load %arg3[%get3A_51, %get3A_52] : memref<1000x1xf32, #tpu.memory_space<vmem>>, vector<1000x1xf32>
      %mul3A_54 = vector.broadcast %get3A_53 : vector<1000x1xf32> to vector<1000x64xf32>
      %mul3A_55 = arith.mulf %dot_general3A_50, %mul3A_54 : vector<1000x64xf32>
      %swap3A = arith.constant 0 : index
      %swap3A_56 = arith.constant 0 : index
      %swap3A_57 = vector.load %arg8[%swap3A, %swap3A_56] : memref<1000x64xf32, #tpu.memory_space<vmem>>, vector<1000x64xf32>
      tpu.vector_store %arg8[%swap3A, %swap3A_56], %mul3A_55 {strides = array<i32>} : memref<1000x64xf32, #tpu.memory_space<vmem>>, vector<1000x64xf32>,
    } else {
    }
    return
  }
  func.func @transform_0(%arg0: i32) -> (i32, i32, i32) {
    %lt3A = arith.constant 10 : i32
    %lt3A_0 = arith.cmpi slt, %arg0, %lt3A : i32
    %jit3A = arith.constant 0 : i32
    %select_n3A = arith.select %lt3A_0, %arg0, %jit3A : i32
    %c0_i32 = arith.constant 0 : i32
    %c0_i32_1 = arith.constant 0 : i32
    %c0_i32_2 = arith.constant 0 : i32
    return %c0_i32, %select_n3A, %c0_i32_1 : i32, i32, i32
  }
  func.func @transform_1(%arg0: i32) -> (i32, i32) {
    %lt3A = arith.constant 10 : i32
    %lt3A_0 = arith.cmpi slt, %arg0, %lt3A : i32
    %jit3A = arith.constant 0 : i32
    %select_n3A = arith.select %lt3A_0, %arg0, %jit3A : i32
    %c0_i32 = arith.constant 0 : i32
    %c0_i32_1 = arith.constant 0 : i32
    return %select_n3A, %c0_i32 : i32, i32
  }
  func.func @transform_2(%arg0: i32) -> (i32, i32) {
    %rem3A = arith.constant 10 : i32
    %rem3A_0 = arith.remsi %arg0, %rem3A : i32
    %c0_i32 = arith.constant 0 : i32
    %c0_i32_1 = arith.constant 0 : i32
    return %rem3A_0, %c0_i32 : i32, i32
  }
  func.func @transform_3(%arg0: i32) -> i32 {
    %c0_i32 = arith.constant 0 : i32
    %c0_i32_0 = arith.constant 0 : i32
    return %c0_i32 : i32
  }
  func.func @transform_4(%arg0: i32) -> i32 {
    %c0_i32 = arith.constant 0 : i32
    %c0_i32_0 = arith.constant 0 : i32
    return %c0_i32 : i32
  }
  func.func @transform_5(%arg0: i32) -> i32 {
    %c0_i32 = arith.constant 0 : i32
    %c0_i32_0 = arith.constant 0 : i32
    return %c0_i32 : i32
  }
  func.func @transform_6(%arg0: i32) -> (i32, i32) {
    %c0_i32 = arith.constant 0 : i32
    %c0_i32_0 = arith.constant 0 : i32
    %c0_i32_1 = arith.constant 0 : i32
    return %c0_i32, %c0_i32_0 : i32, i32
  }
  func.func @transform_7(%arg0: i32) -> (i32, i32) {
    %sub3A = arith.constant 10 : i32
    %sub3A_0 = arith.subi %arg0, %sub3A : i32
    %max3A = arith.constant 0 : i32
    %max3A_1 = arith.maxsi %sub3A_0, %max3A : i32
    %c0_i32 = arith.constant 0 : i32
    %c0_i32_2 = arith.constant 0 : i32
    return %max3A_1, %c0_i32 : i32, i32
  }
}

module attributes {stable_mosaic.version = 14 : i64} {
  func.func @body(%arg0: i32, %arg1: memref<2x1000x64xf32, #tpu.memory_space<vmem>>, %arg2: memref<1000x64xf32, #tpu.memory_space<vmem>>, %arg3: memref<1000x1xf32, #tpu.memory_space<vmem>>, %arg4: memref<64xf32, #tpu.memory_space<vmem>>, %arg5: memref<64xf32, #tpu.memory_space<vmem>>, %arg6: memref<64xf32, #tpu.memory_space<vmem>>, %arg7: memref<64x64xf32, #tpu.memory_space<vmem>>, %arg8: memref<1000x64xf32, #tpu.memory_space<vmem>>, %arg9: memref<3x64xf32, #tpu.memory_space<vmem>>, %arg10: memref<10000x64xf32, #tpu.memory_space<vmem>>) attributes {dimension_semantics = [#tpu.dimension_semantics<arbitrary>], iteration_bounds = array<i64: 20>, scalar_prefetch = 0 : i64, scratch_operands = 2 : i64, tpu.core_type = #tpu.core_type<tc>, window_params = [{transform_indices = @transform_0, window_bounds = array<i64: 2, 1000, 64>}, {transform_indices = @transform_1, window_bounds = array<i64: 1000, 64>}, {transform_indices = @transform_2, window_bounds = array<i64: 1000, 1>}, {pipeline_mode = #tpu.pipeline_mode<synchronous>, transform_indices = @transform_3, window_bounds = array<i64: 64>}, {pipeline_mode = #tpu.pipeline_mode<synchronous>, transform_indices = @transform_4, window_bounds = array<i64: 64>}, {pipeline_mode = #tpu.pipeline_mode<synchronous>, transform_indices = @transform_5, window_bounds = array<i64: 64>}, {pipeline_mode = #tpu.pipeline_mode<synchronous>, transform_indices = @transform_6, window_bounds = array<i64: 64, 64>}, {transform_indices = @transform_7, window_bounds = array<i64: 1000, 64>}]} {
    %rem3A = arith.constant 10 : i32
    %rem3A_0 = arith.remsi %arg0, %rem3A : i32
    %lt3A = arith.constant 10 : i32
    %lt3A_1 = arith.cmpi slt, %arg0, %lt3A : i32
    %convert_element_type3A = arith.extui %lt3A_1 : i1 to i32
    %cond3A = arith.constant 0 : i32
    %cond3A_2 = arith.cmpi ne, %convert_element_type3A, %cond3A : i32
    scf.if %cond3A_2 {
      %get3A = arith.constant 0 : index
      %get3A_7 = arith.constant 0 : index
      %get3A_8 = arith.constant 0 : index
      %get3A_9 = vector.load %arg1[%get3A, %get3A_7, %get3A_8] : memref<2x1000x64xf32, #tpu.memory_space<vmem>>, vector<1x1000x64xf32>
      %get3A_10 = vector.shape_cast %get3A_9 : vector<1x1000x64xf32> to vector<1000x64xf32>
      %get3A_11 = arith.constant 1 : index
      %get3A_12 = arith.constant 0 : index
      %get3A_13 = arith.constant 0 : index
      %get3A_14 = vector.load %arg1[%get3A_11, %get3A_12, %get3A_13] : memref<2x1000x64xf32, #tpu.memory_space<vmem>>, vector<1x1000x64xf32>
      %get3A_15 = vector.shape_cast %get3A_14 : vector<1x1000x64xf32> to vector<1000x64xf32>
      %add3A = arith.addf %get3A_10, %get3A_15 : vector<1000x64xf32>
      %get3A_16 = arith.constant 0 : index
      %get3A_17 = arith.constant 0 : index
      %get3A_18 = vector.load %arg2[%get3A_16, %get3A_17] : memref<1000x64xf32, #tpu.memory_space<vmem>>, vector<1000x64xf32>
      %add3A_19 = arith.addf %add3A, %get3A_18 : vector<1000x64xf32>
      %get3A_20 = arith.constant 0 : index
      %get3A_21 = arith.constant 0 : index
      %get3A_22 = vector.load %arg3[%get3A_20, %get3A_21] : memref<1000x1xf32, #tpu.memory_space<vmem>>, vector<1000x1xf32>
      %mul3A = vector.broadcast %get3A_22 : vector<1000x1xf32> to vector<1000x64xf32>
      %mul3A_23 = arith.mulf %add3A_19, %mul3A : vector<1000x64xf32>
      %get3A_24 = arith.constant 0 : index
      %get3A_25 = vector.load %arg4[%get3A_24] : memref<64xf32, #tpu.memory_space<vmem>>, vector<64xf32>
      %broadcast_in_dim3A = vector.shape_cast %get3A_25 : vector<64xf32> to vector<1x64xf32>
      %add3A_26 = vector.broadcast %broadcast_in_dim3A : vector<1x64xf32> to vector<1000x64xf32>
      %add3A_27 = arith.addf %mul3A_23, %add3A_26 : vector<1000x64xf32>
      %mul3A_28 = arith.constant 1000 : i32
      %mul3A_29 = arith.muli %rem3A_0, %mul3A_28 : i32
      %swap3A = arith.index_cast %mul3A_29 : i32 to index
      %swap3A_30 = arith.constant 0 : index
      %swap3A_31 = vector.load %arg10[%swap3A, %swap3A_30] : memref<10000x64xf32, #tpu.memory_space<vmem>>, vector<1000x64xf32>
      tpu.vector_store %arg10[%swap3A, %swap3A_30], %add3A_27 {strides = array<i32>} : memref<10000x64xf32, #tpu.memory_space<vmem>>, vector<1000x64xf32>,
      %eq3A = arith.constant 0 : i32
      %eq3A_32 = arith.cmpi eq, %arg0, %eq3A : i32
      %convert_element_type3A_33 = arith.extui %eq3A_32 : i1 to i32
      %cond3A_34 = arith.constant 0 : i32
      %cond3A_35 = arith.cmpi ne, %convert_element_type3A_33, %cond3A_34 : i32
      scf.if %cond3A_35 {
        %reduce_sum3A_55 = arith.constant dense<0.000000e+00> : vector<64xf32>
        %reduce_sum3A_56 = vector.multi_reduction <add>, %add3A_27, %reduce_sum3A_55 [0] : vector<1000x64xf32> to vector<64xf32>
        %mul3A_57 = arith.constant 1.000000e-03 : f32
        %mul3A_58 = vector.broadcast %mul3A_57 : f32 to vector<64xf32>
        %mul3A_59 = arith.mulf %reduce_sum3A_56, %mul3A_58 : vector<64xf32>
        %swap3A_60 = arith.constant 2 : index
        %swap3A_61 = arith.constant 0 : index
        %swap3A_62 = vector.load %arg9[%swap3A_60, %swap3A_61] : memref<3x64xf32, #tpu.memory_space<vmem>>, vector<1x64xf32>
        %swap3A_63 = vector.shape_cast %swap3A_62 : vector<1x64xf32> to vector<64xf32>
        %swap3A_64 = vector.shape_cast %mul3A_59 : vector<64xf32> to vector<1x64xf32>
        tpu.vector_store %arg9[%swap3A_60, %swap3A_61], %swap3A_64 {strides = array<i32>} : memref<3x64xf32, #tpu.memory_space<vmem>>, vector<1x64xf32>,
      } else {
      }
      %get3A_36 = arith.constant 2 : index
      %get3A_37 = arith.constant 0 : index
      %get3A_38 = vector.load %arg9[%get3A_36, %get3A_37] : memref<3x64xf32, #tpu.memory_space<vmem>>, vector<1x64xf32>
      %get3A_39 = vector.shape_cast %get3A_38 : vector<1x64xf32> to vector<64xf32>
      %broadcast_in_dim3A_40 = vector.shape_cast %get3A_39 : vector<64xf32> to vector<1x64xf32>
      %sub3A = vector.broadcast %broadcast_in_dim3A_40 : vector<1x64xf32> to vector<1000x64xf32>
      %sub3A_41 = arith.subf %add3A_27, %sub3A : vector<1000x64xf32>
      %reduce_sum3A = arith.constant dense<0.000000e+00> : vector<64xf32>
      %reduce_sum3A_42 = vector.multi_reduction <add>, %sub3A_41, %reduce_sum3A [0] : vector<1000x64xf32> to vector<64xf32>
      %mul3A_43 = arith.mulf %sub3A_41, %sub3A_41 : vector<1000x64xf32>
      %reduce_sum3A_44 = arith.constant dense<0.000000e+00> : vector<64xf32>
      %reduce_sum3A_45 = vector.multi_reduction <add>, %mul3A_43, %reduce_sum3A_44 [0] : vector<1000x64xf32> to vector<64xf32>
      %eq3A_46 = arith.constant 0 : i32
      %eq3A_47 = arith.cmpi eq, %arg0, %eq3A_46 : i32
      %convert_element_type3A_48 = arith.extui %eq3A_47 : i1 to i32
      %cond3A_49 = arith.constant 0 : i32
      %cond3A_50 = arith.cmpi ne, %convert_element_type3A_48, %cond3A_49 : i32
      scf.if %cond3A_50 {
        %swap3A_55 = arith.constant 0 : index
        %swap3A_56 = arith.constant 0 : index
        %swap3A_57 = vector.load %arg9[%swap3A_55, %swap3A_56] : memref<3x64xf32, #tpu.memory_space<vmem>>, vector<1x64xf32>
        %swap3A_58 = vector.shape_cast %swap3A_57 : vector<1x64xf32> to vector<64xf32>
        %swap3A_59 = vector.shape_cast %reduce_sum3A_42 : vector<64xf32> to vector<1x64xf32>
        tpu.vector_store %arg9[%swap3A_55, %swap3A_56], %swap3A_59 {strides = array<i32>} : memref<3x64xf32, #tpu.memory_space<vmem>>, vector<1x64xf32>,
        %swap3A_60 = arith.constant 1 : index
        %swap3A_61 = arith.constant 0 : index
        %swap3A_62 = vector.load %arg9[%swap3A_60, %swap3A_61] : memref<3x64xf32, #tpu.memory_space<vmem>>, vector<1x64xf32>
        %swap3A_63 = vector.shape_cast %swap3A_62 : vector<1x64xf32> to vector<64xf32>
        %swap3A_64 = vector.shape_cast %reduce_sum3A_45 : vector<64xf32> to vector<1x64xf32>
        tpu.vector_store %arg9[%swap3A_60, %swap3A_61], %swap3A_64 {strides = array<i32>} : memref<3x64xf32, #tpu.memory_space<vmem>>, vector<1x64xf32>,
      } else {
      }
      %gt3A = arith.constant 0 : i32
      %gt3A_51 = arith.cmpi sgt, %arg0, %gt3A : i32
      %convert_element_type3A_52 = arith.extui %gt3A_51 : i1 to i32
      %cond3A_53 = arith.constant 0 : i32
      %cond3A_54 = arith.cmpi ne, %convert_element_type3A_52, %cond3A_53 : i32
      scf.if %cond3A_54 {
        %get3A_55 = arith.constant 0 : index
        %get3A_56 = arith.constant 0 : index
        %get3A_57 = vector.load %arg9[%get3A_55, %get3A_56] : memref<3x64xf32, #tpu.memory_space<vmem>>, vector<1x64xf32>
        %get3A_58 = vector.shape_cast %get3A_57 : vector<1x64xf32> to vector<64xf32>
        %add3A_59 = arith.addf %get3A_58, %reduce_sum3A_42 : vector<64xf32>
        %swap3A_60 = arith.constant 0 : index
        %swap3A_61 = arith.constant 0 : index
        %swap3A_62 = vector.load %arg9[%swap3A_60, %swap3A_61] : memref<3x64xf32, #tpu.memory_space<vmem>>, vector<1x64xf32>
        %swap3A_63 = vector.shape_cast %swap3A_62 : vector<1x64xf32> to vector<64xf32>
        %swap3A_64 = vector.shape_cast %add3A_59 : vector<64xf32> to vector<1x64xf32>
        tpu.vector_store %arg9[%swap3A_60, %swap3A_61], %swap3A_64 {strides = array<i32>} : memref<3x64xf32, #tpu.memory_space<vmem>>, vector<1x64xf32>,
        %get3A_65 = arith.constant 1 : index
        %get3A_66 = arith.constant 0 : index
        %get3A_67 = vector.load %arg9[%get3A_65, %get3A_66] : memref<3x64xf32, #tpu.memory_space<vmem>>, vector<1x64xf32>
        %get3A_68 = vector.shape_cast %get3A_67 : vector<1x64xf32> to vector<64xf32>
        %add3A_69 = arith.addf %get3A_68, %reduce_sum3A_45 : vector<64xf32>
        %swap3A_70 = arith.constant 1 : index
        %swap3A_71 = arith.constant 0 : index
        %swap3A_72 = vector.load %arg9[%swap3A_70, %swap3A_71] : memref<3x64xf32, #tpu.memory_space<vmem>>, vector<1x64xf32>
        %swap3A_73 = vector.shape_cast %swap3A_72 : vector<1x64xf32> to vector<64xf32>
        %swap3A_74 = vector.shape_cast %add3A_69 : vector<64xf32> to vector<1x64xf32>
        tpu.vector_store %arg9[%swap3A_70, %swap3A_71], %swap3A_74 {strides = array<i32>} : memref<3x64xf32, #tpu.memory_space<vmem>>, vector<1x64xf32>,
      } else {
      }
    } else {
    }
    %ge3A = arith.constant 10 : i32
    %ge3A_3 = arith.cmpi sge, %arg0, %ge3A : i32
    %convert_element_type3A_4 = arith.extui %ge3A_3 : i1 to i32
    %cond3A_5 = arith.constant 0 : i32
    %cond3A_6 = arith.cmpi ne, %convert_element_type3A_4, %cond3A_5 : i32
    scf.if %cond3A_6 {
      %get3A = arith.constant 2 : index
      %get3A_7 = arith.constant 0 : index
      %get3A_8 = vector.load %arg9[%get3A, %get3A_7] : memref<3x64xf32, #tpu.memory_space<vmem>>, vector<1x64xf32>
      %get3A_9 = vector.shape_cast %get3A_8 : vector<1x64xf32> to vector<64xf32>
      %get3A_10 = arith.constant 0 : index
      %get3A_11 = arith.constant 0 : index
      %get3A_12 = vector.load %arg9[%get3A_10, %get3A_11] : memref<3x64xf32, #tpu.memory_space<vmem>>, vector<1x64xf32>
      %get3A_13 = vector.shape_cast %get3A_12 : vector<1x64xf32> to vector<64xf32>
      %mul3A = arith.constant 9.99999974E-5 : f32
      %mul3A_14 = vector.broadcast %mul3A : f32 to vector<64xf32>
      %mul3A_15 = arith.mulf %get3A_13, %mul3A_14 : vector<64xf32>
      %add3A = arith.addf %get3A_9, %mul3A_15 : vector<64xf32>
      %get3A_16 = arith.constant 1 : index
      %get3A_17 = arith.constant 0 : index
      %get3A_18 = vector.load %arg9[%get3A_16, %get3A_17] : memref<3x64xf32, #tpu.memory_space<vmem>>, vector<1x64xf32>
      %get3A_19 = vector.shape_cast %get3A_18 : vector<1x64xf32> to vector<64xf32>
      %mul3A_20 = arith.constant 9.99999974E-5 : f32
      %mul3A_21 = vector.broadcast %mul3A_20 : f32 to vector<64xf32>
      %mul3A_22 = arith.mulf %get3A_19, %mul3A_21 : vector<64xf32>
      %mul3A_23 = arith.mulf %mul3A_15, %mul3A_15 : vector<64xf32>
      %sub3A = arith.subf %mul3A_22, %mul3A_23 : vector<64xf32>
      %add3A_24 = arith.constant 9.99999974E-6 : f32
      %add3A_25 = vector.broadcast %add3A_24 : f32 to vector<64xf32>
      %add3A_26 = arith.addf %sub3A, %add3A_25 : vector<64xf32>
      %rsqrt3A = math.rsqrt %add3A_26 : vector<64xf32>
      %get3A_27 = arith.constant 0 : index
      %get3A_28 = vector.load %arg5[%get3A_27] : memref<64xf32, #tpu.memory_space<vmem>>, vector<64xf32>
      %mul3A_29 = arith.mulf %rsqrt3A, %get3A_28 : vector<64xf32>
      %mul3A_30 = arith.constant 1000 : i32
      %mul3A_31 = arith.muli %rem3A_0, %mul3A_30 : i32
      %get3A_32 = arith.index_cast %mul3A_31 : i32 to index
      %get3A_33 = arith.constant 0 : index
      %get3A_34 = vector.load %arg10[%get3A_32, %get3A_33] : memref<10000x64xf32, #tpu.memory_space<vmem>>, vector<1000x64xf32>
      %broadcast_in_dim3A = vector.shape_cast %add3A : vector<64xf32> to vector<1x64xf32>
      %sub3A_35 = vector.broadcast %broadcast_in_dim3A : vector<1x64xf32> to vector<1000x64xf32>
      %sub3A_36 = arith.subf %get3A_34, %sub3A_35 : vector<1000x64xf32>
      %broadcast_in_dim3A_37 = vector.shape_cast %mul3A_29 : vector<64xf32> to vector<1x64xf32>
      %mul3A_38 = vector.broadcast %broadcast_in_dim3A_37 : vector<1x64xf32> to vector<1000x64xf32>
      %mul3A_39 = arith.mulf %sub3A_36, %mul3A_38 : vector<1000x64xf32>
      %get3A_40 = arith.constant 0 : index
      %get3A_41 = vector.load %arg6[%get3A_40] : memref<64xf32, #tpu.memory_space<vmem>>, vector<64xf32>
      %broadcast_in_dim3A_42 = vector.shape_cast %get3A_41 : vector<64xf32> to vector<1x64xf32>
      %add3A_43 = vector.broadcast %broadcast_in_dim3A_42 : vector<1x64xf32> to vector<1000x64xf32>
      %add3A_44 = arith.addf %mul3A_39, %add3A_43 : vector<1000x64xf32>
      %get3A_45 = arith.constant 0 : index
      %get3A_46 = arith.constant 0 : index
      %get3A_47 = vector.load %arg7[%get3A_45, %get3A_46] : memref<64x64xf32, #tpu.memory_space<vmem>>, vector<64x64xf32>
      %convert_element_type3A_48 = arith.truncf %add3A_44 : vector<1000x64xf32> to vector<1000x64xbf16>
      %convert_element_type3A_49 = arith.truncf %get3A_47 : vector<64x64xf32> to vector<64x64xbf16>
      %dot_general3A = arith.constant dense<0.000000e+00> : vector<1000x64xf32>
      %dot_general3A_50 = tpu.matmul %convert_element_type3A_48, %convert_element_type3A_49, %dot_general3A {dimension_numbers = #tpu.dot_dimension_numbers<[1], [0], [0], [1], [0, 0, 1, 1], [], []>, transpose_lhs_hint = false} : vector<1000x64xbf16>, vector<64x64xbf16>, vector<1000x64xf32> -> vector<1000x64xf32>
      %get3A_51 = arith.constant 0 : index
      %get3A_52 = arith.constant 0 : index
      %get3A_53 = vector.load %arg3[%get3A_51, %get3A_52] : memref<1000x1xf32, #tpu.memory_space<vmem>>, vector<1000x1xf32>
      %mul3A_54 = vector.broadcast %get3A_53 : vector<1000x1xf32> to vector<1000x64xf32>
      %mul3A_55 = arith.mulf %dot_general3A_50, %mul3A_54 : vector<1000x64xf32>
      %swap3A = arith.constant 0 : index
      %swap3A_56 = arith.constant 0 : index
      %swap3A_57 = vector.load %arg8[%swap3A, %swap3A_56] : memref<1000x64xf32, #tpu.memory_space<vmem>>, vector<1000x64xf32>
      tpu.vector_store %arg8[%swap3A, %swap3A_56], %mul3A_55 {strides = array<i32>} : memref<1000x64xf32, #tpu.memory_space<vmem>>, vector<1000x64xf32>,
    } else {
    }
    return
  }
  func.func @transform_0(%arg0: i32) -> (i32, i32, i32) {
    %lt3A = arith.constant 10 : i32
    %lt3A_0 = arith.cmpi slt, %arg0, %lt3A : i32
    %jit3A = arith.constant 0 : i32
    %select_n3A = arith.select %lt3A_0, %arg0, %jit3A : i32
    %c0_i32 = arith.constant 0 : i32
    %c0_i32_1 = arith.constant 0 : i32
    %c0_i32_2 = arith.constant 0 : i32
    return %c0_i32, %select_n3A, %c0_i32_1 : i32, i32, i32
  }
  func.func @transform_1(%arg0: i32) -> (i32, i32) {
    %lt3A = arith.constant 10 : i32
    %lt3A_0 = arith.cmpi slt, %arg0, %lt3A : i32
    %jit3A = arith.constant 0 : i32
    %select_n3A = arith.select %lt3A_0, %arg0, %jit3A : i32
    %c0_i32 = arith.constant 0 : i32
    %c0_i32_1 = arith.constant 0 : i32
    return %select_n3A, %c0_i32 : i32, i32
  }
  func.func @transform_2(%arg0: i32) -> (i32, i32) {
    %rem3A = arith.constant 10 : i32
    %rem3A_0 = arith.remsi %arg0, %rem3A : i32
    %c0_i32 = arith.constant 0 : i32
    %c0_i32_1 = arith.constant 0 : i32
    return %rem3A_0, %c0_i32 : i32, i32
  }
  func.func @transform_3(%arg0: i32) -> i32 {
    %c0_i32 = arith.constant 0 : i32
    %c0_i32_0 = arith.constant 0 : i32
    return %c0_i32 : i32
  }
  func.func @transform_4(%arg0: i32) -> i32 {
    %c0_i32 = arith.constant 0 : i32
    %c0_i32_0 = arith.constant 0 : i32
    return %c0_i32 : i32
  }
  func.func @transform_5(%arg0: i32) -> i32 {
    %c0_i32 = arith.constant 0 : i32
    %c0_i32_0 = arith.constant 0 : i32
    return %c0_i32 : i32
  }
  func.func @transform_6(%arg0: i32) -> (i32, i32) {
    %c0_i32 = arith.constant 0 : i32
    %c0_i32_0 = arith.constant 0 : i32
    %c0_i32_1 = arith.constant 0 : i32
    return %c0_i32, %c0_i32_0 : i32, i32
  }
  func.func @transform_7(%arg0: i32) -> (i32, i32) {
    %sub3A = arith.constant 10 : i32
    %sub3A_0 = arith.subi %arg0, %sub3A : i32
    %max3A = arith.constant 0 : i32
    %max3A_1 = arith.maxsi %sub3A_0, %max3A : i32
    %c0_i32 = arith.constant 0 : i32
    %c0_i32_2 = arith.constant 0 : i32
    return %max3A_1, %c0_i32 : i32, i32
  }
}

module attributes {stable_mosaic.version = 14 : i64} {
  func.func @_tc_tail_body(%arg0: i32, %arg1: memref<2x1000x64xf32, #tpu.memory_space<vmem>>, %arg2: memref<1000x64xf32, #tpu.memory_space<vmem>>, %arg3: memref<1000x1xf32, #tpu.memory_space<vmem>>, %arg4: memref<64xf32, #tpu.memory_space<vmem>>, %arg5: memref<64xf32, #tpu.memory_space<vmem>>, %arg6: memref<64xf32, #tpu.memory_space<vmem>>, %arg7: memref<1000x1xi32, #tpu.memory_space<vmem>>, %arg8: memref<64x64xf32, #tpu.memory_space<vmem>>, %arg9: memref<64xf32, #tpu.memory_space<vmem>>, %arg10: memref<64xf32, #tpu.memory_space<vmem>>, %arg11: memref<64xf32, #tpu.memory_space<vmem>>, %arg12: memref<3x64x64xf32, #tpu.memory_space<vmem>>, %arg13: memref<3x64xf32, #tpu.memory_space<vmem>>, %arg14: memref<3x64xf32, #tpu.memory_space<vmem>>, %arg15: memref<3x64xf32, #tpu.memory_space<vmem>>, %arg16: memref<64x1xf32, #tpu.memory_space<vmem>>, %arg17: memref<1xf32, #tpu.memory_space<vmem>>, %arg18: memref<256x1xf32, #tpu.memory_space<vmem>>, %arg19: memref<3x64xf32, #tpu.memory_space<vmem>>, %arg20: memref<256x64xf32, #tpu.memory_space<vmem>>, %arg21: memref<10000x64xf32, #tpu.memory_space<vmem>>) attributes {dimension_semantics = [#tpu.dimension_semantics<arbitrary>], iteration_bounds = array<i64: 21>, scalar_prefetch = 0 : i64, scratch_operands = 3 : i64, tpu.core_type = #tpu.core_type<tc>, window_params = [{transform_indices = @transform_0, window_bounds = array<i64: 2, 1000, 64>}, {transform_indices = @transform_1, window_bounds = array<i64: 1000, 64>}, {transform_indices = @transform_2, window_bounds = array<i64: 1000, 1>}, {pipeline_mode = #tpu.pipeline_mode<synchronous>, transform_indices = @transform_3, window_bounds = array<i64: 64>}, {pipeline_mode = #tpu.pipeline_mode<synchronous>, transform_indices = @transform_4, window_bounds = array<i64: 64>}, {pipeline_mode = #tpu.pipeline_mode<synchronous>, transform_indices = @transform_5, window_bounds = array<i64: 64>}, {transform_indices = @transform_6, window_bounds = array<i64: 1000, 1>}, {pipeline_mode = #tpu.pipeline_mode<synchronous>, transform_indices = @transform_7, window_bounds = array<i64: 64, 64>}, {pipeline_mode = #tpu.pipeline_mode<synchronous>, transform_indices = @transform_8, window_bounds = array<i64: 64>}, {pipeline_mode = #tpu.pipeline_mode<synchronous>, transform_indices = @transform_9, window_bounds = array<i64: 64>}, {pipeline_mode = #tpu.pipeline_mode<synchronous>, transform_indices = @transform_10, window_bounds = array<i64: 64>}, {pipeline_mode = #tpu.pipeline_mode<synchronous>, transform_indices = @transform_11, window_bounds = array<i64: 3, 64, 64>}, {pipeline_mode = #tpu.pipeline_mode<synchronous>, transform_indices = @transform_12, window_bounds = array<i64: 3, 64>}, {pipeline_mode = #tpu.pipeline_mode<synchronous>, transform_indices = @transform_13, window_bounds = array<i64: 3, 64>}, {pipeline_mode = #tpu.pipeline_mode<synchronous>, transform_indices = @transform_14, window_bounds = array<i64: 3, 64>}, {pipeline_mode = #tpu.pipeline_mode<synchronous>, transform_indices = @transform_15, window_bounds = array<i64: 64, 1>}, {pipeline_mode = #tpu.pipeline_mode<synchronous>, transform_indices = @transform_16, window_bounds = array<i64: 1>}, {pipeline_mode = #tpu.pipeline_mode<synchronous>, transform_indices = @transform_17, window_bounds = array<i64: 256, 1>}]} {
    %rem3A = arith.constant 10 : i32
    %rem3A_0 = arith.remsi %arg0, %rem3A : i32
    %lt3A = arith.constant 10 : i32
    %lt3A_1 = arith.cmpi slt, %arg0, %lt3A : i32
    %convert_element_type3A = arith.extui %lt3A_1 : i1 to i32
    %cond3A = arith.constant 0 : i32
    %cond3A_2 = arith.cmpi ne, %convert_element_type3A, %cond3A : i32
    scf.if %cond3A_2 {
      %get3A = arith.constant 0 : index
      %get3A_13 = arith.constant 0 : index
      %get3A_14 = arith.constant 0 : index
      %get3A_15 = vector.load %arg1[%get3A, %get3A_13, %get3A_14] : memref<2x1000x64xf32, #tpu.memory_space<vmem>>, vector<1x1000x64xf32>
      %get3A_16 = vector.shape_cast %get3A_15 : vector<1x1000x64xf32> to vector<1000x64xf32>
      %get3A_17 = arith.constant 1 : index
      %get3A_18 = arith.constant 0 : index
      %get3A_19 = arith.constant 0 : index
      %get3A_20 = vector.load %arg1[%get3A_17, %get3A_18, %get3A_19] : memref<2x1000x64xf32, #tpu.memory_space<vmem>>, vector<1x1000x64xf32>
      %get3A_21 = vector.shape_cast %get3A_20 : vector<1x1000x64xf32> to vector<1000x64xf32>
      %add3A = arith.addf %get3A_16, %get3A_21 : vector<1000x64xf32>
      %get3A_22 = arith.constant 0 : index
      %get3A_23 = arith.constant 0 : index
      %get3A_24 = vector.load %arg2[%get3A_22, %get3A_23] : memref<1000x64xf32, #tpu.memory_space<vmem>>, vector<1000x64xf32>
      %add3A_25 = arith.addf %add3A, %get3A_24 : vector<1000x64xf32>
      %get3A_26 = arith.constant 0 : index
      %get3A_27 = arith.constant 0 : index
      %get3A_28 = vector.load %arg3[%get3A_26, %get3A_27] : memref<1000x1xf32, #tpu.memory_space<vmem>>, vector<1000x1xf32>
      %mul3A = vector.broadcast %get3A_28 : vector<1000x1xf32> to vector<1000x64xf32>
      %mul3A_29 = arith.mulf %add3A_25, %mul3A : vector<1000x64xf32>
      %get3A_30 = arith.constant 0 : index
      %get3A_31 = vector.load %arg4[%get3A_30] : memref<64xf32, #tpu.memory_space<vmem>>, vector<64xf32>
      %broadcast_in_dim3A = vector.shape_cast %get3A_31 : vector<64xf32> to vector<1x64xf32>
      %add3A_32 = vector.broadcast %broadcast_in_dim3A : vector<1x64xf32> to vector<1000x64xf32>
      %add3A_33 = arith.addf %mul3A_29, %add3A_32 : vector<1000x64xf32>
      %mul3A_34 = arith.constant 1000 : i32
      %mul3A_35 = arith.muli %rem3A_0, %mul3A_34 : i32
      %swap3A = arith.index_cast %mul3A_35 : i32 to index
      %swap3A_36 = arith.constant 0 : index
      %swap3A_37 = vector.load %arg21[%swap3A, %swap3A_36] : memref<10000x64xf32, #tpu.memory_space<vmem>>, vector<1000x64xf32>
      tpu.vector_store %arg21[%swap3A, %swap3A_36], %add3A_33 {strides = array<i32>} : memref<10000x64xf32, #tpu.memory_space<vmem>>, vector<1000x64xf32>,
      %eq3A_38 = arith.constant 0 : i32
      %eq3A_39 = arith.cmpi eq, %arg0, %eq3A_38 : i32
      %convert_element_type3A_40 = arith.extui %eq3A_39 : i1 to i32
      %cond3A_41 = arith.constant 0 : i32
      %cond3A_42 = arith.cmpi ne, %convert_element_type3A_40, %cond3A_41 : i32
      scf.if %cond3A_42 {
        %reduce_sum3A_62 = arith.constant dense<0.000000e+00> : vector<64xf32>
        %reduce_sum3A_63 = vector.multi_reduction <add>, %add3A_33, %reduce_sum3A_62 [0] : vector<1000x64xf32> to vector<64xf32>
        %mul3A_64 = arith.constant 1.000000e-03 : f32
        %mul3A_65 = vector.broadcast %mul3A_64 : f32 to vector<64xf32>
        %mul3A_66 = arith.mulf %reduce_sum3A_63, %mul3A_65 : vector<64xf32>
        %swap3A_67 = arith.constant 2 : index
        %swap3A_68 = arith.constant 0 : index
        %swap3A_69 = vector.load %arg19[%swap3A_67, %swap3A_68] : memref<3x64xf32, #tpu.memory_space<vmem>>, vector<1x64xf32>
        %swap3A_70 = vector.shape_cast %swap3A_69 : vector<1x64xf32> to vector<64xf32>
        %swap3A_71 = vector.shape_cast %mul3A_66 : vector<64xf32> to vector<1x64xf32>
        tpu.vector_store %arg19[%swap3A_67, %swap3A_68], %swap3A_71 {strides = array<i32>} : memref<3x64xf32, #tpu.memory_space<vmem>>, vector<1x64xf32>,
      } else {
      }
      %get3A_43 = arith.constant 2 : index
      %get3A_44 = arith.constant 0 : index
      %get3A_45 = vector.load %arg19[%get3A_43, %get3A_44] : memref<3x64xf32, #tpu.memory_space<vmem>>, vector<1x64xf32>
      %get3A_46 = vector.shape_cast %get3A_45 : vector<1x64xf32> to vector<64xf32>
      %broadcast_in_dim3A_47 = vector.shape_cast %get3A_46 : vector<64xf32> to vector<1x64xf32>
      %sub3A = vector.broadcast %broadcast_in_dim3A_47 : vector<1x64xf32> to vector<1000x64xf32>
      %sub3A_48 = arith.subf %add3A_33, %sub3A : vector<1000x64xf32>
      %reduce_sum3A = arith.constant dense<0.000000e+00> : vector<64xf32>
      %reduce_sum3A_49 = vector.multi_reduction <add>, %sub3A_48, %reduce_sum3A [0] : vector<1000x64xf32> to vector<64xf32>
      %mul3A_50 = arith.mulf %sub3A_48, %sub3A_48 : vector<1000x64xf32>
      %reduce_sum3A_51 = arith.constant dense<0.000000e+00> : vector<64xf32>
      %reduce_sum3A_52 = vector.multi_reduction <add>, %mul3A_50, %reduce_sum3A_51 [0] : vector<1000x64xf32> to vector<64xf32>
      %eq3A_53 = arith.constant 0 : i32
      %eq3A_54 = arith.cmpi eq, %arg0, %eq3A_53 : i32
      %convert_element_type3A_55 = arith.extui %eq3A_54 : i1 to i32
      %cond3A_56 = arith.constant 0 : i32
      %cond3A_57 = arith.cmpi ne, %convert_element_type3A_55, %cond3A_56 : i32
      scf.if %cond3A_57 {
        %swap3A_62 = arith.constant 0 : index
        %swap3A_63 = arith.constant 0 : index
        %swap3A_64 = vector.load %arg19[%swap3A_62, %swap3A_63] : memref<3x64xf32, #tpu.memory_space<vmem>>, vector<1x64xf32>
        %swap3A_65 = vector.shape_cast %swap3A_64 : vector<1x64xf32> to vector<64xf32>
        %swap3A_66 = vector.shape_cast %reduce_sum3A_49 : vector<64xf32> to vector<1x64xf32>
        tpu.vector_store %arg19[%swap3A_62, %swap3A_63], %swap3A_66 {strides = array<i32>} : memref<3x64xf32, #tpu.memory_space<vmem>>, vector<1x64xf32>,
        %swap3A_67 = arith.constant 1 : index
        %swap3A_68 = arith.constant 0 : index
        %swap3A_69 = vector.load %arg19[%swap3A_67, %swap3A_68] : memref<3x64xf32, #tpu.memory_space<vmem>>, vector<1x64xf32>
        %swap3A_70 = vector.shape_cast %swap3A_69 : vector<1x64xf32> to vector<64xf32>
        %swap3A_71 = vector.shape_cast %reduce_sum3A_52 : vector<64xf32> to vector<1x64xf32>
        tpu.vector_store %arg19[%swap3A_67, %swap3A_68], %swap3A_71 {strides = array<i32>} : memref<3x64xf32, #tpu.memory_space<vmem>>, vector<1x64xf32>,
      } else {
      }
      %gt3A = arith.constant 0 : i32
      %gt3A_58 = arith.cmpi sgt, %arg0, %gt3A : i32
      %convert_element_type3A_59 = arith.extui %gt3A_58 : i1 to i32
      %cond3A_60 = arith.constant 0 : i32
      %cond3A_61 = arith.cmpi ne, %convert_element_type3A_59, %cond3A_60 : i32
      scf.if %cond3A_61 {
        %get3A_62 = arith.constant 0 : index
        %get3A_63 = arith.constant 0 : index
        %get3A_64 = vector.load %arg19[%get3A_62, %get3A_63] : memref<3x64xf32, #tpu.memory_space<vmem>>, vector<1x64xf32>
        %get3A_65 = vector.shape_cast %get3A_64 : vector<1x64xf32> to vector<64xf32>
        %add3A_66 = arith.addf %get3A_65, %reduce_sum3A_49 : vector<64xf32>
        %swap3A_67 = arith.constant 0 : index
        %swap3A_68 = arith.constant 0 : index
        %swap3A_69 = vector.load %arg19[%swap3A_67, %swap3A_68] : memref<3x64xf32, #tpu.memory_space<vmem>>, vector<1x64xf32>
        %swap3A_70 = vector.shape_cast %swap3A_69 : vector<1x64xf32> to vector<64xf32>
        %swap3A_71 = vector.shape_cast %add3A_66 : vector<64xf32> to vector<1x64xf32>
        tpu.vector_store %arg19[%swap3A_67, %swap3A_68], %swap3A_71 {strides = array<i32>} : memref<3x64xf32, #tpu.memory_space<vmem>>, vector<1x64xf32>,
        %get3A_72 = arith.constant 1 : index
        %get3A_73 = arith.constant 0 : index
        %get3A_74 = vector.load %arg19[%get3A_72, %get3A_73] : memref<3x64xf32, #tpu.memory_space<vmem>>, vector<1x64xf32>
        %get3A_75 = vector.shape_cast %get3A_74 : vector<1x64xf32> to vector<64xf32>
        %add3A_76 = arith.addf %get3A_75, %reduce_sum3A_52 : vector<64xf32>
        %swap3A_77 = arith.constant 1 : index
        %swap3A_78 = arith.constant 0 : index
        %swap3A_79 = vector.load %arg19[%swap3A_77, %swap3A_78] : memref<3x64xf32, #tpu.memory_space<vmem>>, vector<1x64xf32>
        %swap3A_80 = vector.shape_cast %swap3A_79 : vector<1x64xf32> to vector<64xf32>
        %swap3A_81 = vector.shape_cast %add3A_76 : vector<64xf32> to vector<1x64xf32>
        tpu.vector_store %arg19[%swap3A_77, %swap3A_78], %swap3A_81 {strides = array<i32>} : memref<3x64xf32, #tpu.memory_space<vmem>>, vector<1x64xf32>,
      } else {
      }
    } else {
    }
    %ge3A = arith.constant 10 : i32
    %ge3A_3 = arith.cmpi sge, %arg0, %ge3A : i32
    %lt3A_4 = arith.constant 20 : i32
    %lt3A_5 = arith.cmpi slt, %arg0, %lt3A_4 : i32
    %and3A = arith.andi %ge3A_3, %lt3A_5 : i1
    %convert_element_type3A_6 = arith.extui %and3A : i1 to i32
    %cond3A_7 = arith.constant 0 : i32
    %cond3A_8 = arith.cmpi ne, %convert_element_type3A_6, %cond3A_7 : i32
    scf.if %cond3A_8 {
      %get3A = arith.constant 2 : index
      %get3A_13 = arith.constant 0 : index
      %get3A_14 = vector.load %arg19[%get3A, %get3A_13] : memref<3x64xf32, #tpu.memory_space<vmem>>, vector<1x64xf32>
      %get3A_15 = vector.shape_cast %get3A_14 : vector<1x64xf32> to vector<64xf32>
      %get3A_16 = arith.constant 0 : index
      %get3A_17 = arith.constant 0 : index
      %get3A_18 = vector.load %arg19[%get3A_16, %get3A_17] : memref<3x64xf32, #tpu.memory_space<vmem>>, vector<1x64xf32>
      %get3A_19 = vector.shape_cast %get3A_18 : vector<1x64xf32> to vector<64xf32>
      %mul3A = arith.constant 9.99999974E-5 : f32
      %mul3A_20 = vector.broadcast %mul3A : f32 to vector<64xf32>
      %mul3A_21 = arith.mulf %get3A_19, %mul3A_20 : vector<64xf32>
      %add3A = arith.addf %get3A_15, %mul3A_21 : vector<64xf32>
      %get3A_22 = arith.constant 1 : index
      %get3A_23 = arith.constant 0 : index
      %get3A_24 = vector.load %arg19[%get3A_22, %get3A_23] : memref<3x64xf32, #tpu.memory_space<vmem>>, vector<1x64xf32>
      %get3A_25 = vector.shape_cast %get3A_24 : vector<1x64xf32> to vector<64xf32>
      %mul3A_26 = arith.constant 9.99999974E-5 : f32
      %mul3A_27 = vector.broadcast %mul3A_26 : f32 to vector<64xf32>
      %mul3A_28 = arith.mulf %get3A_25, %mul3A_27 : vector<64xf32>
      %mul3A_29 = arith.mulf %mul3A_21, %mul3A_21 : vector<64xf32>
      %sub3A = arith.subf %mul3A_28, %mul3A_29 : vector<64xf32>
      %add3A_30 = arith.constant 9.99999974E-6 : f32
      %add3A_31 = vector.broadcast %add3A_30 : f32 to vector<64xf32>
      %add3A_32 = arith.addf %sub3A, %add3A_31 : vector<64xf32>
      %rsqrt3A = math.rsqrt %add3A_32 : vector<64xf32>
      %get3A_33 = arith.constant 0 : index
      %get3A_34 = vector.load %arg5[%get3A_33] : memref<64xf32, #tpu.memory_space<vmem>>, vector<64xf32>
      %mul3A_35 = arith.mulf %rsqrt3A, %get3A_34 : vector<64xf32>
      %mul3A_36 = arith.constant 1000 : i32
      %mul3A_37 = arith.muli %rem3A_0, %mul3A_36 : i32
      %get3A_38 = arith.index_cast %mul3A_37 : i32 to index
      %get3A_39 = arith.constant 0 : index
      %get3A_40 = vector.load %arg21[%get3A_38, %get3A_39] : memref<10000x64xf32, #tpu.memory_space<vmem>>, vector<1000x64xf32>
      %broadcast_in_dim3A = vector.shape_cast %add3A : vector<64xf32> to vector<1x64xf32>
      %sub3A_41 = vector.broadcast %broadcast_in_dim3A : vector<1x64xf32> to vector<1000x64xf32>
      %sub3A_42 = arith.subf %get3A_40, %sub3A_41 : vector<1000x64xf32>
      %broadcast_in_dim3A_43 = vector.shape_cast %mul3A_35 : vector<64xf32> to vector<1x64xf32>
      %mul3A_44 = vector.broadcast %broadcast_in_dim3A_43 : vector<1x64xf32> to vector<1000x64xf32>
      %mul3A_45 = arith.mulf %sub3A_42, %mul3A_44 : vector<1000x64xf32>
      %get3A_46 = arith.constant 0 : index
      %get3A_47 = vector.load %arg6[%get3A_46] : memref<64xf32, #tpu.memory_space<vmem>>, vector<64xf32>
      %broadcast_in_dim3A_48 = vector.shape_cast %get3A_47 : vector<64xf32> to vector<1x64xf32>
      %add3A_49 = vector.broadcast %broadcast_in_dim3A_48 : vector<1x64xf32> to vector<1000x64xf32>
      %add3A_50 = arith.addf %mul3A_45, %add3A_49 : vector<1000x64xf32>
      %get3A_51 = arith.constant 0 : index
      %get3A_52 = arith.constant 0 : index
      %get3A_53 = vector.load %arg7[%get3A_51, %get3A_52] : memref<1000x1xi32, #tpu.memory_space<vmem>>, vector<1000x1xi32>
      %iota3A = tpu.iota {dimensions = array<i32: 1>} : vector<1x256xi32>
      %eq3A_54 = vector.broadcast %get3A_53 : vector<1000x1xi32> to vector<1000x256xi32>
      %eq3A_55 = vector.broadcast %iota3A : vector<1x256xi32> to vector<1000x256xi32>
      %eq3A_56 = arith.cmpi eq, %eq3A_54, %eq3A_55 : vector<1000x256xi32>
      %convert_element_type3A_57 = arith.extui %eq3A_56 : vector<1000x256xi1> to vector<1000x256xi32>
      %convert_element_type3A_58 = arith.sitofp %convert_element_type3A_57 : vector<1000x256xi32> to vector<1000x256xf32>
      %dot_general3A = arith.constant dense<0.000000e+00> : vector<256x64xf32>
      %dot_general3A_59 = tpu.matmul %convert_element_type3A_58, %add3A_50, %dot_general3A {dimension_numbers = #tpu.dot_dimension_numbers<[0], [0], [1], [1], [0, 1, 1, 1], [], []>, precision = #tpu.contract_precision<fp32>, transpose_lhs_hint = false} : vector<1000x256xf32>, vector<1000x64xf32>, vector<256x64xf32> -> vector<256x64xf32>
      %eq3A_60 = arith.constant 10 : i32
      %eq3A_61 = arith.cmpi eq, %arg0, %eq3A_60 : i32
      %convert_element_type3A_62 = arith.extui %eq3A_61 : i1 to i32
      %cond3A_63 = arith.constant 0 : i32
      %cond3A_64 = arith.cmpi ne, %convert_element_type3A_62, %cond3A_63 : i32
      scf.if %cond3A_64 {
        %swap3A = arith.constant 0 : index
        %swap3A_69 = arith.constant 0 : index
        %swap3A_70 = vector.load %arg20[%swap3A, %swap3A_69] : memref<256x64xf32, #tpu.memory_space<vmem>>, vector<256x64xf32>
        tpu.vector_store %arg20[%swap3A, %swap3A_69], %dot_general3A_59 {strides = array<i32>} : memref<256x64xf32, #tpu.memory_space<vmem>>, vector<256x64xf32>,
      } else {
      }
      %gt3A = arith.constant 10 : i32
      %gt3A_65 = arith.cmpi sgt, %arg0, %gt3A : i32
      %convert_element_type3A_66 = arith.extui %gt3A_65 : i1 to i32
      %cond3A_67 = arith.constant 0 : i32
      %cond3A_68 = arith.cmpi ne, %convert_element_type3A_66, %cond3A_67 : i32
      scf.if %cond3A_68 {
        %get3A_69 = arith.constant 0 : index
        %get3A_70 = arith.constant 0 : index
        %get3A_71 = vector.load %arg20[%get3A_69, %get3A_70] : memref<256x64xf32, #tpu.memory_space<vmem>>, vector<256x64xf32>
        %add3A_72 = arith.addf %get3A_71, %dot_general3A_59 : vector<256x64xf32>
        %swap3A = arith.constant 0 : index
        %swap3A_73 = arith.constant 0 : index
        %swap3A_74 = vector.load %arg20[%swap3A, %swap3A_73] : memref<256x64xf32, #tpu.memory_space<vmem>>, vector<256x64xf32>
        tpu.vector_store %arg20[%swap3A, %swap3A_73], %add3A_72 {strides = array<i32>} : memref<256x64xf32, #tpu.memory_space<vmem>>, vector<256x64xf32>,
      } else {
      }
    } else {
    }
    %eq3A = arith.constant 20 : i32
    %eq3A_9 = arith.cmpi eq, %arg0, %eq3A : i32
    %convert_element_type3A_10 = arith.extui %eq3A_9 : i1 to i32
    %cond3A_11 = arith.constant 0 : i32
    %cond3A_12 = arith.cmpi ne, %convert_element_type3A_10, %cond3A_11 : i32
    scf.if %cond3A_12 {
      %get3A = arith.constant 0 : index
      %get3A_13 = arith.constant 0 : index
      %get3A_14 = vector.load %arg20[%get3A, %get3A_13] : memref<256x64xf32, #tpu.memory_space<vmem>>, vector<256x64xf32>
      %get3A_15 = arith.constant 0 : index
      %get3A_16 = arith.constant 0 : index
      %get3A_17 = vector.load %arg8[%get3A_15, %get3A_16] : memref<64x64xf32, #tpu.memory_space<vmem>>, vector<64x64xf32>
      %convert_element_type3A_18 = arith.truncf %get3A_14 : vector<256x64xf32> to vector<256x64xbf16>
      %convert_element_type3A_19 = arith.truncf %get3A_17 : vector<64x64xf32> to vector<64x64xbf16>
      %dot_general3A = arith.constant dense<0.000000e+00> : vector<256x64xf32>
      %dot_general3A_20 = tpu.matmul %convert_element_type3A_18, %convert_element_type3A_19, %dot_general3A {dimension_numbers = #tpu.dot_dimension_numbers<[1], [0], [0], [1], [0, 0, 1, 1], [], []>, transpose_lhs_hint = false} : vector<256x64xbf16>, vector<64x64xbf16>, vector<256x64xf32> -> vector<256x64xf32>
      %get3A_21 = arith.constant 0 : index
      %get3A_22 = vector.load %arg9[%get3A_21] : memref<64xf32, #tpu.memory_space<vmem>>, vector<64xf32>
      %broadcast_in_dim3A = vector.shape_cast %get3A_22 : vector<64xf32> to vector<1x64xf32>
      %add3A = vector.broadcast %broadcast_in_dim3A : vector<1x64xf32> to vector<256x64xf32>
      %add3A_23 = arith.addf %dot_general3A_20, %add3A : vector<256x64xf32>
      %max3A = arith.constant 0.000000e+00 : f32
      %max3A_24 = vector.broadcast %max3A : f32 to vector<256x64xf32>
      %max3A_25 = arith.maximumf %add3A_23, %max3A_24 : vector<256x64xf32>
      %get3A_26 = arith.constant 0 : index
      %get3A_27 = vector.load %arg10[%get3A_26] : memref<64xf32, #tpu.memory_space<vmem>>, vector<64xf32>
      %get3A_28 = arith.constant 0 : index
      %get3A_29 = vector.load %arg11[%get3A_28] : memref<64xf32, #tpu.memory_space<vmem>>, vector<64xf32>
      %reduce_sum3A = arith.constant dense<0.000000e+00> : vector<64xf32>
      %reduce_sum3A_30 = vector.multi_reduction <add>, %max3A_25, %reduce_sum3A [0] : vector<256x64xf32> to vector<64xf32>
      %div3A = arith.constant 2.560000e+02 : f32
      %div3A_31 = vector.broadcast %div3A : f32 to vector<64xf32>
      %div3A_32 = arith.divf %reduce_sum3A_30, %div3A_31 : vector<64xf32>
      %broadcast_in_dim3A_33 = vector.shape_cast %div3A_32 : vector<64xf32> to vector<1x64xf32>
      %sub3A = vector.broadcast %broadcast_in_dim3A_33 : vector<1x64xf32> to vector<256x64xf32>
      %sub3A_34 = arith.subf %max3A_25, %sub3A : vector<256x64xf32>
      %mul3A = arith.mulf %sub3A_34, %sub3A_34 : vector<256x64xf32>
      %reduce_sum3A_35 = arith.constant dense<0.000000e+00> : vector<64xf32>
      %reduce_sum3A_36 = vector.multi_reduction <add>, %mul3A, %reduce_sum3A_35 [0] : vector<256x64xf32> to vector<64xf32>
      %div3A_37 = arith.constant 2.560000e+02 : f32
      %div3A_38 = vector.broadcast %div3A_37 : f32 to vector<64xf32>
      %div3A_39 = arith.divf %reduce_sum3A_36, %div3A_38 : vector<64xf32>
      %add3A_40 = arith.constant 9.99999974E-6 : f32
      %add3A_41 = vector.broadcast %add3A_40 : f32 to vector<64xf32>
      %add3A_42 = arith.addf %div3A_39, %add3A_41 : vector<64xf32>
      %rsqrt3A = math.rsqrt %add3A_42 : vector<64xf32>
      %broadcast_in_dim3A_43 = vector.shape_cast %rsqrt3A : vector<64xf32> to vector<1x64xf32>
      %mul3A_44 = vector.broadcast %broadcast_in_dim3A_43 : vector<1x64xf32> to vector<256x64xf32>
      %mul3A_45 = arith.mulf %sub3A_34, %mul3A_44 : vector<256x64xf32>
      %broadcast_in_dim3A_46 = vector.shape_cast %get3A_27 : vector<64xf32> to vector<1x64xf32>
      %mul3A_47 = vector.broadcast %broadcast_in_dim3A_46 : vector<1x64xf32> to vector<256x64xf32>
      %mul3A_48 = arith.mulf %mul3A_45, %mul3A_47 : vector<256x64xf32>
      %broadcast_in_dim3A_49 = vector.shape_cast %get3A_29 : vector<64xf32> to vector<1x64xf32>
      %add3A_50 = vector.broadcast %broadcast_in_dim3A_49 : vector<1x64xf32> to vector<256x64xf32>
      %add3A_51 = arith.addf %mul3A_48, %add3A_50 : vector<256x64xf32>
      %get3A_52 = arith.constant 0 : index
      %get3A_53 = arith.constant 0 : index
      %get3A_54 = arith.constant 0 : index
      %get3A_55 = vector.load %arg12[%get3A_52, %get3A_53, %get3A_54] : memref<3x64x64xf32, #tpu.memory_space<vmem>>, vector<1x64x64xf32>
      %get3A_56 = vector.shape_cast %get3A_55 : vector<1x64x64xf32> to vector<64x64xf32>
      %convert_element_type3A_57 = arith.truncf %add3A_51 : vector<256x64xf32> to vector<256x64xbf16>
      %convert_element_type3A_58 = arith.truncf %get3A_56 : vector<64x64xf32> to vector<64x64xbf16>
      %dot_general3A_59 = arith.constant dense<0.000000e+00> : vector<256x64xf32>
      %dot_general3A_60 = tpu.matmul %convert_element_type3A_57, %convert_element_type3A_58, %dot_general3A_59 {dimension_numbers = #tpu.dot_dimension_numbers<[1], [0], [0], [1], [0, 0, 1, 1], [], []>, transpose_lhs_hint = false} : vector<256x64xbf16>, vector<64x64xbf16>, vector<256x64xf32> -> vector<256x64xf32>
      %get3A_61 = arith.constant 0 : index
      %get3A_62 = arith.constant 0 : index
      %get3A_63 = vector.load %arg13[%get3A_61, %get3A_62] : memref<3x64xf32, #tpu.memory_space<vmem>>, vector<1x64xf32>
      %get3A_64 = vector.shape_cast %get3A_63 : vector<1x64xf32> to vector<64xf32>
      %broadcast_in_dim3A_65 = vector.shape_cast %get3A_64 : vector<64xf32> to vector<1x64xf32>
      %add3A_66 = vector.broadcast %broadcast_in_dim3A_65 : vector<1x64xf32> to vector<256x64xf32>
      %add3A_67 = arith.addf %dot_general3A_60, %add3A_66 : vector<256x64xf32>
      %max3A_68 = arith.constant 0.000000e+00 : f32
      %max3A_69 = vector.broadcast %max3A_68 : f32 to vector<256x64xf32>
      %max3A_70 = arith.maximumf %add3A_67, %max3A_69 : vector<256x64xf32>
      %get3A_71 = arith.constant 0 : index
      %get3A_72 = arith.constant 0 : index
      %get3A_73 = vector.load %arg14[%get3A_71, %get3A_72] : memref<3x64xf32, #tpu.memory_space<vmem>>, vector<1x64xf32>
      %get3A_74 = vector.shape_cast %get3A_73 : vector<1x64xf32> to vector<64xf32>
      %get3A_75 = arith.constant 0 : index
      %get3A_76 = arith.constant 0 : index
      %get3A_77 = vector.load %arg15[%get3A_75, %get3A_76] : memref<3x64xf32, #tpu.memory_space<vmem>>, vector<1x64xf32>
      %get3A_78 = vector.shape_cast %get3A_77 : vector<1x64xf32> to vector<64xf32>
      %reduce_sum3A_79 = arith.constant dense<0.000000e+00> : vector<64xf32>
      %reduce_sum3A_80 = vector.multi_reduction <add>, %max3A_70, %reduce_sum3A_79 [0] : vector<256x64xf32> to vector<64xf32>
      %div3A_81 = arith.constant 2.560000e+02 : f32
      %div3A_82 = vector.broadcast %div3A_81 : f32 to vector<64xf32>
      %div3A_83 = arith.divf %reduce_sum3A_80, %div3A_82 : vector<64xf32>
      %broadcast_in_dim3A_84 = vector.shape_cast %div3A_83 : vector<64xf32> to vector<1x64xf32>
      %sub3A_85 = vector.broadcast %broadcast_in_dim3A_84 : vector<1x64xf32> to vector<256x64xf32>
      %sub3A_86 = arith.subf %max3A_70, %sub3A_85 : vector<256x64xf32>
      %mul3A_87 = arith.mulf %sub3A_86, %sub3A_86 : vector<256x64xf32>
      %reduce_sum3A_88 = arith.constant dense<0.000000e+00> : vector<64xf32>
      %reduce_sum3A_89 = vector.multi_reduction <add>, %mul3A_87, %reduce_sum3A_88 [0] : vector<256x64xf32> to vector<64xf32>
      %div3A_90 = arith.constant 2.560000e+02 : f32
      %div3A_91 = vector.broadcast %div3A_90 : f32 to vector<64xf32>
      %div3A_92 = arith.divf %reduce_sum3A_89, %div3A_91 : vector<64xf32>
      %add3A_93 = arith.constant 9.99999974E-6 : f32
      %add3A_94 = vector.broadcast %add3A_93 : f32 to vector<64xf32>
      %add3A_95 = arith.addf %div3A_92, %add3A_94 : vector<64xf32>
      %rsqrt3A_96 = math.rsqrt %add3A_95 : vector<64xf32>
      %broadcast_in_dim3A_97 = vector.shape_cast %rsqrt3A_96 : vector<64xf32> to vector<1x64xf32>
      %mul3A_98 = vector.broadcast %broadcast_in_dim3A_97 : vector<1x64xf32> to vector<256x64xf32>
      %mul3A_99 = arith.mulf %sub3A_86, %mul3A_98 : vector<256x64xf32>
      %broadcast_in_dim3A_100 = vector.shape_cast %get3A_74 : vector<64xf32> to vector<1x64xf32>
      %mul3A_101 = vector.broadcast %broadcast_in_dim3A_100 : vector<1x64xf32> to vector<256x64xf32>
      %mul3A_102 = arith.mulf %mul3A_99, %mul3A_101 : vector<256x64xf32>
      %broadcast_in_dim3A_103 = vector.shape_cast %get3A_78 : vector<64xf32> to vector<1x64xf32>
      %add3A_104 = vector.broadcast %broadcast_in_dim3A_103 : vector<1x64xf32> to vector<256x64xf32>
      %add3A_105 = arith.addf %mul3A_102, %add3A_104 : vector<256x64xf32>
      %get3A_106 = arith.constant 1 : index
      %get3A_107 = arith.constant 0 : index
      %get3A_108 = arith.constant 0 : index
      %get3A_109 = vector.load %arg12[%get3A_106, %get3A_107, %get3A_108] : memref<3x64x64xf32, #tpu.memory_space<vmem>>, vector<1x64x64xf32>
      %get3A_110 = vector.shape_cast %get3A_109 : vector<1x64x64xf32> to vector<64x64xf32>
      %convert_element_type3A_111 = arith.truncf %add3A_105 : vector<256x64xf32> to vector<256x64xbf16>
      %convert_element_type3A_112 = arith.truncf %get3A_110 : vector<64x64xf32> to vector<64x64xbf16>
      %dot_general3A_113 = arith.constant dense<0.000000e+00> : vector<256x64xf32>
      %dot_general3A_114 = tpu.matmul %convert_element_type3A_111, %convert_element_type3A_112, %dot_general3A_113 {dimension_numbers = #tpu.dot_dimension_numbers<[1], [0], [0], [1], [0, 0, 1, 1], [], []>, transpose_lhs_hint = false} : vector<256x64xbf16>, vector<64x64xbf16>, vector<256x64xf32> -> vector<256x64xf32>
      %get3A_115 = arith.constant 1 : index
      %get3A_116 = arith.constant 0 : index
      %get3A_117 = vector.load %arg13[%get3A_115, %get3A_116] : memref<3x64xf32, #tpu.memory_space<vmem>>, vector<1x64xf32>
      %get3A_118 = vector.shape_cast %get3A_117 : vector<1x64xf32> to vector<64xf32>
      %broadcast_in_dim3A_119 = vector.shape_cast %get3A_118 : vector<64xf32> to vector<1x64xf32>
      %add3A_120 = vector.broadcast %broadcast_in_dim3A_119 : vector<1x64xf32> to vector<256x64xf32>
      %add3A_121 = arith.addf %dot_general3A_114, %add3A_120 : vector<256x64xf32>
      %max3A_122 = arith.constant 0.000000e+00 : f32
      %max3A_123 = vector.broadcast %max3A_122 : f32 to vector<256x64xf32>
      %max3A_124 = arith.maximumf %add3A_121, %max3A_123 : vector<256x64xf32>
      %get3A_125 = arith.constant 1 : index
      %get3A_126 = arith.constant 0 : index
      %get3A_127 = vector.load %arg14[%get3A_125, %get3A_126] : memref<3x64xf32, #tpu.memory_space<vmem>>, vector<1x64xf32>
      %get3A_128 = vector.shape_cast %get3A_127 : vector<1x64xf32> to vector<64xf32>
      %get3A_129 = arith.constant 1 : index
      %get3A_130 = arith.constant 0 : index
      %get3A_131 = vector.load %arg15[%get3A_129, %get3A_130] : memref<3x64xf32, #tpu.memory_space<vmem>>, vector<1x64xf32>
      %get3A_132 = vector.shape_cast %get3A_131 : vector<1x64xf32> to vector<64xf32>
      %reduce_sum3A_133 = arith.constant dense<0.000000e+00> : vector<64xf32>
      %reduce_sum3A_134 = vector.multi_reduction <add>, %max3A_124, %reduce_sum3A_133 [0] : vector<256x64xf32> to vector<64xf32>
      %div3A_135 = arith.constant 2.560000e+02 : f32
      %div3A_136 = vector.broadcast %div3A_135 : f32 to vector<64xf32>
      %div3A_137 = arith.divf %reduce_sum3A_134, %div3A_136 : vector<64xf32>
      %broadcast_in_dim3A_138 = vector.shape_cast %div3A_137 : vector<64xf32> to vector<1x64xf32>
      %sub3A_139 = vector.broadcast %broadcast_in_dim3A_138 : vector<1x64xf32> to vector<256x64xf32>
      %sub3A_140 = arith.subf %max3A_124, %sub3A_139 : vector<256x64xf32>
      %mul3A_141 = arith.mulf %sub3A_140, %sub3A_140 : vector<256x64xf32>
      %reduce_sum3A_142 = arith.constant dense<0.000000e+00> : vector<64xf32>
      %reduce_sum3A_143 = vector.multi_reduction <add>, %mul3A_141, %reduce_sum3A_142 [0] : vector<256x64xf32> to vector<64xf32>
      %div3A_144 = arith.constant 2.560000e+02 : f32
      %div3A_145 = vector.broadcast %div3A_144 : f32 to vector<64xf32>
      %div3A_146 = arith.divf %reduce_sum3A_143, %div3A_145 : vector<64xf32>
      %add3A_147 = arith.constant 9.99999974E-6 : f32
      %add3A_148 = vector.broadcast %add3A_147 : f32 to vector<64xf32>
      %add3A_149 = arith.addf %div3A_146, %add3A_148 : vector<64xf32>
      %rsqrt3A_150 = math.rsqrt %add3A_149 : vector<64xf32>
      %broadcast_in_dim3A_151 = vector.shape_cast %rsqrt3A_150 : vector<64xf32> to vector<1x64xf32>
      %mul3A_152 = vector.broadcast %broadcast_in_dim3A_151 : vector<1x64xf32> to vector<256x64xf32>
      %mul3A_153 = arith.mulf %sub3A_140, %mul3A_152 : vector<256x64xf32>
      %broadcast_in_dim3A_154 = vector.shape_cast %get3A_128 : vector<64xf32> to vector<1x64xf32>
      %mul3A_155 = vector.broadcast %broadcast_in_dim3A_154 : vector<1x64xf32> to vector<256x64xf32>
      %mul3A_156 = arith.mulf %mul3A_153, %mul3A_155 : vector<256x64xf32>
      %broadcast_in_dim3A_157 = vector.shape_cast %get3A_132 : vector<64xf32> to vector<1x64xf32>
      %add3A_158 = vector.broadcast %broadcast_in_dim3A_157 : vector<1x64xf32> to vector<256x64xf32>
      %add3A_159 = arith.addf %mul3A_156, %add3A_158 : vector<256x64xf32>
      %get3A_160 = arith.constant 2 : index
      %get3A_161 = arith.constant 0 : index
      %get3A_162 = arith.constant 0 : index
      %get3A_163 = vector.load %arg12[%get3A_160, %get3A_161, %get3A_162] : memref<3x64x64xf32, #tpu.memory_space<vmem>>, vector<1x64x64xf32>
      %get3A_164 = vector.shape_cast %get3A_163 : vector<1x64x64xf32> to vector<64x64xf32>
      %convert_element_type3A_165 = arith.truncf %add3A_159 : vector<256x64xf32> to vector<256x64xbf16>
      %convert_element_type3A_166 = arith.truncf %get3A_164 : vector<64x64xf32> to vector<64x64xbf16>
      %dot_general3A_167 = arith.constant dense<0.000000e+00> : vector<256x64xf32>
      %dot_general3A_168 = tpu.matmul %convert_element_type3A_165, %convert_element_type3A_166, %dot_general3A_167 {dimension_numbers = #tpu.dot_dimension_numbers<[1], [0], [0], [1], [0, 0, 1, 1], [], []>, transpose_lhs_hint = false} : vector<256x64xbf16>, vector<64x64xbf16>, vector<256x64xf32> -> vector<256x64xf32>
      %get3A_169 = arith.constant 2 : index
      %get3A_170 = arith.constant 0 : index
      %get3A_171 = vector.load %arg13[%get3A_169, %get3A_170] : memref<3x64xf32, #tpu.memory_space<vmem>>, vector<1x64xf32>
      %get3A_172 = vector.shape_cast %get3A_171 : vector<1x64xf32> to vector<64xf32>
      %broadcast_in_dim3A_173 = vector.shape_cast %get3A_172 : vector<64xf32> to vector<1x64xf32>
      %add3A_174 = vector.broadcast %broadcast_in_dim3A_173 : vector<1x64xf32> to vector<256x64xf32>
      %add3A_175 = arith.addf %dot_general3A_168, %add3A_174 : vector<256x64xf32>
      %max3A_176 = arith.constant 0.000000e+00 : f32
      %max3A_177 = vector.broadcast %max3A_176 : f32 to vector<256x64xf32>
      %max3A_178 = arith.maximumf %add3A_175, %max3A_177 : vector<256x64xf32>
      %get3A_179 = arith.constant 2 : index
      %get3A_180 = arith.constant 0 : index
      %get3A_181 = vector.load %arg14[%get3A_179, %get3A_180] : memref<3x64xf32, #tpu.memory_space<vmem>>, vector<1x64xf32>
      %get3A_182 = vector.shape_cast %get3A_181 : vector<1x64xf32> to vector<64xf32>
      %get3A_183 = arith.constant 2 : index
      %get3A_184 = arith.constant 0 : index
      %get3A_185 = vector.load %arg15[%get3A_183, %get3A_184] : memref<3x64xf32, #tpu.memory_space<vmem>>, vector<1x64xf32>
      %get3A_186 = vector.shape_cast %get3A_185 : vector<1x64xf32> to vector<64xf32>
      %reduce_sum3A_187 = arith.constant dense<0.000000e+00> : vector<64xf32>
      %reduce_sum3A_188 = vector.multi_reduction <add>, %max3A_178, %reduce_sum3A_187 [0] : vector<256x64xf32> to vector<64xf32>
      %div3A_189 = arith.constant 2.560000e+02 : f32
      %div3A_190 = vector.broadcast %div3A_189 : f32 to vector<64xf32>
      %div3A_191 = arith.divf %reduce_sum3A_188, %div3A_190 : vector<64xf32>
      %broadcast_in_dim3A_192 = vector.shape_cast %div3A_191 : vector<64xf32> to vector<1x64xf32>
      %sub3A_193 = vector.broadcast %broadcast_in_dim3A_192 : vector<1x64xf32> to vector<256x64xf32>
      %sub3A_194 = arith.subf %max3A_178, %sub3A_193 : vector<256x64xf32>
      %mul3A_195 = arith.mulf %sub3A_194, %sub3A_194 : vector<256x64xf32>
      %reduce_sum3A_196 = arith.constant dense<0.000000e+00> : vector<64xf32>
      %reduce_sum3A_197 = vector.multi_reduction <add>, %mul3A_195, %reduce_sum3A_196 [0] : vector<256x64xf32> to vector<64xf32>
      %div3A_198 = arith.constant 2.560000e+02 : f32
      %div3A_199 = vector.broadcast %div3A_198 : f32 to vector<64xf32>
      %div3A_200 = arith.divf %reduce_sum3A_197, %div3A_199 : vector<64xf32>
      %add3A_201 = arith.constant 9.99999974E-6 : f32
      %add3A_202 = vector.broadcast %add3A_201 : f32 to vector<64xf32>
      %add3A_203 = arith.addf %div3A_200, %add3A_202 : vector<64xf32>
      %rsqrt3A_204 = math.rsqrt %add3A_203 : vector<64xf32>
      %broadcast_in_dim3A_205 = vector.shape_cast %rsqrt3A_204 : vector<64xf32> to vector<1x64xf32>
      %mul3A_206 = vector.broadcast %broadcast_in_dim3A_205 : vector<1x64xf32> to vector<256x64xf32>
      %mul3A_207 = arith.mulf %sub3A_194, %mul3A_206 : vector<256x64xf32>
      %broadcast_in_dim3A_208 = vector.shape_cast %get3A_182 : vector<64xf32> to vector<1x64xf32>
      %mul3A_209 = vector.broadcast %broadcast_in_dim3A_208 : vector<1x64xf32> to vector<256x64xf32>
      %mul3A_210 = arith.mulf %mul3A_207, %mul3A_209 : vector<256x64xf32>
      %broadcast_in_dim3A_211 = vector.shape_cast %get3A_186 : vector<64xf32> to vector<1x64xf32>
      %add3A_212 = vector.broadcast %broadcast_in_dim3A_211 : vector<1x64xf32> to vector<256x64xf32>
      %add3A_213 = arith.addf %mul3A_210, %add3A_212 : vector<256x64xf32>
      %get3A_214 = arith.constant 0 : index
      %get3A_215 = arith.constant 0 : index
      %get3A_216 = vector.load %arg16[%get3A_214, %get3A_215] : memref<64x1xf32, #tpu.memory_space<vmem>>, vector<64x1xf32>
      %convert_element_type3A_217 = arith.truncf %add3A_213 : vector<256x64xf32> to vector<256x64xbf16>
      %convert_element_type3A_218 = arith.truncf %get3A_216 : vector<64x1xf32> to vector<64x1xbf16>
      %dot_general3A_219 = arith.constant dense<0.000000e+00> : vector<256x1xf32>
      %dot_general3A_220 = tpu.matmul %convert_element_type3A_217, %convert_element_type3A_218, %dot_general3A_219 {dimension_numbers = #tpu.dot_dimension_numbers<[1], [0], [0], [1], [0, 0, 1, 1], [], []>, transpose_lhs_hint = false} : vector<256x64xbf16>, vector<64x1xbf16>, vector<256x1xf32> -> vector<256x1xf32>
      %get3A_221 = arith.constant 0 : index
      %get3A_222 = vector.load %arg17[%get3A_221] : memref<1xf32, #tpu.memory_space<vmem>>, vector<1xf32>
      %broadcast_in_dim3A_223 = vector.shape_cast %get3A_222 : vector<1xf32> to vector<1x1xf32>
      %add3A_224 = vector.broadcast %broadcast_in_dim3A_223 : vector<1x1xf32> to vector<256x1xf32>
      %add3A_225 = arith.addf %dot_general3A_220, %add3A_224 : vector<256x1xf32>
      %swap3A = arith.constant 0 : index
      %swap3A_226 = arith.constant 0 : index
      %swap3A_227 = vector.load %arg18[%swap3A, %swap3A_226] : memref<256x1xf32, #tpu.memory_space<vmem>>, vector<256x1xf32>
      tpu.vector_store %arg18[%swap3A, %swap3A_226], %add3A_225 {strides = array<i32>} : memref<256x1xf32, #tpu.memory_space<vmem>>, vector<256x1xf32>,
    } else {
    }
    return
  }
  func.func @transform_0(%arg0: i32) -> (i32, i32, i32) {
    %lt3A = arith.constant 10 : i32
    %lt3A_0 = arith.cmpi slt, %arg0, %lt3A : i32
    %jit3A = arith.constant 0 : i32
    %select_n3A = arith.select %lt3A_0, %arg0, %jit3A : i32
    %c0_i32 = arith.constant 0 : i32
    %c0_i32_1 = arith.constant 0 : i32
    %c0_i32_2 = arith.constant 0 : i32
    return %c0_i32, %select_n3A, %c0_i32_1 : i32, i32, i32
  }
  func.func @transform_1(%arg0: i32) -> (i32, i32) {
    %lt3A = arith.constant 10 : i32
    %lt3A_0 = arith.cmpi slt, %arg0, %lt3A : i32
    %jit3A = arith.constant 0 : i32
    %select_n3A = arith.select %lt3A_0, %arg0, %jit3A : i32
    %c0_i32 = arith.constant 0 : i32
    %c0_i32_1 = arith.constant 0 : i32
    return %select_n3A, %c0_i32 : i32, i32
  }
  func.func @transform_2(%arg0: i32) -> (i32, i32) {
    %rem3A = arith.constant 10 : i32
    %rem3A_0 = arith.remsi %arg0, %rem3A : i32
    %c0_i32 = arith.constant 0 : i32
    %c0_i32_1 = arith.constant 0 : i32
    return %rem3A_0, %c0_i32 : i32, i32
  }
  func.func @transform_3(%arg0: i32) -> i32 {
    %c0_i32 = arith.constant 0 : i32
    %c0_i32_0 = arith.constant 0 : i32
    return %c0_i32 : i32
  }
  func.func @transform_4(%arg0: i32) -> i32 {
    %c0_i32 = arith.constant 0 : i32
    %c0_i32_0 = arith.constant 0 : i32
    return %c0_i32 : i32
  }
  func.func @transform_5(%arg0: i32) -> i32 {
    %c0_i32 = arith.constant 0 : i32
    %c0_i32_0 = arith.constant 0 : i32
    return %c0_i32 : i32
  }
  func.func @transform_6(%arg0: i32) -> (i32, i32) {
    %ge3A = arith.constant 10 : i32
    %ge3A_0 = arith.cmpi sge, %arg0, %ge3A : i32
    %lt3A = arith.constant 20 : i32
    %lt3A_1 = arith.cmpi slt, %arg0, %lt3A : i32
    %and3A = arith.andi %ge3A_0, %lt3A_1 : i1
    %sub3A = arith.constant 10 : i32
    %sub3A_2 = arith.subi %arg0, %sub3A : i32
    %jit3A = arith.constant 0 : i32
    %select_n3A = arith.select %and3A, %sub3A_2, %jit3A : i32
    %c0_i32 = arith.constant 0 : i32
    %c0_i32_3 = arith.constant 0 : i32
    return %select_n3A, %c0_i32 : i32, i32
  }
  func.func @transform_7(%arg0: i32) -> (i32, i32) {
    %c0_i32 = arith.constant 0 : i32
    %c0_i32_0 = arith.constant 0 : i32
    %c0_i32_1 = arith.constant 0 : i32
    return %c0_i32, %c0_i32_0 : i32, i32
  }
  func.func @transform_8(%arg0: i32) -> i32 {
    %c0_i32 = arith.constant 0 : i32
    %c0_i32_0 = arith.constant 0 : i32
    return %c0_i32 : i32
  }
  func.func @transform_9(%arg0: i32) -> i32 {
    %c0_i32 = arith.constant 0 : i32
    %c0_i32_0 = arith.constant 0 : i32
    return %c0_i32 : i32
  }
  func.func @transform_10(%arg0: i32) -> i32 {
    %c0_i32 = arith.constant 0 : i32
    %c0_i32_0 = arith.constant 0 : i32
    return %c0_i32 : i32
  }
  func.func @transform_11(%arg0: i32) -> (i32, i32, i32) {
    %c0_i32 = arith.constant 0 : i32
    %c0_i32_0 = arith.constant 0 : i32
    %c0_i32_1 = arith.constant 0 : i32
    %c0_i32_2 = arith.constant 0 : i32
    return %c0_i32, %c0_i32_0, %c0_i32_1 : i32, i32, i32
  }
  func.func @transform_12(%arg0: i32) -> (i32, i32) {
    %c0_i32 = arith.constant 0 : i32
    %c0_i32_0 = arith.constant 0 : i32
    %c0_i32_1 = arith.constant 0 : i32
    return %c0_i32, %c0_i32_0 : i32, i32
  }
  func.func @transform_13(%arg0: i32) -> (i32, i32) {
    %c0_i32 = arith.constant 0 : i32
    %c0_i32_0 = arith.constant 0 : i32
    %c0_i32_1 = arith.constant 0 : i32
    return %c0_i32, %c0_i32_0 : i32, i32
  }
  func.func @transform_14(%arg0: i32) -> (i32, i32) {
    %c0_i32 = arith.constant 0 : i32
    %c0_i32_0 = arith.constant 0 : i32
    %c0_i32_1 = arith.constant 0 : i32
    return %c0_i32, %c0_i32_0 : i32, i32
  }
  func.func @transform_15(%arg0: i32) -> (i32, i32) {
    %c0_i32 = arith.constant 0 : i32
    %c0_i32_0 = arith.constant 0 : i32
    %c0_i32_1 = arith.constant 0 : i32
    return %c0_i32, %c0_i32_0 : i32, i32
  }
  func.func @transform_16(%arg0: i32) -> i32 {
    %c0_i32 = arith.constant 0 : i32
    %c0_i32_0 = arith.constant 0 : i32
    return %c0_i32 : i32
  }
  func.func @transform_17(%arg0: i32) -> (i32, i32) {
    %c0_i32 = arith.constant 0 : i32
    %c0_i32_0 = arith.constant 0 : i32
    %c0_i32_1 = arith.constant 0 : i32
    return %c0_i32, %c0_i32_0 : i32, i32
  }
}

</mosaic_0001>

<sc_bundles>
// kernel: kernel.12.cloned.1.call-start
scs
__scs_entry_jumppad:
0x0: {  	(pc) =	sbr.rel $0x88, $3  }
0x1: {  	(tag) =	ssettag $0x0;
	lr =	simm.s32 $0x1  }
0x2: {  	[smem:$0x3F8C] =	sst lr;
	_ =	strace $0xD0000000  }
0x3: {  	_ = 	snop  }
0x4: {  	_ = 	snop  }
0x5: {  	_ = 	snop  }
0x6: {  	_ = 	snop  }
0x7: {  	_ = 	snop  }
__scs_overlays_trampoline_lowered:
0x8: {  	[smem:$0x3F9B] =	sst s0  }
0x9: {  	[smem:$0x3F9C] =	sst s1  }
0xa: {  	[smem:$0x3F9D] =	sst s2  }
0xb: {  	[smem:$0x3F9E] =	sst s3  }
0xc: {  	[smem:$0x3F9F] =	sst s4  }
0xd: {  	[smem:$0x3FA0] =	sst s5  }
0xe: {  	[smem:$0x3FA1] =	sst s6  }
0xf: {  	[smem:$0x3FA2] =	sst s7  }
0x10: {  	[smem:$0x3FA3] =	sst s8  }
0x11: {  	[smem:$0x3FA4] =	sst s9;
	s0 =	simm.s32 @!p0 $0x0  }
0x12: {  	s1 =	sld [smem:$0x3F8A];
	s0 =	simm.s32 @p0 $0x1  }
0x13: {  	[smem:$0x3FA5] =	sst s0;
	s0 =	simm.s32 @!p1 $0x0  }
0x14: {  	s2 =	sld [smem:$0x3F89];
	s0 =	simm.s32 @p1 $0x1  }
0x15: {  	[smem:$0x3FA6] =	sst s0;
	s0 =	simm.s32 @!p2 $0x0  }
0x16: {  	s3 =	sld [smem:$0x3FDB];
	s0 =	simm.s32 @p2 $0x1  }
0x17: {  	s4 =	simm.s32 $0x1BF5;
	[smem:$0x3FA8] =	sst s0  }
0x18: {  	s0 =	sld [smem:$0x3F8B];
	_ =	swait.ge [sflag:s4], $0x0  }
0x19: {  	s7 =	sld [smem:$0x3F8C]  }
0x1a: {  	s8 =	sadd.s32 $0xFFFFE003, lr  }
0x1b: {  	s9 =	sadd.s32 $0xFFFFFEF7, lr;
	s5 =	simm.s32 $0xFFFFFFFF;
	p2 =	slt.u32 s8, $0xFFFFF086  }
0x1c: {  	p1 =	slt.u32 s9, $0xF7A;
	s5 =	simm.s32 @!p2 $0x0  }
0x1d: {  	s5 =	simm.s32 @p1 $0x1;
	p0 =	seq.s32 s7, s2  }
0x1e: {  	s7 =	smul.u32 @!p0 $0xF7A, s2;
	p2 =	seq.s32 @!p0 s5, $0x0  }
0x1f: {  	s9 =	smul.u32 $0xF7A, s1;
	s8 =	simm.s32 @!p0 $0x1BF5;
	p2 =	por !p2, p0  }
0x20: {  	[sflag:s8] =	ssyncset.s32 @!p0 $0xFFFFF086;
	s6 =	sadd.s32 @!p0 s3, s7;
	s7 =	simm.s32 @!p0 $0x108  }
0x21: {  	s3 =	sadd.s32 s3, s9;
	s6 =	sadd.s32 @!p0 $0x88, s6;
	s7 =	simm.s32 @p2 $0x1082  }
0x22: {  	[simem:s7], [sflag:s8] =	dma.local @!p0 [hbm:s6], $0xF7A  }
0x23: {  	s9 =	sor.u32 $0xD0000000, s2;
	s6 =	simm.s32 $0x108;
	_ =	swait.ge @!p0 [sflag:s8], $0x0  }
0x24: {  	s3 =	sadd.s32 $0x88, s3;
	s6 =	simm.s32 @!p1 $0x1082;
	[sflag:s4] =	ssyncset.s32 $0xFFFFF086  }
0x25: {  	[simem:s6], [sflag:s4] =	dma.local [hbm:s3], $0xF7A  }
0x26: {  	[smem:$0x3F8C] =	sst s1;
	(tag) =	ssettag s2;
	_ =	strace s9  }
0x27: {  	s1 =	sld [smem:$0x3F9C]  }
0x28: {  	s2 =	sld [smem:$0x3F9D]  }
0x29: {  	s4 =	sld [smem:$0x3F9F]  }
0x2a: {  	p0 =	seq.s32 s5, $0x0;
	s5 =	sld [smem:$0x3FA0]  }
0x2b: {  	s6 =	sld [smem:$0x3FA1]  }
0x2c: {  	s7 =	sld [smem:$0x3FA2]  }
0x2d: {  	s3 =	simm.s32 $0x108;
	s8 =	sld [smem:$0x3FA3]  }
0x2e: {  	s3 =	simm.s32 @!p0 $0x1082;
	s9 =	sld [smem:$0x3FA4]  }
0x2f: {  	lr =	sadd.s32 s0, s3;
	s0 =	sld [smem:$0x3F9B]  }
0x30: {  	s3 =	sld [smem:$0x3F9E]  }
0x31: {  	[smem:$0x3FA7] =	sst s10  }
0x32: {  	s10 =	sld [smem:$0x3FA5];
	_ =	sdelay $0x3  }
0x33: {  	p0 =	seq.s32 s10, $0x1;
	s10 =	sld [smem:$0x3FA7];
	_ =	sdelay $0x3  }
0x34: {  	[smem:$0x3FA7] =	sst s10  }
0x35: {  	s10 =	sld [smem:$0x3FA6];
	_ =	sdelay $0x3  }
0x36: {  	p1 =	seq.s32 s10, $0x1;
	s10 =	sld [smem:$0x3FA7];
	_ =	sdelay $0x3  }
0x37: {  	[smem:$0x3FA7] =	sst s10  }
0x38: {  	s10 =	sld [smem:$0x3FA8]  }
0x39: {  	_ = 	snop;
	(pc) =	sbr.ind lr, $3  }
0x3a: {  	_ = 	snop  }
0x3b: {  	_ = 	snop  }
0x3c: {  	p2 =	seq.s32 s10, $0x1;
	s10 =	sld [smem:$0x3FA7]  }
0x3d: {  	_ =	shalt  }
0x3e: {  	_ =	shalt  }
0x3f: {  	_ =	shalt  }
0x40: {  	_ =	shalt  }
0x41: {  	_ =	shalt  }
0x42: {  	_ =	shalt  }
0x43: {  	_ =	shalt  }
0x44: {  	_ =	shalt  }
0x45: {  	_ =	shalt  }
0x46: {  	_ =	shalt  }
0x47: {  	_ =	shalt  }
0x48: {  	_ =	shalt  }
0x49: {  	_ =	shalt  }
0x4a: {  	_ =	shalt  }
0x4b: {  	_ =	shalt  }
0x4c: {  	_ =	shalt  }
0x4d: {  	_ =	shalt  }
0x4e: {  	_ =	shalt  }
0x4f: {  	_ =	shalt  }
0x50: {  	_ =	shalt  }
0x51: {  	_ =	shalt  }
0x52: {  	_ =	shalt  }
0x53: {  	_ =	shalt  }
0x54: {  	_ =	shalt  }
0x55: {  	_ =	shalt  }
0x56: {  	_ =	shalt  }
0x57: {  	_ =	shalt  }
0x58: {  	_ =	shalt  }
0x59: {  	_ =	shalt  }
0x5a: {  	_ =	shalt  }
0x5b: {  	_ =	shalt  }
0x5c: {  	_ =	shalt  }
0x5d: {  	_ =	shalt  }
0x5e: {  	_ =	shalt  }
0x5f: {  	_ =	shalt  }
0x60: {  	_ =	shalt  }
0x61: {  	_ =	shalt  }
0x62: {  	_ =	shalt  }
0x63: {  	_ =	shalt  }
0x64: {  	_ =	shalt  }
0x65: {  	_ =	shalt  }
0x66: {  	_ =	shalt  }
0x67: {  	_ =	shalt  }
0x68: {  	_ =	shalt  }
0x69: {  	_ =	shalt  }
0x6a: {  	_ =	shalt  }
0x6b: {  	_ =	shalt  }
0x6c: {  	_ =	shalt  }
0x6d: {  	_ =	shalt  }
0x6e: {  	_ =	shalt  }
0x6f: {  	_ =	shalt  }
0x70: {  	_ =	shalt  }
0x71: {  	_ =	shalt  }
0x72: {  	_ =	shalt  }
0x73: {  	_ =	shalt  }
0x74: {  	_ =	shalt  }
0x75: {  	_ =	shalt  }
0x76: {  	_ =	shalt  }
0x77: {  	_ =	shalt  }
0x78: {  	_ =	shalt  }
0x79: {  	_ =	shalt  }
0x7a: {  	_ =	shalt  }
0x7b: {  	_ =	shalt  }
0x7c: {  	_ =	shalt  }
0x7d: {  	_ =	shalt  }
0x7e: {  	_ =	shalt  }
0x7f: {  	_ =	shalt  }
0x80: {  	_ =	shalt  }
0x81: {  	_ =	shalt  }
0x82: {  	_ =	shalt  }
0x83: {  	_ =	shalt  }
0x84: {  	_ =	shalt  }
0x85: {  	_ =	shalt  }
0x86: {  	_ =	shalt  }
0x87: {  	_ =	shalt  }
.Lfunc_end0:
.L_simem_size_0:
called_computation_lowered:
.L_overlay_start_0:
0x88: {  	s2 =	sld [smem:$0x3FD9]  }
0x89: {  	s3 =	sld [smem:$0x3FFE];
	_ =	sdelay $0x1  }
0x8a: {  	s1 =	srdreg.scid  }
0x8b: {  	s0 =	sand.u32 $0x1, s1  }
0x8c: {  	s16 =	sshll.u32 s0, $0xA;
	s2 =	sadd.s32 s3, s2  }
0x8d: {  	s2 =	sadd.s32 s2, s16  }
0x8e: {  	[smem:$0x3FB3] =	sst s2  }
0x8f: {  	_ = 	snop  }
0x90: {  	(tm) =	ssettm $0x1  }
0x91: {  	s17 =	sld [smem:$0x3FFB];
	_ =	sdelay $0x3  }
0x92: {  	_ =	strace s17  }
0x93: {  	s2 =	sld [smem:$0x3FFC];
	_ =	sdelay $0x3  }
0x94: {  	_ =	strace s2  }
0x95: {  	s2 =	sld [smem:$0x3FFD];
	_ =	sdelay $0x3  }
0x96: {  	_ =	strace s2  }
0x97: {  	_ =	strace $0x8FFFFFFF  }
0x98: {  	s18 =	sld [smem:$0x3FDB];
	_ =	sdelay $0x1  }
0x99: {  	s19 =	simm.s32 $_scs_section_size  }
0x9a: {  	s4 =	simm.s32 $_size__tile_overlayer_lowered;
	s5 =	simm.s32 $_tile_overlayer_lowered  }
0x9b: {  	s22 =	simm.s32 $0x1BFF;
	s21 =	sshll.u32 s5, $0x1;
	s2 =	sadd.s32 s19, s18  }
0x9c: {  	s6 =	simm.s32 $0x0;
	s20 =	sshll.u32 s4, $0x1;
	s4 =	sadd.s32 s21, s2  }
0x9d: {  	[timem:s6], [sflag:s22] =	dma.local [hbm:s4], s20  }
0x9e: {  	_ =	swait.ge [sflag:s22], s20  }
0x9f: {  	s3 =	ssub.s32 $0x0, s20;
	[sflag:s22] =	ssyncset.done $0x0  }
0xa0: {  	[sflag:s22] =	ssyncadd.s32 s3;
	_ =	sdelay $0x1  }
0xa1: {  	s23 =	simm.s32 $0x1B8B  }
0xa2: {  	_ =	swait.ge [sflag:s23], $0x1  }
0xa3: {  	[sflag:s23] =	ssyncset.done $0x0  }
0xa4: {  	s25 =	simm.s32 $0x1B8E;
	s24 =	sld [smem:$0x3FFE];
	[sflag:s23] =	ssyncadd.s32 $0xFFFFFFFF  }
0xa5: {  	s26 =	simm.s32 $execute0_lowered;
	[smem:$0x3FD2] =	sst s25  }
0xa6: {  	s4 =	sshll.u32 s26, $0x1;
	_ =	strace $0x80000046;
	[dreg:$0x1] =	wrdreg $0xFFFFFFFF  }
0xa7: {  	s28 =	simm.s32 $_size_execute0_lowered;
	s2 =	sadd.s32 s2, s4;
	[dreg:$0x0] =	wrdreg $0x0  }
0xa8: {  	s4 =	sshll.u32 s28, $0x1;
	[dreg:$0x2] =	wrdreg s2  }
0xa9: {  	[dreg:$0x3] =	wrdreg s4  }
0xaa: {  	[dreg:$0x4] =	wrdreg $0xC0  }
0xab: {  	_ =	task [dreg:s6], $0x5FFFF  }
0xac: {  	[dreg:$0x1] =	wrdreg $0xFFFFFFFF  }
0xad: {  	[dreg:$0x0] =	wrdreg $0x60  }
0xae: {  	[dreg:$0x2] =	wrdreg s24  }
0xaf: {  	[dreg:$0x3] =	wrdreg $0x2B000  }
0xb0: {  	[dreg:$0x4] =	wrdreg $0x9  }
0xb1: {  	_ =	task.clear_ibuf [dreg:s6], $0x5FFFF;
	_ =	strace $0x90000046  }
0xb2: {  	s29 =	simm.s32 $0x9;
	_ =	strace $0x80000048  }
0xb3: {  	_ =	swait.ge [sflag:s29], $0x1  }
0xb4: {  	[sflag:s29] =	ssyncadd.s32 $0xFFFFFFFF  }
0xb5: {  	_ =	strace $0x90000048  }
0xb6: {  	_ =	sfence  }
0xb7: {  	s30 =	sld [smem:$0x0];
	_ =	sdelay $0x2  }
0xb8: {  	s31 =	sshll.u32 s1, $0xD;
	s1 =	sshrl.u32 s1, $0x2  }
0xb9: {  	s3 =	sand.u32 $0x4000, s31;
	s1 =	sadd.s32 s1, s30  }
0xba: {  	s0 =	sor.u32 s3, s0;
	s1 =	sshll.u32 s1, $0x11  }
0xbb: {  	s0 =	sor.u32 s1, s0  }
0xbc: {  	s0 =	sadd.s32 $0x8F2B, s0  }
0xbd: {  	[sflag:s0] =	ssyncadd.remote.s32 $0x1  }
0xbe: {  	_ =	sfence.sel $0xFFFF  }
0xbf: {  	[dreg:$0x0] =	wrdreg $0xFFFFFFFF;
	(pc) =	sbr.abs _section_cstart, $3  }
0xc0: {  	[dreg:$0x1] =	wrdreg $0xFFFFFFFF  }
0xc1: {  	_ =	task.clear_ibuf [dreg:s6], $0x2FFFF;
	_ =	strace $0x9FFFFFFF  }
0xc2: {  	(tm) =	ssettm $0x7FFFFFFF  }
0xc3: {  	_ =	shalt  }
tec
execute0_lowered:
.L_overlay_start_1:
0x0: {  	(tag) =	ssettag $0x1  }
0x1: {  	s0 =	srdreg.scid;
	s7 =	rddreg [dreg:$0x0]  }
0x2: {  	s2 =	rddreg [dreg:$0x1];
	s1 =	stileid.u32;
	s3 =	simm.s32 $0x0  }
0x3: {  	s9 =	simm.s32 $0x19400;
	s10 =	simm.s32 $0x7D;
	s11 =	simm.s32 $0x2800  }
0x4: {  	s14 =	simm.s32 $0x0;
	s4 =	sand.u32 $0x1, s0;
	s0 =	rddreg [dreg:$0x2]  }
0x5: {  	[smem:$0x7FF] =	sst s3;
	s31 =	smul.u32 $0x280, s1;
	s12 =	sshll.u32 s1, $0x6  }
0x6: {  	s5 =	sshll.u32 s4, $0x4;
	s6 =	ssub.s32 $0x2, s4;
	_ =	strace $0x80000047  }
0x7: {  	p0 =	seq.s32 s4, $0x1;
	s12 =	sor.u32 $0x1C01, s12;
	s5 =	sor.u32 s1, s5  }
0x8: {  	s8 =	sshrl.u32 s6, $0x1;
	s4 =	sadd.s32 s31, s2;
	s5 =	smul.u32 $0x2800, s5  }
0x9: {  	s9 =	simm.s32 @!p0 $0x18E00;
	s6 =	ssub.s32 s6, s8;
	s8 =	sshrl.u32 s31, $0x3  }
0xa: {  	s13 =	sshrl.u32 s4, $0x3;
	s6 =	smax.u32 s6, $0x1;
	s5 =	sshrl.u32 s5, $0x3  }
0xb: {  	s5 =	sadd.s32 s7, s5;
	s7 =	sadd.s32 s9, s7;
	s9 =	simm.s32 $0x1  }
0xc: {  	v0 =	vimm.f32 $0.0e+00;
	v1 =	vimm.f32 $1.000000000e+00;
	s5 =	sadd.s32 $0xEE00, s5;
	s7 =	sadd.s32 s7, s8;
	s8 =	simm.s32 $0x2880  }
.LBB2_1:
0xd: {  	[tilespmem:$0x2880] =	vst v0  }
0xe: {  	[tilespmem:$0x2890] =	vst v0  }
0xf: {  	[tilespmem:$0x28A0] =	vst v0  }
0x10: {  	[tilespmem:$0x28B0] =	vst v0  }
0x11: {  	[tilespmem:$0x28C0] =	vst v0  }
0x12: {  	[tilespmem:$0x28D0] =	vst v0  }
0x13: {  	[tilespmem:$0x28E0] =	vst v0  }
0x14: {  	[tilespmem:$0x28F0] =	vst v0  }
0x15: {  	[tilespmem:$0x2900] =	vst v0  }
0x16: {  	[tilespmem:$0x2910] =	vst v0  }
0x17: {  	[tilespmem:$0x2920] =	vst v0  }
0x18: {  	[tilespmem:$0x2930] =	vst v0  }
0x19: {  	[tilespmem:$0x2940] =	vst v0  }
0x1a: {  	[tilespmem:$0x2950] =	vst v0  }
0x1b: {  	[tilespmem:$0x2960] =	vst v0  }
0x1c: {  	[tilespmem:$0x2970] =	vst v0  }
0x1d: {  	[tilespmem:$0x2980] =	vst v0  }
0x1e: {  	[tilespmem:$0x2990] =	vst v0  }
0x1f: {  	[tilespmem:$0x29A0] =	vst v0  }
0x20: {  	[tilespmem:$0x29B0] =	vst v0  }
0x21: {  	[tilespmem:$0x29C0] =	vst v0  }
0x22: {  	[tilespmem:$0x29D0] =	vst v0  }
0x23: {  	[tilespmem:$0x29E0] =	vst v0  }
0x24: {  	[tilespmem:$0x29F0] =	vst v0  }
0x25: {  	[tilespmem:$0x2A00] =	vst v0  }
0x26: {  	[tilespmem:$0x2A10] =	vst v0  }
0x27: {  	[tilespmem:$0x2A20] =	vst v0  }
0x28: {  	[tilespmem:$0x2A30] =	vst v0  }
0x29: {  	[tilespmem:$0x2A40] =	vst v0  }
0x2a: {  	[tilespmem:$0x2A50] =	vst v0  }
0x2b: {  	[tilespmem:$0x2A60] =	vst v0  }
0x2c: {  	[tilespmem:$0x2A70] =	vst v0  }
0x2d: {  	[tilespmem:$0x2A80] =	vst v0  }
0x2e: {  	[tilespmem:$0x2A90] =	vst v0  }
0x2f: {  	[tilespmem:$0x2AA0] =	vst v0  }
0x30: {  	[tilespmem:$0x2AB0] =	vst v0  }
0x31: {  	[tilespmem:$0x2AC0] =	vst v0  }
0x32: {  	[tilespmem:$0x2AD0] =	vst v0  }
0x33: {  	[tilespmem:$0x2AE0] =	vst v0  }
0x34: {  	[tilespmem:$0x2AF0] =	vst v0  }
0x35: {  	[tilespmem:$0x2800] =	vst v1  }
0x36: {  	[tilespmem:$0x2810] =	vst v1  }
0x37: {  	[tilespmem:$0x2820] =	vst v1  }
0x38: {  	[tilespmem:$0x2830] =	vst v1  }
0x39: {  	[tilespmem:$0x2840] =	vst v1  }
0x3a: {  	[tilespmem:$0x2850] =	vst v1  }
0x3b: {  	[tilespmem:$0x2860] =	vst v1  }
0x3c: {  	[tilespmem:$0x2870] =	vst v1  }
0x3d: {  	[spmem:s4] =	stream.linear.scatter [tilespmem:s8], [sflag:$0x1], $0x280, $0x38;
	[tilespmem:$0x2D80] =	vst v63  }
0x3e: {  	_ =	swait.ge [sflag:s9], $0x280  }
0x3f: {  	[sflag:s9] =	ssyncset.done $0x0  }
0x40: {  	[sflag:s9] =	ssyncadd.s32 $0xFFFFFD80  }
0x41: {  	[tilespmem:s3], [sflag:$0x1] =	stream.linear.gather [hbm4b:s5+s3], $0x2800, $0x38;
	[tilespmem:$0x2D80] =	vst v63  }
0x42: {  	_ =	swait.ge [sflag:s9], $0x2800  }
0x43: {  	[sflag:s9] =	ssyncset.done $0x0  }
0x44: {  	[sflag:s9] =	ssyncadd.s32 $0xFFFFD800  }
0x45: {  	s15 =	simm.s32 $0x0;
	[bflag:$0x0] =	sbarrier.arrive $0xFFFF  }
0x46: {  	[spmem:s2] =	stream.indirect.scatter.add.f32 [tilespmem:s11], [sflag:$0x1], $0x1, s15, s10, $0xb8;
	[tilespmem:$0x2D80] =	vst v63  }
0x47: {  	_ =	swait.ge [sflag:s9], $0x7D  }
0x48: {  	s15 =	simm.s32 $0x200;
	[sflag:s9] =	ssyncset.done $0x0  }
.LBB2_2:
0x49: {  	s16 =	sshra.s32 s15, $0x2;
	[sflag:s9] =	ssyncadd.s32 $0xFFFFFF83;
	p0 =	sne.s32 s15, $0x9E00  }
0x4a: {  	[spmem:s2] =	stream.indirect.scatter.add.f32 [tilespmem:s11], [sflag:$0x1], $0x1, s16, s10, $0xb8;
	[tilespmem:$0x2D80] =	vst v63  }
.Ltmp0:
0x4b: {  	_ = 	snop;
	(pc) =	sbr.rel @p0 .LBB2_2-.Ltmp0, $4  }
0x4c: {  	_ = 	snop  }
0x4d: {  	s15 =	sadd.s32 $0x200, s15  }
0x4e: {  	_ =	swait.ge [sflag:s9], $0x7D  }
0x4f: {  	[sflag:s9] =	ssyncset.done $0x0  }
0x50: {  	s14 =	sadd.s32 $0x1, s14  }
0x51: {  	[sflag:s9] =	ssyncadd.s32 $0xFFFFFF83;
	p0 =	sne.s32 s14, s6  }
.Ltmp1:
0x52: {  	[bflag:$0x0] =	sbarrier.arrive $0xFFFF;
	(pc) =	sbr.rel @p0 .LBB2_1-.Ltmp1, $4  }
0x53: {  	[hbm:s7], [sflag:s12] =	dma.local [spmem:s13], $0x50  }
0x54: {  	_ =	swait.ge [sflag:s9], $0x50  }
0x55: {  	[sflag:s9] =	ssyncset.done $0x0  }
0x56: {  	[sflag:s9] =	ssyncadd.s32 $0xFFFFFFB0  }
0x57: {  	_ =	sfence.sel $0x180000  }
0x58: {  	[bflag:$0x0] =	sbarrier.arrive $0xFFFF  }
0x59: {  	p0 =	sne.s32 s1, $0x0;
	_ =	strace $0x90000047  }
0x5a: {  	s0 =	sadd.s32 @!p0 $0x100000, s0;
	[bflag:$0x2] =	sbarrier.arrive $0xFFFF  }
0x5b: {  	[sflag:s0] =	ssyncadd.tile.s32 @!p0 $0x1;
	_ =	shalt  }
.Lfunc_end2:
_tile_overlayer_lowered:
.L_overlay_start_2:
0x5c: {  	(tag) =	ssettag $0x2  }
0x5d: {  	s0 =	rddreg [dreg:$0x0];
	s2 =	stileid.u32  }
0x5e: {  	s1 =	rddreg [dreg:$0x1];
	p0 =	sne.s32 s2, $0x0  }
0x5f: {  	s3 =	rddreg [dreg:$0x2];
	[bflag:$0x3] =	sbarrier.arrive $0xFFFF;
	s2 =	simm.s32 @!p0 $0x1C01  }
0x60: {  	[timem:s3], [sflag:s2] =	dma.local @!p0 [hbm:s0], s1  }
0x61: {  	s0 =	simm.s32 @!p0 $0x1  }
0x62: {  	_ =	swait.ge @!p0 [sflag:s0], s1  }
0x63: {  	s1 =	ssub.s32 @!p0 $0x0, s1;
	[sflag:s0] =	ssyncset.done @!p0 $0x0  }
0x64: {  	[sflag:s0] =	ssyncadd.s32 @!p0 s1  }
0x65: {  	[bflag:$0x3] =	sbarrier.arrive $0xFFFF  }
0x66: {  	_ =	shalt  }

// kernel: kernel.15.cloned.1.call-start
scs
__scs_entry_jumppad:
0x0: {  	(pc) =	sbr.rel $0x88, $3  }
0x1: {  	(tag) =	ssettag $0x0;
	lr =	simm.s32 $0x1  }
0x2: {  	[smem:$0x3F8C] =	sst lr;
	_ =	strace $0xD0000000  }
0x3: {  	_ = 	snop  }
0x4: {  	_ = 	snop  }
0x5: {  	_ = 	snop  }
0x6: {  	_ = 	snop  }
0x7: {  	_ = 	snop  }
__scs_overlays_trampoline_lowered:
0x8: {  	[smem:$0x3F9B] =	sst s0  }
0x9: {  	[smem:$0x3F9C] =	sst s1  }
0xa: {  	[smem:$0x3F9D] =	sst s2  }
0xb: {  	[smem:$0x3F9E] =	sst s3  }
0xc: {  	[smem:$0x3F9F] =	sst s4  }
0xd: {  	[smem:$0x3FA0] =	sst s5  }
0xe: {  	[smem:$0x3FA1] =	sst s6  }
0xf: {  	[smem:$0x3FA2] =	sst s7  }
0x10: {  	[smem:$0x3FA3] =	sst s8  }
0x11: {  	[smem:$0x3FA4] =	sst s9;
	s0 =	simm.s32 @!p0 $0x0  }
0x12: {  	s1 =	sld [smem:$0x3F8A];
	s0 =	simm.s32 @p0 $0x1  }
0x13: {  	[smem:$0x3FA5] =	sst s0;
	s0 =	simm.s32 @!p1 $0x0  }
0x14: {  	s2 =	sld [smem:$0x3F89];
	s0 =	simm.s32 @p1 $0x1  }
0x15: {  	[smem:$0x3FA6] =	sst s0;
	s0 =	simm.s32 @!p2 $0x0  }
0x16: {  	s3 =	sld [smem:$0x3FDB];
	s0 =	simm.s32 @p2 $0x1  }
0x17: {  	s4 =	simm.s32 $0x1BF5;
	[smem:$0x3FA8] =	sst s0  }
0x18: {  	s0 =	sld [smem:$0x3F8B];
	_ =	swait.ge [sflag:s4], $0x0  }
0x19: {  	s7 =	sld [smem:$0x3F8C]  }
0x1a: {  	s8 =	sadd.s32 $0xFFFFE003, lr  }
0x1b: {  	s9 =	sadd.s32 $0xFFFFFEF7, lr;
	s5 =	simm.s32 $0xFFFFFFFF;
	p2 =	slt.u32 s8, $0xFFFFF086  }
0x1c: {  	p1 =	slt.u32 s9, $0xF7A;
	s5 =	simm.s32 @!p2 $0x0  }
0x1d: {  	s5 =	simm.s32 @p1 $0x1;
	p0 =	seq.s32 s7, s2  }
0x1e: {  	s7 =	smul.u32 @!p0 $0xF7A, s2;
	p2 =	seq.s32 @!p0 s5, $0x0  }
0x1f: {  	s9 =	smul.u32 $0xF7A, s1;
	s8 =	simm.s32 @!p0 $0x1BF5;
	p2 =	por !p2, p0  }
0x20: {  	[sflag:s8] =	ssyncset.s32 @!p0 $0xFFFFF086;
	s6 =	sadd.s32 @!p0 s3, s7;
	s7 =	simm.s32 @!p0 $0x108  }
0x21: {  	s3 =	sadd.s32 s3, s9;
	s6 =	sadd.s32 @!p0 $0x88, s6;
	s7 =	simm.s32 @p2 $0x1082  }
0x22: {  	[simem:s7], [sflag:s8] =	dma.local @!p0 [hbm:s6], $0xF7A  }
0x23: {  	s9 =	sor.u32 $0xD0000000, s2;
	s6 =	simm.s32 $0x108;
	_ =	swait.ge @!p0 [sflag:s8], $0x0  }
0x24: {  	s3 =	sadd.s32 $0x88, s3;
	s6 =	simm.s32 @!p1 $0x1082;
	[sflag:s4] =	ssyncset.s32 $0xFFFFF086  }
0x25: {  	[simem:s6], [sflag:s4] =	dma.local [hbm:s3], $0xF7A  }
0x26: {  	[smem:$0x3F8C] =	sst s1;
	(tag) =	ssettag s2;
	_ =	strace s9  }
0x27: {  	s1 =	sld [smem:$0x3F9C]  }
0x28: {  	s2 =	sld [smem:$0x3F9D]  }
0x29: {  	s4 =	sld [smem:$0x3F9F]  }
0x2a: {  	p0 =	seq.s32 s5, $0x0;
	s5 =	sld [smem:$0x3FA0]  }
0x2b: {  	s6 =	sld [smem:$0x3FA1]  }
0x2c: {  	s7 =	sld [smem:$0x3FA2]  }
0x2d: {  	s3 =	simm.s32 $0x108;
	s8 =	sld [smem:$0x3FA3]  }
0x2e: {  	s3 =	simm.s32 @!p0 $0x1082;
	s9 =	sld [smem:$0x3FA4]  }
0x2f: {  	lr =	sadd.s32 s0, s3;
	s0 =	sld [smem:$0x3F9B]  }
0x30: {  	s3 =	sld [smem:$0x3F9E]  }
0x31: {  	[smem:$0x3FA7] =	sst s10  }
0x32: {  	s10 =	sld [smem:$0x3FA5];
	_ =	sdelay $0x3  }
0x33: {  	p0 =	seq.s32 s10, $0x1;
	s10 =	sld [smem:$0x3FA7];
	_ =	sdelay $0x3  }
0x34: {  	[smem:$0x3FA7] =	sst s10  }
0x35: {  	s10 =	sld [smem:$0x3FA6];
	_ =	sdelay $0x3  }
0x36: {  	p1 =	seq.s32 s10, $0x1;
	s10 =	sld [smem:$0x3FA7];
	_ =	sdelay $0x3  }
0x37: {  	[smem:$0x3FA7] =	sst s10  }
0x38: {  	s10 =	sld [smem:$0x3FA8]  }
0x39: {  	_ = 	snop;
	(pc) =	sbr.ind lr, $3  }
0x3a: {  	_ = 	snop  }
0x3b: {  	_ = 	snop  }
0x3c: {  	p2 =	seq.s32 s10, $0x1;
	s10 =	sld [smem:$0x3FA7]  }
0x3d: {  	_ =	shalt  }
0x3e: {  	_ =	shalt  }
0x3f: {  	_ =	shalt  }
0x40: {  	_ =	shalt  }
0x41: {  	_ =	shalt  }
0x42: {  	_ =	shalt  }
0x43: {  	_ =	shalt  }
0x44: {  	_ =	shalt  }
0x45: {  	_ =	shalt  }
0x46: {  	_ =	shalt  }
0x47: {  	_ =	shalt  }
0x48: {  	_ =	shalt  }
0x49: {  	_ =	shalt  }
0x4a: {  	_ =	shalt  }
0x4b: {  	_ =	shalt  }
0x4c: {  	_ =	shalt  }
0x4d: {  	_ =	shalt  }
0x4e: {  	_ =	shalt  }
0x4f: {  	_ =	shalt  }
0x50: {  	_ =	shalt  }
0x51: {  	_ =	shalt  }
0x52: {  	_ =	shalt  }
0x53: {  	_ =	shalt  }
0x54: {  	_ =	shalt  }
0x55: {  	_ =	shalt  }
0x56: {  	_ =	shalt  }
0x57: {  	_ =	shalt  }
0x58: {  	_ =	shalt  }
0x59: {  	_ =	shalt  }
0x5a: {  	_ =	shalt  }
0x5b: {  	_ =	shalt  }
0x5c: {  	_ =	shalt  }
0x5d: {  	_ =	shalt  }
0x5e: {  	_ =	shalt  }
0x5f: {  	_ =	shalt  }
0x60: {  	_ =	shalt  }
0x61: {  	_ =	shalt  }
0x62: {  	_ =	shalt  }
0x63: {  	_ =	shalt  }
0x64: {  	_ =	shalt  }
0x65: {  	_ =	shalt  }
0x66: {  	_ =	shalt  }
0x67: {  	_ =	shalt  }
0x68: {  	_ =	shalt  }
0x69: {  	_ =	shalt  }
0x6a: {  	_ =	shalt  }
0x6b: {  	_ =	shalt  }
0x6c: {  	_ =	shalt  }
0x6d: {  	_ =	shalt  }
0x6e: {  	_ =	shalt  }
0x6f: {  	_ =	shalt  }
0x70: {  	_ =	shalt  }
0x71: {  	_ =	shalt  }
0x72: {  	_ =	shalt  }
0x73: {  	_ =	shalt  }
0x74: {  	_ =	shalt  }
0x75: {  	_ =	shalt  }
0x76: {  	_ =	shalt  }
0x77: {  	_ =	shalt  }
0x78: {  	_ =	shalt  }
0x79: {  	_ =	shalt  }
0x7a: {  	_ =	shalt  }
0x7b: {  	_ =	shalt  }
0x7c: {  	_ =	shalt  }
0x7d: {  	_ =	shalt  }
0x7e: {  	_ =	shalt  }
0x7f: {  	_ =	shalt  }
0x80: {  	_ =	shalt  }
0x81: {  	_ =	shalt  }
0x82: {  	_ =	shalt  }
0x83: {  	_ =	shalt  }
0x84: {  	_ =	shalt  }
0x85: {  	_ =	shalt  }
0x86: {  	_ =	shalt  }
0x87: {  	_ =	shalt  }
.Lfunc_end0:
.L_simem_size_0:
called_computation.1_lowered:
.L_overlay_start_0:
0x88: {  	s2 =	sld [smem:$0x3FD9]  }
0x89: {  	s3 =	sld [smem:$0x3FFE];
	_ =	sdelay $0x1  }
0x8a: {  	s1 =	srdreg.scid  }
0x8b: {  	s0 =	sand.u32 $0x1, s1  }
0x8c: {  	s16 =	sshll.u32 s0, $0xA;
	s2 =	sadd.s32 s3, s2  }
0x8d: {  	s2 =	sadd.s32 s2, s16  }
0x8e: {  	[smem:$0x3FB3] =	sst s2  }
0x8f: {  	_ = 	snop  }
0x90: {  	(tm) =	ssettm $0x1  }
0x91: {  	s17 =	sld [smem:$0x3FFB];
	_ =	sdelay $0x3  }
0x92: {  	_ =	strace s17  }
0x93: {  	s2 =	sld [smem:$0x3FFC];
	_ =	sdelay $0x3  }
0x94: {  	_ =	strace s2  }
0x95: {  	s2 =	sld [smem:$0x3FFD];
	_ =	sdelay $0x3  }
0x96: {  	_ =	strace s2  }
0x97: {  	_ =	strace $0x8FFFFFFF  }
0x98: {  	s18 =	sld [smem:$0x3FDB];
	_ =	sdelay $0x1  }
0x99: {  	s19 =	simm.s32 $_scs_section_size  }
0x9a: {  	s4 =	simm.s32 $_size__tile_overlayer_lowered;
	s5 =	simm.s32 $_tile_overlayer_lowered  }
0x9b: {  	s22 =	simm.s32 $0x1BFF;
	s21 =	sshll.u32 s5, $0x1;
	s2 =	sadd.s32 s19, s18  }
0x9c: {  	s6 =	simm.s32 $0x0;
	s20 =	sshll.u32 s4, $0x1;
	s4 =	sadd.s32 s21, s2  }
0x9d: {  	[timem:s6], [sflag:s22] =	dma.local [hbm:s4], s20  }
0x9e: {  	_ =	swait.ge [sflag:s22], s20  }
0x9f: {  	s3 =	ssub.s32 $0x0, s20;
	[sflag:s22] =	ssyncset.done $0x0  }
0xa0: {  	[sflag:s22] =	ssyncadd.s32 s3;
	_ =	sdelay $0x1  }
0xa1: {  	s23 =	simm.s32 $0x1B8B  }
0xa2: {  	_ =	swait.ge [sflag:s23], $0x1  }
0xa3: {  	[sflag:s23] =	ssyncset.done $0x0  }
0xa4: {  	s25 =	simm.s32 $0x1B8E;
	s24 =	sld [smem:$0x3FFE];
	[sflag:s23] =	ssyncadd.s32 $0xFFFFFFFF  }
0xa5: {  	s26 =	simm.s32 $execute0_lowered;
	[smem:$0x3FD2] =	sst s25  }
0xa6: {  	s4 =	sshll.u32 s26, $0x1;
	_ =	strace $0x80000049;
	[dreg:$0x1] =	wrdreg $0xFFFFFFFF  }
0xa7: {  	s28 =	simm.s32 $_size_execute0_lowered;
	s2 =	sadd.s32 s2, s4;
	[dreg:$0x0] =	wrdreg $0x0  }
0xa8: {  	s4 =	sshll.u32 s28, $0x1;
	[dreg:$0x2] =	wrdreg s2  }
0xa9: {  	[dreg:$0x3] =	wrdreg s4  }
0xaa: {  	[dreg:$0x4] =	wrdreg $0xC0  }
0xab: {  	_ =	task [dreg:s6], $0x5FFFF  }
0xac: {  	[dreg:$0x1] =	wrdreg $0xFFFFFFFF  }
0xad: {  	[dreg:$0x0] =	wrdreg $0x60  }
0xae: {  	[dreg:$0x2] =	wrdreg s24  }
0xaf: {  	[dreg:$0x3] =	wrdreg $0x11D000  }
0xb0: {  	[dreg:$0x4] =	wrdreg $0x9  }
0xb1: {  	_ =	task.clear_ibuf [dreg:s6], $0x5FFFF;
	_ =	strace $0x90000049  }
0xb2: {  	s29 =	simm.s32 $0x9;
	_ =	strace $0x8000004B  }
0xb3: {  	_ =	swait.ge [sflag:s29], $0x1  }
0xb4: {  	[sflag:s29] =	ssyncadd.s32 $0xFFFFFFFF  }
0xb5: {  	_ =	strace $0x9000004B  }
0xb6: {  	_ =	sfence  }
0xb7: {  	s30 =	sld [smem:$0x0];
	_ =	sdelay $0x2  }
0xb8: {  	s31 =	sshll.u32 s1, $0xD;
	s1 =	sshrl.u32 s1, $0x2  }
0xb9: {  	s3 =	sand.u32 $0x4000, s31;
	s1 =	sadd.s32 s1, s30  }
0xba: {  	s0 =	sor.u32 s3, s0;
	s1 =	sshll.u32 s1, $0x11  }
0xbb: {  	s0 =	sor.u32 s1, s0  }
0xbc: {  	s0 =	sadd.s32 $0x8F2B, s0  }
0xbd: {  	[sflag:s0] =	ssyncadd.remote.s32 $0x1  }
0xbe: {  	_ =	sfence.sel $0xFFFF  }
0xbf: {  	[dreg:$0x0] =	wrdreg $0xFFFFFFFF;
	(pc) =	sbr.abs _section_cstart, $3  }
0xc0: {  	[dreg:$0x1] =	wrdreg $0xFFFFFFFF  }
0xc1: {  	_ =	task.clear_ibuf [dreg:s6], $0x2FFFF;
	_ =	strace $0x9FFFFFFF  }
0xc2: {  	(tm) =	ssettm $0x7FFFFFFF  }
0xc3: {  	_ =	shalt  }
tec
execute0_lowered:
.L_overlay_start_1:
0x0: {  	(tag) =	ssettag $0x1  }
0x1: {  	s0 =	srdreg.scid;
	s5 =	rddreg [dreg:$0x0]  }
0x2: {  	s8 =	stileid.u32;
	s2 =	rddreg [dreg:$0x1];
	s3 =	simm.s32 $0x0  }
0x3: {  	s11 =	simm.s32 $0x5;
	s13 =	simm.s32 $0x7D;
	s14 =	simm.s32 $0x5000  }
0x4: {  	s15 =	simm.s32 $0x80;
	s16 =	simm.s32 $0x6F40;
	s17 =	simm.s32 $0x100  }
0x5: {  	s18 =	simm.s32 $0x8E80;
	s19 =	simm.s32 $0x180;
	s20 =	simm.s32 $0xADC0  }
0x6: {  	s21 =	simm.s32 $0xCD00;
	s22 =	simm.s32 $0x1;
	s23 =	simm.s32 $0x2  }
0x7: {  	s24 =	simm.s32 $0x3;
	s25 =	simm.s32 $0x4;
	s28 =	simm.s32 $0x4E80  }
0x8: {  	s29 =	simm.s32 $0x4F00;
	s30 =	simm.s32 $0x4F80;
	s31 =	simm.s32 $0x0  }
0x9: {  	s0 =	sand.u32 $0x1, s0;
	s7 =	smul.u32 $0xA000, s8;
	[smem:$0x7FF] =	sst s3  }
0xa: {  	s4 =	sadd.s32 $0x18E00, s5;
	s1 =	sshll.u32 s0, $0x4;
	s6 =	smul.u32 $0xA0000, s0  }
0xb: {  	s0 =	ssub.s32 $0x2, s0;
	s1 =	sor.u32 s8, s1;
	s8 =	smul.u32 $0x28000, s8  }
0xc: {  	_ =	strace $0x8000004A;
	s9 =	sshrl.u32 s0, $0x1;
	s1 =	smul.u32 $0x2800, s1  }
0xd: {  	s6 =	sadd.s32 s7, s6;
	s0 =	ssub.s32 s0, s9;
	s7 =	sadd.s32 s7, s2  }
0xe: {  	s6 =	sshrl.u32 s6, $0x3;
	s8 =	sshrl.u32 s8, $0x2;
	s1 =	sshrl.u32 s1, $0x3  }
0xf: {  	s10 =	sadd.s32 s6, s5;
	s26 =	sadd.s32 s8, s2;
	s1 =	sadd.s32 s1, s5  }
0x10: {  	s8 =	sadd.s32 $0x5000, s26;
	s9 =	sadd.s32 $0x2C800, s10;
	s10 =	smax.u32 s0, $0x1  }
0x11: {  	v0 =	vimm.f32 $0.0e+00;
	s26 =	simm.s32 $0x4E00;
	s5 =	sadd.s32 $0x4E00, s1;
	s6 =	sadd.s32 $0xEE00, s1  }
.LBB2_1:
0x12: {  	[tilespmem:s3], [sflag:$0x5] =	stream.linear.gather [hbm4b:s5+s3], $0x2800, $0x38;
	[tilespmem:$0x1BD00] =	vst v63  }
0x13: {  	_ =	swait.ge [sflag:s11], $0x2800  }
0x14: {  	[sflag:s11] =	ssyncset.done $0x0  }
0x15: {  	s0 =	simm.s32 $0x2800;
	[sflag:s11] =	ssyncadd.s32 $0xFFFFD800  }
0x16: {  	[tilespmem:s0], [sflag:$0x5] =	stream.linear.gather [hbm4b:s6+s3], $0x2800, $0x38;
	[tilespmem:$0x1BD00] =	vst v63  }
0x17: {  	_ =	swait.ge [sflag:s11], $0x2800  }
0x18: {  	[sflag:s11] =	ssyncset.done $0x0  }
0x19: {  	[sflag:s11] =	ssyncadd.s32 $0xFFFFD800  }
0x1a: {  	[tilespmem:s14], [sflag:$0x1] =	stream.indirect.gather [hbm4b:s4+s13], $0x40, s3, s13, $0xb8;
	[tilespmem:$0x1BD00] =	vst v63  }
0x1b: {  	_ = 	snop  }
0x1c: {  	[tilespmem:s16], [sflag:$0x2] =	stream.indirect.gather [hbm4b:s4+s13], $0x40, s15, s13, $0xb8;
	[tilespmem:$0x1BD00] =	vst v63  }
0x1d: {  	_ = 	snop  }
0x1e: {  	[tilespmem:s18], [sflag:$0x3] =	stream.indirect.gather [hbm4b:s4+s13], $0x40, s17, s13, $0xb8;
	[tilespmem:$0x1BD00] =	vst v63  }
0x1f: {  	s1 =	simm.s32 $0x100;
	s0 =	simm.s32 $0x0  }
0x20: {  	[tilespmem:s20], [sflag:$0x4] =	stream.indirect.gather [hbm4b:s4+s13], $0x40, s19, s13, $0xb8;
	[tilespmem:$0x1BD00] =	vst v63  }
.LBB2_2:
0x21: {  	p0 =	sne.s32 s1, $0x13F00;
	[tilespmem:s0+$0xCD30] =	vst v0;
	s12 =	smov.u32 s1;
	s1 =	sadd.s32 $0x100, s1  }
.Ltmp0:
0x22: {  	[tilespmem:s0+$0xCD20] =	vst v0;
	(pc) =	sbr.rel @p0 .LBB2_2-.Ltmp0, $3  }
0x23: {  	[tilespmem:s0+$0xCD00] =	vst v0  }
0x24: {  	[tilespmem:s0+$0xCD10] =	vst v0;
	_ =	sdelay $0x1  }
0x25: {  	s0 =	sshra.s32 s12, $0x2  }
0x26: {  	[tilespmem:s0+$0xCD30] =	vst v0  }
0x27: {  	[tilespmem:s0+$0xCD20] =	vst v0  }
0x28: {  	[tilespmem:s0+$0xCD00] =	vst v0  }
0x29: {  	[tilespmem:s0+$0xCD10] =	vst v0  }
0x2a: {  	[spmem:s7] =	stream.linear.scatter [tilespmem:s21], [sflag:$0x5], $0x5000, $0x38;
	[tilespmem:$0x1BD00] =	vst v63  }
0x2b: {  	_ =	swait.ge [sflag:s11], $0x5000  }
0x2c: {  	[sflag:s11] =	ssyncset.done $0x0  }
0x2d: {  	[sflag:s11] =	ssyncadd.s32 $0xFFFFB000  }
0x2e: {  	[spmem:s8] =	stream.linear.scatter [tilespmem:s21], [sflag:$0x5], $0x5000, $0x38;
	[tilespmem:$0x1BD00] =	vst v63  }
0x2f: {  	_ =	swait.ge [sflag:s11], $0x5000  }
0x30: {  	[sflag:s11] =	ssyncset.done $0x0  }
0x31: {  	[sflag:s11] =	ssyncadd.s32 $0xFFFFB000  }
0x32: {  	[bflag:$0x0] =	sbarrier.arrive $0xFFFF  }
0x33: {  	_ =	swait.ge [sflag:s22], $0x1F40  }
0x34: {  	[sflag:s22] =	ssyncset.done $0x0  }
0x35: {  	s12 =	simm.s32 $0x2800;
	[sflag:s22] =	ssyncadd.s32 $0xFFFFE0C0  }
0x36: {  	[spmem:s2] =	stream.indirect.scatter.add.f32 [tilespmem:s14], [sflag:$0x5], $0x40, s12, s13, $0xb8;
	[tilespmem:$0x1BD00] =	vst v63  }
0x37: {  	_ =	swait.ge [sflag:s11], $0x1F40  }
0x38: {  	[sflag:s11] =	ssyncset.done $0x0  }
0x39: {  	s1 =	simm.s32 $0x200;
	[sflag:s11] =	ssyncadd.s32 $0xFFFFE0C0  }
0x3a: {  	[tilespmem:s14], [sflag:$0x1] =	stream.indirect.gather [hbm4b:s4+s13], $0x40, s1, s13, $0xb8;
	[tilespmem:$0x1BD00] =	vst v63  }
0x3b: {  	_ =	swait.ge [sflag:s23], $0x1F40  }
0x3c: {  	[sflag:s23] =	ssyncset.done $0x0  }
0x3d: {  	s12 =	simm.s32 $0x2880;
	[sflag:s23] =	ssyncadd.s32 $0xFFFFE0C0  }
0x3e: {  	[spmem:s2] =	stream.indirect.scatter.add.f32 [tilespmem:s16], [sflag:$0x5], $0x40, s12, s13, $0xb8;
	[tilespmem:$0x1BD00] =	vst v63  }
0x3f: {  	_ =	swait.ge [sflag:s11], $0x1F40  }
0x40: {  	[sflag:s11] =	ssyncset.done $0x0  }
0x41: {  	s1 =	simm.s32 $0x280;
	[sflag:s11] =	ssyncadd.s32 $0xFFFFE0C0  }
0x42: {  	[tilespmem:s16], [sflag:$0x2] =	stream.indirect.gather [hbm4b:s4+s13], $0x40, s1, s13, $0xb8;
	[tilespmem:$0x1BD00] =	vst v63  }
0x43: {  	_ =	swait.ge [sflag:s24], $0x1F40  }
0x44: {  	[sflag:s24] =	ssyncset.done $0x0  }
0x45: {  	s12 =	simm.s32 $0x2900;
	[sflag:s24] =	ssyncadd.s32 $0xFFFFE0C0  }
0x46: {  	[spmem:s2] =	stream.indirect.scatter.add.f32 [tilespmem:s18], [sflag:$0x5], $0x40, s12, s13, $0xb8;
	[tilespmem:$0x1BD00] =	vst v63  }
0x47: {  	_ =	swait.ge [sflag:s11], $0x1F40  }
0x48: {  	[sflag:s11] =	ssyncset.done $0x0  }
0x49: {  	s1 =	simm.s32 $0x300;
	[sflag:s11] =	ssyncadd.s32 $0xFFFFE0C0  }
0x4a: {  	[tilespmem:s18], [sflag:$0x3] =	stream.indirect.gather [hbm4b:s4+s13], $0x40, s1, s13, $0xb8;
	[tilespmem:$0x1BD00] =	vst v63  }
0x4b: {  	_ =	swait.ge [sflag:s25], $0x1F40  }
0x4c: {  	[sflag:s25] =	ssyncset.done $0x0  }
0x4d: {  	s12 =	simm.s32 $0x2980;
	[sflag:s25] =	ssyncadd.s32 $0xFFFFE0C0  }
0x4e: {  	[spmem:s2] =	stream.indirect.scatter.add.f32 [tilespmem:s20], [sflag:$0x5], $0x40, s12, s13, $0xb8;
	[tilespmem:$0x1BD00] =	vst v63  }
0x4f: {  	_ =	swait.ge [sflag:s11], $0x1F40  }
0x50: {  	[sflag:s11] =	ssyncset.done $0x0  }
0x51: {  	s0 =	simm.s32 $0x380;
	s1 =	simm.s32 $0x800;
	[sflag:s11] =	ssyncadd.s32 $0xFFFFE0C0  }
.LBB2_4:
0x52: {  	[tilespmem:s20], [sflag:$0x4] =	stream.indirect.gather [hbm4b:s4+s13], $0x40, s0, s13, $0xb8;
	[tilespmem:$0x1BD00] =	vst v63  }
0x53: {  	s0 =	smov.u32 s1  }
0x54: {  	p0 =	sne.s32 s1, $0x9000;
	s1 =	sadd.s32 $0x800, s1;
	_ =	swait.ge [sflag:s22], $0x1F40  }
0x55: {  	s0 =	sshra.s32 s0, $0x2;
	[sflag:s22] =	ssyncset.done $0x0  }
0x56: {  	s12 =	sadd.s32 $0x2800, s0;
	[sflag:s22] =	ssyncadd.s32 $0xFFFFE0C0  }
0x57: {  	[spmem:s2] =	stream.indirect.scatter.add.f32 [tilespmem:s14], [sflag:$0x5], $0x40, s12, s13, $0xb8;
	[tilespmem:$0x1BD00] =	vst v63  }
0x58: {  	_ =	swait.ge [sflag:s11], $0x1F40  }
0x59: {  	[sflag:s11] =	ssyncset.done $0x0  }
0x5a: {  	s12 =	sadd.s32 $0x200, s0;
	[sflag:s11] =	ssyncadd.s32 $0xFFFFE0C0  }
0x5b: {  	[tilespmem:s14], [sflag:$0x1] =	stream.indirect.gather [hbm4b:s4+s13], $0x40, s12, s13, $0xb8;
	[tilespmem:$0x1BD00] =	vst v63  }
0x5c: {  	_ =	swait.ge [sflag:s23], $0x1F40  }
0x5d: {  	[sflag:s23] =	ssyncset.done $0x0  }
0x5e: {  	s12 =	sadd.s32 $0x2880, s0;
	[sflag:s23] =	ssyncadd.s32 $0xFFFFE0C0  }
0x5f: {  	[spmem:s2] =	stream.indirect.scatter.add.f32 [tilespmem:s16], [sflag:$0x5], $0x40, s12, s13, $0xb8;
	[tilespmem:$0x1BD00] =	vst v63  }
0x60: {  	_ =	swait.ge [sflag:s11], $0x1F40  }
0x61: {  	[sflag:s11] =	ssyncset.done $0x0  }
0x62: {  	s12 =	sadd.s32 $0x280, s0;
	[sflag:s11] =	ssyncadd.s32 $0xFFFFE0C0  }
0x63: {  	[tilespmem:s16], [sflag:$0x2] =	stream.indirect.gather [hbm4b:s4+s13], $0x40, s12, s13, $0xb8;
	[tilespmem:$0x1BD00] =	vst v63  }
0x64: {  	_ =	swait.ge [sflag:s24], $0x1F40  }
0x65: {  	[sflag:s24] =	ssyncset.done $0x0  }
0x66: {  	s12 =	sadd.s32 $0x2900, s0;
	[sflag:s24] =	ssyncadd.s32 $0xFFFFE0C0  }
0x67: {  	[spmem:s2] =	stream.indirect.scatter.add.f32 [tilespmem:s18], [sflag:$0x5], $0x40, s12, s13, $0xb8;
	[tilespmem:$0x1BD00] =	vst v63  }
0x68: {  	_ =	swait.ge [sflag:s11], $0x1F40  }
0x69: {  	[sflag:s11] =	ssyncset.done $0x0  }
0x6a: {  	s12 =	sadd.s32 $0x300, s0;
	[sflag:s11] =	ssyncadd.s32 $0xFFFFE0C0  }
0x6b: {  	[tilespmem:s18], [sflag:$0x3] =	stream.indirect.gather [hbm4b:s4+s13], $0x40, s12, s13, $0xb8;
	[tilespmem:$0x1BD00] =	vst v63  }
0x6c: {  	_ =	swait.ge [sflag:s25], $0x1F40  }
0x6d: {  	[sflag:s25] =	ssyncset.done $0x0  }
.Ltmp1:
0x6e: {  	s12 =	sadd.s32 $0x2980, s0;
	[sflag:s25] =	ssyncadd.s32 $0xFFFFE0C0;
	(pc) =	sbr.rel @p0 .LBB2_4-.Ltmp1, $4  }
0x6f: {  	[spmem:s2] =	stream.indirect.scatter.add.f32 [tilespmem:s20], [sflag:$0x5], $0x40, s12, s13, $0xb8;
	[tilespmem:$0x1BD00] =	vst v63  }
0x70: {  	_ =	swait.ge [sflag:s11], $0x1F40  }
0x71: {  	[sflag:s11] =	ssyncset.done $0x0  }
0x72: {  	s0 =	sadd.s32 $0x380, s0;
	[sflag:s11] =	ssyncadd.s32 $0xFFFFE0C0  }
0x73: {  	[tilespmem:s20], [sflag:$0x4] =	stream.indirect.gather [hbm4b:s4+s13], $0x40, s0, s13, $0xb8;
	[tilespmem:$0x1BD00] =	vst v63  }
0x74: {  	_ =	swait.ge [sflag:s22], $0x1F40  }
0x75: {  	[sflag:s22] =	ssyncset.done $0x0  }
0x76: {  	[sflag:s22] =	ssyncadd.s32 $0xFFFFE0C0  }
0x77: {  	[spmem:s2] =	stream.indirect.scatter.add.f32 [tilespmem:s14], [sflag:$0x5], $0x40, s26, s13, $0xb8;
	[tilespmem:$0x1BD00] =	vst v63  }
0x78: {  	_ =	swait.ge [sflag:s11], $0x1F40  }
0x79: {  	[sflag:s11] =	ssyncset.done $0x0  }
0x7a: {  	[sflag:s11] =	ssyncadd.s32 $0xFFFFE0C0  }
0x7b: {  	_ =	swait.ge [sflag:s23], $0x1F40  }
0x7c: {  	[sflag:s23] =	ssyncset.done $0x0  }
0x7d: {  	[sflag:s23] =	ssyncadd.s32 $0xFFFFE0C0  }
0x7e: {  	[spmem:s2] =	stream.indirect.scatter.add.f32 [tilespmem:s16], [sflag:$0x5], $0x40, s28, s13, $0xb8;
	[tilespmem:$0x1BD00] =	vst v63  }
0x7f: {  	_ =	swait.ge [sflag:s11], $0x1F40  }
0x80: {  	[sflag:s11] =	ssyncset.done $0x0  }
0x81: {  	[sflag:s11] =	ssyncadd.s32 $0xFFFFE0C0  }
0x82: {  	_ =	swait.ge [sflag:s24], $0x1F40  }
0x83: {  	[sflag:s24] =	ssyncset.done $0x0  }
0x84: {  	[sflag:s24] =	ssyncadd.s32 $0xFFFFE0C0  }
0x85: {  	[spmem:s2] =	stream.indirect.scatter.add.f32 [tilespmem:s18], [sflag:$0x5], $0x40, s29, s13, $0xb8;
	[tilespmem:$0x1BD00] =	vst v63  }
0x86: {  	_ =	swait.ge [sflag:s11], $0x1F40  }
0x87: {  	[sflag:s11] =	ssyncset.done $0x0  }
0x88: {  	[sflag:s11] =	ssyncadd.s32 $0xFFFFE0C0  }
0x89: {  	_ =	swait.ge [sflag:s25], $0x1F40  }
0x8a: {  	[sflag:s25] =	ssyncset.done $0x0  }
0x8b: {  	[sflag:s25] =	ssyncadd.s32 $0xFFFFE0C0  }
0x8c: {  	[spmem:s2] =	stream.indirect.scatter.add.f32 [tilespmem:s20], [sflag:$0x5], $0x40, s30, s13, $0xb8;
	[tilespmem:$0x1BD00] =	vst v63  }
0x8d: {  	s12 =	stileid.u32;
	_ =	swait.ge [sflag:s11], $0x1F40  }
0x8e: {  	s1 =	sshrl.u32 s7, $0x3;
	s31 =	sadd.s32 $0x1, s31;
	[sflag:s11] =	ssyncset.done $0x0  }
0x8f: {  	s0 =	sshll.u32 s12, $0x6;
	p0 =	sne.s32 s31, s10;
	[sflag:s11] =	ssyncadd.s32 $0xFFFFE0C0  }
.Ltmp2:
0x90: {  	s0 =	sor.u32 $0x1C05, s0;
	[bflag:$0x0] =	sbarrier.arrive $0xFFFF;
	(pc) =	sbr.rel @p0 .LBB2_1-.Ltmp2, $4  }
0x91: {  	[hbm:s9], [sflag:s0] =	dma.local [spmem:s1], $0x1400  }
0x92: {  	_ =	swait.ge [sflag:s11], $0x1400  }
0x93: {  	[sflag:s11] =	ssyncset.done $0x0  }
0x94: {  	[sflag:s11] =	ssyncadd.s32 $0xFFFFEC00  }
0x95: {  	_ =	sfence.sel $0x180000  }
0x96: {  	[bflag:$0x0] =	sbarrier.arrive $0xFFFF  }
0x97: {  	_ =	strace $0x9000004A  }
0x98: {  	s0 =	stileid.u32;
	[bflag:$0x2] =	sbarrier.arrive $0xFFFF  }
0x99: {  	p0 =	sne.s32 s0, $0x0;
	s0 =	rddreg [dreg:$0x2]  }
0x9a: {  	s0 =	sadd.s32 @!p0 $0x100000, s0  }
0x9b: {  	[sflag:s0] =	ssyncadd.tile.s32 @!p0 $0x1;
	_ =	shalt  }
.Lfunc_end2:
_tile_overlayer_lowered:
.L_overlay_start_2:
0x9c: {  	(tag) =	ssettag $0x2  }
0x9d: {  	s0 =	rddreg [dreg:$0x0];
	s2 =	stileid.u32  }
0x9e: {  	s1 =	rddreg [dreg:$0x1];
	p0 =	sne.s32 s2, $0x0  }
0x9f: {  	s3 =	rddreg [dreg:$0x2];
	[bflag:$0x3] =	sbarrier.arrive $0xFFFF;
	s2 =	simm.s32 @!p0 $0x1C05  }
0xa0: {  	[timem:s3], [sflag:s2] =	dma.local @!p0 [hbm:s0], s1  }
0xa1: {  	s0 =	simm.s32 @!p0 $0x5  }
0xa2: {  	_ =	swait.ge @!p0 [sflag:s0], s1  }
0xa3: {  	s1 =	ssub.s32 @!p0 $0x0, s1;
	[sflag:s0] =	ssyncset.done @!p0 $0x0  }
0xa4: {  	[sflag:s0] =	ssyncadd.s32 @!p0 s1  }
0xa5: {  	[bflag:$0x3] =	sbarrier.arrive $0xFFFF  }
0xa6: {  	_ =	shalt  }

// kernel: kernel.18.cloned.1.call-start
scs
__scs_entry_jumppad:
0x0: {  	(pc) =	sbr.rel $0x88, $3  }
0x1: {  	(tag) =	ssettag $0x0;
	lr =	simm.s32 $0x1  }
0x2: {  	[smem:$0x3F8C] =	sst lr;
	_ =	strace $0xD0000000  }
0x3: {  	_ = 	snop  }
0x4: {  	_ = 	snop  }
0x5: {  	_ = 	snop  }
0x6: {  	_ = 	snop  }
0x7: {  	_ = 	snop  }
__scs_overlays_trampoline_lowered:
0x8: {  	[smem:$0x3F9B] =	sst s0  }
0x9: {  	[smem:$0x3F9C] =	sst s1  }
0xa: {  	[smem:$0x3F9D] =	sst s2  }
0xb: {  	[smem:$0x3F9E] =	sst s3  }
0xc: {  	[smem:$0x3F9F] =	sst s4  }
0xd: {  	[smem:$0x3FA0] =	sst s5  }
0xe: {  	[smem:$0x3FA1] =	sst s6  }
0xf: {  	[smem:$0x3FA2] =	sst s7  }
0x10: {  	[smem:$0x3FA3] =	sst s8  }
0x11: {  	[smem:$0x3FA4] =	sst s9;
	s0 =	simm.s32 @!p0 $0x0  }
0x12: {  	s1 =	sld [smem:$0x3F8A];
	s0 =	simm.s32 @p0 $0x1  }
0x13: {  	[smem:$0x3FA5] =	sst s0;
	s0 =	simm.s32 @!p1 $0x0  }
0x14: {  	s2 =	sld [smem:$0x3F89];
	s0 =	simm.s32 @p1 $0x1  }
0x15: {  	[smem:$0x3FA6] =	sst s0;
	s0 =	simm.s32 @!p2 $0x0  }
0x16: {  	s3 =	sld [smem:$0x3FDB];
	s0 =	simm.s32 @p2 $0x1  }
0x17: {  	s4 =	simm.s32 $0x1BF5;
	[smem:$0x3FA8] =	sst s0  }
0x18: {  	s0 =	sld [smem:$0x3F8B];
	_ =	swait.ge [sflag:s4], $0x0  }
0x19: {  	s7 =	sld [smem:$0x3F8C]  }
0x1a: {  	s8 =	sadd.s32 $0xFFFFE003, lr  }
0x1b: {  	s9 =	sadd.s32 $0xFFFFFEF7, lr;
	s5 =	simm.s32 $0xFFFFFFFF;
	p2 =	slt.u32 s8, $0xFFFFF086  }
0x1c: {  	p1 =	slt.u32 s9, $0xF7A;
	s5 =	simm.s32 @!p2 $0x0  }
0x1d: {  	s5 =	simm.s32 @p1 $0x1;
	p0 =	seq.s32 s7, s2  }
0x1e: {  	s7 =	smul.u32 @!p0 $0xF7A, s2;
	p2 =	seq.s32 @!p0 s5, $0x0  }
0x1f: {  	s9 =	smul.u32 $0xF7A, s1;
	s8 =	simm.s32 @!p0 $0x1BF5;
	p2 =	por !p2, p0  }
0x20: {  	[sflag:s8] =	ssyncset.s32 @!p0 $0xFFFFF086;
	s6 =	sadd.s32 @!p0 s3, s7;
	s7 =	simm.s32 @!p0 $0x108  }
0x21: {  	s3 =	sadd.s32 s3, s9;
	s6 =	sadd.s32 @!p0 $0x88, s6;
	s7 =	simm.s32 @p2 $0x1082  }
0x22: {  	[simem:s7], [sflag:s8] =	dma.local @!p0 [hbm:s6], $0xF7A  }
0x23: {  	s9 =	sor.u32 $0xD0000000, s2;
	s6 =	simm.s32 $0x108;
	_ =	swait.ge @!p0 [sflag:s8], $0x0  }
0x24: {  	s3 =	sadd.s32 $0x88, s3;
	s6 =	simm.s32 @!p1 $0x1082;
	[sflag:s4] =	ssyncset.s32 $0xFFFFF086  }
0x25: {  	[simem:s6], [sflag:s4] =	dma.local [hbm:s3], $0xF7A  }
0x26: {  	[smem:$0x3F8C] =	sst s1;
	(tag) =	ssettag s2;
	_ =	strace s9  }
0x27: {  	s1 =	sld [smem:$0x3F9C]  }
0x28: {  	s2 =	sld [smem:$0x3F9D]  }
0x29: {  	s4 =	sld [smem:$0x3F9F]  }
0x2a: {  	p0 =	seq.s32 s5, $0x0;
	s5 =	sld [smem:$0x3FA0]  }
0x2b: {  	s6 =	sld [smem:$0x3FA1]  }
0x2c: {  	s7 =	sld [smem:$0x3FA2]  }
0x2d: {  	s3 =	simm.s32 $0x108;
	s8 =	sld [smem:$0x3FA3]  }
0x2e: {  	s3 =	simm.s32 @!p0 $0x1082;
	s9 =	sld [smem:$0x3FA4]  }
0x2f: {  	lr =	sadd.s32 s0, s3;
	s0 =	sld [smem:$0x3F9B]  }
0x30: {  	s3 =	sld [smem:$0x3F9E]  }
0x31: {  	[smem:$0x3FA7] =	sst s10  }
0x32: {  	s10 =	sld [smem:$0x3FA5];
	_ =	sdelay $0x3  }
0x33: {  	p0 =	seq.s32 s10, $0x1;
	s10 =	sld [smem:$0x3FA7];
	_ =	sdelay $0x3  }
0x34: {  	[smem:$0x3FA7] =	sst s10  }
0x35: {  	s10 =	sld [smem:$0x3FA6];
	_ =	sdelay $0x3  }
0x36: {  	p1 =	seq.s32 s10, $0x1;
	s10 =	sld [smem:$0x3FA7];
	_ =	sdelay $0x3  }
0x37: {  	[smem:$0x3FA7] =	sst s10  }
0x38: {  	s10 =	sld [smem:$0x3FA8]  }
0x39: {  	_ = 	snop;
	(pc) =	sbr.ind lr, $3  }
0x3a: {  	_ = 	snop  }
0x3b: {  	_ = 	snop  }
0x3c: {  	p2 =	seq.s32 s10, $0x1;
	s10 =	sld [smem:$0x3FA7]  }
0x3d: {  	_ =	shalt  }
0x3e: {  	_ =	shalt  }
0x3f: {  	_ =	shalt  }
0x40: {  	_ =	shalt  }
0x41: {  	_ =	shalt  }
0x42: {  	_ =	shalt  }
0x43: {  	_ =	shalt  }
0x44: {  	_ =	shalt  }
0x45: {  	_ =	shalt  }
0x46: {  	_ =	shalt  }
0x47: {  	_ =	shalt  }
0x48: {  	_ =	shalt  }
0x49: {  	_ =	shalt  }
0x4a: {  	_ =	shalt  }
0x4b: {  	_ =	shalt  }
0x4c: {  	_ =	shalt  }
0x4d: {  	_ =	shalt  }
0x4e: {  	_ =	shalt  }
0x4f: {  	_ =	shalt  }
0x50: {  	_ =	shalt  }
0x51: {  	_ =	shalt  }
0x52: {  	_ =	shalt  }
0x53: {  	_ =	shalt  }
0x54: {  	_ =	shalt  }
0x55: {  	_ =	shalt  }
0x56: {  	_ =	shalt  }
0x57: {  	_ =	shalt  }
0x58: {  	_ =	shalt  }
0x59: {  	_ =	shalt  }
0x5a: {  	_ =	shalt  }
0x5b: {  	_ =	shalt  }
0x5c: {  	_ =	shalt  }
0x5d: {  	_ =	shalt  }
0x5e: {  	_ =	shalt  }
0x5f: {  	_ =	shalt  }
0x60: {  	_ =	shalt  }
0x61: {  	_ =	shalt  }
0x62: {  	_ =	shalt  }
0x63: {  	_ =	shalt  }
0x64: {  	_ =	shalt  }
0x65: {  	_ =	shalt  }
0x66: {  	_ =	shalt  }
0x67: {  	_ =	shalt  }
0x68: {  	_ =	shalt  }
0x69: {  	_ =	shalt  }
0x6a: {  	_ =	shalt  }
0x6b: {  	_ =	shalt  }
0x6c: {  	_ =	shalt  }
0x6d: {  	_ =	shalt  }
0x6e: {  	_ =	shalt  }
0x6f: {  	_ =	shalt  }
0x70: {  	_ =	shalt  }
0x71: {  	_ =	shalt  }
0x72: {  	_ =	shalt  }
0x73: {  	_ =	shalt  }
0x74: {  	_ =	shalt  }
0x75: {  	_ =	shalt  }
0x76: {  	_ =	shalt  }
0x77: {  	_ =	shalt  }
0x78: {  	_ =	shalt  }
0x79: {  	_ =	shalt  }
0x7a: {  	_ =	shalt  }
0x7b: {  	_ =	shalt  }
0x7c: {  	_ =	shalt  }
0x7d: {  	_ =	shalt  }
0x7e: {  	_ =	shalt  }
0x7f: {  	_ =	shalt  }
0x80: {  	_ =	shalt  }
0x81: {  	_ =	shalt  }
0x82: {  	_ =	shalt  }
0x83: {  	_ =	shalt  }
0x84: {  	_ =	shalt  }
0x85: {  	_ =	shalt  }
0x86: {  	_ =	shalt  }
0x87: {  	_ =	shalt  }
.Lfunc_end0:
.L_simem_size_0:
called_computation.2_lowered:
.L_overlay_start_0:
0x88: {  	s2 =	sld [smem:$0x3FD9]  }
0x89: {  	s3 =	sld [smem:$0x3FFE];
	_ =	sdelay $0x1  }
0x8a: {  	s1 =	srdreg.scid  }
0x8b: {  	s0 =	sand.u32 $0x1, s1  }
0x8c: {  	s16 =	sshll.u32 s0, $0xA;
	s2 =	sadd.s32 s3, s2  }
0x8d: {  	s2 =	sadd.s32 s2, s16  }
0x8e: {  	[smem:$0x3FB3] =	sst s2  }
0x8f: {  	_ = 	snop  }
0x90: {  	(tm) =	ssettm $0x1  }
0x91: {  	s17 =	sld [smem:$0x3FFB];
	_ =	sdelay $0x3  }
0x92: {  	_ =	strace s17  }
0x93: {  	s2 =	sld [smem:$0x3FFC];
	_ =	sdelay $0x3  }
0x94: {  	_ =	strace s2  }
0x95: {  	s2 =	sld [smem:$0x3FFD];
	_ =	sdelay $0x3  }
0x96: {  	_ =	strace s2  }
0x97: {  	_ =	strace $0x8FFFFFFF  }
0x98: {  	s18 =	sld [smem:$0x3FDB];
	_ =	sdelay $0x1  }
0x99: {  	s19 =	simm.s32 $_scs_section_size  }
0x9a: {  	s4 =	simm.s32 $_size__tile_overlayer_lowered;
	s5 =	simm.s32 $_tile_overlayer_lowered  }
0x9b: {  	s22 =	simm.s32 $0x1BFF;
	s21 =	sshll.u32 s5, $0x1;
	s2 =	sadd.s32 s19, s18  }
0x9c: {  	s6 =	simm.s32 $0x0;
	s20 =	sshll.u32 s4, $0x1;
	s4 =	sadd.s32 s21, s2  }
0x9d: {  	[timem:s6], [sflag:s22] =	dma.local [hbm:s4], s20  }
0x9e: {  	_ =	swait.ge [sflag:s22], s20  }
0x9f: {  	s3 =	ssub.s32 $0x0, s20;
	[sflag:s22] =	ssyncset.done $0x0  }
0xa0: {  	[sflag:s22] =	ssyncadd.s32 s3;
	_ =	sdelay $0x1  }
0xa1: {  	s23 =	simm.s32 $0x1B8B  }
0xa2: {  	_ =	swait.ge [sflag:s23], $0x1  }
0xa3: {  	[sflag:s23] =	ssyncset.done $0x0  }
0xa4: {  	s25 =	simm.s32 $0x1B8E;
	s24 =	sld [smem:$0x3FFE];
	[sflag:s23] =	ssyncadd.s32 $0xFFFFFFFF  }
0xa5: {  	s26 =	simm.s32 $execute0_lowered;
	[smem:$0x3FD2] =	sst s25  }
0xa6: {  	s4 =	sshll.u32 s26, $0x1;
	_ =	strace $0x8000004C;
	[dreg:$0x1] =	wrdreg $0xFFFFFFFF  }
0xa7: {  	s28 =	simm.s32 $_size_execute0_lowered;
	s2 =	sadd.s32 s2, s4;
	[dreg:$0x0] =	wrdreg $0x0  }
0xa8: {  	s4 =	sshll.u32 s28, $0x1;
	[dreg:$0x2] =	wrdreg s2  }
0xa9: {  	[dreg:$0x3] =	wrdreg s4  }
0xaa: {  	[dreg:$0x4] =	wrdreg $0xC0  }
0xab: {  	_ =	task [dreg:s6], $0x5FFFF  }
0xac: {  	[dreg:$0x1] =	wrdreg $0xFFFFFFFF  }
0xad: {  	[dreg:$0x0] =	wrdreg $0x60  }
0xae: {  	[dreg:$0x2] =	wrdreg s24  }
0xaf: {  	[dreg:$0x3] =	wrdreg $0x11D000  }
0xb0: {  	[dreg:$0x4] =	wrdreg $0x9  }
0xb1: {  	_ =	task.clear_ibuf [dreg:s6], $0x5FFFF;
	_ =	strace $0x9000004C  }
0xb2: {  	s29 =	simm.s32 $0x9;
	_ =	strace $0x8000004E  }
0xb3: {  	_ =	swait.ge [sflag:s29], $0x1  }
0xb4: {  	[sflag:s29] =	ssyncadd.s32 $0xFFFFFFFF  }
0xb5: {  	_ =	strace $0x9000004E  }
0xb6: {  	_ =	sfence  }
0xb7: {  	s30 =	sld [smem:$0x0];
	_ =	sdelay $0x2  }
0xb8: {  	s31 =	sshll.u32 s1, $0xD;
	s1 =	sshrl.u32 s1, $0x2  }
0xb9: {  	s3 =	sand.u32 $0x4000, s31;
	s1 =	sadd.s32 s1, s30  }
0xba: {  	s0 =	sor.u32 s3, s0;
	s1 =	sshll.u32 s1, $0x11  }
0xbb: {  	s0 =	sor.u32 s1, s0  }
0xbc: {  	s0 =	sadd.s32 $0x8F2B, s0  }
0xbd: {  	[sflag:s0] =	ssyncadd.remote.s32 $0x1  }
0xbe: {  	_ =	sfence.sel $0xFFFF  }
0xbf: {  	[dreg:$0x0] =	wrdreg $0xFFFFFFFF;
	(pc) =	sbr.abs _section_cstart, $3  }
0xc0: {  	[dreg:$0x1] =	wrdreg $0xFFFFFFFF  }
0xc1: {  	_ =	task.clear_ibuf [dreg:s6], $0x2FFFF;
	_ =	strace $0x9FFFFFFF  }
0xc2: {  	(tm) =	ssettm $0x7FFFFFFF  }
0xc3: {  	_ =	shalt  }
tec
execute0_lowered:
.L_overlay_start_1:
0x0: {  	(tag) =	ssettag $0x1  }
0x1: {  	s0 =	srdreg.scid;
	s5 =	rddreg [dreg:$0x0]  }
0x2: {  	s8 =	stileid.u32;
	s2 =	rddreg [dreg:$0x1];
	s3 =	simm.s32 $0x0  }
0x3: {  	s11 =	simm.s32 $0x5;
	s13 =	simm.s32 $0x7D;
	s14 =	simm.s32 $0x5000  }
0x4: {  	s15 =	simm.s32 $0x80;
	s16 =	simm.s32 $0x6F40;
	s17 =	simm.s32 $0x100  }
0x5: {  	s18 =	simm.s32 $0x8E80;
	s19 =	simm.s32 $0x180;
	s20 =	simm.s32 $0xADC0  }
0x6: {  	s21 =	simm.s32 $0xCD00;
	s22 =	simm.s32 $0x1;
	s23 =	simm.s32 $0x2  }
0x7: {  	s24 =	simm.s32 $0x3;
	s25 =	simm.s32 $0x4;
	s28 =	simm.s32 $0x4E80  }
0x8: {  	s29 =	simm.s32 $0x4F00;
	s30 =	simm.s32 $0x4F80;
	s31 =	simm.s32 $0x0  }
0x9: {  	s0 =	sand.u32 $0x1, s0;
	s7 =	smul.u32 $0xA000, s8;
	[smem:$0x7FF] =	sst s3  }
0xa: {  	s4 =	sadd.s32 $0x18E00, s5;
	s1 =	sshll.u32 s0, $0x4;
	s6 =	smul.u32 $0xA0000, s0  }
0xb: {  	s0 =	ssub.s32 $0x2, s0;
	s1 =	sor.u32 s8, s1;
	s8 =	smul.u32 $0x28000, s8  }
0xc: {  	_ =	strace $0x8000004D;
	s9 =	sshrl.u32 s0, $0x1;
	s1 =	smul.u32 $0x2800, s1  }
0xd: {  	s6 =	sadd.s32 s7, s6;
	s0 =	ssub.s32 s0, s9;
	s7 =	sadd.s32 s7, s2  }
0xe: {  	s6 =	sshrl.u32 s6, $0x3;
	s8 =	sshrl.u32 s8, $0x2;
	s1 =	sshrl.u32 s1, $0x3  }
0xf: {  	s10 =	sadd.s32 s6, s5;
	s26 =	sadd.s32 s8, s2;
	s1 =	sadd.s32 s1, s5  }
0x10: {  	s8 =	sadd.s32 $0x5000, s26;
	s9 =	sadd.s32 $0x2C800, s10;
	s10 =	smax.u32 s0, $0x1  }
0x11: {  	v0 =	vimm.f32 $0.0e+00;
	s26 =	simm.s32 $0x4E00;
	s5 =	sadd.s32 $0x4E00, s1;
	s6 =	sadd.s32 $0xEE00, s1  }
.LBB2_1:
0x12: {  	[tilespmem:s3], [sflag:$0x5] =	stream.linear.gather [hbm4b:s5+s3], $0x2800, $0x38;
	[tilespmem:$0x1BD00] =	vst v63  }
0x13: {  	_ =	swait.ge [sflag:s11], $0x2800  }
0x14: {  	[sflag:s11] =	ssyncset.done $0x0  }
0x15: {  	s0 =	simm.s32 $0x2800;
	[sflag:s11] =	ssyncadd.s32 $0xFFFFD800  }
0x16: {  	[tilespmem:s0], [sflag:$0x5] =	stream.linear.gather [hbm4b:s6+s3], $0x2800, $0x38;
	[tilespmem:$0x1BD00] =	vst v63  }
0x17: {  	_ =	swait.ge [sflag:s11], $0x2800  }
0x18: {  	[sflag:s11] =	ssyncset.done $0x0  }
0x19: {  	[sflag:s11] =	ssyncadd.s32 $0xFFFFD800  }
0x1a: {  	[tilespmem:s14], [sflag:$0x1] =	stream.indirect.gather [hbm4b:s4+s13], $0x40, s3, s13, $0xb8;
	[tilespmem:$0x1BD00] =	vst v63  }
0x1b: {  	_ = 	snop  }
0x1c: {  	[tilespmem:s16], [sflag:$0x2] =	stream.indirect.gather [hbm4b:s4+s13], $0x40, s15, s13, $0xb8;
	[tilespmem:$0x1BD00] =	vst v63  }
0x1d: {  	_ = 	snop  }
0x1e: {  	[tilespmem:s18], [sflag:$0x3] =	stream.indirect.gather [hbm4b:s4+s13], $0x40, s17, s13, $0xb8;
	[tilespmem:$0x1BD00] =	vst v63  }
0x1f: {  	s1 =	simm.s32 $0x100;
	s0 =	simm.s32 $0x0  }
0x20: {  	[tilespmem:s20], [sflag:$0x4] =	stream.indirect.gather [hbm4b:s4+s13], $0x40, s19, s13, $0xb8;
	[tilespmem:$0x1BD00] =	vst v63  }
.LBB2_2:
0x21: {  	p0 =	sne.s32 s1, $0x13F00;
	[tilespmem:s0+$0xCD30] =	vst v0;
	s12 =	smov.u32 s1;
	s1 =	sadd.s32 $0x100, s1  }
.Ltmp0:
0x22: {  	[tilespmem:s0+$0xCD20] =	vst v0;
	(pc) =	sbr.rel @p0 .LBB2_2-.Ltmp0, $3  }
0x23: {  	[tilespmem:s0+$0xCD00] =	vst v0  }
0x24: {  	[tilespmem:s0+$0xCD10] =	vst v0;
	_ =	sdelay $0x1  }
0x25: {  	s0 =	sshra.s32 s12, $0x2  }
0x26: {  	[tilespmem:s0+$0xCD30] =	vst v0  }
0x27: {  	[tilespmem:s0+$0xCD20] =	vst v0  }
0x28: {  	[tilespmem:s0+$0xCD00] =	vst v0  }
0x29: {  	[tilespmem:s0+$0xCD10] =	vst v0  }
0x2a: {  	[spmem:s7] =	stream.linear.scatter [tilespmem:s21], [sflag:$0x5], $0x5000, $0x38;
	[tilespmem:$0x1BD00] =	vst v63  }
0x2b: {  	_ =	swait.ge [sflag:s11], $0x5000  }
0x2c: {  	[sflag:s11] =	ssyncset.done $0x0  }
0x2d: {  	[sflag:s11] =	ssyncadd.s32 $0xFFFFB000  }
0x2e: {  	[spmem:s8] =	stream.linear.scatter [tilespmem:s21], [sflag:$0x5], $0x5000, $0x38;
	[tilespmem:$0x1BD00] =	vst v63  }
0x2f: {  	_ =	swait.ge [sflag:s11], $0x5000  }
0x30: {  	[sflag:s11] =	ssyncset.done $0x0  }
0x31: {  	[sflag:s11] =	ssyncadd.s32 $0xFFFFB000  }
0x32: {  	[bflag:$0x0] =	sbarrier.arrive $0xFFFF  }
0x33: {  	_ =	swait.ge [sflag:s22], $0x1F40  }
0x34: {  	[sflag:s22] =	ssyncset.done $0x0  }
0x35: {  	s12 =	simm.s32 $0x2800;
	[sflag:s22] =	ssyncadd.s32 $0xFFFFE0C0  }
0x36: {  	[spmem:s2] =	stream.indirect.scatter.add.f32 [tilespmem:s14], [sflag:$0x5], $0x40, s12, s13, $0xb8;
	[tilespmem:$0x1BD00] =	vst v63  }
0x37: {  	_ =	swait.ge [sflag:s11], $0x1F40  }
0x38: {  	[sflag:s11] =	ssyncset.done $0x0  }
0x39: {  	s1 =	simm.s32 $0x200;
	[sflag:s11] =	ssyncadd.s32 $0xFFFFE0C0  }
0x3a: {  	[tilespmem:s14], [sflag:$0x1] =	stream.indirect.gather [hbm4b:s4+s13], $0x40, s1, s13, $0xb8;
	[tilespmem:$0x1BD00] =	vst v63  }
0x3b: {  	_ =	swait.ge [sflag:s23], $0x1F40  }
0x3c: {  	[sflag:s23] =	ssyncset.done $0x0  }
0x3d: {  	s12 =	simm.s32 $0x2880;
	[sflag:s23] =	ssyncadd.s32 $0xFFFFE0C0  }
0x3e: {  	[spmem:s2] =	stream.indirect.scatter.add.f32 [tilespmem:s16], [sflag:$0x5], $0x40, s12, s13, $0xb8;
	[tilespmem:$0x1BD00] =	vst v63  }
0x3f: {  	_ =	swait.ge [sflag:s11], $0x1F40  }
0x40: {  	[sflag:s11] =	ssyncset.done $0x0  }
0x41: {  	s1 =	simm.s32 $0x280;
	[sflag:s11] =	ssyncadd.s32 $0xFFFFE0C0  }
0x42: {  	[tilespmem:s16], [sflag:$0x2] =	stream.indirect.gather [hbm4b:s4+s13], $0x40, s1, s13, $0xb8;
	[tilespmem:$0x1BD00] =	vst v63  }
0x43: {  	_ =	swait.ge [sflag:s24], $0x1F40  }
0x44: {  	[sflag:s24] =	ssyncset.done $0x0  }
0x45: {  	s12 =	simm.s32 $0x2900;
	[sflag:s24] =	ssyncadd.s32 $0xFFFFE0C0  }
0x46: {  	[spmem:s2] =	stream.indirect.scatter.add.f32 [tilespmem:s18], [sflag:$0x5], $0x40, s12, s13, $0xb8;
	[tilespmem:$0x1BD00] =	vst v63  }
0x47: {  	_ =	swait.ge [sflag:s11], $0x1F40  }
0x48: {  	[sflag:s11] =	ssyncset.done $0x0  }
0x49: {  	s1 =	simm.s32 $0x300;
	[sflag:s11] =	ssyncadd.s32 $0xFFFFE0C0  }
0x4a: {  	[tilespmem:s18], [sflag:$0x3] =	stream.indirect.gather [hbm4b:s4+s13], $0x40, s1, s13, $0xb8;
	[tilespmem:$0x1BD00] =	vst v63  }
0x4b: {  	_ =	swait.ge [sflag:s25], $0x1F40  }
0x4c: {  	[sflag:s25] =	ssyncset.done $0x0  }
0x4d: {  	s12 =	simm.s32 $0x2980;
	[sflag:s25] =	ssyncadd.s32 $0xFFFFE0C0  }
0x4e: {  	[spmem:s2] =	stream.indirect.scatter.add.f32 [tilespmem:s20], [sflag:$0x5], $0x40, s12, s13, $0xb8;
	[tilespmem:$0x1BD00] =	vst v63  }
0x4f: {  	_ =	swait.ge [sflag:s11], $0x1F40  }
0x50: {  	[sflag:s11] =	ssyncset.done $0x0  }
0x51: {  	s0 =	simm.s32 $0x380;
	s1 =	simm.s32 $0x800;
	[sflag:s11] =	ssyncadd.s32 $0xFFFFE0C0  }
.LBB2_4:
0x52: {  	[tilespmem:s20], [sflag:$0x4] =	stream.indirect.gather [hbm4b:s4+s13], $0x40, s0, s13, $0xb8;
	[tilespmem:$0x1BD00] =	vst v63  }
0x53: {  	s0 =	smov.u32 s1  }
0x54: {  	p0 =	sne.s32 s1, $0x9000;
	s1 =	sadd.s32 $0x800, s1;
	_ =	swait.ge [sflag:s22], $0x1F40  }
0x55: {  	s0 =	sshra.s32 s0, $0x2;
	[sflag:s22] =	ssyncset.done $0x0  }
0x56: {  	s12 =	sadd.s32 $0x2800, s0;
	[sflag:s22] =	ssyncadd.s32 $0xFFFFE0C0  }
0x57: {  	[spmem:s2] =	stream.indirect.scatter.add.f32 [tilespmem:s14], [sflag:$0x5], $0x40, s12, s13, $0xb8;
	[tilespmem:$0x1BD00] =	vst v63  }
0x58: {  	_ =	swait.ge [sflag:s11], $0x1F40  }
0x59: {  	[sflag:s11] =	ssyncset.done $0x0  }
0x5a: {  	s12 =	sadd.s32 $0x200, s0;
	[sflag:s11] =	ssyncadd.s32 $0xFFFFE0C0  }
0x5b: {  	[tilespmem:s14], [sflag:$0x1] =	stream.indirect.gather [hbm4b:s4+s13], $0x40, s12, s13, $0xb8;
	[tilespmem:$0x1BD00] =	vst v63  }
0x5c: {  	_ =	swait.ge [sflag:s23], $0x1F40  }
0x5d: {  	[sflag:s23] =	ssyncset.done $0x0  }
0x5e: {  	s12 =	sadd.s32 $0x2880, s0;
	[sflag:s23] =	ssyncadd.s32 $0xFFFFE0C0  }
0x5f: {  	[spmem:s2] =	stream.indirect.scatter.add.f32 [tilespmem:s16], [sflag:$0x5], $0x40, s12, s13, $0xb8;
	[tilespmem:$0x1BD00] =	vst v63  }
0x60: {  	_ =	swait.ge [sflag:s11], $0x1F40  }
0x61: {  	[sflag:s11] =	ssyncset.done $0x0  }
0x62: {  	s12 =	sadd.s32 $0x280, s0;
	[sflag:s11] =	ssyncadd.s32 $0xFFFFE0C0  }
0x63: {  	[tilespmem:s16], [sflag:$0x2] =	stream.indirect.gather [hbm4b:s4+s13], $0x40, s12, s13, $0xb8;
	[tilespmem:$0x1BD00] =	vst v63  }
0x64: {  	_ =	swait.ge [sflag:s24], $0x1F40  }
0x65: {  	[sflag:s24] =	ssyncset.done $0x0  }
0x66: {  	s12 =	sadd.s32 $0x2900, s0;
	[sflag:s24] =	ssyncadd.s32 $0xFFFFE0C0  }
0x67: {  	[spmem:s2] =	stream.indirect.scatter.add.f32 [tilespmem:s18], [sflag:$0x5], $0x40, s12, s13, $0xb8;
	[tilespmem:$0x1BD00] =	vst v63  }
0x68: {  	_ =	swait.ge [sflag:s11], $0x1F40  }
0x69: {  	[sflag:s11] =	ssyncset.done $0x0  }
0x6a: {  	s12 =	sadd.s32 $0x300, s0;
	[sflag:s11] =	ssyncadd.s32 $0xFFFFE0C0  }
0x6b: {  	[tilespmem:s18], [sflag:$0x3] =	stream.indirect.gather [hbm4b:s4+s13], $0x40, s12, s13, $0xb8;
	[tilespmem:$0x1BD00] =	vst v63  }
0x6c: {  	_ =	swait.ge [sflag:s25], $0x1F40  }
0x6d: {  	[sflag:s25] =	ssyncset.done $0x0  }
.Ltmp1:
0x6e: {  	s12 =	sadd.s32 $0x2980, s0;
	[sflag:s25] =	ssyncadd.s32 $0xFFFFE0C0;
	(pc) =	sbr.rel @p0 .LBB2_4-.Ltmp1, $4  }
0x6f: {  	[spmem:s2] =	stream.indirect.scatter.add.f32 [tilespmem:s20], [sflag:$0x5], $0x40, s12, s13, $0xb8;
	[tilespmem:$0x1BD00] =	vst v63  }
0x70: {  	_ =	swait.ge [sflag:s11], $0x1F40  }
0x71: {  	[sflag:s11] =	ssyncset.done $0x0  }
0x72: {  	s0 =	sadd.s32 $0x380, s0;
	[sflag:s11] =	ssyncadd.s32 $0xFFFFE0C0  }
0x73: {  	[tilespmem:s20], [sflag:$0x4] =	stream.indirect.gather [hbm4b:s4+s13], $0x40, s0, s13, $0xb8;
	[tilespmem:$0x1BD00] =	vst v63  }
0x74: {  	_ =	swait.ge [sflag:s22], $0x1F40  }
0x75: {  	[sflag:s22] =	ssyncset.done $0x0  }
0x76: {  	[sflag:s22] =	ssyncadd.s32 $0xFFFFE0C0  }
0x77: {  	[spmem:s2] =	stream.indirect.scatter.add.f32 [tilespmem:s14], [sflag:$0x5], $0x40, s26, s13, $0xb8;
	[tilespmem:$0x1BD00] =	vst v63  }
0x78: {  	_ =	swait.ge [sflag:s11], $0x1F40  }
0x79: {  	[sflag:s11] =	ssyncset.done $0x0  }
0x7a: {  	[sflag:s11] =	ssyncadd.s32 $0xFFFFE0C0  }
0x7b: {  	_ =	swait.ge [sflag:s23], $0x1F40  }
0x7c: {  	[sflag:s23] =	ssyncset.done $0x0  }
0x7d: {  	[sflag:s23] =	ssyncadd.s32 $0xFFFFE0C0  }
0x7e: {  	[spmem:s2] =	stream.indirect.scatter.add.f32 [tilespmem:s16], [sflag:$0x5], $0x40, s28, s13, $0xb8;
	[tilespmem:$0x1BD00] =	vst v63  }
0x7f: {  	_ =	swait.ge [sflag:s11], $0x1F40  }
0x80: {  	[sflag:s11] =	ssyncset.done $0x0  }
0x81: {  	[sflag:s11] =	ssyncadd.s32 $0xFFFFE0C0  }
0x82: {  	_ =	swait.ge [sflag:s24], $0x1F40  }
0x83: {  	[sflag:s24] =	ssyncset.done $0x0  }
0x84: {  	[sflag:s24] =	ssyncadd.s32 $0xFFFFE0C0  }
0x85: {  	[spmem:s2] =	stream.indirect.scatter.add.f32 [tilespmem:s18], [sflag:$0x5], $0x40, s29, s13, $0xb8;
	[tilespmem:$0x1BD00] =	vst v63  }
0x86: {  	_ =	swait.ge [sflag:s11], $0x1F40  }
0x87: {  	[sflag:s11] =	ssyncset.done $0x0  }
0x88: {  	[sflag:s11] =	ssyncadd.s32 $0xFFFFE0C0  }
0x89: {  	_ =	swait.ge [sflag:s25], $0x1F40  }
0x8a: {  	[sflag:s25] =	ssyncset.done $0x0  }
0x8b: {  	[sflag:s25] =	ssyncadd.s32 $0xFFFFE0C0  }
0x8c: {  	[spmem:s2] =	stream.indirect.scatter.add.f32 [tilespmem:s20], [sflag:$0x5], $0x40, s30, s13, $0xb8;
	[tilespmem:$0x1BD00] =	vst v63  }
0x8d: {  	s12 =	stileid.u32;
	_ =	swait.ge [sflag:s11], $0x1F40  }
0x8e: {  	s1 =	sshrl.u32 s7, $0x3;
	s31 =	sadd.s32 $0x1, s31;
	[sflag:s11] =	ssyncset.done $0x0  }
0x8f: {  	s0 =	sshll.u32 s12, $0x6;
	p0 =	sne.s32 s31, s10;
	[sflag:s11] =	ssyncadd.s32 $0xFFFFE0C0  }
.Ltmp2:
0x90: {  	s0 =	sor.u32 $0x1C05, s0;
	[bflag:$0x0] =	sbarrier.arrive $0xFFFF;
	(pc) =	sbr.rel @p0 .LBB2_1-.Ltmp2, $4  }
0x91: {  	[hbm:s9], [sflag:s0] =	dma.local [spmem:s1], $0x1400  }
0x92: {  	_ =	swait.ge [sflag:s11], $0x1400  }
0x93: {  	[sflag:s11] =	ssyncset.done $0x0  }
0x94: {  	[sflag:s11] =	ssyncadd.s32 $0xFFFFEC00  }
0x95: {  	_ =	sfence.sel $0x180000  }
0x96: {  	[bflag:$0x0] =	sbarrier.arrive $0xFFFF  }
0x97: {  	_ =	strace $0x9000004D  }
0x98: {  	s0 =	stileid.u32;
	[bflag:$0x2] =	sbarrier.arrive $0xFFFF  }
0x99: {  	p0 =	sne.s32 s0, $0x0;
	s0 =	rddreg [dreg:$0x2]  }
0x9a: {  	s0 =	sadd.s32 @!p0 $0x100000, s0  }
0x9b: {  	[sflag:s0] =	ssyncadd.tile.s32 @!p0 $0x1;
	_ =	shalt  }
.Lfunc_end2:
_tile_overlayer_lowered:
.L_overlay_start_2:
0x9c: {  	(tag) =	ssettag $0x2  }
0x9d: {  	s0 =	rddreg [dreg:$0x0];
	s2 =	stileid.u32  }
0x9e: {  	s1 =	rddreg [dreg:$0x1];
	p0 =	sne.s32 s2, $0x0  }
0x9f: {  	s3 =	rddreg [dreg:$0x2];
	[bflag:$0x3] =	sbarrier.arrive $0xFFFF;
	s2 =	simm.s32 @!p0 $0x1C05  }
0xa0: {  	[timem:s3], [sflag:s2] =	dma.local @!p0 [hbm:s0], s1  }
0xa1: {  	s0 =	simm.s32 @!p0 $0x5  }
0xa2: {  	_ =	swait.ge @!p0 [sflag:s0], s1  }
0xa3: {  	s1 =	ssub.s32 @!p0 $0x0, s1;
	[sflag:s0] =	ssyncset.done @!p0 $0x0  }
0xa4: {  	[sflag:s0] =	ssyncadd.s32 @!p0 s1  }
0xa5: {  	[bflag:$0x3] =	sbarrier.arrive $0xFFFF  }
0xa6: {  	_ =	shalt  }

// kernel: kernel.21.cloned.1.call-start
scs
__scs_entry_jumppad:
0x0: {  	(pc) =	sbr.rel $0x88, $3  }
0x1: {  	(tag) =	ssettag $0x0;
	lr =	simm.s32 $0x1  }
0x2: {  	[smem:$0x3F8C] =	sst lr;
	_ =	strace $0xD0000000  }
0x3: {  	_ = 	snop  }
0x4: {  	_ = 	snop  }
0x5: {  	_ = 	snop  }
0x6: {  	_ = 	snop  }
0x7: {  	_ = 	snop  }
__scs_overlays_trampoline_lowered:
0x8: {  	[smem:$0x3F9B] =	sst s0  }
0x9: {  	[smem:$0x3F9C] =	sst s1  }
0xa: {  	[smem:$0x3F9D] =	sst s2  }
0xb: {  	[smem:$0x3F9E] =	sst s3  }
0xc: {  	[smem:$0x3F9F] =	sst s4  }
0xd: {  	[smem:$0x3FA0] =	sst s5  }
0xe: {  	[smem:$0x3FA1] =	sst s6  }
0xf: {  	[smem:$0x3FA2] =	sst s7  }
0x10: {  	[smem:$0x3FA3] =	sst s8  }
0x11: {  	[smem:$0x3FA4] =	sst s9;
	s0 =	simm.s32 @!p0 $0x0  }
0x12: {  	s1 =	sld [smem:$0x3F8A];
	s0 =	simm.s32 @p0 $0x1  }
0x13: {  	[smem:$0x3FA5] =	sst s0;
	s0 =	simm.s32 @!p1 $0x0  }
0x14: {  	s2 =	sld [smem:$0x3F89];
	s0 =	simm.s32 @p1 $0x1  }
0x15: {  	[smem:$0x3FA6] =	sst s0;
	s0 =	simm.s32 @!p2 $0x0  }
0x16: {  	s3 =	sld [smem:$0x3FDB];
	s0 =	simm.s32 @p2 $0x1  }
0x17: {  	s4 =	simm.s32 $0x1BF5;
	[smem:$0x3FA8] =	sst s0  }
0x18: {  	s0 =	sld [smem:$0x3F8B];
	_ =	swait.ge [sflag:s4], $0x0  }
0x19: {  	s7 =	sld [smem:$0x3F8C]  }
0x1a: {  	s8 =	sadd.s32 $0xFFFFE003, lr  }
0x1b: {  	s9 =	sadd.s32 $0xFFFFFEF7, lr;
	s5 =	simm.s32 $0xFFFFFFFF;
	p2 =	slt.u32 s8, $0xFFFFF086  }
0x1c: {  	p1 =	slt.u32 s9, $0xF7A;
	s5 =	simm.s32 @!p2 $0x0  }
0x1d: {  	s5 =	simm.s32 @p1 $0x1;
	p0 =	seq.s32 s7, s2  }
0x1e: {  	s7 =	smul.u32 @!p0 $0xF7A, s2;
	p2 =	seq.s32 @!p0 s5, $0x0  }
0x1f: {  	s9 =	smul.u32 $0xF7A, s1;
	s8 =	simm.s32 @!p0 $0x1BF5;
	p2 =	por !p2, p0  }
0x20: {  	[sflag:s8] =	ssyncset.s32 @!p0 $0xFFFFF086;
	s6 =	sadd.s32 @!p0 s3, s7;
	s7 =	simm.s32 @!p0 $0x108  }
0x21: {  	s3 =	sadd.s32 s3, s9;
	s6 =	sadd.s32 @!p0 $0x88, s6;
	s7 =	simm.s32 @p2 $0x1082  }
0x22: {  	[simem:s7], [sflag:s8] =	dma.local @!p0 [hbm:s6], $0xF7A  }
0x23: {  	s9 =	sor.u32 $0xD0000000, s2;
	s6 =	simm.s32 $0x108;
	_ =	swait.ge @!p0 [sflag:s8], $0x0  }
0x24: {  	s3 =	sadd.s32 $0x88, s3;
	s6 =	simm.s32 @!p1 $0x1082;
	[sflag:s4] =	ssyncset.s32 $0xFFFFF086  }
0x25: {  	[simem:s6], [sflag:s4] =	dma.local [hbm:s3], $0xF7A  }
0x26: {  	[smem:$0x3F8C] =	sst s1;
	(tag) =	ssettag s2;
	_ =	strace s9  }
0x27: {  	s1 =	sld [smem:$0x3F9C]  }
0x28: {  	s2 =	sld [smem:$0x3F9D]  }
0x29: {  	s4 =	sld [smem:$0x3F9F]  }
0x2a: {  	p0 =	seq.s32 s5, $0x0;
	s5 =	sld [smem:$0x3FA0]  }
0x2b: {  	s6 =	sld [smem:$0x3FA1]  }
0x2c: {  	s7 =	sld [smem:$0x3FA2]  }
0x2d: {  	s3 =	simm.s32 $0x108;
	s8 =	sld [smem:$0x3FA3]  }
0x2e: {  	s3 =	simm.s32 @!p0 $0x1082;
	s9 =	sld [smem:$0x3FA4]  }
0x2f: {  	lr =	sadd.s32 s0, s3;
	s0 =	sld [smem:$0x3F9B]  }
0x30: {  	s3 =	sld [smem:$0x3F9E]  }
0x31: {  	[smem:$0x3FA7] =	sst s10  }
0x32: {  	s10 =	sld [smem:$0x3FA5];
	_ =	sdelay $0x3  }
0x33: {  	p0 =	seq.s32 s10, $0x1;
	s10 =	sld [smem:$0x3FA7];
	_ =	sdelay $0x3  }
0x34: {  	[smem:$0x3FA7] =	sst s10  }
0x35: {  	s10 =	sld [smem:$0x3FA6];
	_ =	sdelay $0x3  }
0x36: {  	p1 =	seq.s32 s10, $0x1;
	s10 =	sld [smem:$0x3FA7];
	_ =	sdelay $0x3  }
0x37: {  	[smem:$0x3FA7] =	sst s10  }
0x38: {  	s10 =	sld [smem:$0x3FA8]  }
0x39: {  	_ = 	snop;
	(pc) =	sbr.ind lr, $3  }
0x3a: {  	_ = 	snop  }
0x3b: {  	_ = 	snop  }
0x3c: {  	p2 =	seq.s32 s10, $0x1;
	s10 =	sld [smem:$0x3FA7]  }
0x3d: {  	_ =	shalt  }
0x3e: {  	_ =	shalt  }
0x3f: {  	_ =	shalt  }
0x40: {  	_ =	shalt  }
0x41: {  	_ =	shalt  }
0x42: {  	_ =	shalt  }
0x43: {  	_ =	shalt  }
0x44: {  	_ =	shalt  }
0x45: {  	_ =	shalt  }
0x46: {  	_ =	shalt  }
0x47: {  	_ =	shalt  }
0x48: {  	_ =	shalt  }
0x49: {  	_ =	shalt  }
0x4a: {  	_ =	shalt  }
0x4b: {  	_ =	shalt  }
0x4c: {  	_ =	shalt  }
0x4d: {  	_ =	shalt  }
0x4e: {  	_ =	shalt  }
0x4f: {  	_ =	shalt  }
0x50: {  	_ =	shalt  }
0x51: {  	_ =	shalt  }
0x52: {  	_ =	shalt  }
0x53: {  	_ =	shalt  }
0x54: {  	_ =	shalt  }
0x55: {  	_ =	shalt  }
0x56: {  	_ =	shalt  }
0x57: {  	_ =	shalt  }
0x58: {  	_ =	shalt  }
0x59: {  	_ =	shalt  }
0x5a: {  	_ =	shalt  }
0x5b: {  	_ =	shalt  }
0x5c: {  	_ =	shalt  }
0x5d: {  	_ =	shalt  }
0x5e: {  	_ =	shalt  }
0x5f: {  	_ =	shalt  }
0x60: {  	_ =	shalt  }
0x61: {  	_ =	shalt  }
0x62: {  	_ =	shalt  }
0x63: {  	_ =	shalt  }
0x64: {  	_ =	shalt  }
0x65: {  	_ =	shalt  }
0x66: {  	_ =	shalt  }
0x67: {  	_ =	shalt  }
0x68: {  	_ =	shalt  }
0x69: {  	_ =	shalt  }
0x6a: {  	_ =	shalt  }
0x6b: {  	_ =	shalt  }
0x6c: {  	_ =	shalt  }
0x6d: {  	_ =	shalt  }
0x6e: {  	_ =	shalt  }
0x6f: {  	_ =	shalt  }
0x70: {  	_ =	shalt  }
0x71: {  	_ =	shalt  }
0x72: {  	_ =	shalt  }
0x73: {  	_ =	shalt  }
0x74: {  	_ =	shalt  }
0x75: {  	_ =	shalt  }
0x76: {  	_ =	shalt  }
0x77: {  	_ =	shalt  }
0x78: {  	_ =	shalt  }
0x79: {  	_ =	shalt  }
0x7a: {  	_ =	shalt  }
0x7b: {  	_ =	shalt  }
0x7c: {  	_ =	shalt  }
0x7d: {  	_ =	shalt  }
0x7e: {  	_ =	shalt  }
0x7f: {  	_ =	shalt  }
0x80: {  	_ =	shalt  }
0x81: {  	_ =	shalt  }
0x82: {  	_ =	shalt  }
0x83: {  	_ =	shalt  }
0x84: {  	_ =	shalt  }
0x85: {  	_ =	shalt  }
0x86: {  	_ =	shalt  }
0x87: {  	_ =	shalt  }
.Lfunc_end0:
.L_simem_size_0:
called_computation.3_lowered:
.L_overlay_start_0:
0x88: {  	s2 =	sld [smem:$0x3FD9]  }
0x89: {  	s3 =	sld [smem:$0x3FFE];
	_ =	sdelay $0x1  }
0x8a: {  	s1 =	srdreg.scid  }
0x8b: {  	s0 =	sand.u32 $0x1, s1  }
0x8c: {  	s16 =	sshll.u32 s0, $0xA;
	s2 =	sadd.s32 s3, s2  }
0x8d: {  	s2 =	sadd.s32 s2, s16  }
0x8e: {  	[smem:$0x3FB3] =	sst s2  }
0x8f: {  	_ = 	snop  }
0x90: {  	(tm) =	ssettm $0x1  }
0x91: {  	s17 =	sld [smem:$0x3FFB];
	_ =	sdelay $0x3  }
0x92: {  	_ =	strace s17  }
0x93: {  	s2 =	sld [smem:$0x3FFC];
	_ =	sdelay $0x3  }
0x94: {  	_ =	strace s2  }
0x95: {  	s2 =	sld [smem:$0x3FFD];
	_ =	sdelay $0x3  }
0x96: {  	_ =	strace s2  }
0x97: {  	_ =	strace $0x8FFFFFFF  }
0x98: {  	s18 =	sld [smem:$0x3FDB];
	_ =	sdelay $0x1  }
0x99: {  	s19 =	simm.s32 $_scs_section_size  }
0x9a: {  	s4 =	simm.s32 $_size__tile_overlayer_lowered;
	s5 =	simm.s32 $_tile_overlayer_lowered  }
0x9b: {  	s22 =	simm.s32 $0x1BFF;
	s21 =	sshll.u32 s5, $0x1;
	s2 =	sadd.s32 s19, s18  }
0x9c: {  	s6 =	simm.s32 $0x0;
	s20 =	sshll.u32 s4, $0x1;
	s4 =	sadd.s32 s21, s2  }
0x9d: {  	[timem:s6], [sflag:s22] =	dma.local [hbm:s4], s20  }
0x9e: {  	_ =	swait.ge [sflag:s22], s20  }
0x9f: {  	s3 =	ssub.s32 $0x0, s20;
	[sflag:s22] =	ssyncset.done $0x0  }
0xa0: {  	[sflag:s22] =	ssyncadd.s32 s3;
	_ =	sdelay $0x1  }
0xa1: {  	s23 =	simm.s32 $0x1B8B  }
0xa2: {  	_ =	swait.ge [sflag:s23], $0x1  }
0xa3: {  	[sflag:s23] =	ssyncset.done $0x0  }
0xa4: {  	s25 =	simm.s32 $0x1B8E;
	s24 =	sld [smem:$0x3FFE];
	[sflag:s23] =	ssyncadd.s32 $0xFFFFFFFF  }
0xa5: {  	s26 =	simm.s32 $execute0_lowered;
	[smem:$0x3FD2] =	sst s25  }
0xa6: {  	s4 =	sshll.u32 s26, $0x1;
	_ =	strace $0x8000004F;
	[dreg:$0x1] =	wrdreg $0xFFFFFFFF  }
0xa7: {  	s28 =	simm.s32 $_size_execute0_lowered;
	s2 =	sadd.s32 s2, s4;
	[dreg:$0x0] =	wrdreg $0x0  }
0xa8: {  	s4 =	sshll.u32 s28, $0x1;
	[dreg:$0x2] =	wrdreg s2  }
0xa9: {  	[dreg:$0x3] =	wrdreg s4  }
0xaa: {  	[dreg:$0x4] =	wrdreg $0xC0  }
0xab: {  	_ =	task [dreg:s6], $0x5FFFF  }
0xac: {  	[dreg:$0x1] =	wrdreg $0xFFFFFFFF  }
0xad: {  	[dreg:$0x0] =	wrdreg $0x60  }
0xae: {  	[dreg:$0x2] =	wrdreg s24  }
0xaf: {  	[dreg:$0x3] =	wrdreg $0x11D000  }
0xb0: {  	[dreg:$0x4] =	wrdreg $0x9  }
0xb1: {  	_ =	task.clear_ibuf [dreg:s6], $0x5FFFF;
	_ =	strace $0x9000004F  }
0xb2: {  	s29 =	simm.s32 $0x9;
	_ =	strace $0x80000051  }
0xb3: {  	_ =	swait.ge [sflag:s29], $0x1  }
0xb4: {  	[sflag:s29] =	ssyncadd.s32 $0xFFFFFFFF  }
0xb5: {  	_ =	strace $0x90000051  }
0xb6: {  	_ =	sfence  }
0xb7: {  	s30 =	sld [smem:$0x0];
	_ =	sdelay $0x2  }
0xb8: {  	s31 =	sshll.u32 s1, $0xD;
	s1 =	sshrl.u32 s1, $0x2  }
0xb9: {  	s3 =	sand.u32 $0x4000, s31;
	s1 =	sadd.s32 s1, s30  }
0xba: {  	s0 =	sor.u32 s3, s0;
	s1 =	sshll.u32 s1, $0x11  }
0xbb: {  	s0 =	sor.u32 s1, s0  }
0xbc: {  	s0 =	sadd.s32 $0x8F2B, s0  }
0xbd: {  	[sflag:s0] =	ssyncadd.remote.s32 $0x1  }
0xbe: {  	_ =	sfence.sel $0xFFFF  }
0xbf: {  	[dreg:$0x0] =	wrdreg $0xFFFFFFFF;
	(pc) =	sbr.abs _section_cstart, $3  }
0xc0: {  	[dreg:$0x1] =	wrdreg $0xFFFFFFFF  }
0xc1: {  	_ =	task.clear_ibuf [dreg:s6], $0x2FFFF;
	_ =	strace $0x9FFFFFFF  }
0xc2: {  	(tm) =	ssettm $0x7FFFFFFF  }
0xc3: {  	_ =	shalt  }
tec
execute0_lowered:
.L_overlay_start_1:
0x0: {  	(tag) =	ssettag $0x1  }
0x1: {  	s0 =	srdreg.scid;
	s5 =	rddreg [dreg:$0x0]  }
0x2: {  	s8 =	stileid.u32;
	s2 =	rddreg [dreg:$0x1];
	s3 =	simm.s32 $0x0  }
0x3: {  	s11 =	simm.s32 $0x5;
	s13 =	simm.s32 $0x7D;
	s14 =	simm.s32 $0x5000  }
0x4: {  	s15 =	simm.s32 $0x80;
	s16 =	simm.s32 $0x6F40;
	s17 =	simm.s32 $0x100  }
0x5: {  	s18 =	simm.s32 $0x8E80;
	s19 =	simm.s32 $0x180;
	s20 =	simm.s32 $0xADC0  }
0x6: {  	s21 =	simm.s32 $0xCD00;
	s22 =	simm.s32 $0x1;
	s23 =	simm.s32 $0x2  }
0x7: {  	s24 =	simm.s32 $0x3;
	s25 =	simm.s32 $0x4;
	s28 =	simm.s32 $0x4E80  }
0x8: {  	s29 =	simm.s32 $0x4F00;
	s30 =	simm.s32 $0x4F80;
	s31 =	simm.s32 $0x0  }
0x9: {  	s0 =	sand.u32 $0x1, s0;
	s7 =	smul.u32 $0xA000, s8;
	[smem:$0x7FF] =	sst s3  }
0xa: {  	s4 =	sadd.s32 $0x18E00, s5;
	s1 =	sshll.u32 s0, $0x4;
	s6 =	smul.u32 $0xA0000, s0  }
0xb: {  	s0 =	ssub.s32 $0x2, s0;
	s1 =	sor.u32 s8, s1;
	s8 =	smul.u32 $0x28000, s8  }
0xc: {  	_ =	strace $0x80000050;
	s9 =	sshrl.u32 s0, $0x1;
	s1 =	smul.u32 $0x2800, s1  }
0xd: {  	s6 =	sadd.s32 s7, s6;
	s0 =	ssub.s32 s0, s9;
	s7 =	sadd.s32 s7, s2  }
0xe: {  	s6 =	sshrl.u32 s6, $0x3;
	s8 =	sshrl.u32 s8, $0x2;
	s1 =	sshrl.u32 s1, $0x3  }
0xf: {  	s10 =	sadd.s32 s6, s5;
	s26 =	sadd.s32 s8, s2;
	s1 =	sadd.s32 s1, s5  }
0x10: {  	s8 =	sadd.s32 $0x5000, s26;
	s9 =	sadd.s32 $0x2C800, s10;
	s10 =	smax.u32 s0, $0x1  }
0x11: {  	v0 =	vimm.f32 $0.0e+00;
	s26 =	simm.s32 $0x4E00;
	s5 =	sadd.s32 $0x4E00, s1;
	s6 =	sadd.s32 $0xEE00, s1  }
.LBB2_1:
0x12: {  	[tilespmem:s3], [sflag:$0x5] =	stream.linear.gather [hbm4b:s5+s3], $0x2800, $0x38;
	[tilespmem:$0x1BD00] =	vst v63  }
0x13: {  	_ =	swait.ge [sflag:s11], $0x2800  }
0x14: {  	[sflag:s11] =	ssyncset.done $0x0  }
0x15: {  	s0 =	simm.s32 $0x2800;
	[sflag:s11] =	ssyncadd.s32 $0xFFFFD800  }
0x16: {  	[tilespmem:s0], [sflag:$0x5] =	stream.linear.gather [hbm4b:s6+s3], $0x2800, $0x38;
	[tilespmem:$0x1BD00] =	vst v63  }
0x17: {  	_ =	swait.ge [sflag:s11], $0x2800  }
0x18: {  	[sflag:s11] =	ssyncset.done $0x0  }
0x19: {  	[sflag:s11] =	ssyncadd.s32 $0xFFFFD800  }
0x1a: {  	[tilespmem:s14], [sflag:$0x1] =	stream.indirect.gather [hbm4b:s4+s13], $0x40, s3, s13, $0xb8;
	[tilespmem:$0x1BD00] =	vst v63  }
0x1b: {  	_ = 	snop  }
0x1c: {  	[tilespmem:s16], [sflag:$0x2] =	stream.indirect.gather [hbm4b:s4+s13], $0x40, s15, s13, $0xb8;
	[tilespmem:$0x1BD00] =	vst v63  }
0x1d: {  	_ = 	snop  }
0x1e: {  	[tilespmem:s18], [sflag:$0x3] =	stream.indirect.gather [hbm4b:s4+s13], $0x40, s17, s13, $0xb8;
	[tilespmem:$0x1BD00] =	vst v63  }
0x1f: {  	s1 =	simm.s32 $0x100;
	s0 =	simm.s32 $0x0  }
0x20: {  	[tilespmem:s20], [sflag:$0x4] =	stream.indirect.gather [hbm4b:s4+s13], $0x40, s19, s13, $0xb8;
	[tilespmem:$0x1BD00] =	vst v63  }
.LBB2_2:
0x21: {  	p0 =	sne.s32 s1, $0x13F00;
	[tilespmem:s0+$0xCD30] =	vst v0;
	s12 =	smov.u32 s1;
	s1 =	sadd.s32 $0x100, s1  }
.Ltmp0:
0x22: {  	[tilespmem:s0+$0xCD20] =	vst v0;
	(pc) =	sbr.rel @p0 .LBB2_2-.Ltmp0, $3  }
0x23: {  	[tilespmem:s0+$0xCD00] =	vst v0  }
0x24: {  	[tilespmem:s0+$0xCD10] =	vst v0;
	_ =	sdelay $0x1  }
0x25: {  	s0 =	sshra.s32 s12, $0x2  }
0x26: {  	[tilespmem:s0+$0xCD30] =	vst v0  }
0x27: {  	[tilespmem:s0+$0xCD20] =	vst v0  }
0x28: {  	[tilespmem:s0+$0xCD00] =	vst v0  }
0x29: {  	[tilespmem:s0+$0xCD10] =	vst v0  }
0x2a: {  	[spmem:s7] =	stream.linear.scatter [tilespmem:s21], [sflag:$0x5], $0x5000, $0x38;
	[tilespmem:$0x1BD00] =	vst v63  }
0x2b: {  	_ =	swait.ge [sflag:s11], $0x5000  }
0x2c: {  	[sflag:s11] =	ssyncset.done $0x0  }
0x2d: {  	[sflag:s11] =	ssyncadd.s32 $0xFFFFB000  }
0x2e: {  	[spmem:s8] =	stream.linear.scatter [tilespmem:s21], [sflag:$0x5], $0x5000, $0x38;
	[tilespmem:$0x1BD00] =	vst v63  }
0x2f: {  	_ =	swait.ge [sflag:s11], $0x5000  }
0x30: {  	[sflag:s11] =	ssyncset.done $0x0  }
0x31: {  	[sflag:s11] =	ssyncadd.s32 $0xFFFFB000  }
0x32: {  	[bflag:$0x0] =	sbarrier.arrive $0xFFFF  }
0x33: {  	_ =	swait.ge [sflag:s22], $0x1F40  }
0x34: {  	[sflag:s22] =	ssyncset.done $0x0  }
0x35: {  	s12 =	simm.s32 $0x2800;
	[sflag:s22] =	ssyncadd.s32 $0xFFFFE0C0  }
0x36: {  	[spmem:s2] =	stream.indirect.scatter.add.f32 [tilespmem:s14], [sflag:$0x5], $0x40, s12, s13, $0xb8;
	[tilespmem:$0x1BD00] =	vst v63  }
0x37: {  	_ =	swait.ge [sflag:s11], $0x1F40  }
0x38: {  	[sflag:s11] =	ssyncset.done $0x0  }
0x39: {  	s1 =	simm.s32 $0x200;
	[sflag:s11] =	ssyncadd.s32 $0xFFFFE0C0  }
0x3a: {  	[tilespmem:s14], [sflag:$0x1] =	stream.indirect.gather [hbm4b:s4+s13], $0x40, s1, s13, $0xb8;
	[tilespmem:$0x1BD00] =	vst v63  }
0x3b: {  	_ =	swait.ge [sflag:s23], $0x1F40  }
0x3c: {  	[sflag:s23] =	ssyncset.done $0x0  }
0x3d: {  	s12 =	simm.s32 $0x2880;
	[sflag:s23] =	ssyncadd.s32 $0xFFFFE0C0  }
0x3e: {  	[spmem:s2] =	stream.indirect.scatter.add.f32 [tilespmem:s16], [sflag:$0x5], $0x40, s12, s13, $0xb8;
	[tilespmem:$0x1BD00] =	vst v63  }
0x3f: {  	_ =	swait.ge [sflag:s11], $0x1F40  }
0x40: {  	[sflag:s11] =	ssyncset.done $0x0  }
0x41: {  	s1 =	simm.s32 $0x280;
	[sflag:s11] =	ssyncadd.s32 $0xFFFFE0C0  }
0x42: {  	[tilespmem:s16], [sflag:$0x2] =	stream.indirect.gather [hbm4b:s4+s13], $0x40, s1, s13, $0xb8;
	[tilespmem:$0x1BD00] =	vst v63  }
0x43: {  	_ =	swait.ge [sflag:s24], $0x1F40  }
0x44: {  	[sflag:s24] =	ssyncset.done $0x0  }
0x45: {  	s12 =	simm.s32 $0x2900;
	[sflag:s24] =	ssyncadd.s32 $0xFFFFE0C0  }
0x46: {  	[spmem:s2] =	stream.indirect.scatter.add.f32 [tilespmem:s18], [sflag:$0x5], $0x40, s12, s13, $0xb8;
	[tilespmem:$0x1BD00] =	vst v63  }
0x47: {  	_ =	swait.ge [sflag:s11], $0x1F40  }
0x48: {  	[sflag:s11] =	ssyncset.done $0x0  }
0x49: {  	s1 =	simm.s32 $0x300;
	[sflag:s11] =	ssyncadd.s32 $0xFFFFE0C0  }
0x4a: {  	[tilespmem:s18], [sflag:$0x3] =	stream.indirect.gather [hbm4b:s4+s13], $0x40, s1, s13, $0xb8;
	[tilespmem:$0x1BD00] =	vst v63  }
0x4b: {  	_ =	swait.ge [sflag:s25], $0x1F40  }
0x4c: {  	[sflag:s25] =	ssyncset.done $0x0  }
0x4d: {  	s12 =	simm.s32 $0x2980;
	[sflag:s25] =	ssyncadd.s32 $0xFFFFE0C0  }
0x4e: {  	[spmem:s2] =	stream.indirect.scatter.add.f32 [tilespmem:s20], [sflag:$0x5], $0x40, s12, s13, $0xb8;
	[tilespmem:$0x1BD00] =	vst v63  }
0x4f: {  	_ =	swait.ge [sflag:s11], $0x1F40  }
0x50: {  	[sflag:s11] =	ssyncset.done $0x0  }
0x51: {  	s0 =	simm.s32 $0x380;
	s1 =	simm.s32 $0x800;
	[sflag:s11] =	ssyncadd.s32 $0xFFFFE0C0  }
.LBB2_4:
0x52: {  	[tilespmem:s20], [sflag:$0x4] =	stream.indirect.gather [hbm4b:s4+s13], $0x40, s0, s13, $0xb8;
	[tilespmem:$0x1BD00] =	vst v63  }
0x53: {  	s0 =	smov.u32 s1  }
0x54: {  	p0 =	sne.s32 s1, $0x9000;
	s1 =	sadd.s32 $0x800, s1;
	_ =	swait.ge [sflag:s22], $0x1F40  }
0x55: {  	s0 =	sshra.s32 s0, $0x2;
	[sflag:s22] =	ssyncset.done $0x0  }
0x56: {  	s12 =	sadd.s32 $0x2800, s0;
	[sflag:s22] =	ssyncadd.s32 $0xFFFFE0C0  }
0x57: {  	[spmem:s2] =	stream.indirect.scatter.add.f32 [tilespmem:s14], [sflag:$0x5], $0x40, s12, s13, $0xb8;
	[tilespmem:$0x1BD00] =	vst v63  }
0x58: {  	_ =	swait.ge [sflag:s11], $0x1F40  }
0x59: {  	[sflag:s11] =	ssyncset.done $0x0  }
0x5a: {  	s12 =	sadd.s32 $0x200, s0;
	[sflag:s11] =	ssyncadd.s32 $0xFFFFE0C0  }
0x5b: {  	[tilespmem:s14], [sflag:$0x1] =	stream.indirect.gather [hbm4b:s4+s13], $0x40, s12, s13, $0xb8;
	[tilespmem:$0x1BD00] =	vst v63  }
0x5c: {  	_ =	swait.ge [sflag:s23], $0x1F40  }
0x5d: {  	[sflag:s23] =	ssyncset.done $0x0  }
0x5e: {  	s12 =	sadd.s32 $0x2880, s0;
	[sflag:s23] =	ssyncadd.s32 $0xFFFFE0C0  }
0x5f: {  	[spmem:s2] =	stream.indirect.scatter.add.f32 [tilespmem:s16], [sflag:$0x5], $0x40, s12, s13, $0xb8;
	[tilespmem:$0x1BD00] =	vst v63  }
0x60: {  	_ =	swait.ge [sflag:s11], $0x1F40  }
0x61: {  	[sflag:s11] =	ssyncset.done $0x0  }
0x62: {  	s12 =	sadd.s32 $0x280, s0;
	[sflag:s11] =	ssyncadd.s32 $0xFFFFE0C0  }
0x63: {  	[tilespmem:s16], [sflag:$0x2] =	stream.indirect.gather [hbm4b:s4+s13], $0x40, s12, s13, $0xb8;
	[tilespmem:$0x1BD00] =	vst v63  }
0x64: {  	_ =	swait.ge [sflag:s24], $0x1F40  }
0x65: {  	[sflag:s24] =	ssyncset.done $0x0  }
0x66: {  	s12 =	sadd.s32 $0x2900, s0;
	[sflag:s24] =	ssyncadd.s32 $0xFFFFE0C0  }
0x67: {  	[spmem:s2] =	stream.indirect.scatter.add.f32 [tilespmem:s18], [sflag:$0x5], $0x40, s12, s13, $0xb8;
	[tilespmem:$0x1BD00] =	vst v63  }
0x68: {  	_ =	swait.ge [sflag:s11], $0x1F40  }
0x69: {  	[sflag:s11] =	ssyncset.done $0x0  }
0x6a: {  	s12 =	sadd.s32 $0x300, s0;
	[sflag:s11] =	ssyncadd.s32 $0xFFFFE0C0  }
0x6b: {  	[tilespmem:s18], [sflag:$0x3] =	stream.indirect.gather [hbm4b:s4+s13], $0x40, s12, s13, $0xb8;
	[tilespmem:$0x1BD00] =	vst v63  }
0x6c: {  	_ =	swait.ge [sflag:s25], $0x1F40  }
0x6d: {  	[sflag:s25] =	ssyncset.done $0x0  }
.Ltmp1:
0x6e: {  	s12 =	sadd.s32 $0x2980, s0;
	[sflag:s25] =	ssyncadd.s32 $0xFFFFE0C0;
	(pc) =	sbr.rel @p0 .LBB2_4-.Ltmp1, $4  }
0x6f: {  	[spmem:s2] =	stream.indirect.scatter.add.f32 [tilespmem:s20], [sflag:$0x5], $0x40, s12, s13, $0xb8;
	[tilespmem:$0x1BD00] =	vst v63  }
0x70: {  	_ =	swait.ge [sflag:s11], $0x1F40  }
0x71: {  	[sflag:s11] =	ssyncset.done $0x0  }
0x72: {  	s0 =	sadd.s32 $0x380, s0;
	[sflag:s11] =	ssyncadd.s32 $0xFFFFE0C0  }
0x73: {  	[tilespmem:s20], [sflag:$0x4] =	stream.indirect.gather [hbm4b:s4+s13], $0x40, s0, s13, $0xb8;
	[tilespmem:$0x1BD00] =	vst v63  }
0x74: {  	_ =	swait.ge [sflag:s22], $0x1F40  }
0x75: {  	[sflag:s22] =	ssyncset.done $0x0  }
0x76: {  	[sflag:s22] =	ssyncadd.s32 $0xFFFFE0C0  }
0x77: {  	[spmem:s2] =	stream.indirect.scatter.add.f32 [tilespmem:s14], [sflag:$0x5], $0x40, s26, s13, $0xb8;
	[tilespmem:$0x1BD00] =	vst v63  }
0x78: {  	_ =	swait.ge [sflag:s11], $0x1F40  }
0x79: {  	[sflag:s11] =	ssyncset.done $0x0  }
0x7a: {  	[sflag:s11] =	ssyncadd.s32 $0xFFFFE0C0  }
0x7b: {  	_ =	swait.ge [sflag:s23], $0x1F40  }
0x7c: {  	[sflag:s23] =	ssyncset.done $0x0  }
0x7d: {  	[sflag:s23] =	ssyncadd.s32 $0xFFFFE0C0  }
0x7e: {  	[spmem:s2] =	stream.indirect.scatter.add.f32 [tilespmem:s16], [sflag:$0x5], $0x40, s28, s13, $0xb8;
	[tilespmem:$0x1BD00] =	vst v63  }
0x7f: {  	_ =	swait.ge [sflag:s11], $0x1F40  }
0x80: {  	[sflag:s11] =	ssyncset.done $0x0  }
0x81: {  	[sflag:s11] =	ssyncadd.s32 $0xFFFFE0C0  }
0x82: {  	_ =	swait.ge [sflag:s24], $0x1F40  }
0x83: {  	[sflag:s24] =	ssyncset.done $0x0  }
0x84: {  	[sflag:s24] =	ssyncadd.s32 $0xFFFFE0C0  }
0x85: {  	[spmem:s2] =	stream.indirect.scatter.add.f32 [tilespmem:s18], [sflag:$0x5], $0x40, s29, s13, $0xb8;
	[tilespmem:$0x1BD00] =	vst v63  }
0x86: {  	_ =	swait.ge [sflag:s11], $0x1F40  }
0x87: {  	[sflag:s11] =	ssyncset.done $0x0  }
0x88: {  	[sflag:s11] =	ssyncadd.s32 $0xFFFFE0C0  }
0x89: {  	_ =	swait.ge [sflag:s25], $0x1F40  }
0x8a: {  	[sflag:s25] =	ssyncset.done $0x0  }
0x8b: {  	[sflag:s25] =	ssyncadd.s32 $0xFFFFE0C0  }
0x8c: {  	[spmem:s2] =	stream.indirect.scatter.add.f32 [tilespmem:s20], [sflag:$0x5], $0x40, s30, s13, $0xb8;
	[tilespmem:$0x1BD00] =	vst v63  }
0x8d: {  	s12 =	stileid.u32;
	_ =	swait.ge [sflag:s11], $0x1F40  }
0x8e: {  	s1 =	sshrl.u32 s7, $0x3;
	s31 =	sadd.s32 $0x1, s31;
	[sflag:s11] =	ssyncset.done $0x0  }
0x8f: {  	s0 =	sshll.u32 s12, $0x6;
	p0 =	sne.s32 s31, s10;
	[sflag:s11] =	ssyncadd.s32 $0xFFFFE0C0  }
.Ltmp2:
0x90: {  	s0 =	sor.u32 $0x1C05, s0;
	[bflag:$0x0] =	sbarrier.arrive $0xFFFF;
	(pc) =	sbr.rel @p0 .LBB2_1-.Ltmp2, $4  }
0x91: {  	[hbm:s9], [sflag:s0] =	dma.local [spmem:s1], $0x1400  }
0x92: {  	_ =	swait.ge [sflag:s11], $0x1400  }
0x93: {  	[sflag:s11] =	ssyncset.done $0x0  }
0x94: {  	[sflag:s11] =	ssyncadd.s32 $0xFFFFEC00  }
0x95: {  	_ =	sfence.sel $0x180000  }
0x96: {  	[bflag:$0x0] =	sbarrier.arrive $0xFFFF  }
0x97: {  	_ =	strace $0x90000050  }
0x98: {  	s0 =	stileid.u32;
	[bflag:$0x2] =	sbarrier.arrive $0xFFFF  }
0x99: {  	p0 =	sne.s32 s0, $0x0;
	s0 =	rddreg [dreg:$0x2]  }
0x9a: {  	s0 =	sadd.s32 @!p0 $0x100000, s0  }
0x9b: {  	[sflag:s0] =	ssyncadd.tile.s32 @!p0 $0x1;
	_ =	shalt  }
.Lfunc_end2:
_tile_overlayer_lowered:
.L_overlay_start_2:
0x9c: {  	(tag) =	ssettag $0x2  }
0x9d: {  	s0 =	rddreg [dreg:$0x0];
	s2 =	stileid.u32  }
0x9e: {  	s1 =	rddreg [dreg:$0x1];
	p0 =	sne.s32 s2, $0x0  }
0x9f: {  	s3 =	rddreg [dreg:$0x2];
	[bflag:$0x3] =	sbarrier.arrive $0xFFFF;
	s2 =	simm.s32 @!p0 $0x1C05  }
0xa0: {  	[timem:s3], [sflag:s2] =	dma.local @!p0 [hbm:s0], s1  }
0xa1: {  	s0 =	simm.s32 @!p0 $0x5  }
0xa2: {  	_ =	swait.ge @!p0 [sflag:s0], s1  }
0xa3: {  	s1 =	ssub.s32 @!p0 $0x0, s1;
	[sflag:s0] =	ssyncset.done @!p0 $0x0  }
0xa4: {  	[sflag:s0] =	ssyncadd.s32 @!p0 s1  }
0xa5: {  	[bflag:$0x3] =	sbarrier.arrive $0xFFFF  }
0xa6: {  	_ =	shalt  }

// kernel: kernel.24.cloned.1.call-start
scs
__scs_entry_jumppad:
0x0: {  	(pc) =	sbr.rel $0x88, $3  }
0x1: {  	(tag) =	ssettag $0x0;
	lr =	simm.s32 $0x1  }
0x2: {  	[smem:$0x3F8C] =	sst lr;
	_ =	strace $0xD0000000  }
0x3: {  	_ = 	snop  }
0x4: {  	_ = 	snop  }
0x5: {  	_ = 	snop  }
0x6: {  	_ = 	snop  }
0x7: {  	_ = 	snop  }
__scs_overlays_trampoline_lowered:
0x8: {  	[smem:$0x3F9B] =	sst s0  }
0x9: {  	[smem:$0x3F9C] =	sst s1  }
0xa: {  	[smem:$0x3F9D] =	sst s2  }
0xb: {  	[smem:$0x3F9E] =	sst s3  }
0xc: {  	[smem:$0x3F9F] =	sst s4  }
0xd: {  	[smem:$0x3FA0] =	sst s5  }
0xe: {  	[smem:$0x3FA1] =	sst s6  }
0xf: {  	[smem:$0x3FA2] =	sst s7  }
0x10: {  	[smem:$0x3FA3] =	sst s8  }
0x11: {  	[smem:$0x3FA4] =	sst s9;
	s0 =	simm.s32 @!p0 $0x0  }
0x12: {  	s1 =	sld [smem:$0x3F8A];
	s0 =	simm.s32 @p0 $0x1  }
0x13: {  	[smem:$0x3FA5] =	sst s0;
	s0 =	simm.s32 @!p1 $0x0  }
0x14: {  	s2 =	sld [smem:$0x3F89];
	s0 =	simm.s32 @p1 $0x1  }
0x15: {  	[smem:$0x3FA6] =	sst s0;
	s0 =	simm.s32 @!p2 $0x0  }
0x16: {  	s3 =	sld [smem:$0x3FDB];
	s0 =	simm.s32 @p2 $0x1  }
0x17: {  	s4 =	simm.s32 $0x1BF5;
	[smem:$0x3FA8] =	sst s0  }
0x18: {  	s0 =	sld [smem:$0x3F8B];
	_ =	swait.ge [sflag:s4], $0x0  }
0x19: {  	s7 =	sld [smem:$0x3F8C]  }
0x1a: {  	s8 =	sadd.s32 $0xFFFFE003, lr  }
0x1b: {  	s9 =	sadd.s32 $0xFFFFFEF7, lr;
	s5 =	simm.s32 $0xFFFFFFFF;
	p2 =	slt.u32 s8, $0xFFFFF086  }
0x1c: {  	p1 =	slt.u32 s9, $0xF7A;
	s5 =	simm.s32 @!p2 $0x0  }
0x1d: {  	s5 =	simm.s32 @p1 $0x1;
	p0 =	seq.s32 s7, s2  }
0x1e: {  	s7 =	smul.u32 @!p0 $0xF7A, s2;
	p2 =	seq.s32 @!p0 s5, $0x0  }
0x1f: {  	s9 =	smul.u32 $0xF7A, s1;
	s8 =	simm.s32 @!p0 $0x1BF5;
	p2 =	por !p2, p0  }
0x20: {  	[sflag:s8] =	ssyncset.s32 @!p0 $0xFFFFF086;
	s6 =	sadd.s32 @!p0 s3, s7;
	s7 =	simm.s32 @!p0 $0x108  }
0x21: {  	s3 =	sadd.s32 s3, s9;
	s6 =	sadd.s32 @!p0 $0x88, s6;
	s7 =	simm.s32 @p2 $0x1082  }
0x22: {  	[simem:s7], [sflag:s8] =	dma.local @!p0 [hbm:s6], $0xF7A  }
0x23: {  	s9 =	sor.u32 $0xD0000000, s2;
	s6 =	simm.s32 $0x108;
	_ =	swait.ge @!p0 [sflag:s8], $0x0  }
0x24: {  	s3 =	sadd.s32 $0x88, s3;
	s6 =	simm.s32 @!p1 $0x1082;
	[sflag:s4] =	ssyncset.s32 $0xFFFFF086  }
0x25: {  	[simem:s6], [sflag:s4] =	dma.local [hbm:s3], $0xF7A  }
0x26: {  	[smem:$0x3F8C] =	sst s1;
	(tag) =	ssettag s2;
	_ =	strace s9  }
0x27: {  	s1 =	sld [smem:$0x3F9C]  }
0x28: {  	s2 =	sld [smem:$0x3F9D]  }
0x29: {  	s4 =	sld [smem:$0x3F9F]  }
0x2a: {  	p0 =	seq.s32 s5, $0x0;
	s5 =	sld [smem:$0x3FA0]  }
0x2b: {  	s6 =	sld [smem:$0x3FA1]  }
0x2c: {  	s7 =	sld [smem:$0x3FA2]  }
0x2d: {  	s3 =	simm.s32 $0x108;
	s8 =	sld [smem:$0x3FA3]  }
0x2e: {  	s3 =	simm.s32 @!p0 $0x1082;
	s9 =	sld [smem:$0x3FA4]  }
0x2f: {  	lr =	sadd.s32 s0, s3;
	s0 =	sld [smem:$0x3F9B]  }
0x30: {  	s3 =	sld [smem:$0x3F9E]  }
0x31: {  	[smem:$0x3FA7] =	sst s10  }
0x32: {  	s10 =	sld [smem:$0x3FA5];
	_ =	sdelay $0x3  }
0x33: {  	p0 =	seq.s32 s10, $0x1;
	s10 =	sld [smem:$0x3FA7];
	_ =	sdelay $0x3  }
0x34: {  	[smem:$0x3FA7] =	sst s10  }
0x35: {  	s10 =	sld [smem:$0x3FA6];
	_ =	sdelay $0x3  }
0x36: {  	p1 =	seq.s32 s10, $0x1;
	s10 =	sld [smem:$0x3FA7];
	_ =	sdelay $0x3  }
0x37: {  	[smem:$0x3FA7] =	sst s10  }
0x38: {  	s10 =	sld [smem:$0x3FA8]  }
0x39: {  	_ = 	snop;
	(pc) =	sbr.ind lr, $3  }
0x3a: {  	_ = 	snop  }
0x3b: {  	_ = 	snop  }
0x3c: {  	p2 =	seq.s32 s10, $0x1;
	s10 =	sld [smem:$0x3FA7]  }
0x3d: {  	_ =	shalt  }
0x3e: {  	_ =	shalt  }
0x3f: {  	_ =	shalt  }
0x40: {  	_ =	shalt  }
0x41: {  	_ =	shalt  }
0x42: {  	_ =	shalt  }
0x43: {  	_ =	shalt  }
0x44: {  	_ =	shalt  }
0x45: {  	_ =	shalt  }
0x46: {  	_ =	shalt  }
0x47: {  	_ =	shalt  }
0x48: {  	_ =	shalt  }
0x49: {  	_ =	shalt  }
0x4a: {  	_ =	shalt  }
0x4b: {  	_ =	shalt  }
0x4c: {  	_ =	shalt  }
0x4d: {  	_ =	shalt  }
0x4e: {  	_ =	shalt  }
0x4f: {  	_ =	shalt  }
0x50: {  	_ =	shalt  }
0x51: {  	_ =	shalt  }
0x52: {  	_ =	shalt  }
0x53: {  	_ =	shalt  }
0x54: {  	_ =	shalt  }
0x55: {  	_ =	shalt  }
0x56: {  	_ =	shalt  }
0x57: {  	_ =	shalt  }
0x58: {  	_ =	shalt  }
0x59: {  	_ =	shalt  }
0x5a: {  	_ =	shalt  }
0x5b: {  	_ =	shalt  }
0x5c: {  	_ =	shalt  }
0x5d: {  	_ =	shalt  }
0x5e: {  	_ =	shalt  }
0x5f: {  	_ =	shalt  }
0x60: {  	_ =	shalt  }
0x61: {  	_ =	shalt  }
0x62: {  	_ =	shalt  }
0x63: {  	_ =	shalt  }
0x64: {  	_ =	shalt  }
0x65: {  	_ =	shalt  }
0x66: {  	_ =	shalt  }
0x67: {  	_ =	shalt  }
0x68: {  	_ =	shalt  }
0x69: {  	_ =	shalt  }
0x6a: {  	_ =	shalt  }
0x6b: {  	_ =	shalt  }
0x6c: {  	_ =	shalt  }
0x6d: {  	_ =	shalt  }
0x6e: {  	_ =	shalt  }
0x6f: {  	_ =	shalt  }
0x70: {  	_ =	shalt  }
0x71: {  	_ =	shalt  }
0x72: {  	_ =	shalt  }
0x73: {  	_ =	shalt  }
0x74: {  	_ =	shalt  }
0x75: {  	_ =	shalt  }
0x76: {  	_ =	shalt  }
0x77: {  	_ =	shalt  }
0x78: {  	_ =	shalt  }
0x79: {  	_ =	shalt  }
0x7a: {  	_ =	shalt  }
0x7b: {  	_ =	shalt  }
0x7c: {  	_ =	shalt  }
0x7d: {  	_ =	shalt  }
0x7e: {  	_ =	shalt  }
0x7f: {  	_ =	shalt  }
0x80: {  	_ =	shalt  }
0x81: {  	_ =	shalt  }
0x82: {  	_ =	shalt  }
0x83: {  	_ =	shalt  }
0x84: {  	_ =	shalt  }
0x85: {  	_ =	shalt  }
0x86: {  	_ =	shalt  }
0x87: {  	_ =	shalt  }
.Lfunc_end0:
.L_simem_size_0:
called_computation.4_lowered:
.L_overlay_start_0:
0x88: {  	s2 =	sld [smem:$0x3FD9]  }
0x89: {  	s3 =	sld [smem:$0x3FFE];
	_ =	sdelay $0x1  }
0x8a: {  	s1 =	srdreg.scid  }
0x8b: {  	s0 =	sand.u32 $0x1, s1  }
0x8c: {  	s16 =	sshll.u32 s0, $0xA;
	s2 =	sadd.s32 s3, s2  }
0x8d: {  	s2 =	sadd.s32 s2, s16  }
0x8e: {  	[smem:$0x3FB3] =	sst s2  }
0x8f: {  	_ = 	snop  }
0x90: {  	(tm) =	ssettm $0x1  }
0x91: {  	s17 =	sld [smem:$0x3FFB];
	_ =	sdelay $0x3  }
0x92: {  	_ =	strace s17  }
0x93: {  	s2 =	sld [smem:$0x3FFC];
	_ =	sdelay $0x3  }
0x94: {  	_ =	strace s2  }
0x95: {  	s2 =	sld [smem:$0x3FFD];
	_ =	sdelay $0x3  }
0x96: {  	_ =	strace s2  }
0x97: {  	_ =	strace $0x8FFFFFFF  }
0x98: {  	s18 =	sld [smem:$0x3FDB];
	_ =	sdelay $0x1  }
0x99: {  	s19 =	simm.s32 $_scs_section_size  }
0x9a: {  	s4 =	simm.s32 $_size__tile_overlayer_lowered;
	s5 =	simm.s32 $_tile_overlayer_lowered  }
0x9b: {  	s22 =	simm.s32 $0x1BFF;
	s21 =	sshll.u32 s5, $0x1;
	s2 =	sadd.s32 s19, s18  }
0x9c: {  	s6 =	simm.s32 $0x0;
	s20 =	sshll.u32 s4, $0x1;
	s4 =	sadd.s32 s21, s2  }
0x9d: {  	[timem:s6], [sflag:s22] =	dma.local [hbm:s4], s20  }
0x9e: {  	_ =	swait.ge [sflag:s22], s20  }
0x9f: {  	s3 =	ssub.s32 $0x0, s20;
	[sflag:s22] =	ssyncset.done $0x0  }
0xa0: {  	[sflag:s22] =	ssyncadd.s32 s3;
	_ =	sdelay $0x1  }
0xa1: {  	s23 =	simm.s32 $0x1B8B  }
0xa2: {  	_ =	swait.ge [sflag:s23], $0x1  }
0xa3: {  	[sflag:s23] =	ssyncset.done $0x0  }
0xa4: {  	s25 =	simm.s32 $0x1B8E;
	s24 =	sld [smem:$0x3FFE];
	[sflag:s23] =	ssyncadd.s32 $0xFFFFFFFF  }
0xa5: {  	s26 =	simm.s32 $execute0_lowered;
	[smem:$0x3FD2] =	sst s25  }
0xa6: {  	s4 =	sshll.u32 s26, $0x1;
	_ =	strace $0x80000052;
	[dreg:$0x1] =	wrdreg $0xFFFFFFFF  }
0xa7: {  	s28 =	simm.s32 $_size_execute0_lowered;
	s2 =	sadd.s32 s2, s4;
	[dreg:$0x0] =	wrdreg $0x0  }
0xa8: {  	s4 =	sshll.u32 s28, $0x1;
	[dreg:$0x2] =	wrdreg s2  }
0xa9: {  	[dreg:$0x3] =	wrdreg s4  }
0xaa: {  	[dreg:$0x4] =	wrdreg $0xC0  }
0xab: {  	_ =	task [dreg:s6], $0x5FFFF  }
0xac: {  	[dreg:$0x1] =	wrdreg $0xFFFFFFFF  }
0xad: {  	[dreg:$0x0] =	wrdreg $0x60  }
0xae: {  	[dreg:$0x2] =	wrdreg s24  }
0xaf: {  	[dreg:$0x3] =	wrdreg $0x11D000  }
0xb0: {  	[dreg:$0x4] =	wrdreg $0x9  }
0xb1: {  	_ =	task.clear_ibuf [dreg:s6], $0x5FFFF;
	_ =	strace $0x90000052  }
0xb2: {  	s29 =	simm.s32 $0x9;
	_ =	strace $0x80000054  }
0xb3: {  	_ =	swait.ge [sflag:s29], $0x1  }
0xb4: {  	[sflag:s29] =	ssyncadd.s32 $0xFFFFFFFF  }
0xb5: {  	_ =	strace $0x90000054  }
0xb6: {  	_ =	sfence  }
0xb7: {  	s30 =	sld [smem:$0x0];
	_ =	sdelay $0x2  }
0xb8: {  	s31 =	sshll.u32 s1, $0xD;
	s1 =	sshrl.u32 s1, $0x2  }
0xb9: {  	s3 =	sand.u32 $0x4000, s31;
	s1 =	sadd.s32 s1, s30  }
0xba: {  	s0 =	sor.u32 s3, s0;
	s1 =	sshll.u32 s1, $0x11  }
0xbb: {  	s0 =	sor.u32 s1, s0  }
0xbc: {  	s0 =	sadd.s32 $0x8F2B, s0  }
0xbd: {  	[sflag:s0] =	ssyncadd.remote.s32 $0x1  }
0xbe: {  	_ =	sfence.sel $0xFFFF  }
0xbf: {  	[dreg:$0x0] =	wrdreg $0xFFFFFFFF;
	(pc) =	sbr.abs _section_cstart, $3  }
0xc0: {  	[dreg:$0x1] =	wrdreg $0xFFFFFFFF  }
0xc1: {  	_ =	task.clear_ibuf [dreg:s6], $0x2FFFF;
	_ =	strace $0x9FFFFFFF  }
0xc2: {  	(tm) =	ssettm $0x7FFFFFFF  }
0xc3: {  	_ =	shalt  }
tec
execute0_lowered:
.L_overlay_start_1:
0x0: {  	(tag) =	ssettag $0x1  }
0x1: {  	s0 =	srdreg.scid;
	s5 =	rddreg [dreg:$0x0]  }
0x2: {  	s8 =	stileid.u32;
	s2 =	rddreg [dreg:$0x1];
	s3 =	simm.s32 $0x0  }
0x3: {  	s11 =	simm.s32 $0x5;
	s13 =	simm.s32 $0x7D;
	s14 =	simm.s32 $0x5000  }
0x4: {  	s15 =	simm.s32 $0x80;
	s16 =	simm.s32 $0x6F40;
	s17 =	simm.s32 $0x100  }
0x5: {  	s18 =	simm.s32 $0x8E80;
	s19 =	simm.s32 $0x180;
	s20 =	simm.s32 $0xADC0  }
0x6: {  	s21 =	simm.s32 $0xCD00;
	s22 =	simm.s32 $0x1;
	s23 =	simm.s32 $0x2  }
0x7: {  	s24 =	simm.s32 $0x3;
	s25 =	simm.s32 $0x4;
	s28 =	simm.s32 $0x4E80  }
0x8: {  	s29 =	simm.s32 $0x4F00;
	s30 =	simm.s32 $0x4F80;
	s31 =	simm.s32 $0x0  }
0x9: {  	s0 =	sand.u32 $0x1, s0;
	s7 =	smul.u32 $0xA000, s8;
	[smem:$0x7FF] =	sst s3  }
0xa: {  	s4 =	sadd.s32 $0x18E00, s5;
	s1 =	sshll.u32 s0, $0x4;
	s6 =	smul.u32 $0xA0000, s0  }
0xb: {  	s0 =	ssub.s32 $0x2, s0;
	s1 =	sor.u32 s8, s1;
	s8 =	smul.u32 $0x28000, s8  }
0xc: {  	_ =	strace $0x80000053;
	s9 =	sshrl.u32 s0, $0x1;
	s1 =	smul.u32 $0x2800, s1  }
0xd: {  	s6 =	sadd.s32 s7, s6;
	s0 =	ssub.s32 s0, s9;
	s7 =	sadd.s32 s7, s2  }
0xe: {  	s6 =	sshrl.u32 s6, $0x3;
	s8 =	sshrl.u32 s8, $0x2;
	s1 =	sshrl.u32 s1, $0x3  }
0xf: {  	s10 =	sadd.s32 s6, s5;
	s26 =	sadd.s32 s8, s2;
	s1 =	sadd.s32 s1, s5  }
0x10: {  	s8 =	sadd.s32 $0x5000, s26;
	s9 =	sadd.s32 $0x2C800, s10;
	s10 =	smax.u32 s0, $0x1  }
0x11: {  	v0 =	vimm.f32 $0.0e+00;
	s26 =	simm.s32 $0x4E00;
	s5 =	sadd.s32 $0x4E00, s1;
	s6 =	sadd.s32 $0xEE00, s1  }
.LBB2_1:
0x12: {  	[tilespmem:s3], [sflag:$0x5] =	stream.linear.gather [hbm4b:s5+s3], $0x2800, $0x38;
	[tilespmem:$0x1BD00] =	vst v63  }
0x13: {  	_ =	swait.ge [sflag:s11], $0x2800  }
0x14: {  	[sflag:s11] =	ssyncset.done $0x0  }
0x15: {  	s0 =	simm.s32 $0x2800;
	[sflag:s11] =	ssyncadd.s32 $0xFFFFD800  }
0x16: {  	[tilespmem:s0], [sflag:$0x5] =	stream.linear.gather [hbm4b:s6+s3], $0x2800, $0x38;
	[tilespmem:$0x1BD00] =	vst v63  }
0x17: {  	_ =	swait.ge [sflag:s11], $0x2800  }
0x18: {  	[sflag:s11] =	ssyncset.done $0x0  }
0x19: {  	[sflag:s11] =	ssyncadd.s32 $0xFFFFD800  }
0x1a: {  	[tilespmem:s14], [sflag:$0x1] =	stream.indirect.gather [hbm4b:s4+s13], $0x40, s3, s13, $0xb8;
	[tilespmem:$0x1BD00] =	vst v63  }
0x1b: {  	_ = 	snop  }
0x1c: {  	[tilespmem:s16], [sflag:$0x2] =	stream.indirect.gather [hbm4b:s4+s13], $0x40, s15, s13, $0xb8;
	[tilespmem:$0x1BD00] =	vst v63  }
0x1d: {  	_ = 	snop  }
0x1e: {  	[tilespmem:s18], [sflag:$0x3] =	stream.indirect.gather [hbm4b:s4+s13], $0x40, s17, s13, $0xb8;
	[tilespmem:$0x1BD00] =	vst v63  }
0x1f: {  	s1 =	simm.s32 $0x100;
	s0 =	simm.s32 $0x0  }
0x20: {  	[tilespmem:s20], [sflag:$0x4] =	stream.indirect.gather [hbm4b:s4+s13], $0x40, s19, s13, $0xb8;
	[tilespmem:$0x1BD00] =	vst v63  }
.LBB2_2:
0x21: {  	p0 =	sne.s32 s1, $0x13F00;
	[tilespmem:s0+$0xCD30] =	vst v0;
	s12 =	smov.u32 s1;
	s1 =	sadd.s32 $0x100, s1  }
.Ltmp0:
0x22: {  	[tilespmem:s0+$0xCD20] =	vst v0;
	(pc) =	sbr.rel @p0 .LBB2_2-.Ltmp0, $3  }
0x23: {  	[tilespmem:s0+$0xCD00] =	vst v0  }
0x24: {  	[tilespmem:s0+$0xCD10] =	vst v0;
	_ =	sdelay $0x1  }
0x25: {  	s0 =	sshra.s32 s12, $0x2  }
0x26: {  	[tilespmem:s0+$0xCD30] =	vst v0  }
0x27: {  	[tilespmem:s0+$0xCD20] =	vst v0  }
0x28: {  	[tilespmem:s0+$0xCD00] =	vst v0  }
0x29: {  	[tilespmem:s0+$0xCD10] =	vst v0  }
0x2a: {  	[spmem:s7] =	stream.linear.scatter [tilespmem:s21], [sflag:$0x5], $0x5000, $0x38;
	[tilespmem:$0x1BD00] =	vst v63  }
0x2b: {  	_ =	swait.ge [sflag:s11], $0x5000  }
0x2c: {  	[sflag:s11] =	ssyncset.done $0x0  }
0x2d: {  	[sflag:s11] =	ssyncadd.s32 $0xFFFFB000  }
0x2e: {  	[spmem:s8] =	stream.linear.scatter [tilespmem:s21], [sflag:$0x5], $0x5000, $0x38;
	[tilespmem:$0x1BD00] =	vst v63  }
0x2f: {  	_ =	swait.ge [sflag:s11], $0x5000  }
0x30: {  	[sflag:s11] =	ssyncset.done $0x0  }
0x31: {  	[sflag:s11] =	ssyncadd.s32 $0xFFFFB000  }
0x32: {  	[bflag:$0x0] =	sbarrier.arrive $0xFFFF  }
0x33: {  	_ =	swait.ge [sflag:s22], $0x1F40  }
0x34: {  	[sflag:s22] =	ssyncset.done $0x0  }
0x35: {  	s12 =	simm.s32 $0x2800;
	[sflag:s22] =	ssyncadd.s32 $0xFFFFE0C0  }
0x36: {  	[spmem:s2] =	stream.indirect.scatter.add.f32 [tilespmem:s14], [sflag:$0x5], $0x40, s12, s13, $0xb8;
	[tilespmem:$0x1BD00] =	vst v63  }
0x37: {  	_ =	swait.ge [sflag:s11], $0x1F40  }
0x38: {  	[sflag:s11] =	ssyncset.done $0x0  }
0x39: {  	s1 =	simm.s32 $0x200;
	[sflag:s11] =	ssyncadd.s32 $0xFFFFE0C0  }
0x3a: {  	[tilespmem:s14], [sflag:$0x1] =	stream.indirect.gather [hbm4b:s4+s13], $0x40, s1, s13, $0xb8;
	[tilespmem:$0x1BD00] =	vst v63  }
0x3b: {  	_ =	swait.ge [sflag:s23], $0x1F40  }
0x3c: {  	[sflag:s23] =	ssyncset.done $0x0  }
0x3d: {  	s12 =	simm.s32 $0x2880;
	[sflag:s23] =	ssyncadd.s32 $0xFFFFE0C0  }
0x3e: {  	[spmem:s2] =	stream.indirect.scatter.add.f32 [tilespmem:s16], [sflag:$0x5], $0x40, s12, s13, $0xb8;
	[tilespmem:$0x1BD00] =	vst v63  }
0x3f: {  	_ =	swait.ge [sflag:s11], $0x1F40  }
0x40: {  	[sflag:s11] =	ssyncset.done $0x0  }
0x41: {  	s1 =	simm.s32 $0x280;
	[sflag:s11] =	ssyncadd.s32 $0xFFFFE0C0  }
0x42: {  	[tilespmem:s16], [sflag:$0x2] =	stream.indirect.gather [hbm4b:s4+s13], $0x40, s1, s13, $0xb8;
	[tilespmem:$0x1BD00] =	vst v63  }
0x43: {  	_ =	swait.ge [sflag:s24], $0x1F40  }
0x44: {  	[sflag:s24] =	ssyncset.done $0x0  }
0x45: {  	s12 =	simm.s32 $0x2900;
	[sflag:s24] =	ssyncadd.s32 $0xFFFFE0C0  }
0x46: {  	[spmem:s2] =	stream.indirect.scatter.add.f32 [tilespmem:s18], [sflag:$0x5], $0x40, s12, s13, $0xb8;
	[tilespmem:$0x1BD00] =	vst v63  }
0x47: {  	_ =	swait.ge [sflag:s11], $0x1F40  }
0x48: {  	[sflag:s11] =	ssyncset.done $0x0  }
0x49: {  	s1 =	simm.s32 $0x300;
	[sflag:s11] =	ssyncadd.s32 $0xFFFFE0C0  }
0x4a: {  	[tilespmem:s18], [sflag:$0x3] =	stream.indirect.gather [hbm4b:s4+s13], $0x40, s1, s13, $0xb8;
	[tilespmem:$0x1BD00] =	vst v63  }
0x4b: {  	_ =	swait.ge [sflag:s25], $0x1F40  }
0x4c: {  	[sflag:s25] =	ssyncset.done $0x0  }
0x4d: {  	s12 =	simm.s32 $0x2980;
	[sflag:s25] =	ssyncadd.s32 $0xFFFFE0C0  }
0x4e: {  	[spmem:s2] =	stream.indirect.scatter.add.f32 [tilespmem:s20], [sflag:$0x5], $0x40, s12, s13, $0xb8;
	[tilespmem:$0x1BD00] =	vst v63  }
0x4f: {  	_ =	swait.ge [sflag:s11], $0x1F40  }
0x50: {  	[sflag:s11] =	ssyncset.done $0x0  }
0x51: {  	s0 =	simm.s32 $0x380;
	s1 =	simm.s32 $0x800;
	[sflag:s11] =	ssyncadd.s32 $0xFFFFE0C0  }
.LBB2_4:
0x52: {  	[tilespmem:s20], [sflag:$0x4] =	stream.indirect.gather [hbm4b:s4+s13], $0x40, s0, s13, $0xb8;
	[tilespmem:$0x1BD00] =	vst v63  }
0x53: {  	s0 =	smov.u32 s1  }
0x54: {  	p0 =	sne.s32 s1, $0x9000;
	s1 =	sadd.s32 $0x800, s1;
	_ =	swait.ge [sflag:s22], $0x1F40  }
0x55: {  	s0 =	sshra.s32 s0, $0x2;
	[sflag:s22] =	ssyncset.done $0x0  }
0x56: {  	s12 =	sadd.s32 $0x2800, s0;
	[sflag:s22] =	ssyncadd.s32 $0xFFFFE0C0  }
0x57: {  	[spmem:s2] =	stream.indirect.scatter.add.f32 [tilespmem:s14], [sflag:$0x5], $0x40, s12, s13, $0xb8;
	[tilespmem:$0x1BD00] =	vst v63  }
0x58: {  	_ =	swait.ge [sflag:s11], $0x1F40  }
0x59: {  	[sflag:s11] =	ssyncset.done $0x0  }
0x5a: {  	s12 =	sadd.s32 $0x200, s0;
	[sflag:s11] =	ssyncadd.s32 $0xFFFFE0C0  }
0x5b: {  	[tilespmem:s14], [sflag:$0x1] =	stream.indirect.gather [hbm4b:s4+s13], $0x40, s12, s13, $0xb8;
	[tilespmem:$0x1BD00] =	vst v63  }
0x5c: {  	_ =	swait.ge [sflag:s23], $0x1F40  }
0x5d: {  	[sflag:s23] =	ssyncset.done $0x0  }
0x5e: {  	s12 =	sadd.s32 $0x2880, s0;
	[sflag:s23] =	ssyncadd.s32 $0xFFFFE0C0  }
0x5f: {  	[spmem:s2] =	stream.indirect.scatter.add.f32 [tilespmem:s16], [sflag:$0x5], $0x40, s12, s13, $0xb8;
	[tilespmem:$0x1BD00] =	vst v63  }
0x60: {  	_ =	swait.ge [sflag:s11], $0x1F40  }
0x61: {  	[sflag:s11] =	ssyncset.done $0x0  }
0x62: {  	s12 =	sadd.s32 $0x280, s0;
	[sflag:s11] =	ssyncadd.s32 $0xFFFFE0C0  }
0x63: {  	[tilespmem:s16], [sflag:$0x2] =	stream.indirect.gather [hbm4b:s4+s13], $0x40, s12, s13, $0xb8;
	[tilespmem:$0x1BD00] =	vst v63  }
0x64: {  	_ =	swait.ge [sflag:s24], $0x1F40  }
0x65: {  	[sflag:s24] =	ssyncset.done $0x0  }
0x66: {  	s12 =	sadd.s32 $0x2900, s0;
	[sflag:s24] =	ssyncadd.s32 $0xFFFFE0C0  }
0x67: {  	[spmem:s2] =	stream.indirect.scatter.add.f32 [tilespmem:s18], [sflag:$0x5], $0x40, s12, s13, $0xb8;
	[tilespmem:$0x1BD00] =	vst v63  }
0x68: {  	_ =	swait.ge [sflag:s11], $0x1F40  }
0x69: {  	[sflag:s11] =	ssyncset.done $0x0  }
0x6a: {  	s12 =	sadd.s32 $0x300, s0;
	[sflag:s11] =	ssyncadd.s32 $0xFFFFE0C0  }
0x6b: {  	[tilespmem:s18], [sflag:$0x3] =	stream.indirect.gather [hbm4b:s4+s13], $0x40, s12, s13, $0xb8;
	[tilespmem:$0x1BD00] =	vst v63  }
0x6c: {  	_ =	swait.ge [sflag:s25], $0x1F40  }
0x6d: {  	[sflag:s25] =	ssyncset.done $0x0  }
.Ltmp1:
0x6e: {  	s12 =	sadd.s32 $0x2980, s0;
	[sflag:s25] =	ssyncadd.s32 $0xFFFFE0C0;
	(pc) =	sbr.rel @p0 .LBB2_4-.Ltmp1, $4  }
0x6f: {  	[spmem:s2] =	stream.indirect.scatter.add.f32 [tilespmem:s20], [sflag:$0x5], $0x40, s12, s13, $0xb8;
	[tilespmem:$0x1BD00] =	vst v63  }
0x70: {  	_ =	swait.ge [sflag:s11], $0x1F40  }
0x71: {  	[sflag:s11] =	ssyncset.done $0x0  }
0x72: {  	s0 =	sadd.s32 $0x380, s0;
	[sflag:s11] =	ssyncadd.s32 $0xFFFFE0C0  }
0x73: {  	[tilespmem:s20], [sflag:$0x4] =	stream.indirect.gather [hbm4b:s4+s13], $0x40, s0, s13, $0xb8;
	[tilespmem:$0x1BD00] =	vst v63  }
0x74: {  	_ =	swait.ge [sflag:s22], $0x1F40  }
0x75: {  	[sflag:s22] =	ssyncset.done $0x0  }
0x76: {  	[sflag:s22] =	ssyncadd.s32 $0xFFFFE0C0  }
0x77: {  	[spmem:s2] =	stream.indirect.scatter.add.f32 [tilespmem:s14], [sflag:$0x5], $0x40, s26, s13, $0xb8;
	[tilespmem:$0x1BD00] =	vst v63  }
0x78: {  	_ =	swait.ge [sflag:s11], $0x1F40  }
0x79: {  	[sflag:s11] =	ssyncset.done $0x0  }
0x7a: {  	[sflag:s11] =	ssyncadd.s32 $0xFFFFE0C0  }
0x7b: {  	_ =	swait.ge [sflag:s23], $0x1F40  }
0x7c: {  	[sflag:s23] =	ssyncset.done $0x0  }
0x7d: {  	[sflag:s23] =	ssyncadd.s32 $0xFFFFE0C0  }
0x7e: {  	[spmem:s2] =	stream.indirect.scatter.add.f32 [tilespmem:s16], [sflag:$0x5], $0x40, s28, s13, $0xb8;
	[tilespmem:$0x1BD00] =	vst v63  }
0x7f: {  	_ =	swait.ge [sflag:s11], $0x1F40  }
0x80: {  	[sflag:s11] =	ssyncset.done $0x0  }
0x81: {  	[sflag:s11] =	ssyncadd.s32 $0xFFFFE0C0  }
0x82: {  	_ =	swait.ge [sflag:s24], $0x1F40  }
0x83: {  	[sflag:s24] =	ssyncset.done $0x0  }
0x84: {  	[sflag:s24] =	ssyncadd.s32 $0xFFFFE0C0  }
0x85: {  	[spmem:s2] =	stream.indirect.scatter.add.f32 [tilespmem:s18], [sflag:$0x5], $0x40, s29, s13, $0xb8;
	[tilespmem:$0x1BD00] =	vst v63  }
0x86: {  	_ =	swait.ge [sflag:s11], $0x1F40  }
0x87: {  	[sflag:s11] =	ssyncset.done $0x0  }
0x88: {  	[sflag:s11] =	ssyncadd.s32 $0xFFFFE0C0  }
0x89: {  	_ =	swait.ge [sflag:s25], $0x1F40  }
0x8a: {  	[sflag:s25] =	ssyncset.done $0x0  }
0x8b: {  	[sflag:s25] =	ssyncadd.s32 $0xFFFFE0C0  }
0x8c: {  	[spmem:s2] =	stream.indirect.scatter.add.f32 [tilespmem:s20], [sflag:$0x5], $0x40, s30, s13, $0xb8;
	[tilespmem:$0x1BD00] =	vst v63  }
0x8d: {  	s12 =	stileid.u32;
	_ =	swait.ge [sflag:s11], $0x1F40  }
0x8e: {  	s1 =	sshrl.u32 s7, $0x3;
	s31 =	sadd.s32 $0x1, s31;
	[sflag:s11] =	ssyncset.done $0x0  }
0x8f: {  	s0 =	sshll.u32 s12, $0x6;
	p0 =	sne.s32 s31, s10;
	[sflag:s11] =	ssyncadd.s32 $0xFFFFE0C0  }
.Ltmp2:
0x90: {  	s0 =	sor.u32 $0x1C05, s0;
	[bflag:$0x0] =	sbarrier.arrive $0xFFFF;
	(pc) =	sbr.rel @p0 .LBB2_1-.Ltmp2, $4  }
0x91: {  	[hbm:s9], [sflag:s0] =	dma.local [spmem:s1], $0x1400  }
0x92: {  	_ =	swait.ge [sflag:s11], $0x1400  }
0x93: {  	[sflag:s11] =	ssyncset.done $0x0  }
0x94: {  	[sflag:s11] =	ssyncadd.s32 $0xFFFFEC00  }
0x95: {  	_ =	sfence.sel $0x180000  }
0x96: {  	[bflag:$0x0] =	sbarrier.arrive $0xFFFF  }
0x97: {  	_ =	strace $0x90000053  }
0x98: {  	s0 =	stileid.u32;
	[bflag:$0x2] =	sbarrier.arrive $0xFFFF  }
0x99: {  	p0 =	sne.s32 s0, $0x0;
	s0 =	rddreg [dreg:$0x2]  }
0x9a: {  	s0 =	sadd.s32 @!p0 $0x100000, s0  }
0x9b: {  	[sflag:s0] =	ssyncadd.tile.s32 @!p0 $0x1;
	_ =	shalt  }
.Lfunc_end2:
_tile_overlayer_lowered:
.L_overlay_start_2:
0x9c: {  	(tag) =	ssettag $0x2  }
0x9d: {  	s0 =	rddreg [dreg:$0x0];
	s2 =	stileid.u32  }
0x9e: {  	s1 =	rddreg [dreg:$0x1];
	p0 =	sne.s32 s2, $0x0  }
0x9f: {  	s3 =	rddreg [dreg:$0x2];
	[bflag:$0x3] =	sbarrier.arrive $0xFFFF;
	s2 =	simm.s32 @!p0 $0x1C05  }
0xa0: {  	[timem:s3], [sflag:s2] =	dma.local @!p0 [hbm:s0], s1  }
0xa1: {  	s0 =	simm.s32 @!p0 $0x5  }
0xa2: {  	_ =	swait.ge @!p0 [sflag:s0], s1  }
0xa3: {  	s1 =	ssub.s32 @!p0 $0x0, s1;
	[sflag:s0] =	ssyncset.done @!p0 $0x0  }
0xa4: {  	[sflag:s0] =	ssyncadd.s32 @!p0 s1  }
0xa5: {  	[bflag:$0x3] =	sbarrier.arrive $0xFFFF  }
0xa6: {  	_ =	shalt  }

</sc_bundles>
